<compile_context>
chip_gen: v7x
topology: tpu7x:2x2x1
jax: 0.10.2.dev20260603
libtpu: 0.0.44.dev20260713+nightly
codegen_flags: <defaults>
</compile_context>

<pallas_src>
import functools

import jax
import jax.numpy as jnp
from jax import lax
from jax.experimental import pallas as pl
from jax.experimental.pallas import tpu as pltpu
from jax.experimental.pallas import tpu_sc as plsc

L = 16
NS = 16
CHUNK = 128
HALF = 128


def _mm_body(x_ref, w_ref, o_ref, *, relu):
    x = x_ref[...]
    if relu:
        x = jnp.maximum(x, 0.0)
    o_ref[0] = jnp.dot(x, w_ref[...], preferred_element_type=jnp.float32)


def _mm_stacked(x, w, relu):
    n, fd = x.shape
    bn = n // 10
    return pl.pallas_call(
        functools.partial(_mm_body, relu=relu),
        grid=(n // bn, 2),
        in_specs=[
            pl.BlockSpec((bn, fd), lambda i, j: (i, 0)),
            pl.BlockSpec((fd, HALF), lambda i, j: (0, j)),
        ],
        out_specs=pl.BlockSpec((1, bn, HALF), lambda i, j: (j, i, 0)),
        out_shape=jax.ShapeDtypeStruct((2, n, HALF), jnp.float32),
    )(x, w)


def _spmm_sc(n_pad, xv, src2, dst_r, w_r, zrows):
    ct = dst_r.shape[1]
    rpt = n_pad // NS
    mesh = plsc.VectorSubcoreMesh(core_axis_name="c", subcore_axis_name="s")

    @functools.partial(
        pl.kernel,
        out_type=jax.ShapeDtypeStruct((n_pad, 2 * HALF), jnp.float32),
        mesh=mesh,
        scratch_types=[
            pltpu.MemorySpace.VMEM_SHARED((n_pad, HALF), jnp.float32),
            pltpu.VMEM((ct, CHUNK), jnp.int32),
            pltpu.VMEM((ct, CHUNK), jnp.int32),
            pltpu.VMEM((ct * CHUNK,), jnp.float32),
            pltpu.VMEM((CHUNK, HALF), jnp.float32),
            pltpu.SemaphoreType.DMA,
        ],
    )
    def k(xv_hbm, src_hbm, dst_hbm, w_hbm, z_hbm, out_hbm,
          acc, src_v, dst_v, w_v, rows_v, sem):
        c = lax.axis_index("c")
        s = lax.axis_index("s")
        row0 = pl.multiple_of(s * rpt, 8)
        pltpu.sync_copy(z_hbm, acc.at[pl.ds(row0, rpt)])
        pltpu.sync_copy(src_hbm.at[c, s], src_v)
        pltpu.sync_copy(dst_hbm.at[s], dst_v)
        pltpu.sync_copy(w_hbm.at[s], w_v)
        plsc.subcore_barrier()

        def chunk_body(j, carry):
            pltpu.async_copy(xv_hbm.at[src_v.at[j]], rows_v, sem).wait()

            def group_body(gi, gcarry):
                base = gi * L
                wvec = w_v[pl.ds(j * CHUNK + base, L)]
                for i in range(L):
                    wv = jnp.full((L,), wvec[i], jnp.float32)
                    e = base + i
                    for g in range(HALF // L):
                        sl = pl.ds(g * L, L)
                        rows_v[e, sl] = rows_v[e, sl] * wv
                return gcarry

            lax.fori_loop(0, CHUNK // L, group_body, 0)
            pltpu.sync_copy(rows_v, acc.at[dst_v.at[j]], add=True)
            return carry

        lax.fori_loop(0, ct, chunk_body, 0)
        plsc.subcore_barrier()
        pltpu.sync_copy(
            acc.at[pl.ds(row0, rpt)],
            out_hbm.at[pl.ds(row0, rpt), pl.ds(c * HALF, HALF)],
        )

    return k(xv, src2, dst_r, w_r, zrows)


def kernel(edge_index, edge_weight, feat, W1, W2):
    n = feat.shape[0]
    e = edge_weight.shape[0]
    n_pad = -(-n // 640) * 640
    per_tile = -(-e // (NS * CHUNK)) * CHUNK
    e_pad = per_tile * NS
    ct = per_tile // CHUNK

    dst = edge_index[0].astype(jnp.int32)
    src = edge_index[1].astype(jnp.int32)
    w = edge_weight.astype(jnp.float32)
    pad = e_pad - e
    src_p = jnp.pad(src, (0, pad))
    dst_p = jnp.pad(dst, (0, pad))
    w_p = jnp.pad(w, (0, pad))
    src2a = jnp.stack([src_p, src_p + n]).reshape(2, NS, ct, CHUNK)
    src2b = jnp.stack([src_p, src_p + n_pad]).reshape(2, NS, ct, CHUNK)
    dst_r = dst_p.reshape(NS, ct, CHUNK)
    w_r = w_p.reshape(NS, ct * CHUNK)
    zrows = jnp.zeros((n_pad // NS, HALF), jnp.float32)

    x1 = _mm_stacked(feat, W1, relu=False)
    y1 = _spmm_sc(n_pad, x1.reshape(2 * n, HALF), src2a, dst_r, w_r, zrows)
    x2 = _mm_stacked(y1, W2, relu=True)
    y2 = _spmm_sc(n_pad, x2.reshape(2 * n_pad, HALF), src2b, dst_r, w_r, zrows)
    return y2[:n]

# --- scband reference (transcript-rebuilt; emitter-appended) ---
"""Pipeline reference for scband-gcn-90632399880413 (READ-ONLY COPY).

The authoritative reference and input builder live on the scoring server;
editing this copy changes nothing except your own understanding.
"""

import jax, jax.numpy as jnp
import numpy as np

N = 10000
E = 160000
F_DIM = 256
H_DIM = 256
O_DIM = 256


def setup_inputs(seed: int = 0) -> dict:
    key = jax.random.key(seed)
    k1, k2, k3, k4, k5 = jax.random.split(key, 5)
    edge_index = jax.random.randint(k1, (2, E), 0, N, dtype=jnp.int64 if jax.config.read('jax_enable_x64') else jnp.int32)
    edge_weight = jax.random.uniform(k2, (E,), dtype=jnp.float32)
    # learned parameters: initial node features (nn.Parameter) and two linear weights (no bias)
    feat = jax.random.normal(k3, (N, F_DIM), dtype=jnp.float32) * (1.0 / np.sqrt(F_DIM))
    W1 = jax.random.normal(k4, (F_DIM, H_DIM), dtype=jnp.float32) * (1.0 / np.sqrt(F_DIM))
    W2 = jax.random.normal(k5, (H_DIM, O_DIM), dtype=jnp.float32) * (1.0 / np.sqrt(H_DIM))
    return {"edge_index": edge_index, "edge_weight": edge_weight, "feat": feat, "W1": W1, "W2": W2}


def _spmm(edge_index, edge_weight, x):
    # sparse adj (COO: row=dst, col=src) times dense x -> scatter-add over dst
    dst = edge_index[0]
    src = edge_index[1]
    msg = edge_weight[:, None] * jnp.take(x, src, axis=0)
    return jax.ops.segment_sum(msg, dst, num_segments=N)


def reference(edge_index, edge_weight, feat, W1, W2):
    # GCN.forward(adj): x = initial_features; gc1 -> relu -> (dropout: identity in eval) -> gc2
    x = feat @ W1                      # GCNLayer.linear (bias=False)
    x = _spmm(edge_index, edge_weight, x)  # torch.sparse.mm(adj, x)
    x = jax.nn.relu(x)
    # F.dropout with training=False is identity; reference runs in eval mode
    x = x @ W2
    x = _spmm(edge_index, edge_weight, x)
    return x

if __name__ == "__main__":
    import jax
    _d = setup_inputs()
    print(jax.jit(kernel)(*tuple(_d.values())))

</pallas_src>

<mosaic_0001>
#map = affine_map<(d0, d1) -> (0, 0)>
#map1 = affine_map<(d0, d1) -> (0, 0, 0, 0)>
#map2 = affine_map<(d0, d1) -> (0, 0, 0)>
module attributes {stable_mosaic.version = 14 : i64} {
  func.func @k(%arg0: i32, %arg1: i32, %arg2: memref<20000x128xf32, #tpu.memory_space<hbm>>, %arg3: memref<2x16x79x128xi32, #tpu.memory_space<hbm>>, %arg4: memref<16x79x128xi32, #tpu.memory_space<hbm>>, %arg5: memref<16x10112xf32, #tpu.memory_space<hbm>>, %arg6: memref<640x128xf32, #tpu.memory_space<hbm>>, %arg7: memref<10240x256xf32, #tpu.memory_space<hbm>>, %arg8: memref<10240x128xf32, #tpu.memory_space<vmem_shared>>, %arg9: memref<79x128xi32, #tpu.memory_space<vmem>>, %arg10: memref<79x128xi32, #tpu.memory_space<vmem>>, %arg11: memref<10112xf32, #tpu.memory_space<vmem>>, %arg12: memref<128x128xf32, #tpu.memory_space<vmem>>, %arg13: memref<!tpu.dma_semaphore, #tpu.memory_space<semaphore_mem>>) attributes {dimension_semantics = [#tpu.dimension_semantics<core_parallel>, #tpu.dimension_semantics<subcore_parallel>], iteration_bounds = array<i64: 2, 16>, scalar_prefetch = 0 : i64, scratch_operands = 6 : i64, tpu.core_type = #tpu.core_type<sc_vector_subcore>, window_params = [{transform_indices = #map}, {transform_indices = #map1}, {transform_indices = #map2}, {transform_indices = #map}, {transform_indices = #map}, {transform_indices = #map}]} {
    %mul3A = arith.constant 640 : i32
    %mul3A_0 = arith.muli %arg1, %mul3A : i32
    %multiple_of3A = tpu.assume_multiple %mul3A_0, 8 : i32
    "tpu.region"() ({
      %run_scoped3A = tpu.sem_alloc : memref<!tpu.dma_semaphore, #tpu.memory_space<semaphore_mem>>
      %dma_start3A = arith.constant 0 : i32
      %dma_start3A_9 = tpu.memref_slice %arg8[%multiple_of3A, %dma_start3A] : memref<10240x128xf32, #tpu.memory_space<vmem_shared>> -> memref<640x128xf32, #tpu.memory_space<vmem_shared>>
      tpu.enqueue_dma source(%arg6 : memref<640x128xf32, #tpu.memory_space<hbm>>) target(%dma_start3A_9 : memref<640x128xf32, #tpu.memory_space<vmem_shared>>) target_semaphore(%run_scoped3A : memref<!tpu.dma_semaphore, #tpu.memory_space<semaphore_mem>>)
      %dma_wait3A = arith.constant 0 : i32
      %dma_wait3A_10 = tpu.memref_slice %arg8[%multiple_of3A, %dma_wait3A] : memref<10240x128xf32, #tpu.memory_space<vmem_shared>> -> memref<640x128xf32, #tpu.memory_space<vmem_shared>>
      tpu.wait_dma2 semaphore(%run_scoped3A : memref<!tpu.dma_semaphore, #tpu.memory_space<semaphore_mem>>) src(%arg6 : memref<640x128xf32, #tpu.memory_space<hbm>>) dst(%dma_wait3A_10 : memref<640x128xf32, #tpu.memory_space<vmem_shared>>)
      tpu.yield
    }) : () -> ()
    "tpu.region"() ({
      %run_scoped3A = tpu.sem_alloc : memref<!tpu.dma_semaphore, #tpu.memory_space<semaphore_mem>>
      %dma_start3A = arith.constant 0 : i32
      %dma_start3A_9 = arith.constant 0 : i32
      %dma_start3A_10 = tpu.memref_slice %arg3[%arg0, %arg1, %dma_start3A, %dma_start3A_9] : memref<2x16x79x128xi32, #tpu.memory_space<hbm>> -> memref<1x1x79x128xi32, #tpu.memory_space<hbm>>
      %dma_start3A_11 = tpu.memref_squeeze %dma_start3A_10 : memref<1x1x79x128xi32, #tpu.memory_space<hbm>> -> memref<79x128xi32, #tpu.memory_space<hbm>>
      %dma_start3A_12 = arith.constant 0 : i32
      %dma_start3A_13 = arith.constant 0 : i32
      %dma_start3A_14 = tpu.memref_slice %arg3[%arg0, %arg1, %dma_start3A_12, %dma_start3A_13] : memref<2x16x79x128xi32, #tpu.memory_space<hbm>> -> memref<1x1x79x128xi32, #tpu.memory_space<hbm>>
      %dma_start3A_15 = tpu.memref_squeeze %dma_start3A_14 : memref<1x1x79x128xi32, #tpu.memory_space<hbm>> -> memref<79x128xi32, #tpu.memory_space<hbm>>
      tpu.enqueue_dma source(%dma_start3A_15 : memref<79x128xi32, #tpu.memory_space<hbm>>) target(%arg9 : memref<79x128xi32, #tpu.memory_space<vmem>>) target_semaphore(%run_scoped3A : memref<!tpu.dma_semaphore, #tpu.memory_space<semaphore_mem>>)
      %dma_wait3A = arith.constant 0 : i32
      %dma_wait3A_16 = arith.constant 0 : i32
      %dma_wait3A_17 = tpu.memref_slice %arg3[%arg0, %arg1, %dma_wait3A, %dma_wait3A_16] : memref<2x16x79x128xi32, #tpu.memory_space<hbm>> -> memref<1x1x79x128xi32, #tpu.memory_space<hbm>>
      %dma_wait3A_18 = tpu.memref_squeeze %dma_wait3A_17 : memref<1x1x79x128xi32, #tpu.memory_space<hbm>> -> memref<79x128xi32, #tpu.memory_space<hbm>>
      %dma_wait3A_19 = arith.constant 0 : i32
      %dma_wait3A_20 = arith.constant 0 : i32
      %dma_wait3A_21 = tpu.memref_slice %arg3[%arg0, %arg1, %dma_wait3A_19, %dma_wait3A_20] : memref<2x16x79x128xi32, #tpu.memory_space<hbm>> -> memref<1x1x79x128xi32, #tpu.memory_space<hbm>>
      %dma_wait3A_22 = tpu.memref_squeeze %dma_wait3A_21 : memref<1x1x79x128xi32, #tpu.memory_space<hbm>> -> memref<79x128xi32, #tpu.memory_space<hbm>>
      tpu.wait_dma2 semaphore(%run_scoped3A : memref<!tpu.dma_semaphore, #tpu.memory_space<semaphore_mem>>) src(%dma_wait3A_22 : memref<79x128xi32, #tpu.memory_space<hbm>>) dst(%arg9 : memref<79x128xi32, #tpu.memory_space<vmem>>)
      tpu.yield
    }) : () -> ()
    "tpu.region"() ({
      %run_scoped3A = tpu.sem_alloc : memref<!tpu.dma_semaphore, #tpu.memory_space<semaphore_mem>>
      %dma_start3A = arith.constant 0 : i32
      %dma_start3A_9 = arith.constant 0 : i32
      %dma_start3A_10 = tpu.memref_slice %arg4[%arg1, %dma_start3A, %dma_start3A_9] : memref<16x79x128xi32, #tpu.memory_space<hbm>> -> memref<1x79x128xi32, #tpu.memory_space<hbm>>
      %dma_start3A_11 = tpu.memref_squeeze %dma_start3A_10 : memref<1x79x128xi32, #tpu.memory_space<hbm>> -> memref<79x128xi32, #tpu.memory_space<hbm>>
      %dma_start3A_12 = arith.constant 0 : i32
      %dma_start3A_13 = arith.constant 0 : i32
      %dma_start3A_14 = tpu.memref_slice %arg4[%arg1, %dma_start3A_12, %dma_start3A_13] : memref<16x79x128xi32, #tpu.memory_space<hbm>> -> memref<1x79x128xi32, #tpu.memory_space<hbm>>
      %dma_start3A_15 = tpu.memref_squeeze %dma_start3A_14 : memref<1x79x128xi32, #tpu.memory_space<hbm>> -> memref<79x128xi32, #tpu.memory_space<hbm>>
      tpu.enqueue_dma source(%dma_start3A_15 : memref<79x128xi32, #tpu.memory_space<hbm>>) target(%arg10 : memref<79x128xi32, #tpu.memory_space<vmem>>) target_semaphore(%run_scoped3A : memref<!tpu.dma_semaphore, #tpu.memory_space<semaphore_mem>>)
      %dma_wait3A = arith.constant 0 : i32
      %dma_wait3A_16 = arith.constant 0 : i32
      %dma_wait3A_17 = tpu.memref_slice %arg4[%arg1, %dma_wait3A, %dma_wait3A_16] : memref<16x79x128xi32, #tpu.memory_space<hbm>> -> memref<1x79x128xi32, #tpu.memory_space<hbm>>
      %dma_wait3A_18 = tpu.memref_squeeze %dma_wait3A_17 : memref<1x79x128xi32, #tpu.memory_space<hbm>> -> memref<79x128xi32, #tpu.memory_space<hbm>>
      %dma_wait3A_19 = arith.constant 0 : i32
      %dma_wait3A_20 = arith.constant 0 : i32
      %dma_wait3A_21 = tpu.memref_slice %arg4[%arg1, %dma_wait3A_19, %dma_wait3A_20] : memref<16x79x128xi32, #tpu.memory_space<hbm>> -> memref<1x79x128xi32, #tpu.memory_space<hbm>>
      %dma_wait3A_22 = tpu.memref_squeeze %dma_wait3A_21 : memref<1x79x128xi32, #tpu.memory_space<hbm>> -> memref<79x128xi32, #tpu.memory_space<hbm>>
      tpu.wait_dma2 semaphore(%run_scoped3A : memref<!tpu.dma_semaphore, #tpu.memory_space<semaphore_mem>>) src(%dma_wait3A_22 : memref<79x128xi32, #tpu.memory_space<hbm>>) dst(%arg10 : memref<79x128xi32, #tpu.memory_space<vmem>>)
      tpu.yield
    }) : () -> ()
    "tpu.region"() ({
      %run_scoped3A = tpu.sem_alloc : memref<!tpu.dma_semaphore, #tpu.memory_space<semaphore_mem>>
      %dma_start3A = arith.constant 0 : i32
      %dma_start3A_9 = tpu.memref_slice %arg5[%arg1, %dma_start3A] : memref<16x10112xf32, #tpu.memory_space<hbm>> -> memref<1x10112xf32, #tpu.memory_space<hbm>>
      %dma_start3A_10 = tpu.memref_squeeze %dma_start3A_9 : memref<1x10112xf32, #tpu.memory_space<hbm>> -> memref<10112xf32, #tpu.memory_space<hbm>>
      %dma_start3A_11 = arith.constant 0 : i32
      %dma_start3A_12 = tpu.memref_slice %arg5[%arg1, %dma_start3A_11] : memref<16x10112xf32, #tpu.memory_space<hbm>> -> memref<1x10112xf32, #tpu.memory_space<hbm>>
      %dma_start3A_13 = tpu.memref_squeeze %dma_start3A_12 : memref<1x10112xf32, #tpu.memory_space<hbm>> -> memref<10112xf32, #tpu.memory_space<hbm>>
      tpu.enqueue_dma source(%dma_start3A_13 : memref<10112xf32, #tpu.memory_space<hbm>>) target(%arg11 : memref<10112xf32, #tpu.memory_space<vmem>>) target_semaphore(%run_scoped3A : memref<!tpu.dma_semaphore, #tpu.memory_space<semaphore_mem>>)
      %dma_wait3A = arith.constant 0 : i32
      %dma_wait3A_14 = tpu.memref_slice %arg5[%arg1, %dma_wait3A] : memref<16x10112xf32, #tpu.memory_space<hbm>> -> memref<1x10112xf32, #tpu.memory_space<hbm>>
      %dma_wait3A_15 = tpu.memref_squeeze %dma_wait3A_14 : memref<1x10112xf32, #tpu.memory_space<hbm>> -> memref<10112xf32, #tpu.memory_space<hbm>>
      %dma_wait3A_16 = arith.constant 0 : i32
      %dma_wait3A_17 = tpu.memref_slice %arg5[%arg1, %dma_wait3A_16] : memref<16x10112xf32, #tpu.memory_space<hbm>> -> memref<1x10112xf32, #tpu.memory_space<hbm>>
      %dma_wait3A_18 = tpu.memref_squeeze %dma_wait3A_17 : memref<1x10112xf32, #tpu.memory_space<hbm>> -> memref<10112xf32, #tpu.memory_space<hbm>>
      tpu.wait_dma2 semaphore(%run_scoped3A : memref<!tpu.dma_semaphore, #tpu.memory_space<semaphore_mem>>) src(%dma_wait3A_18 : memref<10112xf32, #tpu.memory_space<hbm>>) dst(%arg11 : memref<10112xf32, #tpu.memory_space<vmem>>)
      tpu.yield
    }) : () -> ()
    %barrier3A = arith.constant 0 : index
    tpu.barrier barrier_id(%barrier3A)
    %scan3A = arith.constant 0 : i32
    %scan3A_1 = arith.constant 0 : i32
    %scan3A_2 = arith.constant 79 : i32
    %scan3A_3 = arith.addi %scan3A_1, %scan3A_2 : i32
    %scan3A_4 = arith.constant 1 : i32
    scf.for %scan3A_9 = %scan3A_1 to %scan3A_3 step %scan3A_4  : i32 {
      %dma_start3A = arith.constant 0 : i32
      %dma_start3A_10 = tpu.memref_slice %arg9[%scan3A_9, %dma_start3A] : memref<79x128xi32, #tpu.memory_space<vmem>> -> memref<1x128xi32, #tpu.memory_space<vmem>>
      %dma_start3A_11 = tpu.memref_squeeze %dma_start3A_10 : memref<1x128xi32, #tpu.memory_space<vmem>> -> memref<128xi32, #tpu.memory_space<vmem>>
      %dma_start3A_12 = arith.constant 0 : i32
      %dma_start3A_13 = arith.constant 0 : i32
      %dma_start3A_14 = tpu.memref_slice %arg2[%dma_start3A_12, %dma_start3A_13] : memref<20000x128xf32, #tpu.memory_space<hbm>> -> memref<20000x128xf32, #tpu.memory_space<hbm>>
      tpu.enqueue_indirect_dma source(%dma_start3A_14 : memref<20000x128xf32, #tpu.memory_space<hbm>>) target(%arg12 : memref<128x128xf32, #tpu.memory_space<vmem>>) offsets(%dma_start3A_11 : memref<128xi32, #tpu.memory_space<vmem>>) semaphore(%arg13 : memref<!tpu.dma_semaphore, #tpu.memory_space<semaphore_mem>>)
      %dma_wait3A = arith.constant 0 : i32
      %dma_wait3A_15 = tpu.memref_slice %arg9[%scan3A_9, %dma_wait3A] : memref<79x128xi32, #tpu.memory_space<vmem>> -> memref<1x128xi32, #tpu.memory_space<vmem>>
      %dma_wait3A_16 = tpu.memref_squeeze %dma_wait3A_15 : memref<1x128xi32, #tpu.memory_space<vmem>> -> memref<128xi32, #tpu.memory_space<vmem>>
      %dma_wait3A_17 = arith.constant 0 : i32
      %dma_wait3A_18 = arith.constant 0 : i32
      %dma_wait3A_19 = tpu.memref_slice %arg2[%dma_wait3A_17, %dma_wait3A_18] : memref<20000x128xf32, #tpu.memory_space<hbm>> -> memref<20000x128xf32, #tpu.memory_space<hbm>>
      tpu.wait_indirect_dma semaphore(%arg13 : memref<!tpu.dma_semaphore, #tpu.memory_space<semaphore_mem>>) src(%dma_wait3A_19 : memref<20000x128xf32, #tpu.memory_space<hbm>>) dst(%arg12 : memref<128x128xf32, #tpu.memory_space<vmem>>)
      %scan3A_20 = arith.constant 0 : i32
      %scan3A_21 = arith.constant 0 : i32
      %scan3A_22 = arith.constant 8 : i32
      %scan3A_23 = arith.addi %scan3A_21, %scan3A_22 : i32
      %scan3A_24 = arith.constant 1 : i32
      scf.for %scan3A_26 = %scan3A_21 to %scan3A_23 step %scan3A_24  : i32 {
        %mul3A_27 = arith.constant 16 : i32
        %mul3A_28 = arith.muli %scan3A_26, %mul3A_27 : i32
        %mul3A_29 = arith.constant 128 : i32
        %mul3A_30 = arith.muli %scan3A_9, %mul3A_29 : i32
        %add3A = arith.addi %mul3A_30, %mul3A_28 : i32
        %get3A = arith.index_cast %add3A : i32 to index
        %get3A_31 = tpu.vector_load %arg11[%get3A] {strides = array<i32>} : memref<10112xf32, #tpu.memory_space<vmem>>, vector<16xf32>,
        %get3A_32 = vector.shape_cast %get3A_31 : vector<16xf32> to vector<16xf32>
        %slice3A = vector.extract_strided_slice %get3A_32 {offsets = [0], sizes = [1], strides = [1]} : vector<16xf32> to vector<1xf32>
        %squeeze3A = vector.extract %slice3A[0] : f32 from vector<1xf32>
        %broadcast_in_dim3A = vector.broadcast %squeeze3A : f32 to vector<16xf32>
        %add3A_33 = arith.constant 0 : i32
        %add3A_34 = arith.addi %mul3A_28, %add3A_33 : i32
        %get3A_35 = arith.index_cast %add3A_34 : i32 to index
        %get3A_36 = arith.constant 0 : index
        %get3A_37 = tpu.vector_load %arg12[%get3A_35, %get3A_36] {strides = array<i32>} : memref<128x128xf32, #tpu.memory_space<vmem>>, vector<1x16xf32>,
        %get3A_38 = vector.shape_cast %get3A_37 : vector<1x16xf32> to vector<16xf32>
        %mul3A_39 = arith.mulf %get3A_38, %broadcast_in_dim3A : vector<16xf32>
        %swap3A = arith.index_cast %add3A_34 : i32 to index
        %swap3A_40 = arith.constant 0 : index
        %swap3A_41 = tpu.vector_load %arg12[%swap3A, %swap3A_40] {strides = array<i32>} : memref<128x128xf32, #tpu.memory_space<vmem>>, vector<1x16xf32>,
        %swap3A_42 = vector.shape_cast %swap3A_41 : vector<1x16xf32> to vector<16xf32>
        %swap3A_43 = vector.shape_cast %mul3A_39 : vector<16xf32> to vector<1x16xf32>
        tpu.vector_store %arg12[%swap3A, %swap3A_40], %swap3A_43 {strides = array<i32>} : memref<128x128xf32, #tpu.memory_space<vmem>>, vector<1x16xf32>,
        %get3A_44 = arith.index_cast %add3A_34 : i32 to index
        %get3A_45 = arith.constant 16 : index
        %get3A_46 = tpu.vector_load %arg12[%get3A_44, %get3A_45] {strides = array<i32>} : memref<128x128xf32, #tpu.memory_space<vmem>>, vector<1x16xf32>,
        %get3A_47 = vector.shape_cast %get3A_46 : vector<1x16xf32> to vector<16xf32>
        %mul3A_48 = arith.mulf %get3A_47, %broadcast_in_dim3A : vector<16xf32>
        %swap3A_49 = arith.index_cast %add3A_34 : i32 to index
        %swap3A_50 = arith.constant 16 : index
        %swap3A_51 = tpu.vector_load %arg12[%swap3A_49, %swap3A_50] {strides = array<i32>} : memref<128x128xf32, #tpu.memory_space<vmem>>, vector<1x16xf32>,
        %swap3A_52 = vector.shape_cast %swap3A_51 : vector<1x16xf32> to vector<16xf32>
        %swap3A_53 = vector.shape_cast %mul3A_48 : vector<16xf32> to vector<1x16xf32>
        tpu.vector_store %arg12[%swap3A_49, %swap3A_50], %swap3A_53 {strides = array<i32>} : memref<128x128xf32, #tpu.memory_space<vmem>>, vector<1x16xf32>,
        %get3A_54 = arith.index_cast %add3A_34 : i32 to index
        %get3A_55 = arith.constant 32 : index
        %get3A_56 = tpu.vector_load %arg12[%get3A_54, %get3A_55] {strides = array<i32>} : memref<128x128xf32, #tpu.memory_space<vmem>>, vector<1x16xf32>,
        %get3A_57 = vector.shape_cast %get3A_56 : vector<1x16xf32> to vector<16xf32>
        %mul3A_58 = arith.mulf %get3A_57, %broadcast_in_dim3A : vector<16xf32>
        %swap3A_59 = arith.index_cast %add3A_34 : i32 to index
        %swap3A_60 = arith.constant 32 : index
        %swap3A_61 = tpu.vector_load %arg12[%swap3A_59, %swap3A_60] {strides = array<i32>} : memref<128x128xf32, #tpu.memory_space<vmem>>, vector<1x16xf32>,
        %swap3A_62 = vector.shape_cast %swap3A_61 : vector<1x16xf32> to vector<16xf32>
        %swap3A_63 = vector.shape_cast %mul3A_58 : vector<16xf32> to vector<1x16xf32>
        tpu.vector_store %arg12[%swap3A_59, %swap3A_60], %swap3A_63 {strides = array<i32>} : memref<128x128xf32, #tpu.memory_space<vmem>>, vector<1x16xf32>,
        %get3A_64 = arith.index_cast %add3A_34 : i32 to index
        %get3A_65 = arith.constant 48 : index
        %get3A_66 = tpu.vector_load %arg12[%get3A_64, %get3A_65] {strides = array<i32>} : memref<128x128xf32, #tpu.memory_space<vmem>>, vector<1x16xf32>,
        %get3A_67 = vector.shape_cast %get3A_66 : vector<1x16xf32> to vector<16xf32>
        %mul3A_68 = arith.mulf %get3A_67, %broadcast_in_dim3A : vector<16xf32>
        %swap3A_69 = arith.index_cast %add3A_34 : i32 to index
        %swap3A_70 = arith.constant 48 : index
        %swap3A_71 = tpu.vector_load %arg12[%swap3A_69, %swap3A_70] {strides = array<i32>} : memref<128x128xf32, #tpu.memory_space<vmem>>, vector<1x16xf32>,
        %swap3A_72 = vector.shape_cast %swap3A_71 : vector<1x16xf32> to vector<16xf32>
        %swap3A_73 = vector.shape_cast %mul3A_68 : vector<16xf32> to vector<1x16xf32>
        tpu.vector_store %arg12[%swap3A_69, %swap3A_70], %swap3A_73 {strides = array<i32>} : memref<128x128xf32, #tpu.memory_space<vmem>>, vector<1x16xf32>,
        %get3A_74 = arith.index_cast %add3A_34 : i32 to index
        %get3A_75 = arith.constant 64 : index
        %get3A_76 = tpu.vector_load %arg12[%get3A_74, %get3A_75] {strides = array<i32>} : memref<128x128xf32, #tpu.memory_space<vmem>>, vector<1x16xf32>,
        %get3A_77 = vector.shape_cast %get3A_76 : vector<1x16xf32> to vector<16xf32>
        %mul3A_78 = arith.mulf %get3A_77, %broadcast_in_dim3A : vector<16xf32>
        %swap3A_79 = arith.index_cast %add3A_34 : i32 to index
        %swap3A_80 = arith.constant 64 : index
        %swap3A_81 = tpu.vector_load %arg12[%swap3A_79, %swap3A_80] {strides = array<i32>} : memref<128x128xf32, #tpu.memory_space<vmem>>, vector<1x16xf32>,
        %swap3A_82 = vector.shape_cast %swap3A_81 : vector<1x16xf32> to vector<16xf32>
        %swap3A_83 = vector.shape_cast %mul3A_78 : vector<16xf32> to vector<1x16xf32>
        tpu.vector_store %arg12[%swap3A_79, %swap3A_80], %swap3A_83 {strides = array<i32>} : memref<128x128xf32, #tpu.memory_space<vmem>>, vector<1x16xf32>,
        %get3A_84 = arith.index_cast %add3A_34 : i32 to index
        %get3A_85 = arith.constant 80 : index
        %get3A_86 = tpu.vector_load %arg12[%get3A_84, %get3A_85] {strides = array<i32>} : memref<128x128xf32, #tpu.memory_space<vmem>>, vector<1x16xf32>,
        %get3A_87 = vector.shape_cast %get3A_86 : vector<1x16xf32> to vector<16xf32>
        %mul3A_88 = arith.mulf %get3A_87, %broadcast_in_dim3A : vector<16xf32>
        %swap3A_89 = arith.index_cast %add3A_34 : i32 to index
        %swap3A_90 = arith.constant 80 : index
        %swap3A_91 = tpu.vector_load %arg12[%swap3A_89, %swap3A_90] {strides = array<i32>} : memref<128x128xf32, #tpu.memory_space<vmem>>, vector<1x16xf32>,
        %swap3A_92 = vector.shape_cast %swap3A_91 : vector<1x16xf32> to vector<16xf32>
        %swap3A_93 = vector.shape_cast %mul3A_88 : vector<16xf32> to vector<1x16xf32>
        tpu.vector_store %arg12[%swap3A_89, %swap3A_90], %swap3A_93 {strides = array<i32>} : memref<128x128xf32, #tpu.memory_space<vmem>>, vector<1x16xf32>,
        %get3A_94 = arith.index_cast %add3A_34 : i32 to index
        %get3A_95 = arith.constant 96 : index
        %get3A_96 = tpu.vector_load %arg12[%get3A_94, %get3A_95] {strides = array<i32>} : memref<128x128xf32, #tpu.memory_space<vmem>>, vector<1x16xf32>,
        %get3A_97 = vector.shape_cast %get3A_96 : vector<1x16xf32> to vector<16xf32>
        %mul3A_98 = arith.mulf %get3A_97, %broadcast_in_dim3A : vector<16xf32>
        %swap3A_99 = arith.index_cast %add3A_34 : i32 to index
        %swap3A_100 = arith.constant 96 : index
        %swap3A_101 = tpu.vector_load %arg12[%swap3A_99, %swap3A_100] {strides = array<i32>} : memref<128x128xf32, #tpu.memory_space<vmem>>, vector<1x16xf32>,
        %swap3A_102 = vector.shape_cast %swap3A_101 : vector<1x16xf32> to vector<16xf32>
        %swap3A_103 = vector.shape_cast %mul3A_98 : vector<16xf32> to vector<1x16xf32>
        tpu.vector_store %arg12[%swap3A_99, %swap3A_100], %swap3A_103 {strides = array<i32>} : memref<128x128xf32, #tpu.memory_space<vmem>>, vector<1x16xf32>,
        %get3A_104 = arith.index_cast %add3A_34 : i32 to index
        %get3A_105 = arith.constant 112 : index
        %get3A_106 = tpu.vector_load %arg12[%get3A_104, %get3A_105] {strides = array<i32>} : memref<128x128xf32, #tpu.memory_space<vmem>>, vector<1x16xf32>,
        %get3A_107 = vector.shape_cast %get3A_106 : vector<1x16xf32> to vector<16xf32>
        %mul3A_108 = arith.mulf %get3A_107, %broadcast_in_dim3A : vector<16xf32>
        %swap3A_109 = arith.index_cast %add3A_34 : i32 to index
        %swap3A_110 = arith.constant 112 : index
        %swap3A_111 = tpu.vector_load %arg12[%swap3A_109, %swap3A_110] {strides = array<i32>} : memref<128x128xf32, #tpu.memory_space<vmem>>, vector<1x16xf32>,
        %swap3A_112 = vector.shape_cast %swap3A_111 : vector<1x16xf32> to vector<16xf32>
        %swap3A_113 = vector.shape_cast %mul3A_108 : vector<16xf32> to vector<1x16xf32>
        tpu.vector_store %arg12[%swap3A_109, %swap3A_110], %swap3A_113 {strides = array<i32>} : memref<128x128xf32, #tpu.memory_space<vmem>>, vector<1x16xf32>,
        %slice3A_114 = vector.extract_strided_slice %get3A_32 {offsets = [1], sizes = [1], strides = [1]} : vector<16xf32> to vector<1xf32>
        %squeeze3A_115 = vector.extract %slice3A_114[0] : f32 from vector<1xf32>
        %broadcast_in_dim3A_116 = vector.broadcast %squeeze3A_115 : f32 to vector<16xf32>
        %add3A_117 = arith.constant 1 : i32
        %add3A_118 = arith.addi %mul3A_28, %add3A_117 : i32
        %get3A_119 = arith.index_cast %add3A_118 : i32 to index
        %get3A_120 = arith.constant 0 : index
        %get3A_121 = tpu.vector_load %arg12[%get3A_119, %get3A_120] {strides = array<i32>} : memref<128x128xf32, #tpu.memory_space<vmem>>, vector<1x16xf32>,
        %get3A_122 = vector.shape_cast %get3A_121 : vector<1x16xf32> to vector<16xf32>
        %mul3A_123 = arith.mulf %get3A_122, %broadcast_in_dim3A_116 : vector<16xf32>
        %swap3A_124 = arith.index_cast %add3A_118 : i32 to index
        %swap3A_125 = arith.constant 0 : index
        %swap3A_126 = tpu.vector_load %arg12[%swap3A_124, %swap3A_125] {strides = array<i32>} : memref<128x128xf32, #tpu.memory_space<vmem>>, vector<1x16xf32>,
        %swap3A_127 = vector.shape_cast %swap3A_126 : vector<1x16xf32> to vector<16xf32>
        %swap3A_128 = vector.shape_cast %mul3A_123 : vector<16xf32> to vector<1x16xf32>
        tpu.vector_store %arg12[%swap3A_124, %swap3A_125], %swap3A_128 {strides = array<i32>} : memref<128x128xf32, #tpu.memory_space<vmem>>, vector<1x16xf32>,
        %get3A_129 = arith.index_cast %add3A_118 : i32 to index
        %get3A_130 = arith.constant 16 : index
        %get3A_131 = tpu.vector_load %arg12[%get3A_129, %get3A_130] {strides = array<i32>} : memref<128x128xf32, #tpu.memory_space<vmem>>, vector<1x16xf32>,
        %get3A_132 = vector.shape_cast %get3A_131 : vector<1x16xf32> to vector<16xf32>
        %mul3A_133 = arith.mulf %get3A_132, %broadcast_in_dim3A_116 : vector<16xf32>
        %swap3A_134 = arith.index_cast %add3A_118 : i32 to index
        %swap3A_135 = arith.constant 16 : index
        %swap3A_136 = tpu.vector_load %arg12[%swap3A_134, %swap3A_135] {strides = array<i32>} : memref<128x128xf32, #tpu.memory_space<vmem>>, vector<1x16xf32>,
        %swap3A_137 = vector.shape_cast %swap3A_136 : vector<1x16xf32> to vector<16xf32>
        %swap3A_138 = vector.shape_cast %mul3A_133 : vector<16xf32> to vector<1x16xf32>
        tpu.vector_store %arg12[%swap3A_134, %swap3A_135], %swap3A_138 {strides = array<i32>} : memref<128x128xf32, #tpu.memory_space<vmem>>, vector<1x16xf32>,
        %get3A_139 = arith.index_cast %add3A_118 : i32 to index
        %get3A_140 = arith.constant 32 : index
        %get3A_141 = tpu.vector_load %arg12[%get3A_139, %get3A_140] {strides = array<i32>} : memref<128x128xf32, #tpu.memory_space<vmem>>, vector<1x16xf32>,
        %get3A_142 = vector.shape_cast %get3A_141 : vector<1x16xf32> to vector<16xf32>
        %mul3A_143 = arith.mulf %get3A_142, %broadcast_in_dim3A_116 : vector<16xf32>
        %swap3A_144 = arith.index_cast %add3A_118 : i32 to index
        %swap3A_145 = arith.constant 32 : index
        %swap3A_146 = tpu.vector_load %arg12[%swap3A_144, %swap3A_145] {strides = array<i32>} : memref<128x128xf32, #tpu.memory_space<vmem>>, vector<1x16xf32>,
        %swap3A_147 = vector.shape_cast %swap3A_146 : vector<1x16xf32> to vector<16xf32>
        %swap3A_148 = vector.shape_cast %mul3A_143 : vector<16xf32> to vector<1x16xf32>
        tpu.vector_store %arg12[%swap3A_144, %swap3A_145], %swap3A_148 {strides = array<i32>} : memref<128x128xf32, #tpu.memory_space<vmem>>, vector<1x16xf32>,
        %get3A_149 = arith.index_cast %add3A_118 : i32 to index
        %get3A_150 = arith.constant 48 : index
        %get3A_151 = tpu.vector_load %arg12[%get3A_149, %get3A_150] {strides = array<i32>} : memref<128x128xf32, #tpu.memory_space<vmem>>, vector<1x16xf32>,
        %get3A_152 = vector.shape_cast %get3A_151 : vector<1x16xf32> to vector<16xf32>
        %mul3A_153 = arith.mulf %get3A_152, %broadcast_in_dim3A_116 : vector<16xf32>
        %swap3A_154 = arith.index_cast %add3A_118 : i32 to index
        %swap3A_155 = arith.constant 48 : index
        %swap3A_156 = tpu.vector_load %arg12[%swap3A_154, %swap3A_155] {strides = array<i32>} : memref<128x128xf32, #tpu.memory_space<vmem>>, vector<1x16xf32>,
        %swap3A_157 = vector.shape_cast %swap3A_156 : vector<1x16xf32> to vector<16xf32>
        %swap3A_158 = vector.shape_cast %mul3A_153 : vector<16xf32> to vector<1x16xf32>
        tpu.vector_store %arg12[%swap3A_154, %swap3A_155], %swap3A_158 {strides = array<i32>} : memref<128x128xf32, #tpu.memory_space<vmem>>, vector<1x16xf32>,
        %get3A_159 = arith.index_cast %add3A_118 : i32 to index
        %get3A_160 = arith.constant 64 : index
        %get3A_161 = tpu.vector_load %arg12[%get3A_159, %get3A_160] {strides = array<i32>} : memref<128x128xf32, #tpu.memory_space<vmem>>, vector<1x16xf32>,
        %get3A_162 = vector.shape_cast %get3A_161 : vector<1x16xf32> to vector<16xf32>
        %mul3A_163 = arith.mulf %get3A_162, %broadcast_in_dim3A_116 : vector<16xf32>
        %swap3A_164 = arith.index_cast %add3A_118 : i32 to index
        %swap3A_165 = arith.constant 64 : index
        %swap3A_166 = tpu.vector_load %arg12[%swap3A_164, %swap3A_165] {strides = array<i32>} : memref<128x128xf32, #tpu.memory_space<vmem>>, vector<1x16xf32>,
        %swap3A_167 = vector.shape_cast %swap3A_166 : vector<1x16xf32> to vector<16xf32>
        %swap3A_168 = vector.shape_cast %mul3A_163 : vector<16xf32> to vector<1x16xf32>
        tpu.vector_store %arg12[%swap3A_164, %swap3A_165], %swap3A_168 {strides = array<i32>} : memref<128x128xf32, #tpu.memory_space<vmem>>, vector<1x16xf32>,
        %get3A_169 = arith.index_cast %add3A_118 : i32 to index
        %get3A_170 = arith.constant 80 : index
        %get3A_171 = tpu.vector_load %arg12[%get3A_169, %get3A_170] {strides = array<i32>} : memref<128x128xf32, #tpu.memory_space<vmem>>, vector<1x16xf32>,
        %get3A_172 = vector.shape_cast %get3A_171 : vector<1x16xf32> to vector<16xf32>
        %mul3A_173 = arith.mulf %get3A_172, %broadcast_in_dim3A_116 : vector<16xf32>
        %swap3A_174 = arith.index_cast %add3A_118 : i32 to index
        %swap3A_175 = arith.constant 80 : index
        %swap3A_176 = tpu.vector_load %arg12[%swap3A_174, %swap3A_175] {strides = array<i32>} : memref<128x128xf32, #tpu.memory_space<vmem>>, vector<1x16xf32>,
        %swap3A_177 = vector.shape_cast %swap3A_176 : vector<1x16xf32> to vector<16xf32>
        %swap3A_178 = vector.shape_cast %mul3A_173 : vector<16xf32> to vector<1x16xf32>
        tpu.vector_store %arg12[%swap3A_174, %swap3A_175], %swap3A_178 {strides = array<i32>} : memref<128x128xf32, #tpu.memory_space<vmem>>, vector<1x16xf32>,
        %get3A_179 = arith.index_cast %add3A_118 : i32 to index
        %get3A_180 = arith.constant 96 : index
        %get3A_181 = tpu.vector_load %arg12[%get3A_179, %get3A_180] {strides = array<i32>} : memref<128x128xf32, #tpu.memory_space<vmem>>, vector<1x16xf32>,
        %get3A_182 = vector.shape_cast %get3A_181 : vector<1x16xf32> to vector<16xf32>
        %mul3A_183 = arith.mulf %get3A_182, %broadcast_in_dim3A_116 : vector<16xf32>
        %swap3A_184 = arith.index_cast %add3A_118 : i32 to index
        %swap3A_185 = arith.constant 96 : index
        %swap3A_186 = tpu.vector_load %arg12[%swap3A_184, %swap3A_185] {strides = array<i32>} : memref<128x128xf32, #tpu.memory_space<vmem>>, vector<1x16xf32>,
        %swap3A_187 = vector.shape_cast %swap3A_186 : vector<1x16xf32> to vector<16xf32>
        %swap3A_188 = vector.shape_cast %mul3A_183 : vector<16xf32> to vector<1x16xf32>
        tpu.vector_store %arg12[%swap3A_184, %swap3A_185], %swap3A_188 {strides = array<i32>} : memref<128x128xf32, #tpu.memory_space<vmem>>, vector<1x16xf32>,
        %get3A_189 = arith.index_cast %add3A_118 : i32 to index
        %get3A_190 = arith.constant 112 : index
        %get3A_191 = tpu.vector_load %arg12[%get3A_189, %get3A_190] {strides = array<i32>} : memref<128x128xf32, #tpu.memory_space<vmem>>, vector<1x16xf32>,
        %get3A_192 = vector.shape_cast %get3A_191 : vector<1x16xf32> to vector<16xf32>
        %mul3A_193 = arith.mulf %get3A_192, %broadcast_in_dim3A_116 : vector<16xf32>
        %swap3A_194 = arith.index_cast %add3A_118 : i32 to index
        %swap3A_195 = arith.constant 112 : index
        %swap3A_196 = tpu.vector_load %arg12[%swap3A_194, %swap3A_195] {strides = array<i32>} : memref<128x128xf32, #tpu.memory_space<vmem>>, vector<1x16xf32>,
        %swap3A_197 = vector.shape_cast %swap3A_196 : vector<1x16xf32> to vector<16xf32>
        %swap3A_198 = vector.shape_cast %mul3A_193 : vector<16xf32> to vector<1x16xf32>
        tpu.vector_store %arg12[%swap3A_194, %swap3A_195], %swap3A_198 {strides = array<i32>} : memref<128x128xf32, #tpu.memory_space<vmem>>, vector<1x16xf32>,
        %slice3A_199 = vector.extract_strided_slice %get3A_32 {offsets = [2], sizes = [1], strides = [1]} : vector<16xf32> to vector<1xf32>
        %squeeze3A_200 = vector.extract %slice3A_199[0] : f32 from vector<1xf32>
        %broadcast_in_dim3A_201 = vector.broadcast %squeeze3A_200 : f32 to vector<16xf32>
        %add3A_202 = arith.constant 2 : i32
        %add3A_203 = arith.addi %mul3A_28, %add3A_202 : i32
        %get3A_204 = arith.index_cast %add3A_203 : i32 to index
        %get3A_205 = arith.constant 0 : index
        %get3A_206 = tpu.vector_load %arg12[%get3A_204, %get3A_205] {strides = array<i32>} : memref<128x128xf32, #tpu.memory_space<vmem>>, vector<1x16xf32>,
        %get3A_207 = vector.shape_cast %get3A_206 : vector<1x16xf32> to vector<16xf32>
        %mul3A_208 = arith.mulf %get3A_207, %broadcast_in_dim3A_201 : vector<16xf32>
        %swap3A_209 = arith.index_cast %add3A_203 : i32 to index
        %swap3A_210 = arith.constant 0 : index
        %swap3A_211 = tpu.vector_load %arg12[%swap3A_209, %swap3A_210] {strides = array<i32>} : memref<128x128xf32, #tpu.memory_space<vmem>>, vector<1x16xf32>,
        %swap3A_212 = vector.shape_cast %swap3A_211 : vector<1x16xf32> to vector<16xf32>
        %swap3A_213 = vector.shape_cast %mul3A_208 : vector<16xf32> to vector<1x16xf32>
        tpu.vector_store %arg12[%swap3A_209, %swap3A_210], %swap3A_213 {strides = array<i32>} : memref<128x128xf32, #tpu.memory_space<vmem>>, vector<1x16xf32>,
        %get3A_214 = arith.index_cast %add3A_203 : i32 to index
        %get3A_215 = arith.constant 16 : index
        %get3A_216 = tpu.vector_load %arg12[%get3A_214, %get3A_215] {strides = array<i32>} : memref<128x128xf32, #tpu.memory_space<vmem>>, vector<1x16xf32>,
        %get3A_217 = vector.shape_cast %get3A_216 : vector<1x16xf32> to vector<16xf32>
        %mul3A_218 = arith.mulf %get3A_217, %broadcast_in_dim3A_201 : vector<16xf32>
        %swap3A_219 = arith.index_cast %add3A_203 : i32 to index
        %swap3A_220 = arith.constant 16 : index
        %swap3A_221 = tpu.vector_load %arg12[%swap3A_219, %swap3A_220] {strides = array<i32>} : memref<128x128xf32, #tpu.memory_space<vmem>>, vector<1x16xf32>,
        %swap3A_222 = vector.shape_cast %swap3A_221 : vector<1x16xf32> to vector<16xf32>
        %swap3A_223 = vector.shape_cast %mul3A_218 : vector<16xf32> to vector<1x16xf32>
        tpu.vector_store %arg12[%swap3A_219, %swap3A_220], %swap3A_223 {strides = array<i32>} : memref<128x128xf32, #tpu.memory_space<vmem>>, vector<1x16xf32>,
        %get3A_224 = arith.index_cast %add3A_203 : i32 to index
        %get3A_225 = arith.constant 32 : index
        %get3A_226 = tpu.vector_load %arg12[%get3A_224, %get3A_225] {strides = array<i32>} : memref<128x128xf32, #tpu.memory_space<vmem>>, vector<1x16xf32>,
        %get3A_227 = vector.shape_cast %get3A_226 : vector<1x16xf32> to vector<16xf32>
        %mul3A_228 = arith.mulf %get3A_227, %broadcast_in_dim3A_201 : vector<16xf32>
        %swap3A_229 = arith.index_cast %add3A_203 : i32 to index
        %swap3A_230 = arith.constant 32 : index
        %swap3A_231 = tpu.vector_load %arg12[%swap3A_229, %swap3A_230] {strides = array<i32>} : memref<128x128xf32, #tpu.memory_space<vmem>>, vector<1x16xf32>,
        %swap3A_232 = vector.shape_cast %swap3A_231 : vector<1x16xf32> to vector<16xf32>
        %swap3A_233 = vector.shape_cast %mul3A_228 : vector<16xf32> to vector<1x16xf32>
        tpu.vector_store %arg12[%swap3A_229, %swap3A_230], %swap3A_233 {strides = array<i32>} : memref<128x128xf32, #tpu.memory_space<vmem>>, vector<1x16xf32>,
        %get3A_234 = arith.index_cast %add3A_203 : i32 to index
        %get3A_235 = arith.constant 48 : index
        %get3A_236 = tpu.vector_load %arg12[%get3A_234, %get3A_235] {strides = array<i32>} : memref<128x128xf32, #tpu.memory_space<vmem>>, vector<1x16xf32>,
        %get3A_237 = vector.shape_cast %get3A_236 : vector<1x16xf32> to vector<16xf32>
        %mul3A_238 = arith.mulf %get3A_237, %broadcast_in_dim3A_201 : vector<16xf32>
        %swap3A_239 = arith.index_cast %add3A_203 : i32 to index
        %swap3A_240 = arith.constant 48 : index
        %swap3A_241 = tpu.vector_load %arg12[%swap3A_239, %swap3A_240] {strides = array<i32>} : memref<128x128xf32, #tpu.memory_space<vmem>>, vector<1x16xf32>,
        %swap3A_242 = vector.shape_cast %swap3A_241 : vector<1x16xf32> to vector<16xf32>
        %swap3A_243 = vector.shape_cast %mul3A_238 : vector<16xf32> to vector<1x16xf32>
        tpu.vector_store %arg12[%swap3A_239, %swap3A_240], %swap3A_243 {strides = array<i32>} : memref<128x128xf32, #tpu.memory_space<vmem>>, vector<1x16xf32>,
        %get3A_244 = arith.index_cast %add3A_203 : i32 to index
        %get3A_245 = arith.constant 64 : index
        %get3A_246 = tpu.vector_load %arg12[%get3A_244, %get3A_245] {strides = array<i32>} : memref<128x128xf32, #tpu.memory_space<vmem>>, vector<1x16xf32>,
        %get3A_247 = vector.shape_cast %get3A_246 : vector<1x16xf32> to vector<16xf32>
        %mul3A_248 = arith.mulf %get3A_247, %broadcast_in_dim3A_201 : vector<16xf32>
        %swap3A_249 = arith.index_cast %add3A_203 : i32 to index
        %swap3A_250 = arith.constant 64 : index
        %swap3A_251 = tpu.vector_load %arg12[%swap3A_249, %swap3A_250] {strides = array<i32>} : memref<128x128xf32, #tpu.memory_space<vmem>>, vector<1x16xf32>,
        %swap3A_252 = vector.shape_cast %swap3A_251 : vector<1x16xf32> to vector<16xf32>
        %swap3A_253 = vector.shape_cast %mul3A_248 : vector<16xf32> to vector<1x16xf32>
        tpu.vector_store %arg12[%swap3A_249, %swap3A_250], %swap3A_253 {strides = array<i32>} : memref<128x128xf32, #tpu.memory_space<vmem>>, vector<1x16xf32>,
        %get3A_254 = arith.index_cast %add3A_203 : i32 to index
        %get3A_255 = arith.constant 80 : index
        %get3A_256 = tpu.vector_load %arg12[%get3A_254, %get3A_255] {strides = array<i32>} : memref<128x128xf32, #tpu.memory_space<vmem>>, vector<1x16xf32>,
        %get3A_257 = vector.shape_cast %get3A_256 : vector<1x16xf32> to vector<16xf32>
        %mul3A_258 = arith.mulf %get3A_257, %broadcast_in_dim3A_201 : vector<16xf32>
        %swap3A_259 = arith.index_cast %add3A_203 : i32 to index
        %swap3A_260 = arith.constant 80 : index
        %swap3A_261 = tpu.vector_load %arg12[%swap3A_259, %swap3A_260] {strides = array<i32>} : memref<128x128xf32, #tpu.memory_space<vmem>>, vector<1x16xf32>,
        %swap3A_262 = vector.shape_cast %swap3A_261 : vector<1x16xf32> to vector<16xf32>
        %swap3A_263 = vector.shape_cast %mul3A_258 : vector<16xf32> to vector<1x16xf32>
        tpu.vector_store %arg12[%swap3A_259, %swap3A_260], %swap3A_263 {strides = array<i32>} : memref<128x128xf32, #tpu.memory_space<vmem>>, vector<1x16xf32>,
        %get3A_264 = arith.index_cast %add3A_203 : i32 to index
        %get3A_265 = arith.constant 96 : index
        %get3A_266 = tpu.vector_load %arg12[%get3A_264, %get3A_265] {strides = array<i32>} : memref<128x128xf32, #tpu.memory_space<vmem>>, vector<1x16xf32>,
        %get3A_267 = vector.shape_cast %get3A_266 : vector<1x16xf32> to vector<16xf32>
        %mul3A_268 = arith.mulf %get3A_267, %broadcast_in_dim3A_201 : vector<16xf32>
        %swap3A_269 = arith.index_cast %add3A_203 : i32 to index
        %swap3A_270 = arith.constant 96 : index
        %swap3A_271 = tpu.vector_load %arg12[%swap3A_269, %swap3A_270] {strides = array<i32>} : memref<128x128xf32, #tpu.memory_space<vmem>>, vector<1x16xf32>,
        %swap3A_272 = vector.shape_cast %swap3A_271 : vector<1x16xf32> to vector<16xf32>
        %swap3A_273 = vector.shape_cast %mul3A_268 : vector<16xf32> to vector<1x16xf32>
        tpu.vector_store %arg12[%swap3A_269, %swap3A_270], %swap3A_273 {strides = array<i32>} : memref<128x128xf32, #tpu.memory_space<vmem>>, vector<1x16xf32>,
        %get3A_274 = arith.index_cast %add3A_203 : i32 to index
        %get3A_275 = arith.constant 112 : index
        %get3A_276 = tpu.vector_load %arg12[%get3A_274, %get3A_275] {strides = array<i32>} : memref<128x128xf32, #tpu.memory_space<vmem>>, vector<1x16xf32>,
        %get3A_277 = vector.shape_cast %get3A_276 : vector<1x16xf32> to vector<16xf32>
        %mul3A_278 = arith.mulf %get3A_277, %broadcast_in_dim3A_201 : vector<16xf32>
        %swap3A_279 = arith.index_cast %add3A_203 : i32 to index
        %swap3A_280 = arith.constant 112 : index
        %swap3A_281 = tpu.vector_load %arg12[%swap3A_279, %swap3A_280] {strides = array<i32>} : memref<128x128xf32, #tpu.memory_space<vmem>>, vector<1x16xf32>,
        %swap3A_282 = vector.shape_cast %swap3A_281 : vector<1x16xf32> to vector<16xf32>
        %swap3A_283 = vector.shape_cast %mul3A_278 : vector<16xf32> to vector<1x16xf32>
        tpu.vector_store %arg12[%swap3A_279, %swap3A_280], %swap3A_283 {strides = array<i32>} : memref<128x128xf32, #tpu.memory_space<vmem>>, vector<1x16xf32>,
        %slice3A_284 = vector.extract_strided_slice %get3A_32 {offsets = [3], sizes = [1], strides = [1]} : vector<16xf32> to vector<1xf32>
        %squeeze3A_285 = vector.extract %slice3A_284[0] : f32 from vector<1xf32>
        %broadcast_in_dim3A_286 = vector.broadcast %squeeze3A_285 : f32 to vector<16xf32>
        %add3A_287 = arith.constant 3 : i32
        %add3A_288 = arith.addi %mul3A_28, %add3A_287 : i32
        %get3A_289 = arith.index_cast %add3A_288 : i32 to index
        %get3A_290 = arith.constant 0 : index
        %get3A_291 = tpu.vector_load %arg12[%get3A_289, %get3A_290] {strides = array<i32>} : memref<128x128xf32, #tpu.memory_space<vmem>>, vector<1x16xf32>,
        %get3A_292 = vector.shape_cast %get3A_291 : vector<1x16xf32> to vector<16xf32>
        %mul3A_293 = arith.mulf %get3A_292, %broadcast_in_dim3A_286 : vector<16xf32>
        %swap3A_294 = arith.index_cast %add3A_288 : i32 to index
        %swap3A_295 = arith.constant 0 : index
        %swap3A_296 = tpu.vector_load %arg12[%swap3A_294, %swap3A_295] {strides = array<i32>} : memref<128x128xf32, #tpu.memory_space<vmem>>, vector<1x16xf32>,
        %swap3A_297 = vector.shape_cast %swap3A_296 : vector<1x16xf32> to vector<16xf32>
        %swap3A_298 = vector.shape_cast %mul3A_293 : vector<16xf32> to vector<1x16xf32>
        tpu.vector_store %arg12[%swap3A_294, %swap3A_295], %swap3A_298 {strides = array<i32>} : memref<128x128xf32, #tpu.memory_space<vmem>>, vector<1x16xf32>,
        %get3A_299 = arith.index_cast %add3A_288 : i32 to index
        %get3A_300 = arith.constant 16 : index
        %get3A_301 = tpu.vector_load %arg12[%get3A_299, %get3A_300] {strides = array<i32>} : memref<128x128xf32, #tpu.memory_space<vmem>>, vector<1x16xf32>,
        %get3A_302 = vector.shape_cast %get3A_301 : vector<1x16xf32> to vector<16xf32>
        %mul3A_303 = arith.mulf %get3A_302, %broadcast_in_dim3A_286 : vector<16xf32>
        %swap3A_304 = arith.index_cast %add3A_288 : i32 to index
        %swap3A_305 = arith.constant 16 : index
        %swap3A_306 = tpu.vector_load %arg12[%swap3A_304, %swap3A_305] {strides = array<i32>} : memref<128x128xf32, #tpu.memory_space<vmem>>, vector<1x16xf32>,
        %swap3A_307 = vector.shape_cast %swap3A_306 : vector<1x16xf32> to vector<16xf32>
        %swap3A_308 = vector.shape_cast %mul3A_303 : vector<16xf32> to vector<1x16xf32>
        tpu.vector_store %arg12[%swap3A_304, %swap3A_305], %swap3A_308 {strides = array<i32>} : memref<128x128xf32, #tpu.memory_space<vmem>>, vector<1x16xf32>,
        %get3A_309 = arith.index_cast %add3A_288 : i32 to index
        %get3A_310 = arith.constant 32 : index
        %get3A_311 = tpu.vector_load %arg12[%get3A_309, %get3A_310] {strides = array<i32>} : memref<128x128xf32, #tpu.memory_space<vmem>>, vector<1x16xf32>,
        %get3A_312 = vector.shape_cast %get3A_311 : vector<1x16xf32> to vector<16xf32>
        %mul3A_313 = arith.mulf %get3A_312, %broadcast_in_dim3A_286 : vector<16xf32>
        %swap3A_314 = arith.index_cast %add3A_288 : i32 to index
        %swap3A_315 = arith.constant 32 : index
        %swap3A_316 = tpu.vector_load %arg12[%swap3A_314, %swap3A_315] {strides = array<i32>} : memref<128x128xf32, #tpu.memory_space<vmem>>, vector<1x16xf32>,
        %swap3A_317 = vector.shape_cast %swap3A_316 : vector<1x16xf32> to vector<16xf32>
        %swap3A_318 = vector.shape_cast %mul3A_313 : vector<16xf32> to vector<1x16xf32>
        tpu.vector_store %arg12[%swap3A_314, %swap3A_315], %swap3A_318 {strides = array<i32>} : memref<128x128xf32, #tpu.memory_space<vmem>>, vector<1x16xf32>,
        %get3A_319 = arith.index_cast %add3A_288 : i32 to index
        %get3A_320 = arith.constant 48 : index
        %get3A_321 = tpu.vector_load %arg12[%get3A_319, %get3A_320] {strides = array<i32>} : memref<128x128xf32, #tpu.memory_space<vmem>>, vector<1x16xf32>,
        %get3A_322 = vector.shape_cast %get3A_321 : vector<1x16xf32> to vector<16xf32>
        %mul3A_323 = arith.mulf %get3A_322, %broadcast_in_dim3A_286 : vector<16xf32>
        %swap3A_324 = arith.index_cast %add3A_288 : i32 to index
        %swap3A_325 = arith.constant 48 : index
        %swap3A_326 = tpu.vector_load %arg12[%swap3A_324, %swap3A_325] {strides = array<i32>} : memref<128x128xf32, #tpu.memory_space<vmem>>, vector<1x16xf32>,
        %swap3A_327 = vector.shape_cast %swap3A_326 : vector<1x16xf32> to vector<16xf32>
        %swap3A_328 = vector.shape_cast %mul3A_323 : vector<16xf32> to vector<1x16xf32>
        tpu.vector_store %arg12[%swap3A_324, %swap3A_325], %swap3A_328 {strides = array<i32>} : memref<128x128xf32, #tpu.memory_space<vmem>>, vector<1x16xf32>,
        %get3A_329 = arith.index_cast %add3A_288 : i32 to index
        %get3A_330 = arith.constant 64 : index
        %get3A_331 = tpu.vector_load %arg12[%get3A_329, %get3A_330] {strides = array<i32>} : memref<128x128xf32, #tpu.memory_space<vmem>>, vector<1x16xf32>,
        %get3A_332 = vector.shape_cast %get3A_331 : vector<1x16xf32> to vector<16xf32>
        %mul3A_333 = arith.mulf %get3A_332, %broadcast_in_dim3A_286 : vector<16xf32>
        %swap3A_334 = arith.index_cast %add3A_288 : i32 to index
        %swap3A_335 = arith.constant 64 : index
        %swap3A_336 = tpu.vector_load %arg12[%swap3A_334, %swap3A_335] {strides = array<i32>} : memref<128x128xf32, #tpu.memory_space<vmem>>, vector<1x16xf32>,
        %swap3A_337 = vector.shape_cast %swap3A_336 : vector<1x16xf32> to vector<16xf32>
        %swap3A_338 = vector.shape_cast %mul3A_333 : vector<16xf32> to vector<1x16xf32>
        tpu.vector_store %arg12[%swap3A_334, %swap3A_335], %swap3A_338 {strides = array<i32>} : memref<128x128xf32, #tpu.memory_space<vmem>>, vector<1x16xf32>,
        %get3A_339 = arith.index_cast %add3A_288 : i32 to index
        %get3A_340 = arith.constant 80 : index
        %get3A_341 = tpu.vector_load %arg12[%get3A_339, %get3A_340] {strides = array<i32>} : memref<128x128xf32, #tpu.memory_space<vmem>>, vector<1x16xf32>,
        %get3A_342 = vector.shape_cast %get3A_341 : vector<1x16xf32> to vector<16xf32>
        %mul3A_343 = arith.mulf %get3A_342, %broadcast_in_dim3A_286 : vector<16xf32>
        %swap3A_344 = arith.index_cast %add3A_288 : i32 to index
        %swap3A_345 = arith.constant 80 : index
        %swap3A_346 = tpu.vector_load %arg12[%swap3A_344, %swap3A_345] {strides = array<i32>} : memref<128x128xf32, #tpu.memory_space<vmem>>, vector<1x16xf32>,
        %swap3A_347 = vector.shape_cast %swap3A_346 : vector<1x16xf32> to vector<16xf32>
        %swap3A_348 = vector.shape_cast %mul3A_343 : vector<16xf32> to vector<1x16xf32>
        tpu.vector_store %arg12[%swap3A_344, %swap3A_345], %swap3A_348 {strides = array<i32>} : memref<128x128xf32, #tpu.memory_space<vmem>>, vector<1x16xf32>,
        %get3A_349 = arith.index_cast %add3A_288 : i32 to index
        %get3A_350 = arith.constant 96 : index
        %get3A_351 = tpu.vector_load %arg12[%get3A_349, %get3A_350] {strides = array<i32>} : memref<128x128xf32, #tpu.memory_space<vmem>>, vector<1x16xf32>,
        %get3A_352 = vector.shape_cast %get3A_351 : vector<1x16xf32> to vector<16xf32>
        %mul3A_353 = arith.mulf %get3A_352, %broadcast_in_dim3A_286 : vector<16xf32>
        %swap3A_354 = arith.index_cast %add3A_288 : i32 to index
        %swap3A_355 = arith.constant 96 : index
        %swap3A_356 = tpu.vector_load %arg12[%swap3A_354, %swap3A_355] {strides = array<i32>} : memref<128x128xf32, #tpu.memory_space<vmem>>, vector<1x16xf32>,
        %swap3A_357 = vector.shape_cast %swap3A_356 : vector<1x16xf32> to vector<16xf32>
        %swap3A_358 = vector.shape_cast %mul3A_353 : vector<16xf32> to vector<1x16xf32>
        tpu.vector_store %arg12[%swap3A_354, %swap3A_355], %swap3A_358 {strides = array<i32>} : memref<128x128xf32, #tpu.memory_space<vmem>>, vector<1x16xf32>,
        %get3A_359 = arith.index_cast %add3A_288 : i32 to index
        %get3A_360 = arith.constant 112 : index
        %get3A_361 = tpu.vector_load %arg12[%get3A_359, %get3A_360] {strides = array<i32>} : memref<128x128xf32, #tpu.memory_space<vmem>>, vector<1x16xf32>,
        %get3A_362 = vector.shape_cast %get3A_361 : vector<1x16xf32> to vector<16xf32>
        %mul3A_363 = arith.mulf %get3A_362, %broadcast_in_dim3A_286 : vector<16xf32>
        %swap3A_364 = arith.index_cast %add3A_288 : i32 to index
        %swap3A_365 = arith.constant 112 : index
        %swap3A_366 = tpu.vector_load %arg12[%swap3A_364, %swap3A_365] {strides = array<i32>} : memref<128x128xf32, #tpu.memory_space<vmem>>, vector<1x16xf32>,
        %swap3A_367 = vector.shape_cast %swap3A_366 : vector<1x16xf32> to vector<16xf32>
        %swap3A_368 = vector.shape_cast %mul3A_363 : vector<16xf32> to vector<1x16xf32>
        tpu.vector_store %arg12[%swap3A_364, %swap3A_365], %swap3A_368 {strides = array<i32>} : memref<128x128xf32, #tpu.memory_space<vmem>>, vector<1x16xf32>,
        %slice3A_369 = vector.extract_strided_slice %get3A_32 {offsets = [4], sizes = [1], strides = [1]} : vector<16xf32> to vector<1xf32>
        %squeeze3A_370 = vector.extract %slice3A_369[0] : f32 from vector<1xf32>
        %broadcast_in_dim3A_371 = vector.broadcast %squeeze3A_370 : f32 to vector<16xf32>
        %add3A_372 = arith.constant 4 : i32
        %add3A_373 = arith.addi %mul3A_28, %add3A_372 : i32
        %get3A_374 = arith.index_cast %add3A_373 : i32 to index
        %get3A_375 = arith.constant 0 : index
        %get3A_376 = tpu.vector_load %arg12[%get3A_374, %get3A_375] {strides = array<i32>} : memref<128x128xf32, #tpu.memory_space<vmem>>, vector<1x16xf32>,
        %get3A_377 = vector.shape_cast %get3A_376 : vector<1x16xf32> to vector<16xf32>
        %mul3A_378 = arith.mulf %get3A_377, %broadcast_in_dim3A_371 : vector<16xf32>
        %swap3A_379 = arith.index_cast %add3A_373 : i32 to index
        %swap3A_380 = arith.constant 0 : index
        %swap3A_381 = tpu.vector_load %arg12[%swap3A_379, %swap3A_380] {strides = array<i32>} : memref<128x128xf32, #tpu.memory_space<vmem>>, vector<1x16xf32>,
        %swap3A_382 = vector.shape_cast %swap3A_381 : vector<1x16xf32> to vector<16xf32>
        %swap3A_383 = vector.shape_cast %mul3A_378 : vector<16xf32> to vector<1x16xf32>
        tpu.vector_store %arg12[%swap3A_379, %swap3A_380], %swap3A_383 {strides = array<i32>} : memref<128x128xf32, #tpu.memory_space<vmem>>, vector<1x16xf32>,
        %get3A_384 = arith.index_cast %add3A_373 : i32 to index
        %get3A_385 = arith.constant 16 : index
        %get3A_386 = tpu.vector_load %arg12[%get3A_384, %get3A_385] {strides = array<i32>} : memref<128x128xf32, #tpu.memory_space<vmem>>, vector<1x16xf32>,
        %get3A_387 = vector.shape_cast %get3A_386 : vector<1x16xf32> to vector<16xf32>
        %mul3A_388 = arith.mulf %get3A_387, %broadcast_in_dim3A_371 : vector<16xf32>
        %swap3A_389 = arith.index_cast %add3A_373 : i32 to index
        %swap3A_390 = arith.constant 16 : index
        %swap3A_391 = tpu.vector_load %arg12[%swap3A_389, %swap3A_390] {strides = array<i32>} : memref<128x128xf32, #tpu.memory_space<vmem>>, vector<1x16xf32>,
        %swap3A_392 = vector.shape_cast %swap3A_391 : vector<1x16xf32> to vector<16xf32>
        %swap3A_393 = vector.shape_cast %mul3A_388 : vector<16xf32> to vector<1x16xf32>
        tpu.vector_store %arg12[%swap3A_389, %swap3A_390], %swap3A_393 {strides = array<i32>} : memref<128x128xf32, #tpu.memory_space<vmem>>, vector<1x16xf32>,
        %get3A_394 = arith.index_cast %add3A_373 : i32 to index
        %get3A_395 = arith.constant 32 : index
        %get3A_396 = tpu.vector_load %arg12[%get3A_394, %get3A_395] {strides = array<i32>} : memref<128x128xf32, #tpu.memory_space<vmem>>, vector<1x16xf32>,
        %get3A_397 = vector.shape_cast %get3A_396 : vector<1x16xf32> to vector<16xf32>
        %mul3A_398 = arith.mulf %get3A_397, %broadcast_in_dim3A_371 : vector<16xf32>
        %swap3A_399 = arith.index_cast %add3A_373 : i32 to index
        %swap3A_400 = arith.constant 32 : index
        %swap3A_401 = tpu.vector_load %arg12[%swap3A_399, %swap3A_400] {strides = array<i32>} : memref<128x128xf32, #tpu.memory_space<vmem>>, vector<1x16xf32>,
        %swap3A_402 = vector.shape_cast %swap3A_401 : vector<1x16xf32> to vector<16xf32>
        %swap3A_403 = vector.shape_cast %mul3A_398 : vector<16xf32> to vector<1x16xf32>
        tpu.vector_store %arg12[%swap3A_399, %swap3A_400], %swap3A_403 {strides = array<i32>} : memref<128x128xf32, #tpu.memory_space<vmem>>, vector<1x16xf32>,
        %get3A_404 = arith.index_cast %add3A_373 : i32 to index
        %get3A_405 = arith.constant 48 : index
        %get3A_406 = tpu.vector_load %arg12[%get3A_404, %get3A_405] {strides = array<i32>} : memref<128x128xf32, #tpu.memory_space<vmem>>, vector<1x16xf32>,
        %get3A_407 = vector.shape_cast %get3A_406 : vector<1x16xf32> to vector<16xf32>
        %mul3A_408 = arith.mulf %get3A_407, %broadcast_in_dim3A_371 : vector<16xf32>
        %swap3A_409 = arith.index_cast %add3A_373 : i32 to index
        %swap3A_410 = arith.constant 48 : index
        %swap3A_411 = tpu.vector_load %arg12[%swap3A_409, %swap3A_410] {strides = array<i32>} : memref<128x128xf32, #tpu.memory_space<vmem>>, vector<1x16xf32>,
        %swap3A_412 = vector.shape_cast %swap3A_411 : vector<1x16xf32> to vector<16xf32>
        %swap3A_413 = vector.shape_cast %mul3A_408 : vector<16xf32> to vector<1x16xf32>
        tpu.vector_store %arg12[%swap3A_409, %swap3A_410], %swap3A_413 {strides = array<i32>} : memref<128x128xf32, #tpu.memory_space<vmem>>, vector<1x16xf32>,
        %get3A_414 = arith.index_cast %add3A_373 : i32 to index
        %get3A_415 = arith.constant 64 : index
        %get3A_416 = tpu.vector_load %arg12[%get3A_414, %get3A_415] {strides = array<i32>} : memref<128x128xf32, #tpu.memory_space<vmem>>, vector<1x16xf32>,
        %get3A_417 = vector.shape_cast %get3A_416 : vector<1x16xf32> to vector<16xf32>
        %mul3A_418 = arith.mulf %get3A_417, %broadcast_in_dim3A_371 : vector<16xf32>
        %swap3A_419 = arith.index_cast %add3A_373 : i32 to index
        %swap3A_420 = arith.constant 64 : index
        %swap3A_421 = tpu.vector_load %arg12[%swap3A_419, %swap3A_420] {strides = array<i32>} : memref<128x128xf32, #tpu.memory_space<vmem>>, vector<1x16xf32>,
        %swap3A_422 = vector.shape_cast %swap3A_421 : vector<1x16xf32> to vector<16xf32>
        %swap3A_423 = vector.shape_cast %mul3A_418 : vector<16xf32> to vector<1x16xf32>
        tpu.vector_store %arg12[%swap3A_419, %swap3A_420], %swap3A_423 {strides = array<i32>} : memref<128x128xf32, #tpu.memory_space<vmem>>, vector<1x16xf32>,
        %get3A_424 = arith.index_cast %add3A_373 : i32 to index
        %get3A_425 = arith.constant 80 : index
        %get3A_426 = tpu.vector_load %arg12[%get3A_424, %get3A_425] {strides = array<i32>} : memref<128x128xf32, #tpu.memory_space<vmem>>, vector<1x16xf32>,
        %get3A_427 = vector.shape_cast %get3A_426 : vector<1x16xf32> to vector<16xf32>
        %mul3A_428 = arith.mulf %get3A_427, %broadcast_in_dim3A_371 : vector<16xf32>
        %swap3A_429 = arith.index_cast %add3A_373 : i32 to index
        %swap3A_430 = arith.constant 80 : index
        %swap3A_431 = tpu.vector_load %arg12[%swap3A_429, %swap3A_430] {strides = array<i32>} : memref<128x128xf32, #tpu.memory_space<vmem>>, vector<1x16xf32>,
        %swap3A_432 = vector.shape_cast %swap3A_431 : vector<1x16xf32> to vector<16xf32>
        %swap3A_433 = vector.shape_cast %mul3A_428 : vector<16xf32> to vector<1x16xf32>
        tpu.vector_store %arg12[%swap3A_429, %swap3A_430], %swap3A_433 {strides = array<i32>} : memref<128x128xf32, #tpu.memory_space<vmem>>, vector<1x16xf32>,
        %get3A_434 = arith.index_cast %add3A_373 : i32 to index
        %get3A_435 = arith.constant 96 : index
        %get3A_436 = tpu.vector_load %arg12[%get3A_434, %get3A_435] {strides = array<i32>} : memref<128x128xf32, #tpu.memory_space<vmem>>, vector<1x16xf32>,
        %get3A_437 = vector.shape_cast %get3A_436 : vector<1x16xf32> to vector<16xf32>
        %mul3A_438 = arith.mulf %get3A_437, %broadcast_in_dim3A_371 : vector<16xf32>
        %swap3A_439 = arith.index_cast %add3A_373 : i32 to index
        %swap3A_440 = arith.constant 96 : index
        %swap3A_441 = tpu.vector_load %arg12[%swap3A_439, %swap3A_440] {strides = array<i32>} : memref<128x128xf32, #tpu.memory_space<vmem>>, vector<1x16xf32>,
        %swap3A_442 = vector.shape_cast %swap3A_441 : vector<1x16xf32> to vector<16xf32>
        %swap3A_443 = vector.shape_cast %mul3A_438 : vector<16xf32> to vector<1x16xf32>
        tpu.vector_store %arg12[%swap3A_439, %swap3A_440], %swap3A_443 {strides = array<i32>} : memref<128x128xf32, #tpu.memory_space<vmem>>, vector<1x16xf32>,
        %get3A_444 = arith.index_cast %add3A_373 : i32 to index
        %get3A_445 = arith.constant 112 : index
        %get3A_446 = tpu.vector_load %arg12[%get3A_444, %get3A_445] {strides = array<i32>} : memref<128x128xf32, #tpu.memory_space<vmem>>, vector<1x16xf32>,
        %get3A_447 = vector.shape_cast %get3A_446 : vector<1x16xf32> to vector<16xf32>
        %mul3A_448 = arith.mulf %get3A_447, %broadcast_in_dim3A_371 : vector<16xf32>
        %swap3A_449 = arith.index_cast %add3A_373 : i32 to index
        %swap3A_450 = arith.constant 112 : index
        %swap3A_451 = tpu.vector_load %arg12[%swap3A_449, %swap3A_450] {strides = array<i32>} : memref<128x128xf32, #tpu.memory_space<vmem>>, vector<1x16xf32>,
        %swap3A_452 = vector.shape_cast %swap3A_451 : vector<1x16xf32> to vector<16xf32>
        %swap3A_453 = vector.shape_cast %mul3A_448 : vector<16xf32> to vector<1x16xf32>
        tpu.vector_store %arg12[%swap3A_449, %swap3A_450], %swap3A_453 {strides = array<i32>} : memref<128x128xf32, #tpu.memory_space<vmem>>, vector<1x16xf32>,
        %slice3A_454 = vector.extract_strided_slice %get3A_32 {offsets = [5], sizes = [1], strides = [1]} : vector<16xf32> to vector<1xf32>
        %squeeze3A_455 = vector.extract %slice3A_454[0] : f32 from vector<1xf32>
        %broadcast_in_dim3A_456 = vector.broadcast %squeeze3A_455 : f32 to vector<16xf32>
        %add3A_457 = arith.constant 5 : i32
        %add3A_458 = arith.addi %mul3A_28, %add3A_457 : i32
        %get3A_459 = arith.index_cast %add3A_458 : i32 to index
        %get3A_460 = arith.constant 0 : index
        %get3A_461 = tpu.vector_load %arg12[%get3A_459, %get3A_460] {strides = array<i32>} : memref<128x128xf32, #tpu.memory_space<vmem>>, vector<1x16xf32>,
        %get3A_462 = vector.shape_cast %get3A_461 : vector<1x16xf32> to vector<16xf32>
        %mul3A_463 = arith.mulf %get3A_462, %broadcast_in_dim3A_456 : vector<16xf32>
        %swap3A_464 = arith.index_cast %add3A_458 : i32 to index
        %swap3A_465 = arith.constant 0 : index
        %swap3A_466 = tpu.vector_load %arg12[%swap3A_464, %swap3A_465] {strides = array<i32>} : memref<128x128xf32, #tpu.memory_space<vmem>>, vector<1x16xf32>,
        %swap3A_467 = vector.shape_cast %swap3A_466 : vector<1x16xf32> to vector<16xf32>
        %swap3A_468 = vector.shape_cast %mul3A_463 : vector<16xf32> to vector<1x16xf32>
        tpu.vector_store %arg12[%swap3A_464, %swap3A_465], %swap3A_468 {strides = array<i32>} : memref<128x128xf32, #tpu.memory_space<vmem>>, vector<1x16xf32>,
        %get3A_469 = arith.index_cast %add3A_458 : i32 to index
        %get3A_470 = arith.constant 16 : index
        %get3A_471 = tpu.vector_load %arg12[%get3A_469, %get3A_470] {strides = array<i32>} : memref<128x128xf32, #tpu.memory_space<vmem>>, vector<1x16xf32>,
        %get3A_472 = vector.shape_cast %get3A_471 : vector<1x16xf32> to vector<16xf32>
        %mul3A_473 = arith.mulf %get3A_472, %broadcast_in_dim3A_456 : vector<16xf32>
        %swap3A_474 = arith.index_cast %add3A_458 : i32 to index
        %swap3A_475 = arith.constant 16 : index
        %swap3A_476 = tpu.vector_load %arg12[%swap3A_474, %swap3A_475] {strides = array<i32>} : memref<128x128xf32, #tpu.memory_space<vmem>>, vector<1x16xf32>,
        %swap3A_477 = vector.shape_cast %swap3A_476 : vector<1x16xf32> to vector<16xf32>
        %swap3A_478 = vector.shape_cast %mul3A_473 : vector<16xf32> to vector<1x16xf32>
        tpu.vector_store %arg12[%swap3A_474, %swap3A_475], %swap3A_478 {strides = array<i32>} : memref<128x128xf32, #tpu.memory_space<vmem>>, vector<1x16xf32>,
        %get3A_479 = arith.index_cast %add3A_458 : i32 to index
        %get3A_480 = arith.constant 32 : index
        %get3A_481 = tpu.vector_load %arg12[%get3A_479, %get3A_480] {strides = array<i32>} : memref<128x128xf32, #tpu.memory_space<vmem>>, vector<1x16xf32>,
        %get3A_482 = vector.shape_cast %get3A_481 : vector<1x16xf32> to vector<16xf32>
        %mul3A_483 = arith.mulf %get3A_482, %broadcast_in_dim3A_456 : vector<16xf32>
        %swap3A_484 = arith.index_cast %add3A_458 : i32 to index
        %swap3A_485 = arith.constant 32 : index
        %swap3A_486 = tpu.vector_load %arg12[%swap3A_484, %swap3A_485] {strides = array<i32>} : memref<128x128xf32, #tpu.memory_space<vmem>>, vector<1x16xf32>,
        %swap3A_487 = vector.shape_cast %swap3A_486 : vector<1x16xf32> to vector<16xf32>
        %swap3A_488 = vector.shape_cast %mul3A_483 : vector<16xf32> to vector<1x16xf32>
        tpu.vector_store %arg12[%swap3A_484, %swap3A_485], %swap3A_488 {strides = array<i32>} : memref<128x128xf32, #tpu.memory_space<vmem>>, vector<1x16xf32>,
        %get3A_489 = arith.index_cast %add3A_458 : i32 to index
        %get3A_490 = arith.constant 48 : index
        %get3A_491 = tpu.vector_load %arg12[%get3A_489, %get3A_490] {strides = array<i32>} : memref<128x128xf32, #tpu.memory_space<vmem>>, vector<1x16xf32>,
        %get3A_492 = vector.shape_cast %get3A_491 : vector<1x16xf32> to vector<16xf32>
        %mul3A_493 = arith.mulf %get3A_492, %broadcast_in_dim3A_456 : vector<16xf32>
        %swap3A_494 = arith.index_cast %add3A_458 : i32 to index
        %swap3A_495 = arith.constant 48 : index
        %swap3A_496 = tpu.vector_load %arg12[%swap3A_494, %swap3A_495] {strides = array<i32>} : memref<128x128xf32, #tpu.memory_space<vmem>>, vector<1x16xf32>,
        %swap3A_497 = vector.shape_cast %swap3A_496 : vector<1x16xf32> to vector<16xf32>
        %swap3A_498 = vector.shape_cast %mul3A_493 : vector<16xf32> to vector<1x16xf32>
        tpu.vector_store %arg12[%swap3A_494, %swap3A_495], %swap3A_498 {strides = array<i32>} : memref<128x128xf32, #tpu.memory_space<vmem>>, vector<1x16xf32>,
        %get3A_499 = arith.index_cast %add3A_458 : i32 to index
        %get3A_500 = arith.constant 64 : index
        %get3A_501 = tpu.vector_load %arg12[%get3A_499, %get3A_500] {strides = array<i32>} : memref<128x128xf32, #tpu.memory_space<vmem>>, vector<1x16xf32>,
        %get3A_502 = vector.shape_cast %get3A_501 : vector<1x16xf32> to vector<16xf32>
        %mul3A_503 = arith.mulf %get3A_502, %broadcast_in_dim3A_456 : vector<16xf32>
        %swap3A_504 = arith.index_cast %add3A_458 : i32 to index
        %swap3A_505 = arith.constant 64 : index
        %swap3A_506 = tpu.vector_load %arg12[%swap3A_504, %swap3A_505] {strides = array<i32>} : memref<128x128xf32, #tpu.memory_space<vmem>>, vector<1x16xf32>,
        %swap3A_507 = vector.shape_cast %swap3A_506 : vector<1x16xf32> to vector<16xf32>
        %swap3A_508 = vector.shape_cast %mul3A_503 : vector<16xf32> to vector<1x16xf32>
        tpu.vector_store %arg12[%swap3A_504, %swap3A_505], %swap3A_508 {strides = array<i32>} : memref<128x128xf32, #tpu.memory_space<vmem>>, vector<1x16xf32>,
        %get3A_509 = arith.index_cast %add3A_458 : i32 to index
        %get3A_510 = arith.constant 80 : index
        %get3A_511 = tpu.vector_load %arg12[%get3A_509, %get3A_510] {strides = array<i32>} : memref<128x128xf32, #tpu.memory_space<vmem>>, vector<1x16xf32>,
        %get3A_512 = vector.shape_cast %get3A_511 : vector<1x16xf32> to vector<16xf32>
        %mul3A_513 = arith.mulf %get3A_512, %broadcast_in_dim3A_456 : vector<16xf32>
        %swap3A_514 = arith.index_cast %add3A_458 : i32 to index
        %swap3A_515 = arith.constant 80 : index
        %swap3A_516 = tpu.vector_load %arg12[%swap3A_514, %swap3A_515] {strides = array<i32>} : memref<128x128xf32, #tpu.memory_space<vmem>>, vector<1x16xf32>,
        %swap3A_517 = vector.shape_cast %swap3A_516 : vector<1x16xf32> to vector<16xf32>
        %swap3A_518 = vector.shape_cast %mul3A_513 : vector<16xf32> to vector<1x16xf32>
        tpu.vector_store %arg12[%swap3A_514, %swap3A_515], %swap3A_518 {strides = array<i32>} : memref<128x128xf32, #tpu.memory_space<vmem>>, vector<1x16xf32>,
        %get3A_519 = arith.index_cast %add3A_458 : i32 to index
        %get3A_520 = arith.constant 96 : index
        %get3A_521 = tpu.vector_load %arg12[%get3A_519, %get3A_520] {strides = array<i32>} : memref<128x128xf32, #tpu.memory_space<vmem>>, vector<1x16xf32>,
        %get3A_522 = vector.shape_cast %get3A_521 : vector<1x16xf32> to vector<16xf32>
        %mul3A_523 = arith.mulf %get3A_522, %broadcast_in_dim3A_456 : vector<16xf32>
        %swap3A_524 = arith.index_cast %add3A_458 : i32 to index
        %swap3A_525 = arith.constant 96 : index
        %swap3A_526 = tpu.vector_load %arg12[%swap3A_524, %swap3A_525] {strides = array<i32>} : memref<128x128xf32, #tpu.memory_space<vmem>>, vector<1x16xf32>,
        %swap3A_527 = vector.shape_cast %swap3A_526 : vector<1x16xf32> to vector<16xf32>
        %swap3A_528 = vector.shape_cast %mul3A_523 : vector<16xf32> to vector<1x16xf32>
        tpu.vector_store %arg12[%swap3A_524, %swap3A_525], %swap3A_528 {strides = array<i32>} : memref<128x128xf32, #tpu.memory_space<vmem>>, vector<1x16xf32>,
        %get3A_529 = arith.index_cast %add3A_458 : i32 to index
        %get3A_530 = arith.constant 112 : index
        %get3A_531 = tpu.vector_load %arg12[%get3A_529, %get3A_530] {strides = array<i32>} : memref<128x128xf32, #tpu.memory_space<vmem>>, vector<1x16xf32>,
        %get3A_532 = vector.shape_cast %get3A_531 : vector<1x16xf32> to vector<16xf32>
        %mul3A_533 = arith.mulf %get3A_532, %broadcast_in_dim3A_456 : vector<16xf32>
        %swap3A_534 = arith.index_cast %add3A_458 : i32 to index
        %swap3A_535 = arith.constant 112 : index
        %swap3A_536 = tpu.vector_load %arg12[%swap3A_534, %swap3A_535] {strides = array<i32>} : memref<128x128xf32, #tpu.memory_space<vmem>>, vector<1x16xf32>,
        %swap3A_537 = vector.shape_cast %swap3A_536 : vector<1x16xf32> to vector<16xf32>
        %swap3A_538 = vector.shape_cast %mul3A_533 : vector<16xf32> to vector<1x16xf32>
        tpu.vector_store %arg12[%swap3A_534, %swap3A_535], %swap3A_538 {strides = array<i32>} : memref<128x128xf32, #tpu.memory_space<vmem>>, vector<1x16xf32>,
        %slice3A_539 = vector.extract_strided_slice %get3A_32 {offsets = [6], sizes = [1], strides = [1]} : vector<16xf32> to vector<1xf32>
        %squeeze3A_540 = vector.extract %slice3A_539[0] : f32 from vector<1xf32>
        %broadcast_in_dim3A_541 = vector.broadcast %squeeze3A_540 : f32 to vector<16xf32>
        %add3A_542 = arith.constant 6 : i32
        %add3A_543 = arith.addi %mul3A_28, %add3A_542 : i32
        %get3A_544 = arith.index_cast %add3A_543 : i32 to index
        %get3A_545 = arith.constant 0 : index
        %get3A_546 = tpu.vector_load %arg12[%get3A_544, %get3A_545] {strides = array<i32>} : memref<128x128xf32, #tpu.memory_space<vmem>>, vector<1x16xf32>,
        %get3A_547 = vector.shape_cast %get3A_546 : vector<1x16xf32> to vector<16xf32>
        %mul3A_548 = arith.mulf %get3A_547, %broadcast_in_dim3A_541 : vector<16xf32>
        %swap3A_549 = arith.index_cast %add3A_543 : i32 to index
        %swap3A_550 = arith.constant 0 : index
        %swap3A_551 = tpu.vector_load %arg12[%swap3A_549, %swap3A_550] {strides = array<i32>} : memref<128x128xf32, #tpu.memory_space<vmem>>, vector<1x16xf32>,
        %swap3A_552 = vector.shape_cast %swap3A_551 : vector<1x16xf32> to vector<16xf32>
        %swap3A_553 = vector.shape_cast %mul3A_548 : vector<16xf32> to vector<1x16xf32>
        tpu.vector_store %arg12[%swap3A_549, %swap3A_550], %swap3A_553 {strides = array<i32>} : memref<128x128xf32, #tpu.memory_space<vmem>>, vector<1x16xf32>,
        %get3A_554 = arith.index_cast %add3A_543 : i32 to index
        %get3A_555 = arith.constant 16 : index
        %get3A_556 = tpu.vector_load %arg12[%get3A_554, %get3A_555] {strides = array<i32>} : memref<128x128xf32, #tpu.memory_space<vmem>>, vector<1x16xf32>,
        %get3A_557 = vector.shape_cast %get3A_556 : vector<1x16xf32> to vector<16xf32>
        %mul3A_558 = arith.mulf %get3A_557, %broadcast_in_dim3A_541 : vector<16xf32>
        %swap3A_559 = arith.index_cast %add3A_543 : i32 to index
        %swap3A_560 = arith.constant 16 : index
        %swap3A_561 = tpu.vector_load %arg12[%swap3A_559, %swap3A_560] {strides = array<i32>} : memref<128x128xf32, #tpu.memory_space<vmem>>, vector<1x16xf32>,
        %swap3A_562 = vector.shape_cast %swap3A_561 : vector<1x16xf32> to vector<16xf32>
        %swap3A_563 = vector.shape_cast %mul3A_558 : vector<16xf32> to vector<1x16xf32>
        tpu.vector_store %arg12[%swap3A_559, %swap3A_560], %swap3A_563 {strides = array<i32>} : memref<128x128xf32, #tpu.memory_space<vmem>>, vector<1x16xf32>,
        %get3A_564 = arith.index_cast %add3A_543 : i32 to index
        %get3A_565 = arith.constant 32 : index
        %get3A_566 = tpu.vector_load %arg12[%get3A_564, %get3A_565] {strides = array<i32>} : memref<128x128xf32, #tpu.memory_space<vmem>>, vector<1x16xf32>,
        %get3A_567 = vector.shape_cast %get3A_566 : vector<1x16xf32> to vector<16xf32>
        %mul3A_568 = arith.mulf %get3A_567, %broadcast_in_dim3A_541 : vector<16xf32>
        %swap3A_569 = arith.index_cast %add3A_543 : i32 to index
        %swap3A_570 = arith.constant 32 : index
        %swap3A_571 = tpu.vector_load %arg12[%swap3A_569, %swap3A_570] {strides = array<i32>} : memref<128x128xf32, #tpu.memory_space<vmem>>, vector<1x16xf32>,
        %swap3A_572 = vector.shape_cast %swap3A_571 : vector<1x16xf32> to vector<16xf32>
        %swap3A_573 = vector.shape_cast %mul3A_568 : vector<16xf32> to vector<1x16xf32>
        tpu.vector_store %arg12[%swap3A_569, %swap3A_570], %swap3A_573 {strides = array<i32>} : memref<128x128xf32, #tpu.memory_space<vmem>>, vector<1x16xf32>,
        %get3A_574 = arith.index_cast %add3A_543 : i32 to index
        %get3A_575 = arith.constant 48 : index
        %get3A_576 = tpu.vector_load %arg12[%get3A_574, %get3A_575] {strides = array<i32>} : memref<128x128xf32, #tpu.memory_space<vmem>>, vector<1x16xf32>,
        %get3A_577 = vector.shape_cast %get3A_576 : vector<1x16xf32> to vector<16xf32>
        %mul3A_578 = arith.mulf %get3A_577, %broadcast_in_dim3A_541 : vector<16xf32>
        %swap3A_579 = arith.index_cast %add3A_543 : i32 to index
        %swap3A_580 = arith.constant 48 : index
        %swap3A_581 = tpu.vector_load %arg12[%swap3A_579, %swap3A_580] {strides = array<i32>} : memref<128x128xf32, #tpu.memory_space<vmem>>, vector<1x16xf32>,
        %swap3A_582 = vector.shape_cast %swap3A_581 : vector<1x16xf32> to vector<16xf32>
        %swap3A_583 = vector.shape_cast %mul3A_578 : vector<16xf32> to vector<1x16xf32>
        tpu.vector_store %arg12[%swap3A_579, %swap3A_580], %swap3A_583 {strides = array<i32>} : memref<128x128xf32, #tpu.memory_space<vmem>>, vector<1x16xf32>,
        %get3A_584 = arith.index_cast %add3A_543 : i32 to index
        %get3A_585 = arith.constant 64 : index
        %get3A_586 = tpu.vector_load %arg12[%get3A_584, %get3A_585] {strides = array<i32>} : memref<128x128xf32, #tpu.memory_space<vmem>>, vector<1x16xf32>,
        %get3A_587 = vector.shape_cast %get3A_586 : vector<1x16xf32> to vector<16xf32>
        %mul3A_588 = arith.mulf %get3A_587, %broadcast_in_dim3A_541 : vector<16xf32>
        %swap3A_589 = arith.index_cast %add3A_543 : i32 to index
        %swap3A_590 = arith.constant 64 : index
        %swap3A_591 = tpu.vector_load %arg12[%swap3A_589, %swap3A_590] {strides = array<i32>} : memref<128x128xf32, #tpu.memory_space<vmem>>, vector<1x16xf32>,
        %swap3A_592 = vector.shape_cast %swap3A_591 : vector<1x16xf32> to vector<16xf32>
        %swap3A_593 = vector.shape_cast %mul3A_588 : vector<16xf32> to vector<1x16xf32>
        tpu.vector_store %arg12[%swap3A_589, %swap3A_590], %swap3A_593 {strides = array<i32>} : memref<128x128xf32, #tpu.memory_space<vmem>>, vector<1x16xf32>,
        %get3A_594 = arith.index_cast %add3A_543 : i32 to index
        %get3A_595 = arith.constant 80 : index
        %get3A_596 = tpu.vector_load %arg12[%get3A_594, %get3A_595] {strides = array<i32>} : memref<128x128xf32, #tpu.memory_space<vmem>>, vector<1x16xf32>,
        %get3A_597 = vector.shape_cast %get3A_596 : vector<1x16xf32> to vector<16xf32>
        %mul3A_598 = arith.mulf %get3A_597, %broadcast_in_dim3A_541 : vector<16xf32>
        %swap3A_599 = arith.index_cast %add3A_543 : i32 to index
        %swap3A_600 = arith.constant 80 : index
        %swap3A_601 = tpu.vector_load %arg12[%swap3A_599, %swap3A_600] {strides = array<i32>} : memref<128x128xf32, #tpu.memory_space<vmem>>, vector<1x16xf32>,
        %swap3A_602 = vector.shape_cast %swap3A_601 : vector<1x16xf32> to vector<16xf32>
        %swap3A_603 = vector.shape_cast %mul3A_598 : vector<16xf32> to vector<1x16xf32>
        tpu.vector_store %arg12[%swap3A_599, %swap3A_600], %swap3A_603 {strides = array<i32>} : memref<128x128xf32, #tpu.memory_space<vmem>>, vector<1x16xf32>,
        %get3A_604 = arith.index_cast %add3A_543 : i32 to index
        %get3A_605 = arith.constant 96 : index
        %get3A_606 = tpu.vector_load %arg12[%get3A_604, %get3A_605] {strides = array<i32>} : memref<128x128xf32, #tpu.memory_space<vmem>>, vector<1x16xf32>,
        %get3A_607 = vector.shape_cast %get3A_606 : vector<1x16xf32> to vector<16xf32>
        %mul3A_608 = arith.mulf %get3A_607, %broadcast_in_dim3A_541 : vector<16xf32>
        %swap3A_609 = arith.index_cast %add3A_543 : i32 to index
        %swap3A_610 = arith.constant 96 : index
        %swap3A_611 = tpu.vector_load %arg12[%swap3A_609, %swap3A_610] {strides = array<i32>} : memref<128x128xf32, #tpu.memory_space<vmem>>, vector<1x16xf32>,
        %swap3A_612 = vector.shape_cast %swap3A_611 : vector<1x16xf32> to vector<16xf32>
        %swap3A_613 = vector.shape_cast %mul3A_608 : vector<16xf32> to vector<1x16xf32>
        tpu.vector_store %arg12[%swap3A_609, %swap3A_610], %swap3A_613 {strides = array<i32>} : memref<128x128xf32, #tpu.memory_space<vmem>>, vector<1x16xf32>,
        %get3A_614 = arith.index_cast %add3A_543 : i32 to index
        %get3A_615 = arith.constant 112 : index
        %get3A_616 = tpu.vector_load %arg12[%get3A_614, %get3A_615] {strides = array<i32>} : memref<128x128xf32, #tpu.memory_space<vmem>>, vector<1x16xf32>,
        %get3A_617 = vector.shape_cast %get3A_616 : vector<1x16xf32> to vector<16xf32>
        %mul3A_618 = arith.mulf %get3A_617, %broadcast_in_dim3A_541 : vector<16xf32>
        %swap3A_619 = arith.index_cast %add3A_543 : i32 to index
        %swap3A_620 = arith.constant 112 : index
        %swap3A_621 = tpu.vector_load %arg12[%swap3A_619, %swap3A_620] {strides = array<i32>} : memref<128x128xf32, #tpu.memory_space<vmem>>, vector<1x16xf32>,
        %swap3A_622 = vector.shape_cast %swap3A_621 : vector<1x16xf32> to vector<16xf32>
        %swap3A_623 = vector.shape_cast %mul3A_618 : vector<16xf32> to vector<1x16xf32>
        tpu.vector_store %arg12[%swap3A_619, %swap3A_620], %swap3A_623 {strides = array<i32>} : memref<128x128xf32, #tpu.memory_space<vmem>>, vector<1x16xf32>,
        %slice3A_624 = vector.extract_strided_slice %get3A_32 {offsets = [7], sizes = [1], strides = [1]} : vector<16xf32> to vector<1xf32>
        %squeeze3A_625 = vector.extract %slice3A_624[0] : f32 from vector<1xf32>
        %broadcast_in_dim3A_626 = vector.broadcast %squeeze3A_625 : f32 to vector<16xf32>
        %add3A_627 = arith.constant 7 : i32
        %add3A_628 = arith.addi %mul3A_28, %add3A_627 : i32
        %get3A_629 = arith.index_cast %add3A_628 : i32 to index
        %get3A_630 = arith.constant 0 : index
        %get3A_631 = tpu.vector_load %arg12[%get3A_629, %get3A_630] {strides = array<i32>} : memref<128x128xf32, #tpu.memory_space<vmem>>, vector<1x16xf32>,
        %get3A_632 = vector.shape_cast %get3A_631 : vector<1x16xf32> to vector<16xf32>
        %mul3A_633 = arith.mulf %get3A_632, %broadcast_in_dim3A_626 : vector<16xf32>
        %swap3A_634 = arith.index_cast %add3A_628 : i32 to index
        %swap3A_635 = arith.constant 0 : index
        %swap3A_636 = tpu.vector_load %arg12[%swap3A_634, %swap3A_635] {strides = array<i32>} : memref<128x128xf32, #tpu.memory_space<vmem>>, vector<1x16xf32>,
        %swap3A_637 = vector.shape_cast %swap3A_636 : vector<1x16xf32> to vector<16xf32>
        %swap3A_638 = vector.shape_cast %mul3A_633 : vector<16xf32> to vector<1x16xf32>
        tpu.vector_store %arg12[%swap3A_634, %swap3A_635], %swap3A_638 {strides = array<i32>} : memref<128x128xf32, #tpu.memory_space<vmem>>, vector<1x16xf32>,
        %get3A_639 = arith.index_cast %add3A_628 : i32 to index
        %get3A_640 = arith.constant 16 : index
        %get3A_641 = tpu.vector_load %arg12[%get3A_639, %get3A_640] {strides = array<i32>} : memref<128x128xf32, #tpu.memory_space<vmem>>, vector<1x16xf32>,
        %get3A_642 = vector.shape_cast %get3A_641 : vector<1x16xf32> to vector<16xf32>
        %mul3A_643 = arith.mulf %get3A_642, %broadcast_in_dim3A_626 : vector<16xf32>
        %swap3A_644 = arith.index_cast %add3A_628 : i32 to index
        %swap3A_645 = arith.constant 16 : index
        %swap3A_646 = tpu.vector_load %arg12[%swap3A_644, %swap3A_645] {strides = array<i32>} : memref<128x128xf32, #tpu.memory_space<vmem>>, vector<1x16xf32>,
        %swap3A_647 = vector.shape_cast %swap3A_646 : vector<1x16xf32> to vector<16xf32>
        %swap3A_648 = vector.shape_cast %mul3A_643 : vector<16xf32> to vector<1x16xf32>
        tpu.vector_store %arg12[%swap3A_644, %swap3A_645], %swap3A_648 {strides = array<i32>} : memref<128x128xf32, #tpu.memory_space<vmem>>, vector<1x16xf32>,
        %get3A_649 = arith.index_cast %add3A_628 : i32 to index
        %get3A_650 = arith.constant 32 : index
        %get3A_651 = tpu.vector_load %arg12[%get3A_649, %get3A_650] {strides = array<i32>} : memref<128x128xf32, #tpu.memory_space<vmem>>, vector<1x16xf32>,
        %get3A_652 = vector.shape_cast %get3A_651 : vector<1x16xf32> to vector<16xf32>
        %mul3A_653 = arith.mulf %get3A_652, %broadcast_in_dim3A_626 : vector<16xf32>
        %swap3A_654 = arith.index_cast %add3A_628 : i32 to index
        %swap3A_655 = arith.constant 32 : index
        %swap3A_656 = tpu.vector_load %arg12[%swap3A_654, %swap3A_655] {strides = array<i32>} : memref<128x128xf32, #tpu.memory_space<vmem>>, vector<1x16xf32>,
        %swap3A_657 = vector.shape_cast %swap3A_656 : vector<1x16xf32> to vector<16xf32>
        %swap3A_658 = vector.shape_cast %mul3A_653 : vector<16xf32> to vector<1x16xf32>
        tpu.vector_store %arg12[%swap3A_654, %swap3A_655], %swap3A_658 {strides = array<i32>} : memref<128x128xf32, #tpu.memory_space<vmem>>, vector<1x16xf32>,
        %get3A_659 = arith.index_cast %add3A_628 : i32 to index
        %get3A_660 = arith.constant 48 : index
        %get3A_661 = tpu.vector_load %arg12[%get3A_659, %get3A_660] {strides = array<i32>} : memref<128x128xf32, #tpu.memory_space<vmem>>, vector<1x16xf32>,
        %get3A_662 = vector.shape_cast %get3A_661 : vector<1x16xf32> to vector<16xf32>
        %mul3A_663 = arith.mulf %get3A_662, %broadcast_in_dim3A_626 : vector<16xf32>
        %swap3A_664 = arith.index_cast %add3A_628 : i32 to index
        %swap3A_665 = arith.constant 48 : index
        %swap3A_666 = tpu.vector_load %arg12[%swap3A_664, %swap3A_665] {strides = array<i32>} : memref<128x128xf32, #tpu.memory_space<vmem>>, vector<1x16xf32>,
        %swap3A_667 = vector.shape_cast %swap3A_666 : vector<1x16xf32> to vector<16xf32>
        %swap3A_668 = vector.shape_cast %mul3A_663 : vector<16xf32> to vector<1x16xf32>
        tpu.vector_store %arg12[%swap3A_664, %swap3A_665], %swap3A_668 {strides = array<i32>} : memref<128x128xf32, #tpu.memory_space<vmem>>, vector<1x16xf32>,
        %get3A_669 = arith.index_cast %add3A_628 : i32 to index
        %get3A_670 = arith.constant 64 : index
        %get3A_671 = tpu.vector_load %arg12[%get3A_669, %get3A_670] {strides = array<i32>} : memref<128x128xf32, #tpu.memory_space<vmem>>, vector<1x16xf32>,
        %get3A_672 = vector.shape_cast %get3A_671 : vector<1x16xf32> to vector<16xf32>
        %mul3A_673 = arith.mulf %get3A_672, %broadcast_in_dim3A_626 : vector<16xf32>
        %swap3A_674 = arith.index_cast %add3A_628 : i32 to index
        %swap3A_675 = arith.constant 64 : index
        %swap3A_676 = tpu.vector_load %arg12[%swap3A_674, %swap3A_675] {strides = array<i32>} : memref<128x128xf32, #tpu.memory_space<vmem>>, vector<1x16xf32>,
        %swap3A_677 = vector.shape_cast %swap3A_676 : vector<1x16xf32> to vector<16xf32>
        %swap3A_678 = vector.shape_cast %mul3A_673 : vector<16xf32> to vector<1x16xf32>
        tpu.vector_store %arg12[%swap3A_674, %swap3A_675], %swap3A_678 {strides = array<i32>} : memref<128x128xf32, #tpu.memory_space<vmem>>, vector<1x16xf32>,
        %get3A_679 = arith.index_cast %add3A_628 : i32 to index
        %get3A_680 = arith.constant 80 : index
        %get3A_681 = tpu.vector_load %arg12[%get3A_679, %get3A_680] {strides = array<i32>} : memref<128x128xf32, #tpu.memory_space<vmem>>, vector<1x16xf32>,
        %get3A_682 = vector.shape_cast %get3A_681 : vector<1x16xf32> to vector<16xf32>
        %mul3A_683 = arith.mulf %get3A_682, %broadcast_in_dim3A_626 : vector<16xf32>
        %swap3A_684 = arith.index_cast %add3A_628 : i32 to index
        %swap3A_685 = arith.constant 80 : index
        %swap3A_686 = tpu.vector_load %arg12[%swap3A_684, %swap3A_685] {strides = array<i32>} : memref<128x128xf32, #tpu.memory_space<vmem>>, vector<1x16xf32>,
        %swap3A_687 = vector.shape_cast %swap3A_686 : vector<1x16xf32> to vector<16xf32>
        %swap3A_688 = vector.shape_cast %mul3A_683 : vector<16xf32> to vector<1x16xf32>
        tpu.vector_store %arg12[%swap3A_684, %swap3A_685], %swap3A_688 {strides = array<i32>} : memref<128x128xf32, #tpu.memory_space<vmem>>, vector<1x16xf32>,
        %get3A_689 = arith.index_cast %add3A_628 : i32 to index
        %get3A_690 = arith.constant 96 : index
        %get3A_691 = tpu.vector_load %arg12[%get3A_689, %get3A_690] {strides = array<i32>} : memref<128x128xf32, #tpu.memory_space<vmem>>, vector<1x16xf32>,
        %get3A_692 = vector.shape_cast %get3A_691 : vector<1x16xf32> to vector<16xf32>
        %mul3A_693 = arith.mulf %get3A_692, %broadcast_in_dim3A_626 : vector<16xf32>
        %swap3A_694 = arith.index_cast %add3A_628 : i32 to index
        %swap3A_695 = arith.constant 96 : index
        %swap3A_696 = tpu.vector_load %arg12[%swap3A_694, %swap3A_695] {strides = array<i32>} : memref<128x128xf32, #tpu.memory_space<vmem>>, vector<1x16xf32>,
        %swap3A_697 = vector.shape_cast %swap3A_696 : vector<1x16xf32> to vector<16xf32>
        %swap3A_698 = vector.shape_cast %mul3A_693 : vector<16xf32> to vector<1x16xf32>
        tpu.vector_store %arg12[%swap3A_694, %swap3A_695], %swap3A_698 {strides = array<i32>} : memref<128x128xf32, #tpu.memory_space<vmem>>, vector<1x16xf32>,
        %get3A_699 = arith.index_cast %add3A_628 : i32 to index
        %get3A_700 = arith.constant 112 : index
        %get3A_701 = tpu.vector_load %arg12[%get3A_699, %get3A_700] {strides = array<i32>} : memref<128x128xf32, #tpu.memory_space<vmem>>, vector<1x16xf32>,
        %get3A_702 = vector.shape_cast %get3A_701 : vector<1x16xf32> to vector<16xf32>
        %mul3A_703 = arith.mulf %get3A_702, %broadcast_in_dim3A_626 : vector<16xf32>
        %swap3A_704 = arith.index_cast %add3A_628 : i32 to index
        %swap3A_705 = arith.constant 112 : index
        %swap3A_706 = tpu.vector_load %arg12[%swap3A_704, %swap3A_705] {strides = array<i32>} : memref<128x128xf32, #tpu.memory_space<vmem>>, vector<1x16xf32>,
        %swap3A_707 = vector.shape_cast %swap3A_706 : vector<1x16xf32> to vector<16xf32>
        %swap3A_708 = vector.shape_cast %mul3A_703 : vector<16xf32> to vector<1x16xf32>
        tpu.vector_store %arg12[%swap3A_704, %swap3A_705], %swap3A_708 {strides = array<i32>} : memref<128x128xf32, #tpu.memory_space<vmem>>, vector<1x16xf32>,
        %slice3A_709 = vector.extract_strided_slice %get3A_32 {offsets = [8], sizes = [1], strides = [1]} : vector<16xf32> to vector<1xf32>
        %squeeze3A_710 = vector.extract %slice3A_709[0] : f32 from vector<1xf32>
        %broadcast_in_dim3A_711 = vector.broadcast %squeeze3A_710 : f32 to vector<16xf32>
        %add3A_712 = arith.constant 8 : i32
        %add3A_713 = arith.addi %mul3A_28, %add3A_712 : i32
        %get3A_714 = arith.index_cast %add3A_713 : i32 to index
        %get3A_715 = arith.constant 0 : index
        %get3A_716 = tpu.vector_load %arg12[%get3A_714, %get3A_715] {strides = array<i32>} : memref<128x128xf32, #tpu.memory_space<vmem>>, vector<1x16xf32>,
        %get3A_717 = vector.shape_cast %get3A_716 : vector<1x16xf32> to vector<16xf32>
        %mul3A_718 = arith.mulf %get3A_717, %broadcast_in_dim3A_711 : vector<16xf32>
        %swap3A_719 = arith.index_cast %add3A_713 : i32 to index
        %swap3A_720 = arith.constant 0 : index
        %swap3A_721 = tpu.vector_load %arg12[%swap3A_719, %swap3A_720] {strides = array<i32>} : memref<128x128xf32, #tpu.memory_space<vmem>>, vector<1x16xf32>,
        %swap3A_722 = vector.shape_cast %swap3A_721 : vector<1x16xf32> to vector<16xf32>
        %swap3A_723 = vector.shape_cast %mul3A_718 : vector<16xf32> to vector<1x16xf32>
        tpu.vector_store %arg12[%swap3A_719, %swap3A_720], %swap3A_723 {strides = array<i32>} : memref<128x128xf32, #tpu.memory_space<vmem>>, vector<1x16xf32>,
        %get3A_724 = arith.index_cast %add3A_713 : i32 to index
        %get3A_725 = arith.constant 16 : index
        %get3A_726 = tpu.vector_load %arg12[%get3A_724, %get3A_725] {strides = array<i32>} : memref<128x128xf32, #tpu.memory_space<vmem>>, vector<1x16xf32>,
        %get3A_727 = vector.shape_cast %get3A_726 : vector<1x16xf32> to vector<16xf32>
        %mul3A_728 = arith.mulf %get3A_727, %broadcast_in_dim3A_711 : vector<16xf32>
        %swap3A_729 = arith.index_cast %add3A_713 : i32 to index
        %swap3A_730 = arith.constant 16 : index
        %swap3A_731 = tpu.vector_load %arg12[%swap3A_729, %swap3A_730] {strides = array<i32>} : memref<128x128xf32, #tpu.memory_space<vmem>>, vector<1x16xf32>,
        %swap3A_732 = vector.shape_cast %swap3A_731 : vector<1x16xf32> to vector<16xf32>
        %swap3A_733 = vector.shape_cast %mul3A_728 : vector<16xf32> to vector<1x16xf32>
        tpu.vector_store %arg12[%swap3A_729, %swap3A_730], %swap3A_733 {strides = array<i32>} : memref<128x128xf32, #tpu.memory_space<vmem>>, vector<1x16xf32>,
        %get3A_734 = arith.index_cast %add3A_713 : i32 to index
        %get3A_735 = arith.constant 32 : index
        %get3A_736 = tpu.vector_load %arg12[%get3A_734, %get3A_735] {strides = array<i32>} : memref<128x128xf32, #tpu.memory_space<vmem>>, vector<1x16xf32>,
        %get3A_737 = vector.shape_cast %get3A_736 : vector<1x16xf32> to vector<16xf32>
        %mul3A_738 = arith.mulf %get3A_737, %broadcast_in_dim3A_711 : vector<16xf32>
        %swap3A_739 = arith.index_cast %add3A_713 : i32 to index
        %swap3A_740 = arith.constant 32 : index
        %swap3A_741 = tpu.vector_load %arg12[%swap3A_739, %swap3A_740] {strides = array<i32>} : memref<128x128xf32, #tpu.memory_space<vmem>>, vector<1x16xf32>,
        %swap3A_742 = vector.shape_cast %swap3A_741 : vector<1x16xf32> to vector<16xf32>
        %swap3A_743 = vector.shape_cast %mul3A_738 : vector<16xf32> to vector<1x16xf32>
        tpu.vector_store %arg12[%swap3A_739, %swap3A_740], %swap3A_743 {strides = array<i32>} : memref<128x128xf32, #tpu.memory_space<vmem>>, vector<1x16xf32>,
        %get3A_744 = arith.index_cast %add3A_713 : i32 to index
        %get3A_745 = arith.constant 48 : index
        %get3A_746 = tpu.vector_load %arg12[%get3A_744, %get3A_745] {strides = array<i32>} : memref<128x128xf32, #tpu.memory_space<vmem>>, vector<1x16xf32>,
        %get3A_747 = vector.shape_cast %get3A_746 : vector<1x16xf32> to vector<16xf32>
        %mul3A_748 = arith.mulf %get3A_747, %broadcast_in_dim3A_711 : vector<16xf32>
        %swap3A_749 = arith.index_cast %add3A_713 : i32 to index
        %swap3A_750 = arith.constant 48 : index
        %swap3A_751 = tpu.vector_load %arg12[%swap3A_749, %swap3A_750] {strides = array<i32>} : memref<128x128xf32, #tpu.memory_space<vmem>>, vector<1x16xf32>,
        %swap3A_752 = vector.shape_cast %swap3A_751 : vector<1x16xf32> to vector<16xf32>
        %swap3A_753 = vector.shape_cast %mul3A_748 : vector<16xf32> to vector<1x16xf32>
        tpu.vector_store %arg12[%swap3A_749, %swap3A_750], %swap3A_753 {strides = array<i32>} : memref<128x128xf32, #tpu.memory_space<vmem>>, vector<1x16xf32>,
        %get3A_754 = arith.index_cast %add3A_713 : i32 to index
        %get3A_755 = arith.constant 64 : index
        %get3A_756 = tpu.vector_load %arg12[%get3A_754, %get3A_755] {strides = array<i32>} : memref<128x128xf32, #tpu.memory_space<vmem>>, vector<1x16xf32>,
        %get3A_757 = vector.shape_cast %get3A_756 : vector<1x16xf32> to vector<16xf32>
        %mul3A_758 = arith.mulf %get3A_757, %broadcast_in_dim3A_711 : vector<16xf32>
        %swap3A_759 = arith.index_cast %add3A_713 : i32 to index
        %swap3A_760 = arith.constant 64 : index
        %swap3A_761 = tpu.vector_load %arg12[%swap3A_759, %swap3A_760] {strides = array<i32>} : memref<128x128xf32, #tpu.memory_space<vmem>>, vector<1x16xf32>,
        %swap3A_762 = vector.shape_cast %swap3A_761 : vector<1x16xf32> to vector<16xf32>
        %swap3A_763 = vector.shape_cast %mul3A_758 : vector<16xf32> to vector<1x16xf32>
        tpu.vector_store %arg12[%swap3A_759, %swap3A_760], %swap3A_763 {strides = array<i32>} : memref<128x128xf32, #tpu.memory_space<vmem>>, vector<1x16xf32>,
        %get3A_764 = arith.index_cast %add3A_713 : i32 to index
        %get3A_765 = arith.constant 80 : index
        %get3A_766 = tpu.vector_load %arg12[%get3A_764, %get3A_765] {strides = array<i32>} : memref<128x128xf32, #tpu.memory_space<vmem>>, vector<1x16xf32>,
        %get3A_767 = vector.shape_cast %get3A_766 : vector<1x16xf32> to vector<16xf32>
        %mul3A_768 = arith.mulf %get3A_767, %broadcast_in_dim3A_711 : vector<16xf32>
        %swap3A_769 = arith.index_cast %add3A_713 : i32 to index
        %swap3A_770 = arith.constant 80 : index
        %swap3A_771 = tpu.vector_load %arg12[%swap3A_769, %swap3A_770] {strides = array<i32>} : memref<128x128xf32, #tpu.memory_space<vmem>>, vector<1x16xf32>,
        %swap3A_772 = vector.shape_cast %swap3A_771 : vector<1x16xf32> to vector<16xf32>
        %swap3A_773 = vector.shape_cast %mul3A_768 : vector<16xf32> to vector<1x16xf32>
        tpu.vector_store %arg12[%swap3A_769, %swap3A_770], %swap3A_773 {strides = array<i32>} : memref<128x128xf32, #tpu.memory_space<vmem>>, vector<1x16xf32>,
        %get3A_774 = arith.index_cast %add3A_713 : i32 to index
        %get3A_775 = arith.constant 96 : index
        %get3A_776 = tpu.vector_load %arg12[%get3A_774, %get3A_775] {strides = array<i32>} : memref<128x128xf32, #tpu.memory_space<vmem>>, vector<1x16xf32>,
        %get3A_777 = vector.shape_cast %get3A_776 : vector<1x16xf32> to vector<16xf32>
        %mul3A_778 = arith.mulf %get3A_777, %broadcast_in_dim3A_711 : vector<16xf32>
        %swap3A_779 = arith.index_cast %add3A_713 : i32 to index
        %swap3A_780 = arith.constant 96 : index
        %swap3A_781 = tpu.vector_load %arg12[%swap3A_779, %swap3A_780] {strides = array<i32>} : memref<128x128xf32, #tpu.memory_space<vmem>>, vector<1x16xf32>,
        %swap3A_782 = vector.shape_cast %swap3A_781 : vector<1x16xf32> to vector<16xf32>
        %swap3A_783 = vector.shape_cast %mul3A_778 : vector<16xf32> to vector<1x16xf32>
        tpu.vector_store %arg12[%swap3A_779, %swap3A_780], %swap3A_783 {strides = array<i32>} : memref<128x128xf32, #tpu.memory_space<vmem>>, vector<1x16xf32>,
        %get3A_784 = arith.index_cast %add3A_713 : i32 to index
        %get3A_785 = arith.constant 112 : index
        %get3A_786 = tpu.vector_load %arg12[%get3A_784, %get3A_785] {strides = array<i32>} : memref<128x128xf32, #tpu.memory_space<vmem>>, vector<1x16xf32>,
        %get3A_787 = vector.shape_cast %get3A_786 : vector<1x16xf32> to vector<16xf32>
        %mul3A_788 = arith.mulf %get3A_787, %broadcast_in_dim3A_711 : vector<16xf32>
        %swap3A_789 = arith.index_cast %add3A_713 : i32 to index
        %swap3A_790 = arith.constant 112 : index
        %swap3A_791 = tpu.vector_load %arg12[%swap3A_789, %swap3A_790] {strides = array<i32>} : memref<128x128xf32, #tpu.memory_space<vmem>>, vector<1x16xf32>,
        %swap3A_792 = vector.shape_cast %swap3A_791 : vector<1x16xf32> to vector<16xf32>
        %swap3A_793 = vector.shape_cast %mul3A_788 : vector<16xf32> to vector<1x16xf32>
        tpu.vector_store %arg12[%swap3A_789, %swap3A_790], %swap3A_793 {strides = array<i32>} : memref<128x128xf32, #tpu.memory_space<vmem>>, vector<1x16xf32>,
        %slice3A_794 = vector.extract_strided_slice %get3A_32 {offsets = [9], sizes = [1], strides = [1]} : vector<16xf32> to vector<1xf32>
        %squeeze3A_795 = vector.extract %slice3A_794[0] : f32 from vector<1xf32>
        %broadcast_in_dim3A_796 = vector.broadcast %squeeze3A_795 : f32 to vector<16xf32>
        %add3A_797 = arith.constant 9 : i32
        %add3A_798 = arith.addi %mul3A_28, %add3A_797 : i32
        %get3A_799 = arith.index_cast %add3A_798 : i32 to index
        %get3A_800 = arith.constant 0 : index
        %get3A_801 = tpu.vector_load %arg12[%get3A_799, %get3A_800] {strides = array<i32>} : memref<128x128xf32, #tpu.memory_space<vmem>>, vector<1x16xf32>,
        %get3A_802 = vector.shape_cast %get3A_801 : vector<1x16xf32> to vector<16xf32>
        %mul3A_803 = arith.mulf %get3A_802, %broadcast_in_dim3A_796 : vector<16xf32>
        %swap3A_804 = arith.index_cast %add3A_798 : i32 to index
        %swap3A_805 = arith.constant 0 : index
        %swap3A_806 = tpu.vector_load %arg12[%swap3A_804, %swap3A_805] {strides = array<i32>} : memref<128x128xf32, #tpu.memory_space<vmem>>, vector<1x16xf32>,
        %swap3A_807 = vector.shape_cast %swap3A_806 : vector<1x16xf32> to vector<16xf32>
        %swap3A_808 = vector.shape_cast %mul3A_803 : vector<16xf32> to vector<1x16xf32>
        tpu.vector_store %arg12[%swap3A_804, %swap3A_805], %swap3A_808 {strides = array<i32>} : memref<128x128xf32, #tpu.memory_space<vmem>>, vector<1x16xf32>,
        %get3A_809 = arith.index_cast %add3A_798 : i32 to index
        %get3A_810 = arith.constant 16 : index
        %get3A_811 = tpu.vector_load %arg12[%get3A_809, %get3A_810] {strides = array<i32>} : memref<128x128xf32, #tpu.memory_space<vmem>>, vector<1x16xf32>,
        %get3A_812 = vector.shape_cast %get3A_811 : vector<1x16xf32> to vector<16xf32>
        %mul3A_813 = arith.mulf %get3A_812, %broadcast_in_dim3A_796 : vector<16xf32>
        %swap3A_814 = arith.index_cast %add3A_798 : i32 to index
        %swap3A_815 = arith.constant 16 : index
        %swap3A_816 = tpu.vector_load %arg12[%swap3A_814, %swap3A_815] {strides = array<i32>} : memref<128x128xf32, #tpu.memory_space<vmem>>, vector<1x16xf32>,
        %swap3A_817 = vector.shape_cast %swap3A_816 : vector<1x16xf32> to vector<16xf32>
        %swap3A_818 = vector.shape_cast %mul3A_813 : vector<16xf32> to vector<1x16xf32>
        tpu.vector_store %arg12[%swap3A_814, %swap3A_815], %swap3A_818 {strides = array<i32>} : memref<128x128xf32, #tpu.memory_space<vmem>>, vector<1x16xf32>,
        %get3A_819 = arith.index_cast %add3A_798 : i32 to index
        %get3A_820 = arith.constant 32 : index
        %get3A_821 = tpu.vector_load %arg12[%get3A_819, %get3A_820] {strides = array<i32>} : memref<128x128xf32, #tpu.memory_space<vmem>>, vector<1x16xf32>,
        %get3A_822 = vector.shape_cast %get3A_821 : vector<1x16xf32> to vector<16xf32>
        %mul3A_823 = arith.mulf %get3A_822, %broadcast_in_dim3A_796 : vector<16xf32>
        %swap3A_824 = arith.index_cast %add3A_798 : i32 to index
        %swap3A_825 = arith.constant 32 : index
        %swap3A_826 = tpu.vector_load %arg12[%swap3A_824, %swap3A_825] {strides = array<i32>} : memref<128x128xf32, #tpu.memory_space<vmem>>, vector<1x16xf32>,
        %swap3A_827 = vector.shape_cast %swap3A_826 : vector<1x16xf32> to vector<16xf32>
        %swap3A_828 = vector.shape_cast %mul3A_823 : vector<16xf32> to vector<1x16xf32>
        tpu.vector_store %arg12[%swap3A_824, %swap3A_825], %swap3A_828 {strides = array<i32>} : memref<128x128xf32, #tpu.memory_space<vmem>>, vector<1x16xf32>,
        %get3A_829 = arith.index_cast %add3A_798 : i32 to index
        %get3A_830 = arith.constant 48 : index
        %get3A_831 = tpu.vector_load %arg12[%get3A_829, %get3A_830] {strides = array<i32>} : memref<128x128xf32, #tpu.memory_space<vmem>>, vector<1x16xf32>,
        %get3A_832 = vector.shape_cast %get3A_831 : vector<1x16xf32> to vector<16xf32>
        %mul3A_833 = arith.mulf %get3A_832, %broadcast_in_dim3A_796 : vector<16xf32>
        %swap3A_834 = arith.index_cast %add3A_798 : i32 to index
        %swap3A_835 = arith.constant 48 : index
        %swap3A_836 = tpu.vector_load %arg12[%swap3A_834, %swap3A_835] {strides = array<i32>} : memref<128x128xf32, #tpu.memory_space<vmem>>, vector<1x16xf32>,
        %swap3A_837 = vector.shape_cast %swap3A_836 : vector<1x16xf32> to vector<16xf32>
        %swap3A_838 = vector.shape_cast %mul3A_833 : vector<16xf32> to vector<1x16xf32>
        tpu.vector_store %arg12[%swap3A_834, %swap3A_835], %swap3A_838 {strides = array<i32>} : memref<128x128xf32, #tpu.memory_space<vmem>>, vector<1x16xf32>,
        %get3A_839 = arith.index_cast %add3A_798 : i32 to index
        %get3A_840 = arith.constant 64 : index
        %get3A_841 = tpu.vector_load %arg12[%get3A_839, %get3A_840] {strides = array<i32>} : memref<128x128xf32, #tpu.memory_space<vmem>>, vector<1x16xf32>,
        %get3A_842 = vector.shape_cast %get3A_841 : vector<1x16xf32> to vector<16xf32>
        %mul3A_843 = arith.mulf %get3A_842, %broadcast_in_dim3A_796 : vector<16xf32>
        %swap3A_844 = arith.index_cast %add3A_798 : i32 to index
        %swap3A_845 = arith.constant 64 : index
        %swap3A_846 = tpu.vector_load %arg12[%swap3A_844, %swap3A_845] {strides = array<i32>} : memref<128x128xf32, #tpu.memory_space<vmem>>, vector<1x16xf32>,
        %swap3A_847 = vector.shape_cast %swap3A_846 : vector<1x16xf32> to vector<16xf32>
        %swap3A_848 = vector.shape_cast %mul3A_843 : vector<16xf32> to vector<1x16xf32>
        tpu.vector_store %arg12[%swap3A_844, %swap3A_845], %swap3A_848 {strides = array<i32>} : memref<128x128xf32, #tpu.memory_space<vmem>>, vector<1x16xf32>,
        %get3A_849 = arith.index_cast %add3A_798 : i32 to index
        %get3A_850 = arith.constant 80 : index
        %get3A_851 = tpu.vector_load %arg12[%get3A_849, %get3A_850] {strides = array<i32>} : memref<128x128xf32, #tpu.memory_space<vmem>>, vector<1x16xf32>,
        %get3A_852 = vector.shape_cast %get3A_851 : vector<1x16xf32> to vector<16xf32>
        %mul3A_853 = arith.mulf %get3A_852, %broadcast_in_dim3A_796 : vector<16xf32>
        %swap3A_854 = arith.index_cast %add3A_798 : i32 to index
        %swap3A_855 = arith.constant 80 : index
        %swap3A_856 = tpu.vector_load %arg12[%swap3A_854, %swap3A_855] {strides = array<i32>} : memref<128x128xf32, #tpu.memory_space<vmem>>, vector<1x16xf32>,
        %swap3A_857 = vector.shape_cast %swap3A_856 : vector<1x16xf32> to vector<16xf32>
        %swap3A_858 = vector.shape_cast %mul3A_853 : vector<16xf32> to vector<1x16xf32>
        tpu.vector_store %arg12[%swap3A_854, %swap3A_855], %swap3A_858 {strides = array<i32>} : memref<128x128xf32, #tpu.memory_space<vmem>>, vector<1x16xf32>,
        %get3A_859 = arith.index_cast %add3A_798 : i32 to index
        %get3A_860 = arith.constant 96 : index
        %get3A_861 = tpu.vector_load %arg12[%get3A_859, %get3A_860] {strides = array<i32>} : memref<128x128xf32, #tpu.memory_space<vmem>>, vector<1x16xf32>,
        %get3A_862 = vector.shape_cast %get3A_861 : vector<1x16xf32> to vector<16xf32>
        %mul3A_863 = arith.mulf %get3A_862, %broadcast_in_dim3A_796 : vector<16xf32>
        %swap3A_864 = arith.index_cast %add3A_798 : i32 to index
        %swap3A_865 = arith.constant 96 : index
        %swap3A_866 = tpu.vector_load %arg12[%swap3A_864, %swap3A_865] {strides = array<i32>} : memref<128x128xf32, #tpu.memory_space<vmem>>, vector<1x16xf32>,
        %swap3A_867 = vector.shape_cast %swap3A_866 : vector<1x16xf32> to vector<16xf32>
        %swap3A_868 = vector.shape_cast %mul3A_863 : vector<16xf32> to vector<1x16xf32>
        tpu.vector_store %arg12[%swap3A_864, %swap3A_865], %swap3A_868 {strides = array<i32>} : memref<128x128xf32, #tpu.memory_space<vmem>>, vector<1x16xf32>,
        %get3A_869 = arith.index_cast %add3A_798 : i32 to index
        %get3A_870 = arith.constant 112 : index
        %get3A_871 = tpu.vector_load %arg12[%get3A_869, %get3A_870] {strides = array<i32>} : memref<128x128xf32, #tpu.memory_space<vmem>>, vector<1x16xf32>,
        %get3A_872 = vector.shape_cast %get3A_871 : vector<1x16xf32> to vector<16xf32>
        %mul3A_873 = arith.mulf %get3A_872, %broadcast_in_dim3A_796 : vector<16xf32>
        %swap3A_874 = arith.index_cast %add3A_798 : i32 to index
        %swap3A_875 = arith.constant 112 : index
        %swap3A_876 = tpu.vector_load %arg12[%swap3A_874, %swap3A_875] {strides = array<i32>} : memref<128x128xf32, #tpu.memory_space<vmem>>, vector<1x16xf32>,
        %swap3A_877 = vector.shape_cast %swap3A_876 : vector<1x16xf32> to vector<16xf32>
        %swap3A_878 = vector.shape_cast %mul3A_873 : vector<16xf32> to vector<1x16xf32>
        tpu.vector_store %arg12[%swap3A_874, %swap3A_875], %swap3A_878 {strides = array<i32>} : memref<128x128xf32, #tpu.memory_space<vmem>>, vector<1x16xf32>,
        %slice3A_879 = vector.extract_strided_slice %get3A_32 {offsets = [10], sizes = [1], strides = [1]} : vector<16xf32> to vector<1xf32>
        %squeeze3A_880 = vector.extract %slice3A_879[0] : f32 from vector<1xf32>
        %broadcast_in_dim3A_881 = vector.broadcast %squeeze3A_880 : f32 to vector<16xf32>
        %add3A_882 = arith.constant 10 : i32
        %add3A_883 = arith.addi %mul3A_28, %add3A_882 : i32
        %get3A_884 = arith.index_cast %add3A_883 : i32 to index
        %get3A_885 = arith.constant 0 : index
        %get3A_886 = tpu.vector_load %arg12[%get3A_884, %get3A_885] {strides = array<i32>} : memref<128x128xf32, #tpu.memory_space<vmem>>, vector<1x16xf32>,
        %get3A_887 = vector.shape_cast %get3A_886 : vector<1x16xf32> to vector<16xf32>
        %mul3A_888 = arith.mulf %get3A_887, %broadcast_in_dim3A_881 : vector<16xf32>
        %swap3A_889 = arith.index_cast %add3A_883 : i32 to index
        %swap3A_890 = arith.constant 0 : index
        %swap3A_891 = tpu.vector_load %arg12[%swap3A_889, %swap3A_890] {strides = array<i32>} : memref<128x128xf32, #tpu.memory_space<vmem>>, vector<1x16xf32>,
        %swap3A_892 = vector.shape_cast %swap3A_891 : vector<1x16xf32> to vector<16xf32>
        %swap3A_893 = vector.shape_cast %mul3A_888 : vector<16xf32> to vector<1x16xf32>
        tpu.vector_store %arg12[%swap3A_889, %swap3A_890], %swap3A_893 {strides = array<i32>} : memref<128x128xf32, #tpu.memory_space<vmem>>, vector<1x16xf32>,
        %get3A_894 = arith.index_cast %add3A_883 : i32 to index
        %get3A_895 = arith.constant 16 : index
        %get3A_896 = tpu.vector_load %arg12[%get3A_894, %get3A_895] {strides = array<i32>} : memref<128x128xf32, #tpu.memory_space<vmem>>, vector<1x16xf32>,
        %get3A_897 = vector.shape_cast %get3A_896 : vector<1x16xf32> to vector<16xf32>
        %mul3A_898 = arith.mulf %get3A_897, %broadcast_in_dim3A_881 : vector<16xf32>
        %swap3A_899 = arith.index_cast %add3A_883 : i32 to index
        %swap3A_900 = arith.constant 16 : index
        %swap3A_901 = tpu.vector_load %arg12[%swap3A_899, %swap3A_900] {strides = array<i32>} : memref<128x128xf32, #tpu.memory_space<vmem>>, vector<1x16xf32>,
        %swap3A_902 = vector.shape_cast %swap3A_901 : vector<1x16xf32> to vector<16xf32>
        %swap3A_903 = vector.shape_cast %mul3A_898 : vector<16xf32> to vector<1x16xf32>
        tpu.vector_store %arg12[%swap3A_899, %swap3A_900], %swap3A_903 {strides = array<i32>} : memref<128x128xf32, #tpu.memory_space<vmem>>, vector<1x16xf32>,
        %get3A_904 = arith.index_cast %add3A_883 : i32 to index
        %get3A_905 = arith.constant 32 : index
        %get3A_906 = tpu.vector_load %arg12[%get3A_904, %get3A_905] {strides = array<i32>} : memref<128x128xf32, #tpu.memory_space<vmem>>, vector<1x16xf32>,
        %get3A_907 = vector.shape_cast %get3A_906 : vector<1x16xf32> to vector<16xf32>
        %mul3A_908 = arith.mulf %get3A_907, %broadcast_in_dim3A_881 : vector<16xf32>
        %swap3A_909 = arith.index_cast %add3A_883 : i32 to index
        %swap3A_910 = arith.constant 32 : index
        %swap3A_911 = tpu.vector_load %arg12[%swap3A_909, %swap3A_910] {strides = array<i32>} : memref<128x128xf32, #tpu.memory_space<vmem>>, vector<1x16xf32>,
        %swap3A_912 = vector.shape_cast %swap3A_911 : vector<1x16xf32> to vector<16xf32>
        %swap3A_913 = vector.shape_cast %mul3A_908 : vector<16xf32> to vector<1x16xf32>
        tpu.vector_store %arg12[%swap3A_909, %swap3A_910], %swap3A_913 {strides = array<i32>} : memref<128x128xf32, #tpu.memory_space<vmem>>, vector<1x16xf32>,
        %get3A_914 = arith.index_cast %add3A_883 : i32 to index
        %get3A_915 = arith.constant 48 : index
        %get3A_916 = tpu.vector_load %arg12[%get3A_914, %get3A_915] {strides = array<i32>} : memref<128x128xf32, #tpu.memory_space<vmem>>, vector<1x16xf32>,
        %get3A_917 = vector.shape_cast %get3A_916 : vector<1x16xf32> to vector<16xf32>
        %mul3A_918 = arith.mulf %get3A_917, %broadcast_in_dim3A_881 : vector<16xf32>
        %swap3A_919 = arith.index_cast %add3A_883 : i32 to index
        %swap3A_920 = arith.constant 48 : index
        %swap3A_921 = tpu.vector_load %arg12[%swap3A_919, %swap3A_920] {strides = array<i32>} : memref<128x128xf32, #tpu.memory_space<vmem>>, vector<1x16xf32>,
        %swap3A_922 = vector.shape_cast %swap3A_921 : vector<1x16xf32> to vector<16xf32>
        %swap3A_923 = vector.shape_cast %mul3A_918 : vector<16xf32> to vector<1x16xf32>
        tpu.vector_store %arg12[%swap3A_919, %swap3A_920], %swap3A_923 {strides = array<i32>} : memref<128x128xf32, #tpu.memory_space<vmem>>, vector<1x16xf32>,
        %get3A_924 = arith.index_cast %add3A_883 : i32 to index
        %get3A_925 = arith.constant 64 : index
        %get3A_926 = tpu.vector_load %arg12[%get3A_924, %get3A_925] {strides = array<i32>} : memref<128x128xf32, #tpu.memory_space<vmem>>, vector<1x16xf32>,
        %get3A_927 = vector.shape_cast %get3A_926 : vector<1x16xf32> to vector<16xf32>
        %mul3A_928 = arith.mulf %get3A_927, %broadcast_in_dim3A_881 : vector<16xf32>
        %swap3A_929 = arith.index_cast %add3A_883 : i32 to index
        %swap3A_930 = arith.constant 64 : index
        %swap3A_931 = tpu.vector_load %arg12[%swap3A_929, %swap3A_930] {strides = array<i32>} : memref<128x128xf32, #tpu.memory_space<vmem>>, vector<1x16xf32>,
        %swap3A_932 = vector.shape_cast %swap3A_931 : vector<1x16xf32> to vector<16xf32>
        %swap3A_933 = vector.shape_cast %mul3A_928 : vector<16xf32> to vector<1x16xf32>
        tpu.vector_store %arg12[%swap3A_929, %swap3A_930], %swap3A_933 {strides = array<i32>} : memref<128x128xf32, #tpu.memory_space<vmem>>, vector<1x16xf32>,
        %get3A_934 = arith.index_cast %add3A_883 : i32 to index
        %get3A_935 = arith.constant 80 : index
        %get3A_936 = tpu.vector_load %arg12[%get3A_934, %get3A_935] {strides = array<i32>} : memref<128x128xf32, #tpu.memory_space<vmem>>, vector<1x16xf32>,
        %get3A_937 = vector.shape_cast %get3A_936 : vector<1x16xf32> to vector<16xf32>
        %mul3A_938 = arith.mulf %get3A_937, %broadcast_in_dim3A_881 : vector<16xf32>
        %swap3A_939 = arith.index_cast %add3A_883 : i32 to index
        %swap3A_940 = arith.constant 80 : index
        %swap3A_941 = tpu.vector_load %arg12[%swap3A_939, %swap3A_940] {strides = array<i32>} : memref<128x128xf32, #tpu.memory_space<vmem>>, vector<1x16xf32>,
        %swap3A_942 = vector.shape_cast %swap3A_941 : vector<1x16xf32> to vector<16xf32>
        %swap3A_943 = vector.shape_cast %mul3A_938 : vector<16xf32> to vector<1x16xf32>
        tpu.vector_store %arg12[%swap3A_939, %swap3A_940], %swap3A_943 {strides = array<i32>} : memref<128x128xf32, #tpu.memory_space<vmem>>, vector<1x16xf32>,
        %get3A_944 = arith.index_cast %add3A_883 : i32 to index
        %get3A_945 = arith.constant 96 : index
        %get3A_946 = tpu.vector_load %arg12[%get3A_944, %get3A_945] {strides = array<i32>} : memref<128x128xf32, #tpu.memory_space<vmem>>, vector<1x16xf32>,
        %get3A_947 = vector.shape_cast %get3A_946 : vector<1x16xf32> to vector<16xf32>
        %mul3A_948 = arith.mulf %get3A_947, %broadcast_in_dim3A_881 : vector<16xf32>
        %swap3A_949 = arith.index_cast %add3A_883 : i32 to index
        %swap3A_950 = arith.constant 96 : index
        %swap3A_951 = tpu.vector_load %arg12[%swap3A_949, %swap3A_950] {strides = array<i32>} : memref<128x128xf32, #tpu.memory_space<vmem>>, vector<1x16xf32>,
        %swap3A_952 = vector.shape_cast %swap3A_951 : vector<1x16xf32> to vector<16xf32>
        %swap3A_953 = vector.shape_cast %mul3A_948 : vector<16xf32> to vector<1x16xf32>
        tpu.vector_store %arg12[%swap3A_949, %swap3A_950], %swap3A_953 {strides = array<i32>} : memref<128x128xf32, #tpu.memory_space<vmem>>, vector<1x16xf32>,
        %get3A_954 = arith.index_cast %add3A_883 : i32 to index
        %get3A_955 = arith.constant 112 : index
        %get3A_956 = tpu.vector_load %arg12[%get3A_954, %get3A_955] {strides = array<i32>} : memref<128x128xf32, #tpu.memory_space<vmem>>, vector<1x16xf32>,
        %get3A_957 = vector.shape_cast %get3A_956 : vector<1x16xf32> to vector<16xf32>
        %mul3A_958 = arith.mulf %get3A_957, %broadcast_in_dim3A_881 : vector<16xf32>
        %swap3A_959 = arith.index_cast %add3A_883 : i32 to index
        %swap3A_960 = arith.constant 112 : index
        %swap3A_961 = tpu.vector_load %arg12[%swap3A_959, %swap3A_960] {strides = array<i32>} : memref<128x128xf32, #tpu.memory_space<vmem>>, vector<1x16xf32>,
        %swap3A_962 = vector.shape_cast %swap3A_961 : vector<1x16xf32> to vector<16xf32>
        %swap3A_963 = vector.shape_cast %mul3A_958 : vector<16xf32> to vector<1x16xf32>
        tpu.vector_store %arg12[%swap3A_959, %swap3A_960], %swap3A_963 {strides = array<i32>} : memref<128x128xf32, #tpu.memory_space<vmem>>, vector<1x16xf32>,
        %slice3A_964 = vector.extract_strided_slice %get3A_32 {offsets = [11], sizes = [1], strides = [1]} : vector<16xf32> to vector<1xf32>
        %squeeze3A_965 = vector.extract %slice3A_964[0] : f32 from vector<1xf32>
        %broadcast_in_dim3A_966 = vector.broadcast %squeeze3A_965 : f32 to vector<16xf32>
        %add3A_967 = arith.constant 11 : i32
        %add3A_968 = arith.addi %mul3A_28, %add3A_967 : i32
        %get3A_969 = arith.index_cast %add3A_968 : i32 to index
        %get3A_970 = arith.constant 0 : index
        %get3A_971 = tpu.vector_load %arg12[%get3A_969, %get3A_970] {strides = array<i32>} : memref<128x128xf32, #tpu.memory_space<vmem>>, vector<1x16xf32>,
        %get3A_972 = vector.shape_cast %get3A_971 : vector<1x16xf32> to vector<16xf32>
        %mul3A_973 = arith.mulf %get3A_972, %broadcast_in_dim3A_966 : vector<16xf32>
        %swap3A_974 = arith.index_cast %add3A_968 : i32 to index
        %swap3A_975 = arith.constant 0 : index
        %swap3A_976 = tpu.vector_load %arg12[%swap3A_974, %swap3A_975] {strides = array<i32>} : memref<128x128xf32, #tpu.memory_space<vmem>>, vector<1x16xf32>,
        %swap3A_977 = vector.shape_cast %swap3A_976 : vector<1x16xf32> to vector<16xf32>
        %swap3A_978 = vector.shape_cast %mul3A_973 : vector<16xf32> to vector<1x16xf32>
        tpu.vector_store %arg12[%swap3A_974, %swap3A_975], %swap3A_978 {strides = array<i32>} : memref<128x128xf32, #tpu.memory_space<vmem>>, vector<1x16xf32>,
        %get3A_979 = arith.index_cast %add3A_968 : i32 to index
        %get3A_980 = arith.constant 16 : index
        %get3A_981 = tpu.vector_load %arg12[%get3A_979, %get3A_980] {strides = array<i32>} : memref<128x128xf32, #tpu.memory_space<vmem>>, vector<1x16xf32>,
        %get3A_982 = vector.shape_cast %get3A_981 : vector<1x16xf32> to vector<16xf32>
        %mul3A_983 = arith.mulf %get3A_982, %broadcast_in_dim3A_966 : vector<16xf32>
        %swap3A_984 = arith.index_cast %add3A_968 : i32 to index
        %swap3A_985 = arith.constant 16 : index
        %swap3A_986 = tpu.vector_load %arg12[%swap3A_984, %swap3A_985] {strides = array<i32>} : memref<128x128xf32, #tpu.memory_space<vmem>>, vector<1x16xf32>,
        %swap3A_987 = vector.shape_cast %swap3A_986 : vector<1x16xf32> to vector<16xf32>
        %swap3A_988 = vector.shape_cast %mul3A_983 : vector<16xf32> to vector<1x16xf32>
        tpu.vector_store %arg12[%swap3A_984, %swap3A_985], %swap3A_988 {strides = array<i32>} : memref<128x128xf32, #tpu.memory_space<vmem>>, vector<1x16xf32>,
        %get3A_989 = arith.index_cast %add3A_968 : i32 to index
        %get3A_990 = arith.constant 32 : index
        %get3A_991 = tpu.vector_load %arg12[%get3A_989, %get3A_990] {strides = array<i32>} : memref<128x128xf32, #tpu.memory_space<vmem>>, vector<1x16xf32>,
        %get3A_992 = vector.shape_cast %get3A_991 : vector<1x16xf32> to vector<16xf32>
        %mul3A_993 = arith.mulf %get3A_992, %broadcast_in_dim3A_966 : vector<16xf32>
        %swap3A_994 = arith.index_cast %add3A_968 : i32 to index
        %swap3A_995 = arith.constant 32 : index
        %swap3A_996 = tpu.vector_load %arg12[%swap3A_994, %swap3A_995] {strides = array<i32>} : memref<128x128xf32, #tpu.memory_space<vmem>>, vector<1x16xf32>,
        %swap3A_997 = vector.shape_cast %swap3A_996 : vector<1x16xf32> to vector<16xf32>
        %swap3A_998 = vector.shape_cast %mul3A_993 : vector<16xf32> to vector<1x16xf32>
        tpu.vector_store %arg12[%swap3A_994, %swap3A_995], %swap3A_998 {strides = array<i32>} : memref<128x128xf32, #tpu.memory_space<vmem>>, vector<1x16xf32>,
        %get3A_999 = arith.index_cast %add3A_968 : i32 to index
        %get3A_1000 = arith.constant 48 : index
        %get3A_1001 = tpu.vector_load %arg12[%get3A_999, %get3A_1000] {strides = array<i32>} : memref<128x128xf32, #tpu.memory_space<vmem>>, vector<1x16xf32>,
        %get3A_1002 = vector.shape_cast %get3A_1001 : vector<1x16xf32> to vector<16xf32>
        %mul3A_1003 = arith.mulf %get3A_1002, %broadcast_in_dim3A_966 : vector<16xf32>
        %swap3A_1004 = arith.index_cast %add3A_968 : i32 to index
        %swap3A_1005 = arith.constant 48 : index
        %swap3A_1006 = tpu.vector_load %arg12[%swap3A_1004, %swap3A_1005] {strides = array<i32>} : memref<128x128xf32, #tpu.memory_space<vmem>>, vector<1x16xf32>,
        %swap3A_1007 = vector.shape_cast %swap3A_1006 : vector<1x16xf32> to vector<16xf32>
        %swap3A_1008 = vector.shape_cast %mul3A_1003 : vector<16xf32> to vector<1x16xf32>
        tpu.vector_store %arg12[%swap3A_1004, %swap3A_1005], %swap3A_1008 {strides = array<i32>} : memref<128x128xf32, #tpu.memory_space<vmem>>, vector<1x16xf32>,
        %get3A_1009 = arith.index_cast %add3A_968 : i32 to index
        %get3A_1010 = arith.constant 64 : index
        %get3A_1011 = tpu.vector_load %arg12[%get3A_1009, %get3A_1010] {strides = array<i32>} : memref<128x128xf32, #tpu.memory_space<vmem>>, vector<1x16xf32>,
        %get3A_1012 = vector.shape_cast %get3A_1011 : vector<1x16xf32> to vector<16xf32>
        %mul3A_1013 = arith.mulf %get3A_1012, %broadcast_in_dim3A_966 : vector<16xf32>
        %swap3A_1014 = arith.index_cast %add3A_968 : i32 to index
        %swap3A_1015 = arith.constant 64 : index
        %swap3A_1016 = tpu.vector_load %arg12[%swap3A_1014, %swap3A_1015] {strides = array<i32>} : memref<128x128xf32, #tpu.memory_space<vmem>>, vector<1x16xf32>,
        %swap3A_1017 = vector.shape_cast %swap3A_1016 : vector<1x16xf32> to vector<16xf32>
        %swap3A_1018 = vector.shape_cast %mul3A_1013 : vector<16xf32> to vector<1x16xf32>
        tpu.vector_store %arg12[%swap3A_1014, %swap3A_1015], %swap3A_1018 {strides = array<i32>} : memref<128x128xf32, #tpu.memory_space<vmem>>, vector<1x16xf32>,
        %get3A_1019 = arith.index_cast %add3A_968 : i32 to index
        %get3A_1020 = arith.constant 80 : index
        %get3A_1021 = tpu.vector_load %arg12[%get3A_1019, %get3A_1020] {strides = array<i32>} : memref<128x128xf32, #tpu.memory_space<vmem>>, vector<1x16xf32>,
        %get3A_1022 = vector.shape_cast %get3A_1021 : vector<1x16xf32> to vector<16xf32>
        %mul3A_1023 = arith.mulf %get3A_1022, %broadcast_in_dim3A_966 : vector<16xf32>
        %swap3A_1024 = arith.index_cast %add3A_968 : i32 to index
        %swap3A_1025 = arith.constant 80 : index
        %swap3A_1026 = tpu.vector_load %arg12[%swap3A_1024, %swap3A_1025] {strides = array<i32>} : memref<128x128xf32, #tpu.memory_space<vmem>>, vector<1x16xf32>,
        %swap3A_1027 = vector.shape_cast %swap3A_1026 : vector<1x16xf32> to vector<16xf32>
        %swap3A_1028 = vector.shape_cast %mul3A_1023 : vector<16xf32> to vector<1x16xf32>
        tpu.vector_store %arg12[%swap3A_1024, %swap3A_1025], %swap3A_1028 {strides = array<i32>} : memref<128x128xf32, #tpu.memory_space<vmem>>, vector<1x16xf32>,
        %get3A_1029 = arith.index_cast %add3A_968 : i32 to index
        %get3A_1030 = arith.constant 96 : index
        %get3A_1031 = tpu.vector_load %arg12[%get3A_1029, %get3A_1030] {strides = array<i32>} : memref<128x128xf32, #tpu.memory_space<vmem>>, vector<1x16xf32>,
        %get3A_1032 = vector.shape_cast %get3A_1031 : vector<1x16xf32> to vector<16xf32>
        %mul3A_1033 = arith.mulf %get3A_1032, %broadcast_in_dim3A_966 : vector<16xf32>
        %swap3A_1034 = arith.index_cast %add3A_968 : i32 to index
        %swap3A_1035 = arith.constant 96 : index
        %swap3A_1036 = tpu.vector_load %arg12[%swap3A_1034, %swap3A_1035] {strides = array<i32>} : memref<128x128xf32, #tpu.memory_space<vmem>>, vector<1x16xf32>,
        %swap3A_1037 = vector.shape_cast %swap3A_1036 : vector<1x16xf32> to vector<16xf32>
        %swap3A_1038 = vector.shape_cast %mul3A_1033 : vector<16xf32> to vector<1x16xf32>
        tpu.vector_store %arg12[%swap3A_1034, %swap3A_1035], %swap3A_1038 {strides = array<i32>} : memref<128x128xf32, #tpu.memory_space<vmem>>, vector<1x16xf32>,
        %get3A_1039 = arith.index_cast %add3A_968 : i32 to index
        %get3A_1040 = arith.constant 112 : index
        %get3A_1041 = tpu.vector_load %arg12[%get3A_1039, %get3A_1040] {strides = array<i32>} : memref<128x128xf32, #tpu.memory_space<vmem>>, vector<1x16xf32>,
        %get3A_1042 = vector.shape_cast %get3A_1041 : vector<1x16xf32> to vector<16xf32>
        %mul3A_1043 = arith.mulf %get3A_1042, %broadcast_in_dim3A_966 : vector<16xf32>
        %swap3A_1044 = arith.index_cast %add3A_968 : i32 to index
        %swap3A_1045 = arith.constant 112 : index
        %swap3A_1046 = tpu.vector_load %arg12[%swap3A_1044, %swap3A_1045] {strides = array<i32>} : memref<128x128xf32, #tpu.memory_space<vmem>>, vector<1x16xf32>,
        %swap3A_1047 = vector.shape_cast %swap3A_1046 : vector<1x16xf32> to vector<16xf32>
        %swap3A_1048 = vector.shape_cast %mul3A_1043 : vector<16xf32> to vector<1x16xf32>
        tpu.vector_store %arg12[%swap3A_1044, %swap3A_1045], %swap3A_1048 {strides = array<i32>} : memref<128x128xf32, #tpu.memory_space<vmem>>, vector<1x16xf32>,
        %slice3A_1049 = vector.extract_strided_slice %get3A_32 {offsets = [12], sizes = [1], strides = [1]} : vector<16xf32> to vector<1xf32>
        %squeeze3A_1050 = vector.extract %slice3A_1049[0] : f32 from vector<1xf32>
        %broadcast_in_dim3A_1051 = vector.broadcast %squeeze3A_1050 : f32 to vector<16xf32>
        %add3A_1052 = arith.constant 12 : i32
        %add3A_1053 = arith.addi %mul3A_28, %add3A_1052 : i32
        %get3A_1054 = arith.index_cast %add3A_1053 : i32 to index
        %get3A_1055 = arith.constant 0 : index
        %get3A_1056 = tpu.vector_load %arg12[%get3A_1054, %get3A_1055] {strides = array<i32>} : memref<128x128xf32, #tpu.memory_space<vmem>>, vector<1x16xf32>,
        %get3A_1057 = vector.shape_cast %get3A_1056 : vector<1x16xf32> to vector<16xf32>
        %mul3A_1058 = arith.mulf %get3A_1057, %broadcast_in_dim3A_1051 : vector<16xf32>
        %swap3A_1059 = arith.index_cast %add3A_1053 : i32 to index
        %swap3A_1060 = arith.constant 0 : index
        %swap3A_1061 = tpu.vector_load %arg12[%swap3A_1059, %swap3A_1060] {strides = array<i32>} : memref<128x128xf32, #tpu.memory_space<vmem>>, vector<1x16xf32>,
        %swap3A_1062 = vector.shape_cast %swap3A_1061 : vector<1x16xf32> to vector<16xf32>
        %swap3A_1063 = vector.shape_cast %mul3A_1058 : vector<16xf32> to vector<1x16xf32>
        tpu.vector_store %arg12[%swap3A_1059, %swap3A_1060], %swap3A_1063 {strides = array<i32>} : memref<128x128xf32, #tpu.memory_space<vmem>>, vector<1x16xf32>,
        %get3A_1064 = arith.index_cast %add3A_1053 : i32 to index
        %get3A_1065 = arith.constant 16 : index
        %get3A_1066 = tpu.vector_load %arg12[%get3A_1064, %get3A_1065] {strides = array<i32>} : memref<128x128xf32, #tpu.memory_space<vmem>>, vector<1x16xf32>,
        %get3A_1067 = vector.shape_cast %get3A_1066 : vector<1x16xf32> to vector<16xf32>
        %mul3A_1068 = arith.mulf %get3A_1067, %broadcast_in_dim3A_1051 : vector<16xf32>
        %swap3A_1069 = arith.index_cast %add3A_1053 : i32 to index
        %swap3A_1070 = arith.constant 16 : index
        %swap3A_1071 = tpu.vector_load %arg12[%swap3A_1069, %swap3A_1070] {strides = array<i32>} : memref<128x128xf32, #tpu.memory_space<vmem>>, vector<1x16xf32>,
        %swap3A_1072 = vector.shape_cast %swap3A_1071 : vector<1x16xf32> to vector<16xf32>
        %swap3A_1073 = vector.shape_cast %mul3A_1068 : vector<16xf32> to vector<1x16xf32>
        tpu.vector_store %arg12[%swap3A_1069, %swap3A_1070], %swap3A_1073 {strides = array<i32>} : memref<128x128xf32, #tpu.memory_space<vmem>>, vector<1x16xf32>,
        %get3A_1074 = arith.index_cast %add3A_1053 : i32 to index
        %get3A_1075 = arith.constant 32 : index
        %get3A_1076 = tpu.vector_load %arg12[%get3A_1074, %get3A_1075] {strides = array<i32>} : memref<128x128xf32, #tpu.memory_space<vmem>>, vector<1x16xf32>,
        %get3A_1077 = vector.shape_cast %get3A_1076 : vector<1x16xf32> to vector<16xf32>
        %mul3A_1078 = arith.mulf %get3A_1077, %broadcast_in_dim3A_1051 : vector<16xf32>
        %swap3A_1079 = arith.index_cast %add3A_1053 : i32 to index
        %swap3A_1080 = arith.constant 32 : index
        %swap3A_1081 = tpu.vector_load %arg12[%swap3A_1079, %swap3A_1080] {strides = array<i32>} : memref<128x128xf32, #tpu.memory_space<vmem>>, vector<1x16xf32>,
        %swap3A_1082 = vector.shape_cast %swap3A_1081 : vector<1x16xf32> to vector<16xf32>
        %swap3A_1083 = vector.shape_cast %mul3A_1078 : vector<16xf32> to vector<1x16xf32>
        tpu.vector_store %arg12[%swap3A_1079, %swap3A_1080], %swap3A_1083 {strides = array<i32>} : memref<128x128xf32, #tpu.memory_space<vmem>>, vector<1x16xf32>,
        %get3A_1084 = arith.index_cast %add3A_1053 : i32 to index
        %get3A_1085 = arith.constant 48 : index
        %get3A_1086 = tpu.vector_load %arg12[%get3A_1084, %get3A_1085] {strides = array<i32>} : memref<128x128xf32, #tpu.memory_space<vmem>>, vector<1x16xf32>,
        %get3A_1087 = vector.shape_cast %get3A_1086 : vector<1x16xf32> to vector<16xf32>
        %mul3A_1088 = arith.mulf %get3A_1087, %broadcast_in_dim3A_1051 : vector<16xf32>
        %swap3A_1089 = arith.index_cast %add3A_1053 : i32 to index
        %swap3A_1090 = arith.constant 48 : index
        %swap3A_1091 = tpu.vector_load %arg12[%swap3A_1089, %swap3A_1090] {strides = array<i32>} : memref<128x128xf32, #tpu.memory_space<vmem>>, vector<1x16xf32>,
        %swap3A_1092 = vector.shape_cast %swap3A_1091 : vector<1x16xf32> to vector<16xf32>
        %swap3A_1093 = vector.shape_cast %mul3A_1088 : vector<16xf32> to vector<1x16xf32>
        tpu.vector_store %arg12[%swap3A_1089, %swap3A_1090], %swap3A_1093 {strides = array<i32>} : memref<128x128xf32, #tpu.memory_space<vmem>>, vector<1x16xf32>,
        %get3A_1094 = arith.index_cast %add3A_1053 : i32 to index
        %get3A_1095 = arith.constant 64 : index
        %get3A_1096 = tpu.vector_load %arg12[%get3A_1094, %get3A_1095] {strides = array<i32>} : memref<128x128xf32, #tpu.memory_space<vmem>>, vector<1x16xf32>,
        %get3A_1097 = vector.shape_cast %get3A_1096 : vector<1x16xf32> to vector<16xf32>
        %mul3A_1098 = arith.mulf %get3A_1097, %broadcast_in_dim3A_1051 : vector<16xf32>
        %swap3A_1099 = arith.index_cast %add3A_1053 : i32 to index
        %swap3A_1100 = arith.constant 64 : index
        %swap3A_1101 = tpu.vector_load %arg12[%swap3A_1099, %swap3A_1100] {strides = array<i32>} : memref<128x128xf32, #tpu.memory_space<vmem>>, vector<1x16xf32>,
        %swap3A_1102 = vector.shape_cast %swap3A_1101 : vector<1x16xf32> to vector<16xf32>
        %swap3A_1103 = vector.shape_cast %mul3A_1098 : vector<16xf32> to vector<1x16xf32>
        tpu.vector_store %arg12[%swap3A_1099, %swap3A_1100], %swap3A_1103 {strides = array<i32>} : memref<128x128xf32, #tpu.memory_space<vmem>>, vector<1x16xf32>,
        %get3A_1104 = arith.index_cast %add3A_1053 : i32 to index
        %get3A_1105 = arith.constant 80 : index
        %get3A_1106 = tpu.vector_load %arg12[%get3A_1104, %get3A_1105] {strides = array<i32>} : memref<128x128xf32, #tpu.memory_space<vmem>>, vector<1x16xf32>,
        %get3A_1107 = vector.shape_cast %get3A_1106 : vector<1x16xf32> to vector<16xf32>
        %mul3A_1108 = arith.mulf %get3A_1107, %broadcast_in_dim3A_1051 : vector<16xf32>
        %swap3A_1109 = arith.index_cast %add3A_1053 : i32 to index
        %swap3A_1110 = arith.constant 80 : index
        %swap3A_1111 = tpu.vector_load %arg12[%swap3A_1109, %swap3A_1110] {strides = array<i32>} : memref<128x128xf32, #tpu.memory_space<vmem>>, vector<1x16xf32>,
        %swap3A_1112 = vector.shape_cast %swap3A_1111 : vector<1x16xf32> to vector<16xf32>
        %swap3A_1113 = vector.shape_cast %mul3A_1108 : vector<16xf32> to vector<1x16xf32>
        tpu.vector_store %arg12[%swap3A_1109, %swap3A_1110], %swap3A_1113 {strides = array<i32>} : memref<128x128xf32, #tpu.memory_space<vmem>>, vector<1x16xf32>,
        %get3A_1114 = arith.index_cast %add3A_1053 : i32 to index
        %get3A_1115 = arith.constant 96 : index
        %get3A_1116 = tpu.vector_load %arg12[%get3A_1114, %get3A_1115] {strides = array<i32>} : memref<128x128xf32, #tpu.memory_space<vmem>>, vector<1x16xf32>,
        %get3A_1117 = vector.shape_cast %get3A_1116 : vector<1x16xf32> to vector<16xf32>
        %mul3A_1118 = arith.mulf %get3A_1117, %broadcast_in_dim3A_1051 : vector<16xf32>
        %swap3A_1119 = arith.index_cast %add3A_1053 : i32 to index
        %swap3A_1120 = arith.constant 96 : index
        %swap3A_1121 = tpu.vector_load %arg12[%swap3A_1119, %swap3A_1120] {strides = array<i32>} : memref<128x128xf32, #tpu.memory_space<vmem>>, vector<1x16xf32>,
        %swap3A_1122 = vector.shape_cast %swap3A_1121 : vector<1x16xf32> to vector<16xf32>
        %swap3A_1123 = vector.shape_cast %mul3A_1118 : vector<16xf32> to vector<1x16xf32>
        tpu.vector_store %arg12[%swap3A_1119, %swap3A_1120], %swap3A_1123 {strides = array<i32>} : memref<128x128xf32, #tpu.memory_space<vmem>>, vector<1x16xf32>,
        %get3A_1124 = arith.index_cast %add3A_1053 : i32 to index
        %get3A_1125 = arith.constant 112 : index
        %get3A_1126 = tpu.vector_load %arg12[%get3A_1124, %get3A_1125] {strides = array<i32>} : memref<128x128xf32, #tpu.memory_space<vmem>>, vector<1x16xf32>,
        %get3A_1127 = vector.shape_cast %get3A_1126 : vector<1x16xf32> to vector<16xf32>
        %mul3A_1128 = arith.mulf %get3A_1127, %broadcast_in_dim3A_1051 : vector<16xf32>
        %swap3A_1129 = arith.index_cast %add3A_1053 : i32 to index
        %swap3A_1130 = arith.constant 112 : index
        %swap3A_1131 = tpu.vector_load %arg12[%swap3A_1129, %swap3A_1130] {strides = array<i32>} : memref<128x128xf32, #tpu.memory_space<vmem>>, vector<1x16xf32>,
        %swap3A_1132 = vector.shape_cast %swap3A_1131 : vector<1x16xf32> to vector<16xf32>
        %swap3A_1133 = vector.shape_cast %mul3A_1128 : vector<16xf32> to vector<1x16xf32>
        tpu.vector_store %arg12[%swap3A_1129, %swap3A_1130], %swap3A_1133 {strides = array<i32>} : memref<128x128xf32, #tpu.memory_space<vmem>>, vector<1x16xf32>,
        %slice3A_1134 = vector.extract_strided_slice %get3A_32 {offsets = [13], sizes = [1], strides = [1]} : vector<16xf32> to vector<1xf32>
        %squeeze3A_1135 = vector.extract %slice3A_1134[0] : f32 from vector<1xf32>
        %broadcast_in_dim3A_1136 = vector.broadcast %squeeze3A_1135 : f32 to vector<16xf32>
        %add3A_1137 = arith.constant 13 : i32
        %add3A_1138 = arith.addi %mul3A_28, %add3A_1137 : i32
        %get3A_1139 = arith.index_cast %add3A_1138 : i32 to index
        %get3A_1140 = arith.constant 0 : index
        %get3A_1141 = tpu.vector_load %arg12[%get3A_1139, %get3A_1140] {strides = array<i32>} : memref<128x128xf32, #tpu.memory_space<vmem>>, vector<1x16xf32>,
        %get3A_1142 = vector.shape_cast %get3A_1141 : vector<1x16xf32> to vector<16xf32>
        %mul3A_1143 = arith.mulf %get3A_1142, %broadcast_in_dim3A_1136 : vector<16xf32>
        %swap3A_1144 = arith.index_cast %add3A_1138 : i32 to index
        %swap3A_1145 = arith.constant 0 : index
        %swap3A_1146 = tpu.vector_load %arg12[%swap3A_1144, %swap3A_1145] {strides = array<i32>} : memref<128x128xf32, #tpu.memory_space<vmem>>, vector<1x16xf32>,
        %swap3A_1147 = vector.shape_cast %swap3A_1146 : vector<1x16xf32> to vector<16xf32>
        %swap3A_1148 = vector.shape_cast %mul3A_1143 : vector<16xf32> to vector<1x16xf32>
        tpu.vector_store %arg12[%swap3A_1144, %swap3A_1145], %swap3A_1148 {strides = array<i32>} : memref<128x128xf32, #tpu.memory_space<vmem>>, vector<1x16xf32>,
        %get3A_1149 = arith.index_cast %add3A_1138 : i32 to index
        %get3A_1150 = arith.constant 16 : index
        %get3A_1151 = tpu.vector_load %arg12[%get3A_1149, %get3A_1150] {strides = array<i32>} : memref<128x128xf32, #tpu.memory_space<vmem>>, vector<1x16xf32>,
        %get3A_1152 = vector.shape_cast %get3A_1151 : vector<1x16xf32> to vector<16xf32>
        %mul3A_1153 = arith.mulf %get3A_1152, %broadcast_in_dim3A_1136 : vector<16xf32>
        %swap3A_1154 = arith.index_cast %add3A_1138 : i32 to index
        %swap3A_1155 = arith.constant 16 : index
        %swap3A_1156 = tpu.vector_load %arg12[%swap3A_1154, %swap3A_1155] {strides = array<i32>} : memref<128x128xf32, #tpu.memory_space<vmem>>, vector<1x16xf32>,
        %swap3A_1157 = vector.shape_cast %swap3A_1156 : vector<1x16xf32> to vector<16xf32>
        %swap3A_1158 = vector.shape_cast %mul3A_1153 : vector<16xf32> to vector<1x16xf32>
        tpu.vector_store %arg12[%swap3A_1154, %swap3A_1155], %swap3A_1158 {strides = array<i32>} : memref<128x128xf32, #tpu.memory_space<vmem>>, vector<1x16xf32>,
        %get3A_1159 = arith.index_cast %add3A_1138 : i32 to index
        %get3A_1160 = arith.constant 32 : index
        %get3A_1161 = tpu.vector_load %arg12[%get3A_1159, %get3A_1160] {strides = array<i32>} : memref<128x128xf32, #tpu.memory_space<vmem>>, vector<1x16xf32>,
        %get3A_1162 = vector.shape_cast %get3A_1161 : vector<1x16xf32> to vector<16xf32>
        %mul3A_1163 = arith.mulf %get3A_1162, %broadcast_in_dim3A_1136 : vector<16xf32>
        %swap3A_1164 = arith.index_cast %add3A_1138 : i32 to index
        %swap3A_1165 = arith.constant 32 : index
        %swap3A_1166 = tpu.vector_load %arg12[%swap3A_1164, %swap3A_1165] {strides = array<i32>} : memref<128x128xf32, #tpu.memory_space<vmem>>, vector<1x16xf32>,
        %swap3A_1167 = vector.shape_cast %swap3A_1166 : vector<1x16xf32> to vector<16xf32>
        %swap3A_1168 = vector.shape_cast %mul3A_1163 : vector<16xf32> to vector<1x16xf32>
        tpu.vector_store %arg12[%swap3A_1164, %swap3A_1165], %swap3A_1168 {strides = array<i32>} : memref<128x128xf32, #tpu.memory_space<vmem>>, vector<1x16xf32>,
        %get3A_1169 = arith.index_cast %add3A_1138 : i32 to index
        %get3A_1170 = arith.constant 48 : index
        %get3A_1171 = tpu.vector_load %arg12[%get3A_1169, %get3A_1170] {strides = array<i32>} : memref<128x128xf32, #tpu.memory_space<vmem>>, vector<1x16xf32>,
        %get3A_1172 = vector.shape_cast %get3A_1171 : vector<1x16xf32> to vector<16xf32>
        %mul3A_1173 = arith.mulf %get3A_1172, %broadcast_in_dim3A_1136 : vector<16xf32>
        %swap3A_1174 = arith.index_cast %add3A_1138 : i32 to index
        %swap3A_1175 = arith.constant 48 : index
        %swap3A_1176 = tpu.vector_load %arg12[%swap3A_1174, %swap3A_1175] {strides = array<i32>} : memref<128x128xf32, #tpu.memory_space<vmem>>, vector<1x16xf32>,
        %swap3A_1177 = vector.shape_cast %swap3A_1176 : vector<1x16xf32> to vector<16xf32>
        %swap3A_1178 = vector.shape_cast %mul3A_1173 : vector<16xf32> to vector<1x16xf32>
        tpu.vector_store %arg12[%swap3A_1174, %swap3A_1175], %swap3A_1178 {strides = array<i32>} : memref<128x128xf32, #tpu.memory_space<vmem>>, vector<1x16xf32>,
        %get3A_1179 = arith.index_cast %add3A_1138 : i32 to index
        %get3A_1180 = arith.constant 64 : index
        %get3A_1181 = tpu.vector_load %arg12[%get3A_1179, %get3A_1180] {strides = array<i32>} : memref<128x128xf32, #tpu.memory_space<vmem>>, vector<1x16xf32>,
        %get3A_1182 = vector.shape_cast %get3A_1181 : vector<1x16xf32> to vector<16xf32>
        %mul3A_1183 = arith.mulf %get3A_1182, %broadcast_in_dim3A_1136 : vector<16xf32>
        %swap3A_1184 = arith.index_cast %add3A_1138 : i32 to index
        %swap3A_1185 = arith.constant 64 : index
        %swap3A_1186 = tpu.vector_load %arg12[%swap3A_1184, %swap3A_1185] {strides = array<i32>} : memref<128x128xf32, #tpu.memory_space<vmem>>, vector<1x16xf32>,
        %swap3A_1187 = vector.shape_cast %swap3A_1186 : vector<1x16xf32> to vector<16xf32>
        %swap3A_1188 = vector.shape_cast %mul3A_1183 : vector<16xf32> to vector<1x16xf32>
        tpu.vector_store %arg12[%swap3A_1184, %swap3A_1185], %swap3A_1188 {strides = array<i32>} : memref<128x128xf32, #tpu.memory_space<vmem>>, vector<1x16xf32>,
        %get3A_1189 = arith.index_cast %add3A_1138 : i32 to index
        %get3A_1190 = arith.constant 80 : index
        %get3A_1191 = tpu.vector_load %arg12[%get3A_1189, %get3A_1190] {strides = array<i32>} : memref<128x128xf32, #tpu.memory_space<vmem>>, vector<1x16xf32>,
        %get3A_1192 = vector.shape_cast %get3A_1191 : vector<1x16xf32> to vector<16xf32>
        %mul3A_1193 = arith.mulf %get3A_1192, %broadcast_in_dim3A_1136 : vector<16xf32>
        %swap3A_1194 = arith.index_cast %add3A_1138 : i32 to index
        %swap3A_1195 = arith.constant 80 : index
        %swap3A_1196 = tpu.vector_load %arg12[%swap3A_1194, %swap3A_1195] {strides = array<i32>} : memref<128x128xf32, #tpu.memory_space<vmem>>, vector<1x16xf32>,
        %swap3A_1197 = vector.shape_cast %swap3A_1196 : vector<1x16xf32> to vector<16xf32>
        %swap3A_1198 = vector.shape_cast %mul3A_1193 : vector<16xf32> to vector<1x16xf32>
        tpu.vector_store %arg12[%swap3A_1194, %swap3A_1195], %swap3A_1198 {strides = array<i32>} : memref<128x128xf32, #tpu.memory_space<vmem>>, vector<1x16xf32>,
        %get3A_1199 = arith.index_cast %add3A_1138 : i32 to index
        %get3A_1200 = arith.constant 96 : index
        %get3A_1201 = tpu.vector_load %arg12[%get3A_1199, %get3A_1200] {strides = array<i32>} : memref<128x128xf32, #tpu.memory_space<vmem>>, vector<1x16xf32>,
        %get3A_1202 = vector.shape_cast %get3A_1201 : vector<1x16xf32> to vector<16xf32>
        %mul3A_1203 = arith.mulf %get3A_1202, %broadcast_in_dim3A_1136 : vector<16xf32>
        %swap3A_1204 = arith.index_cast %add3A_1138 : i32 to index
        %swap3A_1205 = arith.constant 96 : index
        %swap3A_1206 = tpu.vector_load %arg12[%swap3A_1204, %swap3A_1205] {strides = array<i32>} : memref<128x128xf32, #tpu.memory_space<vmem>>, vector<1x16xf32>,
        %swap3A_1207 = vector.shape_cast %swap3A_1206 : vector<1x16xf32> to vector<16xf32>
        %swap3A_1208 = vector.shape_cast %mul3A_1203 : vector<16xf32> to vector<1x16xf32>
        tpu.vector_store %arg12[%swap3A_1204, %swap3A_1205], %swap3A_1208 {strides = array<i32>} : memref<128x128xf32, #tpu.memory_space<vmem>>, vector<1x16xf32>,
        %get3A_1209 = arith.index_cast %add3A_1138 : i32 to index
        %get3A_1210 = arith.constant 112 : index
        %get3A_1211 = tpu.vector_load %arg12[%get3A_1209, %get3A_1210] {strides = array<i32>} : memref<128x128xf32, #tpu.memory_space<vmem>>, vector<1x16xf32>,
        %get3A_1212 = vector.shape_cast %get3A_1211 : vector<1x16xf32> to vector<16xf32>
        %mul3A_1213 = arith.mulf %get3A_1212, %broadcast_in_dim3A_1136 : vector<16xf32>
        %swap3A_1214 = arith.index_cast %add3A_1138 : i32 to index
        %swap3A_1215 = arith.constant 112 : index
        %swap3A_1216 = tpu.vector_load %arg12[%swap3A_1214, %swap3A_1215] {strides = array<i32>} : memref<128x128xf32, #tpu.memory_space<vmem>>, vector<1x16xf32>,
        %swap3A_1217 = vector.shape_cast %swap3A_1216 : vector<1x16xf32> to vector<16xf32>
        %swap3A_1218 = vector.shape_cast %mul3A_1213 : vector<16xf32> to vector<1x16xf32>
        tpu.vector_store %arg12[%swap3A_1214, %swap3A_1215], %swap3A_1218 {strides = array<i32>} : memref<128x128xf32, #tpu.memory_space<vmem>>, vector<1x16xf32>,
        %slice3A_1219 = vector.extract_strided_slice %get3A_32 {offsets = [14], sizes = [1], strides = [1]} : vector<16xf32> to vector<1xf32>
        %squeeze3A_1220 = vector.extract %slice3A_1219[0] : f32 from vector<1xf32>
        %broadcast_in_dim3A_1221 = vector.broadcast %squeeze3A_1220 : f32 to vector<16xf32>
        %add3A_1222 = arith.constant 14 : i32
        %add3A_1223 = arith.addi %mul3A_28, %add3A_1222 : i32
        %get3A_1224 = arith.index_cast %add3A_1223 : i32 to index
        %get3A_1225 = arith.constant 0 : index
        %get3A_1226 = tpu.vector_load %arg12[%get3A_1224, %get3A_1225] {strides = array<i32>} : memref<128x128xf32, #tpu.memory_space<vmem>>, vector<1x16xf32>,
        %get3A_1227 = vector.shape_cast %get3A_1226 : vector<1x16xf32> to vector<16xf32>
        %mul3A_1228 = arith.mulf %get3A_1227, %broadcast_in_dim3A_1221 : vector<16xf32>
        %swap3A_1229 = arith.index_cast %add3A_1223 : i32 to index
        %swap3A_1230 = arith.constant 0 : index
        %swap3A_1231 = tpu.vector_load %arg12[%swap3A_1229, %swap3A_1230] {strides = array<i32>} : memref<128x128xf32, #tpu.memory_space<vmem>>, vector<1x16xf32>,
        %swap3A_1232 = vector.shape_cast %swap3A_1231 : vector<1x16xf32> to vector<16xf32>
        %swap3A_1233 = vector.shape_cast %mul3A_1228 : vector<16xf32> to vector<1x16xf32>
        tpu.vector_store %arg12[%swap3A_1229, %swap3A_1230], %swap3A_1233 {strides = array<i32>} : memref<128x128xf32, #tpu.memory_space<vmem>>, vector<1x16xf32>,
        %get3A_1234 = arith.index_cast %add3A_1223 : i32 to index
        %get3A_1235 = arith.constant 16 : index
        %get3A_1236 = tpu.vector_load %arg12[%get3A_1234, %get3A_1235] {strides = array<i32>} : memref<128x128xf32, #tpu.memory_space<vmem>>, vector<1x16xf32>,
        %get3A_1237 = vector.shape_cast %get3A_1236 : vector<1x16xf32> to vector<16xf32>
        %mul3A_1238 = arith.mulf %get3A_1237, %broadcast_in_dim3A_1221 : vector<16xf32>
        %swap3A_1239 = arith.index_cast %add3A_1223 : i32 to index
        %swap3A_1240 = arith.constant 16 : index
        %swap3A_1241 = tpu.vector_load %arg12[%swap3A_1239, %swap3A_1240] {strides = array<i32>} : memref<128x128xf32, #tpu.memory_space<vmem>>, vector<1x16xf32>,
        %swap3A_1242 = vector.shape_cast %swap3A_1241 : vector<1x16xf32> to vector<16xf32>
        %swap3A_1243 = vector.shape_cast %mul3A_1238 : vector<16xf32> to vector<1x16xf32>
        tpu.vector_store %arg12[%swap3A_1239, %swap3A_1240], %swap3A_1243 {strides = array<i32>} : memref<128x128xf32, #tpu.memory_space<vmem>>, vector<1x16xf32>,
        %get3A_1244 = arith.index_cast %add3A_1223 : i32 to index
        %get3A_1245 = arith.constant 32 : index
        %get3A_1246 = tpu.vector_load %arg12[%get3A_1244, %get3A_1245] {strides = array<i32>} : memref<128x128xf32, #tpu.memory_space<vmem>>, vector<1x16xf32>,
        %get3A_1247 = vector.shape_cast %get3A_1246 : vector<1x16xf32> to vector<16xf32>
        %mul3A_1248 = arith.mulf %get3A_1247, %broadcast_in_dim3A_1221 : vector<16xf32>
        %swap3A_1249 = arith.index_cast %add3A_1223 : i32 to index
        %swap3A_1250 = arith.constant 32 : index
        %swap3A_1251 = tpu.vector_load %arg12[%swap3A_1249, %swap3A_1250] {strides = array<i32>} : memref<128x128xf32, #tpu.memory_space<vmem>>, vector<1x16xf32>,
        %swap3A_1252 = vector.shape_cast %swap3A_1251 : vector<1x16xf32> to vector<16xf32>
        %swap3A_1253 = vector.shape_cast %mul3A_1248 : vector<16xf32> to vector<1x16xf32>
        tpu.vector_store %arg12[%swap3A_1249, %swap3A_1250], %swap3A_1253 {strides = array<i32>} : memref<128x128xf32, #tpu.memory_space<vmem>>, vector<1x16xf32>,
        %get3A_1254 = arith.index_cast %add3A_1223 : i32 to index
        %get3A_1255 = arith.constant 48 : index
        %get3A_1256 = tpu.vector_load %arg12[%get3A_1254, %get3A_1255] {strides = array<i32>} : memref<128x128xf32, #tpu.memory_space<vmem>>, vector<1x16xf32>,
        %get3A_1257 = vector.shape_cast %get3A_1256 : vector<1x16xf32> to vector<16xf32>
        %mul3A_1258 = arith.mulf %get3A_1257, %broadcast_in_dim3A_1221 : vector<16xf32>
        %swap3A_1259 = arith.index_cast %add3A_1223 : i32 to index
        %swap3A_1260 = arith.constant 48 : index
        %swap3A_1261 = tpu.vector_load %arg12[%swap3A_1259, %swap3A_1260] {strides = array<i32>} : memref<128x128xf32, #tpu.memory_space<vmem>>, vector<1x16xf32>,
        %swap3A_1262 = vector.shape_cast %swap3A_1261 : vector<1x16xf32> to vector<16xf32>
        %swap3A_1263 = vector.shape_cast %mul3A_1258 : vector<16xf32> to vector<1x16xf32>
        tpu.vector_store %arg12[%swap3A_1259, %swap3A_1260], %swap3A_1263 {strides = array<i32>} : memref<128x128xf32, #tpu.memory_space<vmem>>, vector<1x16xf32>,
        %get3A_1264 = arith.index_cast %add3A_1223 : i32 to index
        %get3A_1265 = arith.constant 64 : index
        %get3A_1266 = tpu.vector_load %arg12[%get3A_1264, %get3A_1265] {strides = array<i32>} : memref<128x128xf32, #tpu.memory_space<vmem>>, vector<1x16xf32>,
        %get3A_1267 = vector.shape_cast %get3A_1266 : vector<1x16xf32> to vector<16xf32>
        %mul3A_1268 = arith.mulf %get3A_1267, %broadcast_in_dim3A_1221 : vector<16xf32>
        %swap3A_1269 = arith.index_cast %add3A_1223 : i32 to index
        %swap3A_1270 = arith.constant 64 : index
        %swap3A_1271 = tpu.vector_load %arg12[%swap3A_1269, %swap3A_1270] {strides = array<i32>} : memref<128x128xf32, #tpu.memory_space<vmem>>, vector<1x16xf32>,
        %swap3A_1272 = vector.shape_cast %swap3A_1271 : vector<1x16xf32> to vector<16xf32>
        %swap3A_1273 = vector.shape_cast %mul3A_1268 : vector<16xf32> to vector<1x16xf32>
        tpu.vector_store %arg12[%swap3A_1269, %swap3A_1270], %swap3A_1273 {strides = array<i32>} : memref<128x128xf32, #tpu.memory_space<vmem>>, vector<1x16xf32>,
        %get3A_1274 = arith.index_cast %add3A_1223 : i32 to index
        %get3A_1275 = arith.constant 80 : index
        %get3A_1276 = tpu.vector_load %arg12[%get3A_1274, %get3A_1275] {strides = array<i32>} : memref<128x128xf32, #tpu.memory_space<vmem>>, vector<1x16xf32>,
        %get3A_1277 = vector.shape_cast %get3A_1276 : vector<1x16xf32> to vector<16xf32>
        %mul3A_1278 = arith.mulf %get3A_1277, %broadcast_in_dim3A_1221 : vector<16xf32>
        %swap3A_1279 = arith.index_cast %add3A_1223 : i32 to index
        %swap3A_1280 = arith.constant 80 : index
        %swap3A_1281 = tpu.vector_load %arg12[%swap3A_1279, %swap3A_1280] {strides = array<i32>} : memref<128x128xf32, #tpu.memory_space<vmem>>, vector<1x16xf32>,
        %swap3A_1282 = vector.shape_cast %swap3A_1281 : vector<1x16xf32> to vector<16xf32>
        %swap3A_1283 = vector.shape_cast %mul3A_1278 : vector<16xf32> to vector<1x16xf32>
        tpu.vector_store %arg12[%swap3A_1279, %swap3A_1280], %swap3A_1283 {strides = array<i32>} : memref<128x128xf32, #tpu.memory_space<vmem>>, vector<1x16xf32>,
        %get3A_1284 = arith.index_cast %add3A_1223 : i32 to index
        %get3A_1285 = arith.constant 96 : index
        %get3A_1286 = tpu.vector_load %arg12[%get3A_1284, %get3A_1285] {strides = array<i32>} : memref<128x128xf32, #tpu.memory_space<vmem>>, vector<1x16xf32>,
        %get3A_1287 = vector.shape_cast %get3A_1286 : vector<1x16xf32> to vector<16xf32>
        %mul3A_1288 = arith.mulf %get3A_1287, %broadcast_in_dim3A_1221 : vector<16xf32>
        %swap3A_1289 = arith.index_cast %add3A_1223 : i32 to index
        %swap3A_1290 = arith.constant 96 : index
        %swap3A_1291 = tpu.vector_load %arg12[%swap3A_1289, %swap3A_1290] {strides = array<i32>} : memref<128x128xf32, #tpu.memory_space<vmem>>, vector<1x16xf32>,
        %swap3A_1292 = vector.shape_cast %swap3A_1291 : vector<1x16xf32> to vector<16xf32>
        %swap3A_1293 = vector.shape_cast %mul3A_1288 : vector<16xf32> to vector<1x16xf32>
        tpu.vector_store %arg12[%swap3A_1289, %swap3A_1290], %swap3A_1293 {strides = array<i32>} : memref<128x128xf32, #tpu.memory_space<vmem>>, vector<1x16xf32>,
        %get3A_1294 = arith.index_cast %add3A_1223 : i32 to index
        %get3A_1295 = arith.constant 112 : index
        %get3A_1296 = tpu.vector_load %arg12[%get3A_1294, %get3A_1295] {strides = array<i32>} : memref<128x128xf32, #tpu.memory_space<vmem>>, vector<1x16xf32>,
        %get3A_1297 = vector.shape_cast %get3A_1296 : vector<1x16xf32> to vector<16xf32>
        %mul3A_1298 = arith.mulf %get3A_1297, %broadcast_in_dim3A_1221 : vector<16xf32>
        %swap3A_1299 = arith.index_cast %add3A_1223 : i32 to index
        %swap3A_1300 = arith.constant 112 : index
        %swap3A_1301 = tpu.vector_load %arg12[%swap3A_1299, %swap3A_1300] {strides = array<i32>} : memref<128x128xf32, #tpu.memory_space<vmem>>, vector<1x16xf32>,
        %swap3A_1302 = vector.shape_cast %swap3A_1301 : vector<1x16xf32> to vector<16xf32>
        %swap3A_1303 = vector.shape_cast %mul3A_1298 : vector<16xf32> to vector<1x16xf32>
        tpu.vector_store %arg12[%swap3A_1299, %swap3A_1300], %swap3A_1303 {strides = array<i32>} : memref<128x128xf32, #tpu.memory_space<vmem>>, vector<1x16xf32>,
        %slice3A_1304 = vector.extract_strided_slice %get3A_32 {offsets = [15], sizes = [1], strides = [1]} : vector<16xf32> to vector<1xf32>
        %squeeze3A_1305 = vector.extract %slice3A_1304[0] : f32 from vector<1xf32>
        %broadcast_in_dim3A_1306 = vector.broadcast %squeeze3A_1305 : f32 to vector<16xf32>
        %add3A_1307 = arith.constant 15 : i32
        %add3A_1308 = arith.addi %mul3A_28, %add3A_1307 : i32
        %get3A_1309 = arith.index_cast %add3A_1308 : i32 to index
        %get3A_1310 = arith.constant 0 : index
        %get3A_1311 = tpu.vector_load %arg12[%get3A_1309, %get3A_1310] {strides = array<i32>} : memref<128x128xf32, #tpu.memory_space<vmem>>, vector<1x16xf32>,
        %get3A_1312 = vector.shape_cast %get3A_1311 : vector<1x16xf32> to vector<16xf32>
        %mul3A_1313 = arith.mulf %get3A_1312, %broadcast_in_dim3A_1306 : vector<16xf32>
        %swap3A_1314 = arith.index_cast %add3A_1308 : i32 to index
        %swap3A_1315 = arith.constant 0 : index
        %swap3A_1316 = tpu.vector_load %arg12[%swap3A_1314, %swap3A_1315] {strides = array<i32>} : memref<128x128xf32, #tpu.memory_space<vmem>>, vector<1x16xf32>,
        %swap3A_1317 = vector.shape_cast %swap3A_1316 : vector<1x16xf32> to vector<16xf32>
        %swap3A_1318 = vector.shape_cast %mul3A_1313 : vector<16xf32> to vector<1x16xf32>
        tpu.vector_store %arg12[%swap3A_1314, %swap3A_1315], %swap3A_1318 {strides = array<i32>} : memref<128x128xf32, #tpu.memory_space<vmem>>, vector<1x16xf32>,
        %get3A_1319 = arith.index_cast %add3A_1308 : i32 to index
        %get3A_1320 = arith.constant 16 : index
        %get3A_1321 = tpu.vector_load %arg12[%get3A_1319, %get3A_1320] {strides = array<i32>} : memref<128x128xf32, #tpu.memory_space<vmem>>, vector<1x16xf32>,
        %get3A_1322 = vector.shape_cast %get3A_1321 : vector<1x16xf32> to vector<16xf32>
        %mul3A_1323 = arith.mulf %get3A_1322, %broadcast_in_dim3A_1306 : vector<16xf32>
        %swap3A_1324 = arith.index_cast %add3A_1308 : i32 to index
        %swap3A_1325 = arith.constant 16 : index
        %swap3A_1326 = tpu.vector_load %arg12[%swap3A_1324, %swap3A_1325] {strides = array<i32>} : memref<128x128xf32, #tpu.memory_space<vmem>>, vector<1x16xf32>,
        %swap3A_1327 = vector.shape_cast %swap3A_1326 : vector<1x16xf32> to vector<16xf32>
        %swap3A_1328 = vector.shape_cast %mul3A_1323 : vector<16xf32> to vector<1x16xf32>
        tpu.vector_store %arg12[%swap3A_1324, %swap3A_1325], %swap3A_1328 {strides = array<i32>} : memref<128x128xf32, #tpu.memory_space<vmem>>, vector<1x16xf32>,
        %get3A_1329 = arith.index_cast %add3A_1308 : i32 to index
        %get3A_1330 = arith.constant 32 : index
        %get3A_1331 = tpu.vector_load %arg12[%get3A_1329, %get3A_1330] {strides = array<i32>} : memref<128x128xf32, #tpu.memory_space<vmem>>, vector<1x16xf32>,
        %get3A_1332 = vector.shape_cast %get3A_1331 : vector<1x16xf32> to vector<16xf32>
        %mul3A_1333 = arith.mulf %get3A_1332, %broadcast_in_dim3A_1306 : vector<16xf32>
        %swap3A_1334 = arith.index_cast %add3A_1308 : i32 to index
        %swap3A_1335 = arith.constant 32 : index
        %swap3A_1336 = tpu.vector_load %arg12[%swap3A_1334, %swap3A_1335] {strides = array<i32>} : memref<128x128xf32, #tpu.memory_space<vmem>>, vector<1x16xf32>,
        %swap3A_1337 = vector.shape_cast %swap3A_1336 : vector<1x16xf32> to vector<16xf32>
        %swap3A_1338 = vector.shape_cast %mul3A_1333 : vector<16xf32> to vector<1x16xf32>
        tpu.vector_store %arg12[%swap3A_1334, %swap3A_1335], %swap3A_1338 {strides = array<i32>} : memref<128x128xf32, #tpu.memory_space<vmem>>, vector<1x16xf32>,
        %get3A_1339 = arith.index_cast %add3A_1308 : i32 to index
        %get3A_1340 = arith.constant 48 : index
        %get3A_1341 = tpu.vector_load %arg12[%get3A_1339, %get3A_1340] {strides = array<i32>} : memref<128x128xf32, #tpu.memory_space<vmem>>, vector<1x16xf32>,
        %get3A_1342 = vector.shape_cast %get3A_1341 : vector<1x16xf32> to vector<16xf32>
        %mul3A_1343 = arith.mulf %get3A_1342, %broadcast_in_dim3A_1306 : vector<16xf32>
        %swap3A_1344 = arith.index_cast %add3A_1308 : i32 to index
        %swap3A_1345 = arith.constant 48 : index
        %swap3A_1346 = tpu.vector_load %arg12[%swap3A_1344, %swap3A_1345] {strides = array<i32>} : memref<128x128xf32, #tpu.memory_space<vmem>>, vector<1x16xf32>,
        %swap3A_1347 = vector.shape_cast %swap3A_1346 : vector<1x16xf32> to vector<16xf32>
        %swap3A_1348 = vector.shape_cast %mul3A_1343 : vector<16xf32> to vector<1x16xf32>
        tpu.vector_store %arg12[%swap3A_1344, %swap3A_1345], %swap3A_1348 {strides = array<i32>} : memref<128x128xf32, #tpu.memory_space<vmem>>, vector<1x16xf32>,
        %get3A_1349 = arith.index_cast %add3A_1308 : i32 to index
        %get3A_1350 = arith.constant 64 : index
        %get3A_1351 = tpu.vector_load %arg12[%get3A_1349, %get3A_1350] {strides = array<i32>} : memref<128x128xf32, #tpu.memory_space<vmem>>, vector<1x16xf32>,
        %get3A_1352 = vector.shape_cast %get3A_1351 : vector<1x16xf32> to vector<16xf32>
        %mul3A_1353 = arith.mulf %get3A_1352, %broadcast_in_dim3A_1306 : vector<16xf32>
        %swap3A_1354 = arith.index_cast %add3A_1308 : i32 to index
        %swap3A_1355 = arith.constant 64 : index
        %swap3A_1356 = tpu.vector_load %arg12[%swap3A_1354, %swap3A_1355] {strides = array<i32>} : memref<128x128xf32, #tpu.memory_space<vmem>>, vector<1x16xf32>,
        %swap3A_1357 = vector.shape_cast %swap3A_1356 : vector<1x16xf32> to vector<16xf32>
        %swap3A_1358 = vector.shape_cast %mul3A_1353 : vector<16xf32> to vector<1x16xf32>
        tpu.vector_store %arg12[%swap3A_1354, %swap3A_1355], %swap3A_1358 {strides = array<i32>} : memref<128x128xf32, #tpu.memory_space<vmem>>, vector<1x16xf32>,
        %get3A_1359 = arith.index_cast %add3A_1308 : i32 to index
        %get3A_1360 = arith.constant 80 : index
        %get3A_1361 = tpu.vector_load %arg12[%get3A_1359, %get3A_1360] {strides = array<i32>} : memref<128x128xf32, #tpu.memory_space<vmem>>, vector<1x16xf32>,
        %get3A_1362 = vector.shape_cast %get3A_1361 : vector<1x16xf32> to vector<16xf32>
        %mul3A_1363 = arith.mulf %get3A_1362, %broadcast_in_dim3A_1306 : vector<16xf32>
        %swap3A_1364 = arith.index_cast %add3A_1308 : i32 to index
        %swap3A_1365 = arith.constant 80 : index
        %swap3A_1366 = tpu.vector_load %arg12[%swap3A_1364, %swap3A_1365] {strides = array<i32>} : memref<128x128xf32, #tpu.memory_space<vmem>>, vector<1x16xf32>,
        %swap3A_1367 = vector.shape_cast %swap3A_1366 : vector<1x16xf32> to vector<16xf32>
        %swap3A_1368 = vector.shape_cast %mul3A_1363 : vector<16xf32> to vector<1x16xf32>
        tpu.vector_store %arg12[%swap3A_1364, %swap3A_1365], %swap3A_1368 {strides = array<i32>} : memref<128x128xf32, #tpu.memory_space<vmem>>, vector<1x16xf32>,
        %get3A_1369 = arith.index_cast %add3A_1308 : i32 to index
        %get3A_1370 = arith.constant 96 : index
        %get3A_1371 = tpu.vector_load %arg12[%get3A_1369, %get3A_1370] {strides = array<i32>} : memref<128x128xf32, #tpu.memory_space<vmem>>, vector<1x16xf32>,
        %get3A_1372 = vector.shape_cast %get3A_1371 : vector<1x16xf32> to vector<16xf32>
        %mul3A_1373 = arith.mulf %get3A_1372, %broadcast_in_dim3A_1306 : vector<16xf32>
        %swap3A_1374 = arith.index_cast %add3A_1308 : i32 to index
        %swap3A_1375 = arith.constant 96 : index
        %swap3A_1376 = tpu.vector_load %arg12[%swap3A_1374, %swap3A_1375] {strides = array<i32>} : memref<128x128xf32, #tpu.memory_space<vmem>>, vector<1x16xf32>,
        %swap3A_1377 = vector.shape_cast %swap3A_1376 : vector<1x16xf32> to vector<16xf32>
        %swap3A_1378 = vector.shape_cast %mul3A_1373 : vector<16xf32> to vector<1x16xf32>
        tpu.vector_store %arg12[%swap3A_1374, %swap3A_1375], %swap3A_1378 {strides = array<i32>} : memref<128x128xf32, #tpu.memory_space<vmem>>, vector<1x16xf32>,
        %get3A_1379 = arith.index_cast %add3A_1308 : i32 to index
        %get3A_1380 = arith.constant 112 : index
        %get3A_1381 = tpu.vector_load %arg12[%get3A_1379, %get3A_1380] {strides = array<i32>} : memref<128x128xf32, #tpu.memory_space<vmem>>, vector<1x16xf32>,
        %get3A_1382 = vector.shape_cast %get3A_1381 : vector<1x16xf32> to vector<16xf32>
        %mul3A_1383 = arith.mulf %get3A_1382, %broadcast_in_dim3A_1306 : vector<16xf32>
        %swap3A_1384 = arith.index_cast %add3A_1308 : i32 to index
        %swap3A_1385 = arith.constant 112 : index
        %swap3A_1386 = tpu.vector_load %arg12[%swap3A_1384, %swap3A_1385] {strides = array<i32>} : memref<128x128xf32, #tpu.memory_space<vmem>>, vector<1x16xf32>,
        %swap3A_1387 = vector.shape_cast %swap3A_1386 : vector<1x16xf32> to vector<16xf32>
        %swap3A_1388 = vector.shape_cast %mul3A_1383 : vector<16xf32> to vector<1x16xf32>
        tpu.vector_store %arg12[%swap3A_1384, %swap3A_1385], %swap3A_1388 {strides = array<i32>} : memref<128x128xf32, #tpu.memory_space<vmem>>, vector<1x16xf32>,
      }
      %scan3A_25 = arith.constant 8 : i32
      "tpu.region"() ({
        %run_scoped3A = tpu.sem_alloc : memref<!tpu.dma_semaphore, #tpu.memory_space<semaphore_mem>>
        %dma_start3A_26 = arith.constant 0 : i32
        %dma_start3A_27 = tpu.memref_slice %arg10[%scan3A_9, %dma_start3A_26] : memref<79x128xi32, #tpu.memory_space<vmem>> -> memref<1x128xi32, #tpu.memory_space<vmem>>
        %dma_start3A_28 = tpu.memref_squeeze %dma_start3A_27 : memref<1x128xi32, #tpu.memory_space<vmem>> -> memref<128xi32, #tpu.memory_space<vmem>>
        %dma_start3A_29 = arith.constant 0 : i32
        %dma_start3A_30 = arith.constant 0 : i32
        %dma_start3A_31 = tpu.memref_slice %arg8[%dma_start3A_29, %dma_start3A_30] : memref<10240x128xf32, #tpu.memory_space<vmem_shared>> -> memref<10240x128xf32, #tpu.memory_space<vmem_shared>>
        tpu.enqueue_indirect_dma source(%arg12 : memref<128x128xf32, #tpu.memory_space<vmem>>) target(%dma_start3A_31 : memref<10240x128xf32, #tpu.memory_space<vmem_shared>>) offsets(%dma_start3A_28 : memref<128xi32, #tpu.memory_space<vmem>>) semaphore(%run_scoped3A : memref<!tpu.dma_semaphore, #tpu.memory_space<semaphore_mem>>) {add = true}
        %dma_wait3A_32 = arith.constant 0 : i32
        %dma_wait3A_33 = tpu.memref_slice %arg10[%scan3A_9, %dma_wait3A_32] : memref<79x128xi32, #tpu.memory_space<vmem>> -> memref<1x128xi32, #tpu.memory_space<vmem>>
        %dma_wait3A_34 = tpu.memref_squeeze %dma_wait3A_33 : memref<1x128xi32, #tpu.memory_space<vmem>> -> memref<128xi32, #tpu.memory_space<vmem>>
        %dma_wait3A_35 = arith.constant 0 : i32
        %dma_wait3A_36 = arith.constant 0 : i32
        %dma_wait3A_37 = tpu.memref_slice %arg8[%dma_wait3A_35, %dma_wait3A_36] : memref<10240x128xf32, #tpu.memory_space<vmem_shared>> -> memref<10240x128xf32, #tpu.memory_space<vmem_shared>>
        tpu.wait_indirect_dma semaphore(%run_scoped3A : memref<!tpu.dma_semaphore, #tpu.memory_space<semaphore_mem>>) src(%arg12 : memref<128x128xf32, #tpu.memory_space<vmem>>) dst(%dma_wait3A_37 : memref<10240x128xf32, #tpu.memory_space<vmem_shared>>)
        tpu.yield
      }) : () -> ()
    }
    %scan3A_5 = arith.constant 79 : i32
    %barrier3A_6 = arith.constant 0 : index
    tpu.barrier barrier_id(%barrier3A_6)
    %mul3A_7 = arith.constant 128 : i32
    %mul3A_8 = arith.muli %arg0, %mul3A_7 : i32
    "tpu.region"() ({
      %run_scoped3A = tpu.sem_alloc : memref<!tpu.dma_semaphore, #tpu.memory_space<semaphore_mem>>
      %dma_start3A = tpu.memref_slice %arg7[%multiple_of3A, %mul3A_8] : memref<10240x256xf32, #tpu.memory_space<hbm>> -> memref<640x128xf32, #tpu.memory_space<hbm>>
      %dma_start3A_9 = arith.constant 0 : i32
      %dma_start3A_10 = tpu.memref_slice %arg8[%multiple_of3A, %dma_start3A_9] : memref<10240x128xf32, #tpu.memory_space<vmem_shared>> -> memref<640x128xf32, #tpu.memory_space<vmem_shared>>
      tpu.enqueue_dma source(%dma_start3A_10 : memref<640x128xf32, #tpu.memory_space<vmem_shared>>) target(%dma_start3A : memref<640x128xf32, #tpu.memory_space<hbm>>) target_semaphore(%run_scoped3A : memref<!tpu.dma_semaphore, #tpu.memory_space<semaphore_mem>>)
      %dma_wait3A = tpu.memref_slice %arg7[%multiple_of3A, %mul3A_8] : memref<10240x256xf32, #tpu.memory_space<hbm>> -> memref<640x128xf32, #tpu.memory_space<hbm>>
      %dma_wait3A_11 = arith.constant 0 : i32
      %dma_wait3A_12 = tpu.memref_slice %arg8[%multiple_of3A, %dma_wait3A_11] : memref<10240x128xf32, #tpu.memory_space<vmem_shared>> -> memref<640x128xf32, #tpu.memory_space<vmem_shared>>
      tpu.wait_dma2 semaphore(%run_scoped3A : memref<!tpu.dma_semaphore, #tpu.memory_space<semaphore_mem>>) src(%dma_wait3A_12 : memref<640x128xf32, #tpu.memory_space<vmem_shared>>) dst(%dma_wait3A : memref<640x128xf32, #tpu.memory_space<hbm>>)
      tpu.yield
    }) : () -> ()
    return
  }
}

#map = affine_map<(d0, d1) -> (0, 0)>
#map1 = affine_map<(d0, d1) -> (0, 0, 0, 0)>
#map2 = affine_map<(d0, d1) -> (0, 0, 0)>
module attributes {stable_mosaic.version = 14 : i64} {
  func.func @k(%arg0: i32, %arg1: i32, %arg2: memref<20480x128xf32, #tpu.memory_space<hbm>>, %arg3: memref<2x16x79x128xi32, #tpu.memory_space<hbm>>, %arg4: memref<16x79x128xi32, #tpu.memory_space<hbm>>, %arg5: memref<16x10112xf32, #tpu.memory_space<hbm>>, %arg6: memref<640x128xf32, #tpu.memory_space<hbm>>, %arg7: memref<10240x256xf32, #tpu.memory_space<hbm>>, %arg8: memref<10240x128xf32, #tpu.memory_space<vmem_shared>>, %arg9: memref<79x128xi32, #tpu.memory_space<vmem>>, %arg10: memref<79x128xi32, #tpu.memory_space<vmem>>, %arg11: memref<10112xf32, #tpu.memory_space<vmem>>, %arg12: memref<128x128xf32, #tpu.memory_space<vmem>>, %arg13: memref<!tpu.dma_semaphore, #tpu.memory_space<semaphore_mem>>) attributes {dimension_semantics = [#tpu.dimension_semantics<core_parallel>, #tpu.dimension_semantics<subcore_parallel>], iteration_bounds = array<i64: 2, 16>, scalar_prefetch = 0 : i64, scratch_operands = 6 : i64, tpu.core_type = #tpu.core_type<sc_vector_subcore>, window_params = [{transform_indices = #map}, {transform_indices = #map1}, {transform_indices = #map2}, {transform_indices = #map}, {transform_indices = #map}, {transform_indices = #map}]} {
    %mul3A = arith.constant 640 : i32
    %mul3A_0 = arith.muli %arg1, %mul3A : i32
    %multiple_of3A = tpu.assume_multiple %mul3A_0, 8 : i32
    "tpu.region"() ({
      %run_scoped3A = tpu.sem_alloc : memref<!tpu.dma_semaphore, #tpu.memory_space<semaphore_mem>>
      %dma_start3A = arith.constant 0 : i32
      %dma_start3A_9 = tpu.memref_slice %arg8[%multiple_of3A, %dma_start3A] : memref<10240x128xf32, #tpu.memory_space<vmem_shared>> -> memref<640x128xf32, #tpu.memory_space<vmem_shared>>
      tpu.enqueue_dma source(%arg6 : memref<640x128xf32, #tpu.memory_space<hbm>>) target(%dma_start3A_9 : memref<640x128xf32, #tpu.memory_space<vmem_shared>>) target_semaphore(%run_scoped3A : memref<!tpu.dma_semaphore, #tpu.memory_space<semaphore_mem>>)
      %dma_wait3A = arith.constant 0 : i32
      %dma_wait3A_10 = tpu.memref_slice %arg8[%multiple_of3A, %dma_wait3A] : memref<10240x128xf32, #tpu.memory_space<vmem_shared>> -> memref<640x128xf32, #tpu.memory_space<vmem_shared>>
      tpu.wait_dma2 semaphore(%run_scoped3A : memref<!tpu.dma_semaphore, #tpu.memory_space<semaphore_mem>>) src(%arg6 : memref<640x128xf32, #tpu.memory_space<hbm>>) dst(%dma_wait3A_10 : memref<640x128xf32, #tpu.memory_space<vmem_shared>>)
      tpu.yield
    }) : () -> ()
    "tpu.region"() ({
      %run_scoped3A = tpu.sem_alloc : memref<!tpu.dma_semaphore, #tpu.memory_space<semaphore_mem>>
      %dma_start3A = arith.constant 0 : i32
      %dma_start3A_9 = arith.constant 0 : i32
      %dma_start3A_10 = tpu.memref_slice %arg3[%arg0, %arg1, %dma_start3A, %dma_start3A_9] : memref<2x16x79x128xi32, #tpu.memory_space<hbm>> -> memref<1x1x79x128xi32, #tpu.memory_space<hbm>>
      %dma_start3A_11 = tpu.memref_squeeze %dma_start3A_10 : memref<1x1x79x128xi32, #tpu.memory_space<hbm>> -> memref<79x128xi32, #tpu.memory_space<hbm>>
      %dma_start3A_12 = arith.constant 0 : i32
      %dma_start3A_13 = arith.constant 0 : i32
      %dma_start3A_14 = tpu.memref_slice %arg3[%arg0, %arg1, %dma_start3A_12, %dma_start3A_13] : memref<2x16x79x128xi32, #tpu.memory_space<hbm>> -> memref<1x1x79x128xi32, #tpu.memory_space<hbm>>
      %dma_start3A_15 = tpu.memref_squeeze %dma_start3A_14 : memref<1x1x79x128xi32, #tpu.memory_space<hbm>> -> memref<79x128xi32, #tpu.memory_space<hbm>>
      tpu.enqueue_dma source(%dma_start3A_15 : memref<79x128xi32, #tpu.memory_space<hbm>>) target(%arg9 : memref<79x128xi32, #tpu.memory_space<vmem>>) target_semaphore(%run_scoped3A : memref<!tpu.dma_semaphore, #tpu.memory_space<semaphore_mem>>)
      %dma_wait3A = arith.constant 0 : i32
      %dma_wait3A_16 = arith.constant 0 : i32
      %dma_wait3A_17 = tpu.memref_slice %arg3[%arg0, %arg1, %dma_wait3A, %dma_wait3A_16] : memref<2x16x79x128xi32, #tpu.memory_space<hbm>> -> memref<1x1x79x128xi32, #tpu.memory_space<hbm>>
      %dma_wait3A_18 = tpu.memref_squeeze %dma_wait3A_17 : memref<1x1x79x128xi32, #tpu.memory_space<hbm>> -> memref<79x128xi32, #tpu.memory_space<hbm>>
      %dma_wait3A_19 = arith.constant 0 : i32
      %dma_wait3A_20 = arith.constant 0 : i32
      %dma_wait3A_21 = tpu.memref_slice %arg3[%arg0, %arg1, %dma_wait3A_19, %dma_wait3A_20] : memref<2x16x79x128xi32, #tpu.memory_space<hbm>> -> memref<1x1x79x128xi32, #tpu.memory_space<hbm>>
      %dma_wait3A_22 = tpu.memref_squeeze %dma_wait3A_21 : memref<1x1x79x128xi32, #tpu.memory_space<hbm>> -> memref<79x128xi32, #tpu.memory_space<hbm>>
      tpu.wait_dma2 semaphore(%run_scoped3A : memref<!tpu.dma_semaphore, #tpu.memory_space<semaphore_mem>>) src(%dma_wait3A_22 : memref<79x128xi32, #tpu.memory_space<hbm>>) dst(%arg9 : memref<79x128xi32, #tpu.memory_space<vmem>>)
      tpu.yield
    }) : () -> ()
    "tpu.region"() ({
      %run_scoped3A = tpu.sem_alloc : memref<!tpu.dma_semaphore, #tpu.memory_space<semaphore_mem>>
      %dma_start3A = arith.constant 0 : i32
      %dma_start3A_9 = arith.constant 0 : i32
      %dma_start3A_10 = tpu.memref_slice %arg4[%arg1, %dma_start3A, %dma_start3A_9] : memref<16x79x128xi32, #tpu.memory_space<hbm>> -> memref<1x79x128xi32, #tpu.memory_space<hbm>>
      %dma_start3A_11 = tpu.memref_squeeze %dma_start3A_10 : memref<1x79x128xi32, #tpu.memory_space<hbm>> -> memref<79x128xi32, #tpu.memory_space<hbm>>
      %dma_start3A_12 = arith.constant 0 : i32
      %dma_start3A_13 = arith.constant 0 : i32
      %dma_start3A_14 = tpu.memref_slice %arg4[%arg1, %dma_start3A_12, %dma_start3A_13] : memref<16x79x128xi32, #tpu.memory_space<hbm>> -> memref<1x79x128xi32, #tpu.memory_space<hbm>>
      %dma_start3A_15 = tpu.memref_squeeze %dma_start3A_14 : memref<1x79x128xi32, #tpu.memory_space<hbm>> -> memref<79x128xi32, #tpu.memory_space<hbm>>
      tpu.enqueue_dma source(%dma_start3A_15 : memref<79x128xi32, #tpu.memory_space<hbm>>) target(%arg10 : memref<79x128xi32, #tpu.memory_space<vmem>>) target_semaphore(%run_scoped3A : memref<!tpu.dma_semaphore, #tpu.memory_space<semaphore_mem>>)
      %dma_wait3A = arith.constant 0 : i32
      %dma_wait3A_16 = arith.constant 0 : i32
      %dma_wait3A_17 = tpu.memref_slice %arg4[%arg1, %dma_wait3A, %dma_wait3A_16] : memref<16x79x128xi32, #tpu.memory_space<hbm>> -> memref<1x79x128xi32, #tpu.memory_space<hbm>>
      %dma_wait3A_18 = tpu.memref_squeeze %dma_wait3A_17 : memref<1x79x128xi32, #tpu.memory_space<hbm>> -> memref<79x128xi32, #tpu.memory_space<hbm>>
      %dma_wait3A_19 = arith.constant 0 : i32
      %dma_wait3A_20 = arith.constant 0 : i32
      %dma_wait3A_21 = tpu.memref_slice %arg4[%arg1, %dma_wait3A_19, %dma_wait3A_20] : memref<16x79x128xi32, #tpu.memory_space<hbm>> -> memref<1x79x128xi32, #tpu.memory_space<hbm>>
      %dma_wait3A_22 = tpu.memref_squeeze %dma_wait3A_21 : memref<1x79x128xi32, #tpu.memory_space<hbm>> -> memref<79x128xi32, #tpu.memory_space<hbm>>
      tpu.wait_dma2 semaphore(%run_scoped3A : memref<!tpu.dma_semaphore, #tpu.memory_space<semaphore_mem>>) src(%dma_wait3A_22 : memref<79x128xi32, #tpu.memory_space<hbm>>) dst(%arg10 : memref<79x128xi32, #tpu.memory_space<vmem>>)
      tpu.yield
    }) : () -> ()
    "tpu.region"() ({
      %run_scoped3A = tpu.sem_alloc : memref<!tpu.dma_semaphore, #tpu.memory_space<semaphore_mem>>
      %dma_start3A = arith.constant 0 : i32
      %dma_start3A_9 = tpu.memref_slice %arg5[%arg1, %dma_start3A] : memref<16x10112xf32, #tpu.memory_space<hbm>> -> memref<1x10112xf32, #tpu.memory_space<hbm>>
      %dma_start3A_10 = tpu.memref_squeeze %dma_start3A_9 : memref<1x10112xf32, #tpu.memory_space<hbm>> -> memref<10112xf32, #tpu.memory_space<hbm>>
      %dma_start3A_11 = arith.constant 0 : i32
      %dma_start3A_12 = tpu.memref_slice %arg5[%arg1, %dma_start3A_11] : memref<16x10112xf32, #tpu.memory_space<hbm>> -> memref<1x10112xf32, #tpu.memory_space<hbm>>
      %dma_start3A_13 = tpu.memref_squeeze %dma_start3A_12 : memref<1x10112xf32, #tpu.memory_space<hbm>> -> memref<10112xf32, #tpu.memory_space<hbm>>
      tpu.enqueue_dma source(%dma_start3A_13 : memref<10112xf32, #tpu.memory_space<hbm>>) target(%arg11 : memref<10112xf32, #tpu.memory_space<vmem>>) target_semaphore(%run_scoped3A : memref<!tpu.dma_semaphore, #tpu.memory_space<semaphore_mem>>)
      %dma_wait3A = arith.constant 0 : i32
      %dma_wait3A_14 = tpu.memref_slice %arg5[%arg1, %dma_wait3A] : memref<16x10112xf32, #tpu.memory_space<hbm>> -> memref<1x10112xf32, #tpu.memory_space<hbm>>
      %dma_wait3A_15 = tpu.memref_squeeze %dma_wait3A_14 : memref<1x10112xf32, #tpu.memory_space<hbm>> -> memref<10112xf32, #tpu.memory_space<hbm>>
      %dma_wait3A_16 = arith.constant 0 : i32
      %dma_wait3A_17 = tpu.memref_slice %arg5[%arg1, %dma_wait3A_16] : memref<16x10112xf32, #tpu.memory_space<hbm>> -> memref<1x10112xf32, #tpu.memory_space<hbm>>
      %dma_wait3A_18 = tpu.memref_squeeze %dma_wait3A_17 : memref<1x10112xf32, #tpu.memory_space<hbm>> -> memref<10112xf32, #tpu.memory_space<hbm>>
      tpu.wait_dma2 semaphore(%run_scoped3A : memref<!tpu.dma_semaphore, #tpu.memory_space<semaphore_mem>>) src(%dma_wait3A_18 : memref<10112xf32, #tpu.memory_space<hbm>>) dst(%arg11 : memref<10112xf32, #tpu.memory_space<vmem>>)
      tpu.yield
    }) : () -> ()
    %barrier3A = arith.constant 0 : index
    tpu.barrier barrier_id(%barrier3A)
    %scan3A = arith.constant 0 : i32
    %scan3A_1 = arith.constant 0 : i32
    %scan3A_2 = arith.constant 79 : i32
    %scan3A_3 = arith.addi %scan3A_1, %scan3A_2 : i32
    %scan3A_4 = arith.constant 1 : i32
    scf.for %scan3A_9 = %scan3A_1 to %scan3A_3 step %scan3A_4  : i32 {
      %dma_start3A = arith.constant 0 : i32
      %dma_start3A_10 = tpu.memref_slice %arg9[%scan3A_9, %dma_start3A] : memref<79x128xi32, #tpu.memory_space<vmem>> -> memref<1x128xi32, #tpu.memory_space<vmem>>
      %dma_start3A_11 = tpu.memref_squeeze %dma_start3A_10 : memref<1x128xi32, #tpu.memory_space<vmem>> -> memref<128xi32, #tpu.memory_space<vmem>>
      %dma_start3A_12 = arith.constant 0 : i32
      %dma_start3A_13 = arith.constant 0 : i32
      %dma_start3A_14 = tpu.memref_slice %arg2[%dma_start3A_12, %dma_start3A_13] : memref<20480x128xf32, #tpu.memory_space<hbm>> -> memref<20480x128xf32, #tpu.memory_space<hbm>>
      tpu.enqueue_indirect_dma source(%dma_start3A_14 : memref<20480x128xf32, #tpu.memory_space<hbm>>) target(%arg12 : memref<128x128xf32, #tpu.memory_space<vmem>>) offsets(%dma_start3A_11 : memref<128xi32, #tpu.memory_space<vmem>>) semaphore(%arg13 : memref<!tpu.dma_semaphore, #tpu.memory_space<semaphore_mem>>)
      %dma_wait3A = arith.constant 0 : i32
      %dma_wait3A_15 = tpu.memref_slice %arg9[%scan3A_9, %dma_wait3A] : memref<79x128xi32, #tpu.memory_space<vmem>> -> memref<1x128xi32, #tpu.memory_space<vmem>>
      %dma_wait3A_16 = tpu.memref_squeeze %dma_wait3A_15 : memref<1x128xi32, #tpu.memory_space<vmem>> -> memref<128xi32, #tpu.memory_space<vmem>>
      %dma_wait3A_17 = arith.constant 0 : i32
      %dma_wait3A_18 = arith.constant 0 : i32
      %dma_wait3A_19 = tpu.memref_slice %arg2[%dma_wait3A_17, %dma_wait3A_18] : memref<20480x128xf32, #tpu.memory_space<hbm>> -> memref<20480x128xf32, #tpu.memory_space<hbm>>
      tpu.wait_indirect_dma semaphore(%arg13 : memref<!tpu.dma_semaphore, #tpu.memory_space<semaphore_mem>>) src(%dma_wait3A_19 : memref<20480x128xf32, #tpu.memory_space<hbm>>) dst(%arg12 : memref<128x128xf32, #tpu.memory_space<vmem>>)
      %scan3A_20 = arith.constant 0 : i32
      %scan3A_21 = arith.constant 0 : i32
      %scan3A_22 = arith.constant 8 : i32
      %scan3A_23 = arith.addi %scan3A_21, %scan3A_22 : i32
      %scan3A_24 = arith.constant 1 : i32
      scf.for %scan3A_26 = %scan3A_21 to %scan3A_23 step %scan3A_24  : i32 {
        %mul3A_27 = arith.constant 16 : i32
        %mul3A_28 = arith.muli %scan3A_26, %mul3A_27 : i32
        %mul3A_29 = arith.constant 128 : i32
        %mul3A_30 = arith.muli %scan3A_9, %mul3A_29 : i32
        %add3A = arith.addi %mul3A_30, %mul3A_28 : i32
        %get3A = arith.index_cast %add3A : i32 to index
        %get3A_31 = tpu.vector_load %arg11[%get3A] {strides = array<i32>} : memref<10112xf32, #tpu.memory_space<vmem>>, vector<16xf32>,
        %get3A_32 = vector.shape_cast %get3A_31 : vector<16xf32> to vector<16xf32>
        %slice3A = vector.extract_strided_slice %get3A_32 {offsets = [0], sizes = [1], strides = [1]} : vector<16xf32> to vector<1xf32>
        %squeeze3A = vector.extract %slice3A[0] : f32 from vector<1xf32>
        %broadcast_in_dim3A = vector.broadcast %squeeze3A : f32 to vector<16xf32>
        %add3A_33 = arith.constant 0 : i32
        %add3A_34 = arith.addi %mul3A_28, %add3A_33 : i32
        %get3A_35 = arith.index_cast %add3A_34 : i32 to index
        %get3A_36 = arith.constant 0 : index
        %get3A_37 = tpu.vector_load %arg12[%get3A_35, %get3A_36] {strides = array<i32>} : memref<128x128xf32, #tpu.memory_space<vmem>>, vector<1x16xf32>,
        %get3A_38 = vector.shape_cast %get3A_37 : vector<1x16xf32> to vector<16xf32>
        %mul3A_39 = arith.mulf %get3A_38, %broadcast_in_dim3A : vector<16xf32>
        %swap3A = arith.index_cast %add3A_34 : i32 to index
        %swap3A_40 = arith.constant 0 : index
        %swap3A_41 = tpu.vector_load %arg12[%swap3A, %swap3A_40] {strides = array<i32>} : memref<128x128xf32, #tpu.memory_space<vmem>>, vector<1x16xf32>,
        %swap3A_42 = vector.shape_cast %swap3A_41 : vector<1x16xf32> to vector<16xf32>
        %swap3A_43 = vector.shape_cast %mul3A_39 : vector<16xf32> to vector<1x16xf32>
        tpu.vector_store %arg12[%swap3A, %swap3A_40], %swap3A_43 {strides = array<i32>} : memref<128x128xf32, #tpu.memory_space<vmem>>, vector<1x16xf32>,
        %get3A_44 = arith.index_cast %add3A_34 : i32 to index
        %get3A_45 = arith.constant 16 : index
        %get3A_46 = tpu.vector_load %arg12[%get3A_44, %get3A_45] {strides = array<i32>} : memref<128x128xf32, #tpu.memory_space<vmem>>, vector<1x16xf32>,
        %get3A_47 = vector.shape_cast %get3A_46 : vector<1x16xf32> to vector<16xf32>
        %mul3A_48 = arith.mulf %get3A_47, %broadcast_in_dim3A : vector<16xf32>
        %swap3A_49 = arith.index_cast %add3A_34 : i32 to index
        %swap3A_50 = arith.constant 16 : index
        %swap3A_51 = tpu.vector_load %arg12[%swap3A_49, %swap3A_50] {strides = array<i32>} : memref<128x128xf32, #tpu.memory_space<vmem>>, vector<1x16xf32>,
        %swap3A_52 = vector.shape_cast %swap3A_51 : vector<1x16xf32> to vector<16xf32>
        %swap3A_53 = vector.shape_cast %mul3A_48 : vector<16xf32> to vector<1x16xf32>
        tpu.vector_store %arg12[%swap3A_49, %swap3A_50], %swap3A_53 {strides = array<i32>} : memref<128x128xf32, #tpu.memory_space<vmem>>, vector<1x16xf32>,
        %get3A_54 = arith.index_cast %add3A_34 : i32 to index
        %get3A_55 = arith.constant 32 : index
        %get3A_56 = tpu.vector_load %arg12[%get3A_54, %get3A_55] {strides = array<i32>} : memref<128x128xf32, #tpu.memory_space<vmem>>, vector<1x16xf32>,
        %get3A_57 = vector.shape_cast %get3A_56 : vector<1x16xf32> to vector<16xf32>
        %mul3A_58 = arith.mulf %get3A_57, %broadcast_in_dim3A : vector<16xf32>
        %swap3A_59 = arith.index_cast %add3A_34 : i32 to index
        %swap3A_60 = arith.constant 32 : index
        %swap3A_61 = tpu.vector_load %arg12[%swap3A_59, %swap3A_60] {strides = array<i32>} : memref<128x128xf32, #tpu.memory_space<vmem>>, vector<1x16xf32>,
        %swap3A_62 = vector.shape_cast %swap3A_61 : vector<1x16xf32> to vector<16xf32>
        %swap3A_63 = vector.shape_cast %mul3A_58 : vector<16xf32> to vector<1x16xf32>
        tpu.vector_store %arg12[%swap3A_59, %swap3A_60], %swap3A_63 {strides = array<i32>} : memref<128x128xf32, #tpu.memory_space<vmem>>, vector<1x16xf32>,
        %get3A_64 = arith.index_cast %add3A_34 : i32 to index
        %get3A_65 = arith.constant 48 : index
        %get3A_66 = tpu.vector_load %arg12[%get3A_64, %get3A_65] {strides = array<i32>} : memref<128x128xf32, #tpu.memory_space<vmem>>, vector<1x16xf32>,
        %get3A_67 = vector.shape_cast %get3A_66 : vector<1x16xf32> to vector<16xf32>
        %mul3A_68 = arith.mulf %get3A_67, %broadcast_in_dim3A : vector<16xf32>
        %swap3A_69 = arith.index_cast %add3A_34 : i32 to index
        %swap3A_70 = arith.constant 48 : index
        %swap3A_71 = tpu.vector_load %arg12[%swap3A_69, %swap3A_70] {strides = array<i32>} : memref<128x128xf32, #tpu.memory_space<vmem>>, vector<1x16xf32>,
        %swap3A_72 = vector.shape_cast %swap3A_71 : vector<1x16xf32> to vector<16xf32>
        %swap3A_73 = vector.shape_cast %mul3A_68 : vector<16xf32> to vector<1x16xf32>
        tpu.vector_store %arg12[%swap3A_69, %swap3A_70], %swap3A_73 {strides = array<i32>} : memref<128x128xf32, #tpu.memory_space<vmem>>, vector<1x16xf32>,
        %get3A_74 = arith.index_cast %add3A_34 : i32 to index
        %get3A_75 = arith.constant 64 : index
        %get3A_76 = tpu.vector_load %arg12[%get3A_74, %get3A_75] {strides = array<i32>} : memref<128x128xf32, #tpu.memory_space<vmem>>, vector<1x16xf32>,
        %get3A_77 = vector.shape_cast %get3A_76 : vector<1x16xf32> to vector<16xf32>
        %mul3A_78 = arith.mulf %get3A_77, %broadcast_in_dim3A : vector<16xf32>
        %swap3A_79 = arith.index_cast %add3A_34 : i32 to index
        %swap3A_80 = arith.constant 64 : index
        %swap3A_81 = tpu.vector_load %arg12[%swap3A_79, %swap3A_80] {strides = array<i32>} : memref<128x128xf32, #tpu.memory_space<vmem>>, vector<1x16xf32>,
        %swap3A_82 = vector.shape_cast %swap3A_81 : vector<1x16xf32> to vector<16xf32>
        %swap3A_83 = vector.shape_cast %mul3A_78 : vector<16xf32> to vector<1x16xf32>
        tpu.vector_store %arg12[%swap3A_79, %swap3A_80], %swap3A_83 {strides = array<i32>} : memref<128x128xf32, #tpu.memory_space<vmem>>, vector<1x16xf32>,
        %get3A_84 = arith.index_cast %add3A_34 : i32 to index
        %get3A_85 = arith.constant 80 : index
        %get3A_86 = tpu.vector_load %arg12[%get3A_84, %get3A_85] {strides = array<i32>} : memref<128x128xf32, #tpu.memory_space<vmem>>, vector<1x16xf32>,
        %get3A_87 = vector.shape_cast %get3A_86 : vector<1x16xf32> to vector<16xf32>
        %mul3A_88 = arith.mulf %get3A_87, %broadcast_in_dim3A : vector<16xf32>
        %swap3A_89 = arith.index_cast %add3A_34 : i32 to index
        %swap3A_90 = arith.constant 80 : index
        %swap3A_91 = tpu.vector_load %arg12[%swap3A_89, %swap3A_90] {strides = array<i32>} : memref<128x128xf32, #tpu.memory_space<vmem>>, vector<1x16xf32>,
        %swap3A_92 = vector.shape_cast %swap3A_91 : vector<1x16xf32> to vector<16xf32>
        %swap3A_93 = vector.shape_cast %mul3A_88 : vector<16xf32> to vector<1x16xf32>
        tpu.vector_store %arg12[%swap3A_89, %swap3A_90], %swap3A_93 {strides = array<i32>} : memref<128x128xf32, #tpu.memory_space<vmem>>, vector<1x16xf32>,
        %get3A_94 = arith.index_cast %add3A_34 : i32 to index
        %get3A_95 = arith.constant 96 : index
        %get3A_96 = tpu.vector_load %arg12[%get3A_94, %get3A_95] {strides = array<i32>} : memref<128x128xf32, #tpu.memory_space<vmem>>, vector<1x16xf32>,
        %get3A_97 = vector.shape_cast %get3A_96 : vector<1x16xf32> to vector<16xf32>
        %mul3A_98 = arith.mulf %get3A_97, %broadcast_in_dim3A : vector<16xf32>
        %swap3A_99 = arith.index_cast %add3A_34 : i32 to index
        %swap3A_100 = arith.constant 96 : index
        %swap3A_101 = tpu.vector_load %arg12[%swap3A_99, %swap3A_100] {strides = array<i32>} : memref<128x128xf32, #tpu.memory_space<vmem>>, vector<1x16xf32>,
        %swap3A_102 = vector.shape_cast %swap3A_101 : vector<1x16xf32> to vector<16xf32>
        %swap3A_103 = vector.shape_cast %mul3A_98 : vector<16xf32> to vector<1x16xf32>
        tpu.vector_store %arg12[%swap3A_99, %swap3A_100], %swap3A_103 {strides = array<i32>} : memref<128x128xf32, #tpu.memory_space<vmem>>, vector<1x16xf32>,
        %get3A_104 = arith.index_cast %add3A_34 : i32 to index
        %get3A_105 = arith.constant 112 : index
        %get3A_106 = tpu.vector_load %arg12[%get3A_104, %get3A_105] {strides = array<i32>} : memref<128x128xf32, #tpu.memory_space<vmem>>, vector<1x16xf32>,
        %get3A_107 = vector.shape_cast %get3A_106 : vector<1x16xf32> to vector<16xf32>
        %mul3A_108 = arith.mulf %get3A_107, %broadcast_in_dim3A : vector<16xf32>
        %swap3A_109 = arith.index_cast %add3A_34 : i32 to index
        %swap3A_110 = arith.constant 112 : index
        %swap3A_111 = tpu.vector_load %arg12[%swap3A_109, %swap3A_110] {strides = array<i32>} : memref<128x128xf32, #tpu.memory_space<vmem>>, vector<1x16xf32>,
        %swap3A_112 = vector.shape_cast %swap3A_111 : vector<1x16xf32> to vector<16xf32>
        %swap3A_113 = vector.shape_cast %mul3A_108 : vector<16xf32> to vector<1x16xf32>
        tpu.vector_store %arg12[%swap3A_109, %swap3A_110], %swap3A_113 {strides = array<i32>} : memref<128x128xf32, #tpu.memory_space<vmem>>, vector<1x16xf32>,
        %slice3A_114 = vector.extract_strided_slice %get3A_32 {offsets = [1], sizes = [1], strides = [1]} : vector<16xf32> to vector<1xf32>
        %squeeze3A_115 = vector.extract %slice3A_114[0] : f32 from vector<1xf32>
        %broadcast_in_dim3A_116 = vector.broadcast %squeeze3A_115 : f32 to vector<16xf32>
        %add3A_117 = arith.constant 1 : i32
        %add3A_118 = arith.addi %mul3A_28, %add3A_117 : i32
        %get3A_119 = arith.index_cast %add3A_118 : i32 to index
        %get3A_120 = arith.constant 0 : index
        %get3A_121 = tpu.vector_load %arg12[%get3A_119, %get3A_120] {strides = array<i32>} : memref<128x128xf32, #tpu.memory_space<vmem>>, vector<1x16xf32>,
        %get3A_122 = vector.shape_cast %get3A_121 : vector<1x16xf32> to vector<16xf32>
        %mul3A_123 = arith.mulf %get3A_122, %broadcast_in_dim3A_116 : vector<16xf32>
        %swap3A_124 = arith.index_cast %add3A_118 : i32 to index
        %swap3A_125 = arith.constant 0 : index
        %swap3A_126 = tpu.vector_load %arg12[%swap3A_124, %swap3A_125] {strides = array<i32>} : memref<128x128xf32, #tpu.memory_space<vmem>>, vector<1x16xf32>,
        %swap3A_127 = vector.shape_cast %swap3A_126 : vector<1x16xf32> to vector<16xf32>
        %swap3A_128 = vector.shape_cast %mul3A_123 : vector<16xf32> to vector<1x16xf32>
        tpu.vector_store %arg12[%swap3A_124, %swap3A_125], %swap3A_128 {strides = array<i32>} : memref<128x128xf32, #tpu.memory_space<vmem>>, vector<1x16xf32>,
        %get3A_129 = arith.index_cast %add3A_118 : i32 to index
        %get3A_130 = arith.constant 16 : index
        %get3A_131 = tpu.vector_load %arg12[%get3A_129, %get3A_130] {strides = array<i32>} : memref<128x128xf32, #tpu.memory_space<vmem>>, vector<1x16xf32>,
        %get3A_132 = vector.shape_cast %get3A_131 : vector<1x16xf32> to vector<16xf32>
        %mul3A_133 = arith.mulf %get3A_132, %broadcast_in_dim3A_116 : vector<16xf32>
        %swap3A_134 = arith.index_cast %add3A_118 : i32 to index
        %swap3A_135 = arith.constant 16 : index
        %swap3A_136 = tpu.vector_load %arg12[%swap3A_134, %swap3A_135] {strides = array<i32>} : memref<128x128xf32, #tpu.memory_space<vmem>>, vector<1x16xf32>,
        %swap3A_137 = vector.shape_cast %swap3A_136 : vector<1x16xf32> to vector<16xf32>
        %swap3A_138 = vector.shape_cast %mul3A_133 : vector<16xf32> to vector<1x16xf32>
        tpu.vector_store %arg12[%swap3A_134, %swap3A_135], %swap3A_138 {strides = array<i32>} : memref<128x128xf32, #tpu.memory_space<vmem>>, vector<1x16xf32>,
        %get3A_139 = arith.index_cast %add3A_118 : i32 to index
        %get3A_140 = arith.constant 32 : index
        %get3A_141 = tpu.vector_load %arg12[%get3A_139, %get3A_140] {strides = array<i32>} : memref<128x128xf32, #tpu.memory_space<vmem>>, vector<1x16xf32>,
        %get3A_142 = vector.shape_cast %get3A_141 : vector<1x16xf32> to vector<16xf32>
        %mul3A_143 = arith.mulf %get3A_142, %broadcast_in_dim3A_116 : vector<16xf32>
        %swap3A_144 = arith.index_cast %add3A_118 : i32 to index
        %swap3A_145 = arith.constant 32 : index
        %swap3A_146 = tpu.vector_load %arg12[%swap3A_144, %swap3A_145] {strides = array<i32>} : memref<128x128xf32, #tpu.memory_space<vmem>>, vector<1x16xf32>,
        %swap3A_147 = vector.shape_cast %swap3A_146 : vector<1x16xf32> to vector<16xf32>
        %swap3A_148 = vector.shape_cast %mul3A_143 : vector<16xf32> to vector<1x16xf32>
        tpu.vector_store %arg12[%swap3A_144, %swap3A_145], %swap3A_148 {strides = array<i32>} : memref<128x128xf32, #tpu.memory_space<vmem>>, vector<1x16xf32>,
        %get3A_149 = arith.index_cast %add3A_118 : i32 to index
        %get3A_150 = arith.constant 48 : index
        %get3A_151 = tpu.vector_load %arg12[%get3A_149, %get3A_150] {strides = array<i32>} : memref<128x128xf32, #tpu.memory_space<vmem>>, vector<1x16xf32>,
        %get3A_152 = vector.shape_cast %get3A_151 : vector<1x16xf32> to vector<16xf32>
        %mul3A_153 = arith.mulf %get3A_152, %broadcast_in_dim3A_116 : vector<16xf32>
        %swap3A_154 = arith.index_cast %add3A_118 : i32 to index
        %swap3A_155 = arith.constant 48 : index
        %swap3A_156 = tpu.vector_load %arg12[%swap3A_154, %swap3A_155] {strides = array<i32>} : memref<128x128xf32, #tpu.memory_space<vmem>>, vector<1x16xf32>,
        %swap3A_157 = vector.shape_cast %swap3A_156 : vector<1x16xf32> to vector<16xf32>
        %swap3A_158 = vector.shape_cast %mul3A_153 : vector<16xf32> to vector<1x16xf32>
        tpu.vector_store %arg12[%swap3A_154, %swap3A_155], %swap3A_158 {strides = array<i32>} : memref<128x128xf32, #tpu.memory_space<vmem>>, vector<1x16xf32>,
        %get3A_159 = arith.index_cast %add3A_118 : i32 to index
        %get3A_160 = arith.constant 64 : index
        %get3A_161 = tpu.vector_load %arg12[%get3A_159, %get3A_160] {strides = array<i32>} : memref<128x128xf32, #tpu.memory_space<vmem>>, vector<1x16xf32>,
        %get3A_162 = vector.shape_cast %get3A_161 : vector<1x16xf32> to vector<16xf32>
        %mul3A_163 = arith.mulf %get3A_162, %broadcast_in_dim3A_116 : vector<16xf32>
        %swap3A_164 = arith.index_cast %add3A_118 : i32 to index
        %swap3A_165 = arith.constant 64 : index
        %swap3A_166 = tpu.vector_load %arg12[%swap3A_164, %swap3A_165] {strides = array<i32>} : memref<128x128xf32, #tpu.memory_space<vmem>>, vector<1x16xf32>,
        %swap3A_167 = vector.shape_cast %swap3A_166 : vector<1x16xf32> to vector<16xf32>
        %swap3A_168 = vector.shape_cast %mul3A_163 : vector<16xf32> to vector<1x16xf32>
        tpu.vector_store %arg12[%swap3A_164, %swap3A_165], %swap3A_168 {strides = array<i32>} : memref<128x128xf32, #tpu.memory_space<vmem>>, vector<1x16xf32>,
        %get3A_169 = arith.index_cast %add3A_118 : i32 to index
        %get3A_170 = arith.constant 80 : index
        %get3A_171 = tpu.vector_load %arg12[%get3A_169, %get3A_170] {strides = array<i32>} : memref<128x128xf32, #tpu.memory_space<vmem>>, vector<1x16xf32>,
        %get3A_172 = vector.shape_cast %get3A_171 : vector<1x16xf32> to vector<16xf32>
        %mul3A_173 = arith.mulf %get3A_172, %broadcast_in_dim3A_116 : vector<16xf32>
        %swap3A_174 = arith.index_cast %add3A_118 : i32 to index
        %swap3A_175 = arith.constant 80 : index
        %swap3A_176 = tpu.vector_load %arg12[%swap3A_174, %swap3A_175] {strides = array<i32>} : memref<128x128xf32, #tpu.memory_space<vmem>>, vector<1x16xf32>,
        %swap3A_177 = vector.shape_cast %swap3A_176 : vector<1x16xf32> to vector<16xf32>
        %swap3A_178 = vector.shape_cast %mul3A_173 : vector<16xf32> to vector<1x16xf32>
        tpu.vector_store %arg12[%swap3A_174, %swap3A_175], %swap3A_178 {strides = array<i32>} : memref<128x128xf32, #tpu.memory_space<vmem>>, vector<1x16xf32>,
        %get3A_179 = arith.index_cast %add3A_118 : i32 to index
        %get3A_180 = arith.constant 96 : index
        %get3A_181 = tpu.vector_load %arg12[%get3A_179, %get3A_180] {strides = array<i32>} : memref<128x128xf32, #tpu.memory_space<vmem>>, vector<1x16xf32>,
        %get3A_182 = vector.shape_cast %get3A_181 : vector<1x16xf32> to vector<16xf32>
        %mul3A_183 = arith.mulf %get3A_182, %broadcast_in_dim3A_116 : vector<16xf32>
        %swap3A_184 = arith.index_cast %add3A_118 : i32 to index
        %swap3A_185 = arith.constant 96 : index
        %swap3A_186 = tpu.vector_load %arg12[%swap3A_184, %swap3A_185] {strides = array<i32>} : memref<128x128xf32, #tpu.memory_space<vmem>>, vector<1x16xf32>,
        %swap3A_187 = vector.shape_cast %swap3A_186 : vector<1x16xf32> to vector<16xf32>
        %swap3A_188 = vector.shape_cast %mul3A_183 : vector<16xf32> to vector<1x16xf32>
        tpu.vector_store %arg12[%swap3A_184, %swap3A_185], %swap3A_188 {strides = array<i32>} : memref<128x128xf32, #tpu.memory_space<vmem>>, vector<1x16xf32>,
        %get3A_189 = arith.index_cast %add3A_118 : i32 to index
        %get3A_190 = arith.constant 112 : index
        %get3A_191 = tpu.vector_load %arg12[%get3A_189, %get3A_190] {strides = array<i32>} : memref<128x128xf32, #tpu.memory_space<vmem>>, vector<1x16xf32>,
        %get3A_192 = vector.shape_cast %get3A_191 : vector<1x16xf32> to vector<16xf32>
        %mul3A_193 = arith.mulf %get3A_192, %broadcast_in_dim3A_116 : vector<16xf32>
        %swap3A_194 = arith.index_cast %add3A_118 : i32 to index
        %swap3A_195 = arith.constant 112 : index
        %swap3A_196 = tpu.vector_load %arg12[%swap3A_194, %swap3A_195] {strides = array<i32>} : memref<128x128xf32, #tpu.memory_space<vmem>>, vector<1x16xf32>,
        %swap3A_197 = vector.shape_cast %swap3A_196 : vector<1x16xf32> to vector<16xf32>
        %swap3A_198 = vector.shape_cast %mul3A_193 : vector<16xf32> to vector<1x16xf32>
        tpu.vector_store %arg12[%swap3A_194, %swap3A_195], %swap3A_198 {strides = array<i32>} : memref<128x128xf32, #tpu.memory_space<vmem>>, vector<1x16xf32>,
        %slice3A_199 = vector.extract_strided_slice %get3A_32 {offsets = [2], sizes = [1], strides = [1]} : vector<16xf32> to vector<1xf32>
        %squeeze3A_200 = vector.extract %slice3A_199[0] : f32 from vector<1xf32>
        %broadcast_in_dim3A_201 = vector.broadcast %squeeze3A_200 : f32 to vector<16xf32>
        %add3A_202 = arith.constant 2 : i32
        %add3A_203 = arith.addi %mul3A_28, %add3A_202 : i32
        %get3A_204 = arith.index_cast %add3A_203 : i32 to index
        %get3A_205 = arith.constant 0 : index
        %get3A_206 = tpu.vector_load %arg12[%get3A_204, %get3A_205] {strides = array<i32>} : memref<128x128xf32, #tpu.memory_space<vmem>>, vector<1x16xf32>,
        %get3A_207 = vector.shape_cast %get3A_206 : vector<1x16xf32> to vector<16xf32>
        %mul3A_208 = arith.mulf %get3A_207, %broadcast_in_dim3A_201 : vector<16xf32>
        %swap3A_209 = arith.index_cast %add3A_203 : i32 to index
        %swap3A_210 = arith.constant 0 : index
        %swap3A_211 = tpu.vector_load %arg12[%swap3A_209, %swap3A_210] {strides = array<i32>} : memref<128x128xf32, #tpu.memory_space<vmem>>, vector<1x16xf32>,
        %swap3A_212 = vector.shape_cast %swap3A_211 : vector<1x16xf32> to vector<16xf32>
        %swap3A_213 = vector.shape_cast %mul3A_208 : vector<16xf32> to vector<1x16xf32>
        tpu.vector_store %arg12[%swap3A_209, %swap3A_210], %swap3A_213 {strides = array<i32>} : memref<128x128xf32, #tpu.memory_space<vmem>>, vector<1x16xf32>,
        %get3A_214 = arith.index_cast %add3A_203 : i32 to index
        %get3A_215 = arith.constant 16 : index
        %get3A_216 = tpu.vector_load %arg12[%get3A_214, %get3A_215] {strides = array<i32>} : memref<128x128xf32, #tpu.memory_space<vmem>>, vector<1x16xf32>,
        %get3A_217 = vector.shape_cast %get3A_216 : vector<1x16xf32> to vector<16xf32>
        %mul3A_218 = arith.mulf %get3A_217, %broadcast_in_dim3A_201 : vector<16xf32>
        %swap3A_219 = arith.index_cast %add3A_203 : i32 to index
        %swap3A_220 = arith.constant 16 : index
        %swap3A_221 = tpu.vector_load %arg12[%swap3A_219, %swap3A_220] {strides = array<i32>} : memref<128x128xf32, #tpu.memory_space<vmem>>, vector<1x16xf32>,
        %swap3A_222 = vector.shape_cast %swap3A_221 : vector<1x16xf32> to vector<16xf32>
        %swap3A_223 = vector.shape_cast %mul3A_218 : vector<16xf32> to vector<1x16xf32>
        tpu.vector_store %arg12[%swap3A_219, %swap3A_220], %swap3A_223 {strides = array<i32>} : memref<128x128xf32, #tpu.memory_space<vmem>>, vector<1x16xf32>,
        %get3A_224 = arith.index_cast %add3A_203 : i32 to index
        %get3A_225 = arith.constant 32 : index
        %get3A_226 = tpu.vector_load %arg12[%get3A_224, %get3A_225] {strides = array<i32>} : memref<128x128xf32, #tpu.memory_space<vmem>>, vector<1x16xf32>,
        %get3A_227 = vector.shape_cast %get3A_226 : vector<1x16xf32> to vector<16xf32>
        %mul3A_228 = arith.mulf %get3A_227, %broadcast_in_dim3A_201 : vector<16xf32>
        %swap3A_229 = arith.index_cast %add3A_203 : i32 to index
        %swap3A_230 = arith.constant 32 : index
        %swap3A_231 = tpu.vector_load %arg12[%swap3A_229, %swap3A_230] {strides = array<i32>} : memref<128x128xf32, #tpu.memory_space<vmem>>, vector<1x16xf32>,
        %swap3A_232 = vector.shape_cast %swap3A_231 : vector<1x16xf32> to vector<16xf32>
        %swap3A_233 = vector.shape_cast %mul3A_228 : vector<16xf32> to vector<1x16xf32>
        tpu.vector_store %arg12[%swap3A_229, %swap3A_230], %swap3A_233 {strides = array<i32>} : memref<128x128xf32, #tpu.memory_space<vmem>>, vector<1x16xf32>,
        %get3A_234 = arith.index_cast %add3A_203 : i32 to index
        %get3A_235 = arith.constant 48 : index
        %get3A_236 = tpu.vector_load %arg12[%get3A_234, %get3A_235] {strides = array<i32>} : memref<128x128xf32, #tpu.memory_space<vmem>>, vector<1x16xf32>,
        %get3A_237 = vector.shape_cast %get3A_236 : vector<1x16xf32> to vector<16xf32>
        %mul3A_238 = arith.mulf %get3A_237, %broadcast_in_dim3A_201 : vector<16xf32>
        %swap3A_239 = arith.index_cast %add3A_203 : i32 to index
        %swap3A_240 = arith.constant 48 : index
        %swap3A_241 = tpu.vector_load %arg12[%swap3A_239, %swap3A_240] {strides = array<i32>} : memref<128x128xf32, #tpu.memory_space<vmem>>, vector<1x16xf32>,
        %swap3A_242 = vector.shape_cast %swap3A_241 : vector<1x16xf32> to vector<16xf32>
        %swap3A_243 = vector.shape_cast %mul3A_238 : vector<16xf32> to vector<1x16xf32>
        tpu.vector_store %arg12[%swap3A_239, %swap3A_240], %swap3A_243 {strides = array<i32>} : memref<128x128xf32, #tpu.memory_space<vmem>>, vector<1x16xf32>,
        %get3A_244 = arith.index_cast %add3A_203 : i32 to index
        %get3A_245 = arith.constant 64 : index
        %get3A_246 = tpu.vector_load %arg12[%get3A_244, %get3A_245] {strides = array<i32>} : memref<128x128xf32, #tpu.memory_space<vmem>>, vector<1x16xf32>,
        %get3A_247 = vector.shape_cast %get3A_246 : vector<1x16xf32> to vector<16xf32>
        %mul3A_248 = arith.mulf %get3A_247, %broadcast_in_dim3A_201 : vector<16xf32>
        %swap3A_249 = arith.index_cast %add3A_203 : i32 to index
        %swap3A_250 = arith.constant 64 : index
        %swap3A_251 = tpu.vector_load %arg12[%swap3A_249, %swap3A_250] {strides = array<i32>} : memref<128x128xf32, #tpu.memory_space<vmem>>, vector<1x16xf32>,
        %swap3A_252 = vector.shape_cast %swap3A_251 : vector<1x16xf32> to vector<16xf32>
        %swap3A_253 = vector.shape_cast %mul3A_248 : vector<16xf32> to vector<1x16xf32>
        tpu.vector_store %arg12[%swap3A_249, %swap3A_250], %swap3A_253 {strides = array<i32>} : memref<128x128xf32, #tpu.memory_space<vmem>>, vector<1x16xf32>,
        %get3A_254 = arith.index_cast %add3A_203 : i32 to index
        %get3A_255 = arith.constant 80 : index
        %get3A_256 = tpu.vector_load %arg12[%get3A_254, %get3A_255] {strides = array<i32>} : memref<128x128xf32, #tpu.memory_space<vmem>>, vector<1x16xf32>,
        %get3A_257 = vector.shape_cast %get3A_256 : vector<1x16xf32> to vector<16xf32>
        %mul3A_258 = arith.mulf %get3A_257, %broadcast_in_dim3A_201 : vector<16xf32>
        %swap3A_259 = arith.index_cast %add3A_203 : i32 to index
        %swap3A_260 = arith.constant 80 : index
        %swap3A_261 = tpu.vector_load %arg12[%swap3A_259, %swap3A_260] {strides = array<i32>} : memref<128x128xf32, #tpu.memory_space<vmem>>, vector<1x16xf32>,
        %swap3A_262 = vector.shape_cast %swap3A_261 : vector<1x16xf32> to vector<16xf32>
        %swap3A_263 = vector.shape_cast %mul3A_258 : vector<16xf32> to vector<1x16xf32>
        tpu.vector_store %arg12[%swap3A_259, %swap3A_260], %swap3A_263 {strides = array<i32>} : memref<128x128xf32, #tpu.memory_space<vmem>>, vector<1x16xf32>,
        %get3A_264 = arith.index_cast %add3A_203 : i32 to index
        %get3A_265 = arith.constant 96 : index
        %get3A_266 = tpu.vector_load %arg12[%get3A_264, %get3A_265] {strides = array<i32>} : memref<128x128xf32, #tpu.memory_space<vmem>>, vector<1x16xf32>,
        %get3A_267 = vector.shape_cast %get3A_266 : vector<1x16xf32> to vector<16xf32>
        %mul3A_268 = arith.mulf %get3A_267, %broadcast_in_dim3A_201 : vector<16xf32>
        %swap3A_269 = arith.index_cast %add3A_203 : i32 to index
        %swap3A_270 = arith.constant 96 : index
        %swap3A_271 = tpu.vector_load %arg12[%swap3A_269, %swap3A_270] {strides = array<i32>} : memref<128x128xf32, #tpu.memory_space<vmem>>, vector<1x16xf32>,
        %swap3A_272 = vector.shape_cast %swap3A_271 : vector<1x16xf32> to vector<16xf32>
        %swap3A_273 = vector.shape_cast %mul3A_268 : vector<16xf32> to vector<1x16xf32>
        tpu.vector_store %arg12[%swap3A_269, %swap3A_270], %swap3A_273 {strides = array<i32>} : memref<128x128xf32, #tpu.memory_space<vmem>>, vector<1x16xf32>,
        %get3A_274 = arith.index_cast %add3A_203 : i32 to index
        %get3A_275 = arith.constant 112 : index
        %get3A_276 = tpu.vector_load %arg12[%get3A_274, %get3A_275] {strides = array<i32>} : memref<128x128xf32, #tpu.memory_space<vmem>>, vector<1x16xf32>,
        %get3A_277 = vector.shape_cast %get3A_276 : vector<1x16xf32> to vector<16xf32>
        %mul3A_278 = arith.mulf %get3A_277, %broadcast_in_dim3A_201 : vector<16xf32>
        %swap3A_279 = arith.index_cast %add3A_203 : i32 to index
        %swap3A_280 = arith.constant 112 : index
        %swap3A_281 = tpu.vector_load %arg12[%swap3A_279, %swap3A_280] {strides = array<i32>} : memref<128x128xf32, #tpu.memory_space<vmem>>, vector<1x16xf32>,
        %swap3A_282 = vector.shape_cast %swap3A_281 : vector<1x16xf32> to vector<16xf32>
        %swap3A_283 = vector.shape_cast %mul3A_278 : vector<16xf32> to vector<1x16xf32>
        tpu.vector_store %arg12[%swap3A_279, %swap3A_280], %swap3A_283 {strides = array<i32>} : memref<128x128xf32, #tpu.memory_space<vmem>>, vector<1x16xf32>,
        %slice3A_284 = vector.extract_strided_slice %get3A_32 {offsets = [3], sizes = [1], strides = [1]} : vector<16xf32> to vector<1xf32>
        %squeeze3A_285 = vector.extract %slice3A_284[0] : f32 from vector<1xf32>
        %broadcast_in_dim3A_286 = vector.broadcast %squeeze3A_285 : f32 to vector<16xf32>
        %add3A_287 = arith.constant 3 : i32
        %add3A_288 = arith.addi %mul3A_28, %add3A_287 : i32
        %get3A_289 = arith.index_cast %add3A_288 : i32 to index
        %get3A_290 = arith.constant 0 : index
        %get3A_291 = tpu.vector_load %arg12[%get3A_289, %get3A_290] {strides = array<i32>} : memref<128x128xf32, #tpu.memory_space<vmem>>, vector<1x16xf32>,
        %get3A_292 = vector.shape_cast %get3A_291 : vector<1x16xf32> to vector<16xf32>
        %mul3A_293 = arith.mulf %get3A_292, %broadcast_in_dim3A_286 : vector<16xf32>
        %swap3A_294 = arith.index_cast %add3A_288 : i32 to index
        %swap3A_295 = arith.constant 0 : index
        %swap3A_296 = tpu.vector_load %arg12[%swap3A_294, %swap3A_295] {strides = array<i32>} : memref<128x128xf32, #tpu.memory_space<vmem>>, vector<1x16xf32>,
        %swap3A_297 = vector.shape_cast %swap3A_296 : vector<1x16xf32> to vector<16xf32>
        %swap3A_298 = vector.shape_cast %mul3A_293 : vector<16xf32> to vector<1x16xf32>
        tpu.vector_store %arg12[%swap3A_294, %swap3A_295], %swap3A_298 {strides = array<i32>} : memref<128x128xf32, #tpu.memory_space<vmem>>, vector<1x16xf32>,
        %get3A_299 = arith.index_cast %add3A_288 : i32 to index
        %get3A_300 = arith.constant 16 : index
        %get3A_301 = tpu.vector_load %arg12[%get3A_299, %get3A_300] {strides = array<i32>} : memref<128x128xf32, #tpu.memory_space<vmem>>, vector<1x16xf32>,
        %get3A_302 = vector.shape_cast %get3A_301 : vector<1x16xf32> to vector<16xf32>
        %mul3A_303 = arith.mulf %get3A_302, %broadcast_in_dim3A_286 : vector<16xf32>
        %swap3A_304 = arith.index_cast %add3A_288 : i32 to index
        %swap3A_305 = arith.constant 16 : index
        %swap3A_306 = tpu.vector_load %arg12[%swap3A_304, %swap3A_305] {strides = array<i32>} : memref<128x128xf32, #tpu.memory_space<vmem>>, vector<1x16xf32>,
        %swap3A_307 = vector.shape_cast %swap3A_306 : vector<1x16xf32> to vector<16xf32>
        %swap3A_308 = vector.shape_cast %mul3A_303 : vector<16xf32> to vector<1x16xf32>
        tpu.vector_store %arg12[%swap3A_304, %swap3A_305], %swap3A_308 {strides = array<i32>} : memref<128x128xf32, #tpu.memory_space<vmem>>, vector<1x16xf32>,
        %get3A_309 = arith.index_cast %add3A_288 : i32 to index
        %get3A_310 = arith.constant 32 : index
        %get3A_311 = tpu.vector_load %arg12[%get3A_309, %get3A_310] {strides = array<i32>} : memref<128x128xf32, #tpu.memory_space<vmem>>, vector<1x16xf32>,
        %get3A_312 = vector.shape_cast %get3A_311 : vector<1x16xf32> to vector<16xf32>
        %mul3A_313 = arith.mulf %get3A_312, %broadcast_in_dim3A_286 : vector<16xf32>
        %swap3A_314 = arith.index_cast %add3A_288 : i32 to index
        %swap3A_315 = arith.constant 32 : index
        %swap3A_316 = tpu.vector_load %arg12[%swap3A_314, %swap3A_315] {strides = array<i32>} : memref<128x128xf32, #tpu.memory_space<vmem>>, vector<1x16xf32>,
        %swap3A_317 = vector.shape_cast %swap3A_316 : vector<1x16xf32> to vector<16xf32>
        %swap3A_318 = vector.shape_cast %mul3A_313 : vector<16xf32> to vector<1x16xf32>
        tpu.vector_store %arg12[%swap3A_314, %swap3A_315], %swap3A_318 {strides = array<i32>} : memref<128x128xf32, #tpu.memory_space<vmem>>, vector<1x16xf32>,
        %get3A_319 = arith.index_cast %add3A_288 : i32 to index
        %get3A_320 = arith.constant 48 : index
        %get3A_321 = tpu.vector_load %arg12[%get3A_319, %get3A_320] {strides = array<i32>} : memref<128x128xf32, #tpu.memory_space<vmem>>, vector<1x16xf32>,
        %get3A_322 = vector.shape_cast %get3A_321 : vector<1x16xf32> to vector<16xf32>
        %mul3A_323 = arith.mulf %get3A_322, %broadcast_in_dim3A_286 : vector<16xf32>
        %swap3A_324 = arith.index_cast %add3A_288 : i32 to index
        %swap3A_325 = arith.constant 48 : index
        %swap3A_326 = tpu.vector_load %arg12[%swap3A_324, %swap3A_325] {strides = array<i32>} : memref<128x128xf32, #tpu.memory_space<vmem>>, vector<1x16xf32>,
        %swap3A_327 = vector.shape_cast %swap3A_326 : vector<1x16xf32> to vector<16xf32>
        %swap3A_328 = vector.shape_cast %mul3A_323 : vector<16xf32> to vector<1x16xf32>
        tpu.vector_store %arg12[%swap3A_324, %swap3A_325], %swap3A_328 {strides = array<i32>} : memref<128x128xf32, #tpu.memory_space<vmem>>, vector<1x16xf32>,
        %get3A_329 = arith.index_cast %add3A_288 : i32 to index
        %get3A_330 = arith.constant 64 : index
        %get3A_331 = tpu.vector_load %arg12[%get3A_329, %get3A_330] {strides = array<i32>} : memref<128x128xf32, #tpu.memory_space<vmem>>, vector<1x16xf32>,
        %get3A_332 = vector.shape_cast %get3A_331 : vector<1x16xf32> to vector<16xf32>
        %mul3A_333 = arith.mulf %get3A_332, %broadcast_in_dim3A_286 : vector<16xf32>
        %swap3A_334 = arith.index_cast %add3A_288 : i32 to index
        %swap3A_335 = arith.constant 64 : index
        %swap3A_336 = tpu.vector_load %arg12[%swap3A_334, %swap3A_335] {strides = array<i32>} : memref<128x128xf32, #tpu.memory_space<vmem>>, vector<1x16xf32>,
        %swap3A_337 = vector.shape_cast %swap3A_336 : vector<1x16xf32> to vector<16xf32>
        %swap3A_338 = vector.shape_cast %mul3A_333 : vector<16xf32> to vector<1x16xf32>
        tpu.vector_store %arg12[%swap3A_334, %swap3A_335], %swap3A_338 {strides = array<i32>} : memref<128x128xf32, #tpu.memory_space<vmem>>, vector<1x16xf32>,
        %get3A_339 = arith.index_cast %add3A_288 : i32 to index
        %get3A_340 = arith.constant 80 : index
        %get3A_341 = tpu.vector_load %arg12[%get3A_339, %get3A_340] {strides = array<i32>} : memref<128x128xf32, #tpu.memory_space<vmem>>, vector<1x16xf32>,
        %get3A_342 = vector.shape_cast %get3A_341 : vector<1x16xf32> to vector<16xf32>
        %mul3A_343 = arith.mulf %get3A_342, %broadcast_in_dim3A_286 : vector<16xf32>
        %swap3A_344 = arith.index_cast %add3A_288 : i32 to index
        %swap3A_345 = arith.constant 80 : index
        %swap3A_346 = tpu.vector_load %arg12[%swap3A_344, %swap3A_345] {strides = array<i32>} : memref<128x128xf32, #tpu.memory_space<vmem>>, vector<1x16xf32>,
        %swap3A_347 = vector.shape_cast %swap3A_346 : vector<1x16xf32> to vector<16xf32>
        %swap3A_348 = vector.shape_cast %mul3A_343 : vector<16xf32> to vector<1x16xf32>
        tpu.vector_store %arg12[%swap3A_344, %swap3A_345], %swap3A_348 {strides = array<i32>} : memref<128x128xf32, #tpu.memory_space<vmem>>, vector<1x16xf32>,
        %get3A_349 = arith.index_cast %add3A_288 : i32 to index
        %get3A_350 = arith.constant 96 : index
        %get3A_351 = tpu.vector_load %arg12[%get3A_349, %get3A_350] {strides = array<i32>} : memref<128x128xf32, #tpu.memory_space<vmem>>, vector<1x16xf32>,
        %get3A_352 = vector.shape_cast %get3A_351 : vector<1x16xf32> to vector<16xf32>
        %mul3A_353 = arith.mulf %get3A_352, %broadcast_in_dim3A_286 : vector<16xf32>
        %swap3A_354 = arith.index_cast %add3A_288 : i32 to index
        %swap3A_355 = arith.constant 96 : index
        %swap3A_356 = tpu.vector_load %arg12[%swap3A_354, %swap3A_355] {strides = array<i32>} : memref<128x128xf32, #tpu.memory_space<vmem>>, vector<1x16xf32>,
        %swap3A_357 = vector.shape_cast %swap3A_356 : vector<1x16xf32> to vector<16xf32>
        %swap3A_358 = vector.shape_cast %mul3A_353 : vector<16xf32> to vector<1x16xf32>
        tpu.vector_store %arg12[%swap3A_354, %swap3A_355], %swap3A_358 {strides = array<i32>} : memref<128x128xf32, #tpu.memory_space<vmem>>, vector<1x16xf32>,
        %get3A_359 = arith.index_cast %add3A_288 : i32 to index
        %get3A_360 = arith.constant 112 : index
        %get3A_361 = tpu.vector_load %arg12[%get3A_359, %get3A_360] {strides = array<i32>} : memref<128x128xf32, #tpu.memory_space<vmem>>, vector<1x16xf32>,
        %get3A_362 = vector.shape_cast %get3A_361 : vector<1x16xf32> to vector<16xf32>
        %mul3A_363 = arith.mulf %get3A_362, %broadcast_in_dim3A_286 : vector<16xf32>
        %swap3A_364 = arith.index_cast %add3A_288 : i32 to index
        %swap3A_365 = arith.constant 112 : index
        %swap3A_366 = tpu.vector_load %arg12[%swap3A_364, %swap3A_365] {strides = array<i32>} : memref<128x128xf32, #tpu.memory_space<vmem>>, vector<1x16xf32>,
        %swap3A_367 = vector.shape_cast %swap3A_366 : vector<1x16xf32> to vector<16xf32>
        %swap3A_368 = vector.shape_cast %mul3A_363 : vector<16xf32> to vector<1x16xf32>
        tpu.vector_store %arg12[%swap3A_364, %swap3A_365], %swap3A_368 {strides = array<i32>} : memref<128x128xf32, #tpu.memory_space<vmem>>, vector<1x16xf32>,
        %slice3A_369 = vector.extract_strided_slice %get3A_32 {offsets = [4], sizes = [1], strides = [1]} : vector<16xf32> to vector<1xf32>
        %squeeze3A_370 = vector.extract %slice3A_369[0] : f32 from vector<1xf32>
        %broadcast_in_dim3A_371 = vector.broadcast %squeeze3A_370 : f32 to vector<16xf32>
        %add3A_372 = arith.constant 4 : i32
        %add3A_373 = arith.addi %mul3A_28, %add3A_372 : i32
        %get3A_374 = arith.index_cast %add3A_373 : i32 to index
        %get3A_375 = arith.constant 0 : index
        %get3A_376 = tpu.vector_load %arg12[%get3A_374, %get3A_375] {strides = array<i32>} : memref<128x128xf32, #tpu.memory_space<vmem>>, vector<1x16xf32>,
        %get3A_377 = vector.shape_cast %get3A_376 : vector<1x16xf32> to vector<16xf32>
        %mul3A_378 = arith.mulf %get3A_377, %broadcast_in_dim3A_371 : vector<16xf32>
        %swap3A_379 = arith.index_cast %add3A_373 : i32 to index
        %swap3A_380 = arith.constant 0 : index
        %swap3A_381 = tpu.vector_load %arg12[%swap3A_379, %swap3A_380] {strides = array<i32>} : memref<128x128xf32, #tpu.memory_space<vmem>>, vector<1x16xf32>,
        %swap3A_382 = vector.shape_cast %swap3A_381 : vector<1x16xf32> to vector<16xf32>
        %swap3A_383 = vector.shape_cast %mul3A_378 : vector<16xf32> to vector<1x16xf32>
        tpu.vector_store %arg12[%swap3A_379, %swap3A_380], %swap3A_383 {strides = array<i32>} : memref<128x128xf32, #tpu.memory_space<vmem>>, vector<1x16xf32>,
        %get3A_384 = arith.index_cast %add3A_373 : i32 to index
        %get3A_385 = arith.constant 16 : index
        %get3A_386 = tpu.vector_load %arg12[%get3A_384, %get3A_385] {strides = array<i32>} : memref<128x128xf32, #tpu.memory_space<vmem>>, vector<1x16xf32>,
        %get3A_387 = vector.shape_cast %get3A_386 : vector<1x16xf32> to vector<16xf32>
        %mul3A_388 = arith.mulf %get3A_387, %broadcast_in_dim3A_371 : vector<16xf32>
        %swap3A_389 = arith.index_cast %add3A_373 : i32 to index
        %swap3A_390 = arith.constant 16 : index
        %swap3A_391 = tpu.vector_load %arg12[%swap3A_389, %swap3A_390] {strides = array<i32>} : memref<128x128xf32, #tpu.memory_space<vmem>>, vector<1x16xf32>,
        %swap3A_392 = vector.shape_cast %swap3A_391 : vector<1x16xf32> to vector<16xf32>
        %swap3A_393 = vector.shape_cast %mul3A_388 : vector<16xf32> to vector<1x16xf32>
        tpu.vector_store %arg12[%swap3A_389, %swap3A_390], %swap3A_393 {strides = array<i32>} : memref<128x128xf32, #tpu.memory_space<vmem>>, vector<1x16xf32>,
        %get3A_394 = arith.index_cast %add3A_373 : i32 to index
        %get3A_395 = arith.constant 32 : index
        %get3A_396 = tpu.vector_load %arg12[%get3A_394, %get3A_395] {strides = array<i32>} : memref<128x128xf32, #tpu.memory_space<vmem>>, vector<1x16xf32>,
        %get3A_397 = vector.shape_cast %get3A_396 : vector<1x16xf32> to vector<16xf32>
        %mul3A_398 = arith.mulf %get3A_397, %broadcast_in_dim3A_371 : vector<16xf32>
        %swap3A_399 = arith.index_cast %add3A_373 : i32 to index
        %swap3A_400 = arith.constant 32 : index
        %swap3A_401 = tpu.vector_load %arg12[%swap3A_399, %swap3A_400] {strides = array<i32>} : memref<128x128xf32, #tpu.memory_space<vmem>>, vector<1x16xf32>,
        %swap3A_402 = vector.shape_cast %swap3A_401 : vector<1x16xf32> to vector<16xf32>
        %swap3A_403 = vector.shape_cast %mul3A_398 : vector<16xf32> to vector<1x16xf32>
        tpu.vector_store %arg12[%swap3A_399, %swap3A_400], %swap3A_403 {strides = array<i32>} : memref<128x128xf32, #tpu.memory_space<vmem>>, vector<1x16xf32>,
        %get3A_404 = arith.index_cast %add3A_373 : i32 to index
        %get3A_405 = arith.constant 48 : index
        %get3A_406 = tpu.vector_load %arg12[%get3A_404, %get3A_405] {strides = array<i32>} : memref<128x128xf32, #tpu.memory_space<vmem>>, vector<1x16xf32>,
        %get3A_407 = vector.shape_cast %get3A_406 : vector<1x16xf32> to vector<16xf32>
        %mul3A_408 = arith.mulf %get3A_407, %broadcast_in_dim3A_371 : vector<16xf32>
        %swap3A_409 = arith.index_cast %add3A_373 : i32 to index
        %swap3A_410 = arith.constant 48 : index
        %swap3A_411 = tpu.vector_load %arg12[%swap3A_409, %swap3A_410] {strides = array<i32>} : memref<128x128xf32, #tpu.memory_space<vmem>>, vector<1x16xf32>,
        %swap3A_412 = vector.shape_cast %swap3A_411 : vector<1x16xf32> to vector<16xf32>
        %swap3A_413 = vector.shape_cast %mul3A_408 : vector<16xf32> to vector<1x16xf32>
        tpu.vector_store %arg12[%swap3A_409, %swap3A_410], %swap3A_413 {strides = array<i32>} : memref<128x128xf32, #tpu.memory_space<vmem>>, vector<1x16xf32>,
        %get3A_414 = arith.index_cast %add3A_373 : i32 to index
        %get3A_415 = arith.constant 64 : index
        %get3A_416 = tpu.vector_load %arg12[%get3A_414, %get3A_415] {strides = array<i32>} : memref<128x128xf32, #tpu.memory_space<vmem>>, vector<1x16xf32>,
        %get3A_417 = vector.shape_cast %get3A_416 : vector<1x16xf32> to vector<16xf32>
        %mul3A_418 = arith.mulf %get3A_417, %broadcast_in_dim3A_371 : vector<16xf32>
        %swap3A_419 = arith.index_cast %add3A_373 : i32 to index
        %swap3A_420 = arith.constant 64 : index
        %swap3A_421 = tpu.vector_load %arg12[%swap3A_419, %swap3A_420] {strides = array<i32>} : memref<128x128xf32, #tpu.memory_space<vmem>>, vector<1x16xf32>,
        %swap3A_422 = vector.shape_cast %swap3A_421 : vector<1x16xf32> to vector<16xf32>
        %swap3A_423 = vector.shape_cast %mul3A_418 : vector<16xf32> to vector<1x16xf32>
        tpu.vector_store %arg12[%swap3A_419, %swap3A_420], %swap3A_423 {strides = array<i32>} : memref<128x128xf32, #tpu.memory_space<vmem>>, vector<1x16xf32>,
        %get3A_424 = arith.index_cast %add3A_373 : i32 to index
        %get3A_425 = arith.constant 80 : index
        %get3A_426 = tpu.vector_load %arg12[%get3A_424, %get3A_425] {strides = array<i32>} : memref<128x128xf32, #tpu.memory_space<vmem>>, vector<1x16xf32>,
        %get3A_427 = vector.shape_cast %get3A_426 : vector<1x16xf32> to vector<16xf32>
        %mul3A_428 = arith.mulf %get3A_427, %broadcast_in_dim3A_371 : vector<16xf32>
        %swap3A_429 = arith.index_cast %add3A_373 : i32 to index
        %swap3A_430 = arith.constant 80 : index
        %swap3A_431 = tpu.vector_load %arg12[%swap3A_429, %swap3A_430] {strides = array<i32>} : memref<128x128xf32, #tpu.memory_space<vmem>>, vector<1x16xf32>,
        %swap3A_432 = vector.shape_cast %swap3A_431 : vector<1x16xf32> to vector<16xf32>
        %swap3A_433 = vector.shape_cast %mul3A_428 : vector<16xf32> to vector<1x16xf32>
        tpu.vector_store %arg12[%swap3A_429, %swap3A_430], %swap3A_433 {strides = array<i32>} : memref<128x128xf32, #tpu.memory_space<vmem>>, vector<1x16xf32>,
        %get3A_434 = arith.index_cast %add3A_373 : i32 to index
        %get3A_435 = arith.constant 96 : index
        %get3A_436 = tpu.vector_load %arg12[%get3A_434, %get3A_435] {strides = array<i32>} : memref<128x128xf32, #tpu.memory_space<vmem>>, vector<1x16xf32>,
        %get3A_437 = vector.shape_cast %get3A_436 : vector<1x16xf32> to vector<16xf32>
        %mul3A_438 = arith.mulf %get3A_437, %broadcast_in_dim3A_371 : vector<16xf32>
        %swap3A_439 = arith.index_cast %add3A_373 : i32 to index
        %swap3A_440 = arith.constant 96 : index
        %swap3A_441 = tpu.vector_load %arg12[%swap3A_439, %swap3A_440] {strides = array<i32>} : memref<128x128xf32, #tpu.memory_space<vmem>>, vector<1x16xf32>,
        %swap3A_442 = vector.shape_cast %swap3A_441 : vector<1x16xf32> to vector<16xf32>
        %swap3A_443 = vector.shape_cast %mul3A_438 : vector<16xf32> to vector<1x16xf32>
        tpu.vector_store %arg12[%swap3A_439, %swap3A_440], %swap3A_443 {strides = array<i32>} : memref<128x128xf32, #tpu.memory_space<vmem>>, vector<1x16xf32>,
        %get3A_444 = arith.index_cast %add3A_373 : i32 to index
        %get3A_445 = arith.constant 112 : index
        %get3A_446 = tpu.vector_load %arg12[%get3A_444, %get3A_445] {strides = array<i32>} : memref<128x128xf32, #tpu.memory_space<vmem>>, vector<1x16xf32>,
        %get3A_447 = vector.shape_cast %get3A_446 : vector<1x16xf32> to vector<16xf32>
        %mul3A_448 = arith.mulf %get3A_447, %broadcast_in_dim3A_371 : vector<16xf32>
        %swap3A_449 = arith.index_cast %add3A_373 : i32 to index
        %swap3A_450 = arith.constant 112 : index
        %swap3A_451 = tpu.vector_load %arg12[%swap3A_449, %swap3A_450] {strides = array<i32>} : memref<128x128xf32, #tpu.memory_space<vmem>>, vector<1x16xf32>,
        %swap3A_452 = vector.shape_cast %swap3A_451 : vector<1x16xf32> to vector<16xf32>
        %swap3A_453 = vector.shape_cast %mul3A_448 : vector<16xf32> to vector<1x16xf32>
        tpu.vector_store %arg12[%swap3A_449, %swap3A_450], %swap3A_453 {strides = array<i32>} : memref<128x128xf32, #tpu.memory_space<vmem>>, vector<1x16xf32>,
        %slice3A_454 = vector.extract_strided_slice %get3A_32 {offsets = [5], sizes = [1], strides = [1]} : vector<16xf32> to vector<1xf32>
        %squeeze3A_455 = vector.extract %slice3A_454[0] : f32 from vector<1xf32>
        %broadcast_in_dim3A_456 = vector.broadcast %squeeze3A_455 : f32 to vector<16xf32>
        %add3A_457 = arith.constant 5 : i32
        %add3A_458 = arith.addi %mul3A_28, %add3A_457 : i32
        %get3A_459 = arith.index_cast %add3A_458 : i32 to index
        %get3A_460 = arith.constant 0 : index
        %get3A_461 = tpu.vector_load %arg12[%get3A_459, %get3A_460] {strides = array<i32>} : memref<128x128xf32, #tpu.memory_space<vmem>>, vector<1x16xf32>,
        %get3A_462 = vector.shape_cast %get3A_461 : vector<1x16xf32> to vector<16xf32>
        %mul3A_463 = arith.mulf %get3A_462, %broadcast_in_dim3A_456 : vector<16xf32>
        %swap3A_464 = arith.index_cast %add3A_458 : i32 to index
        %swap3A_465 = arith.constant 0 : index
        %swap3A_466 = tpu.vector_load %arg12[%swap3A_464, %swap3A_465] {strides = array<i32>} : memref<128x128xf32, #tpu.memory_space<vmem>>, vector<1x16xf32>,
        %swap3A_467 = vector.shape_cast %swap3A_466 : vector<1x16xf32> to vector<16xf32>
        %swap3A_468 = vector.shape_cast %mul3A_463 : vector<16xf32> to vector<1x16xf32>
        tpu.vector_store %arg12[%swap3A_464, %swap3A_465], %swap3A_468 {strides = array<i32>} : memref<128x128xf32, #tpu.memory_space<vmem>>, vector<1x16xf32>,
        %get3A_469 = arith.index_cast %add3A_458 : i32 to index
        %get3A_470 = arith.constant 16 : index
        %get3A_471 = tpu.vector_load %arg12[%get3A_469, %get3A_470] {strides = array<i32>} : memref<128x128xf32, #tpu.memory_space<vmem>>, vector<1x16xf32>,
        %get3A_472 = vector.shape_cast %get3A_471 : vector<1x16xf32> to vector<16xf32>
        %mul3A_473 = arith.mulf %get3A_472, %broadcast_in_dim3A_456 : vector<16xf32>
        %swap3A_474 = arith.index_cast %add3A_458 : i32 to index
        %swap3A_475 = arith.constant 16 : index
        %swap3A_476 = tpu.vector_load %arg12[%swap3A_474, %swap3A_475] {strides = array<i32>} : memref<128x128xf32, #tpu.memory_space<vmem>>, vector<1x16xf32>,
        %swap3A_477 = vector.shape_cast %swap3A_476 : vector<1x16xf32> to vector<16xf32>
        %swap3A_478 = vector.shape_cast %mul3A_473 : vector<16xf32> to vector<1x16xf32>
        tpu.vector_store %arg12[%swap3A_474, %swap3A_475], %swap3A_478 {strides = array<i32>} : memref<128x128xf32, #tpu.memory_space<vmem>>, vector<1x16xf32>,
        %get3A_479 = arith.index_cast %add3A_458 : i32 to index
        %get3A_480 = arith.constant 32 : index
        %get3A_481 = tpu.vector_load %arg12[%get3A_479, %get3A_480] {strides = array<i32>} : memref<128x128xf32, #tpu.memory_space<vmem>>, vector<1x16xf32>,
        %get3A_482 = vector.shape_cast %get3A_481 : vector<1x16xf32> to vector<16xf32>
        %mul3A_483 = arith.mulf %get3A_482, %broadcast_in_dim3A_456 : vector<16xf32>
        %swap3A_484 = arith.index_cast %add3A_458 : i32 to index
        %swap3A_485 = arith.constant 32 : index
        %swap3A_486 = tpu.vector_load %arg12[%swap3A_484, %swap3A_485] {strides = array<i32>} : memref<128x128xf32, #tpu.memory_space<vmem>>, vector<1x16xf32>,
        %swap3A_487 = vector.shape_cast %swap3A_486 : vector<1x16xf32> to vector<16xf32>
        %swap3A_488 = vector.shape_cast %mul3A_483 : vector<16xf32> to vector<1x16xf32>
        tpu.vector_store %arg12[%swap3A_484, %swap3A_485], %swap3A_488 {strides = array<i32>} : memref<128x128xf32, #tpu.memory_space<vmem>>, vector<1x16xf32>,
        %get3A_489 = arith.index_cast %add3A_458 : i32 to index
        %get3A_490 = arith.constant 48 : index
        %get3A_491 = tpu.vector_load %arg12[%get3A_489, %get3A_490] {strides = array<i32>} : memref<128x128xf32, #tpu.memory_space<vmem>>, vector<1x16xf32>,
        %get3A_492 = vector.shape_cast %get3A_491 : vector<1x16xf32> to vector<16xf32>
        %mul3A_493 = arith.mulf %get3A_492, %broadcast_in_dim3A_456 : vector<16xf32>
        %swap3A_494 = arith.index_cast %add3A_458 : i32 to index
        %swap3A_495 = arith.constant 48 : index
        %swap3A_496 = tpu.vector_load %arg12[%swap3A_494, %swap3A_495] {strides = array<i32>} : memref<128x128xf32, #tpu.memory_space<vmem>>, vector<1x16xf32>,
        %swap3A_497 = vector.shape_cast %swap3A_496 : vector<1x16xf32> to vector<16xf32>
        %swap3A_498 = vector.shape_cast %mul3A_493 : vector<16xf32> to vector<1x16xf32>
        tpu.vector_store %arg12[%swap3A_494, %swap3A_495], %swap3A_498 {strides = array<i32>} : memref<128x128xf32, #tpu.memory_space<vmem>>, vector<1x16xf32>,
        %get3A_499 = arith.index_cast %add3A_458 : i32 to index
        %get3A_500 = arith.constant 64 : index
        %get3A_501 = tpu.vector_load %arg12[%get3A_499, %get3A_500] {strides = array<i32>} : memref<128x128xf32, #tpu.memory_space<vmem>>, vector<1x16xf32>,
        %get3A_502 = vector.shape_cast %get3A_501 : vector<1x16xf32> to vector<16xf32>
        %mul3A_503 = arith.mulf %get3A_502, %broadcast_in_dim3A_456 : vector<16xf32>
        %swap3A_504 = arith.index_cast %add3A_458 : i32 to index
        %swap3A_505 = arith.constant 64 : index
        %swap3A_506 = tpu.vector_load %arg12[%swap3A_504, %swap3A_505] {strides = array<i32>} : memref<128x128xf32, #tpu.memory_space<vmem>>, vector<1x16xf32>,
        %swap3A_507 = vector.shape_cast %swap3A_506 : vector<1x16xf32> to vector<16xf32>
        %swap3A_508 = vector.shape_cast %mul3A_503 : vector<16xf32> to vector<1x16xf32>
        tpu.vector_store %arg12[%swap3A_504, %swap3A_505], %swap3A_508 {strides = array<i32>} : memref<128x128xf32, #tpu.memory_space<vmem>>, vector<1x16xf32>,
        %get3A_509 = arith.index_cast %add3A_458 : i32 to index
        %get3A_510 = arith.constant 80 : index
        %get3A_511 = tpu.vector_load %arg12[%get3A_509, %get3A_510] {strides = array<i32>} : memref<128x128xf32, #tpu.memory_space<vmem>>, vector<1x16xf32>,
        %get3A_512 = vector.shape_cast %get3A_511 : vector<1x16xf32> to vector<16xf32>
        %mul3A_513 = arith.mulf %get3A_512, %broadcast_in_dim3A_456 : vector<16xf32>
        %swap3A_514 = arith.index_cast %add3A_458 : i32 to index
        %swap3A_515 = arith.constant 80 : index
        %swap3A_516 = tpu.vector_load %arg12[%swap3A_514, %swap3A_515] {strides = array<i32>} : memref<128x128xf32, #tpu.memory_space<vmem>>, vector<1x16xf32>,
        %swap3A_517 = vector.shape_cast %swap3A_516 : vector<1x16xf32> to vector<16xf32>
        %swap3A_518 = vector.shape_cast %mul3A_513 : vector<16xf32> to vector<1x16xf32>
        tpu.vector_store %arg12[%swap3A_514, %swap3A_515], %swap3A_518 {strides = array<i32>} : memref<128x128xf32, #tpu.memory_space<vmem>>, vector<1x16xf32>,
        %get3A_519 = arith.index_cast %add3A_458 : i32 to index
        %get3A_520 = arith.constant 96 : index
        %get3A_521 = tpu.vector_load %arg12[%get3A_519, %get3A_520] {strides = array<i32>} : memref<128x128xf32, #tpu.memory_space<vmem>>, vector<1x16xf32>,
        %get3A_522 = vector.shape_cast %get3A_521 : vector<1x16xf32> to vector<16xf32>
        %mul3A_523 = arith.mulf %get3A_522, %broadcast_in_dim3A_456 : vector<16xf32>
        %swap3A_524 = arith.index_cast %add3A_458 : i32 to index
        %swap3A_525 = arith.constant 96 : index
        %swap3A_526 = tpu.vector_load %arg12[%swap3A_524, %swap3A_525] {strides = array<i32>} : memref<128x128xf32, #tpu.memory_space<vmem>>, vector<1x16xf32>,
        %swap3A_527 = vector.shape_cast %swap3A_526 : vector<1x16xf32> to vector<16xf32>
        %swap3A_528 = vector.shape_cast %mul3A_523 : vector<16xf32> to vector<1x16xf32>
        tpu.vector_store %arg12[%swap3A_524, %swap3A_525], %swap3A_528 {strides = array<i32>} : memref<128x128xf32, #tpu.memory_space<vmem>>, vector<1x16xf32>,
        %get3A_529 = arith.index_cast %add3A_458 : i32 to index
        %get3A_530 = arith.constant 112 : index
        %get3A_531 = tpu.vector_load %arg12[%get3A_529, %get3A_530] {strides = array<i32>} : memref<128x128xf32, #tpu.memory_space<vmem>>, vector<1x16xf32>,
        %get3A_532 = vector.shape_cast %get3A_531 : vector<1x16xf32> to vector<16xf32>
        %mul3A_533 = arith.mulf %get3A_532, %broadcast_in_dim3A_456 : vector<16xf32>
        %swap3A_534 = arith.index_cast %add3A_458 : i32 to index
        %swap3A_535 = arith.constant 112 : index
        %swap3A_536 = tpu.vector_load %arg12[%swap3A_534, %swap3A_535] {strides = array<i32>} : memref<128x128xf32, #tpu.memory_space<vmem>>, vector<1x16xf32>,
        %swap3A_537 = vector.shape_cast %swap3A_536 : vector<1x16xf32> to vector<16xf32>
        %swap3A_538 = vector.shape_cast %mul3A_533 : vector<16xf32> to vector<1x16xf32>
        tpu.vector_store %arg12[%swap3A_534, %swap3A_535], %swap3A_538 {strides = array<i32>} : memref<128x128xf32, #tpu.memory_space<vmem>>, vector<1x16xf32>,
        %slice3A_539 = vector.extract_strided_slice %get3A_32 {offsets = [6], sizes = [1], strides = [1]} : vector<16xf32> to vector<1xf32>
        %squeeze3A_540 = vector.extract %slice3A_539[0] : f32 from vector<1xf32>
        %broadcast_in_dim3A_541 = vector.broadcast %squeeze3A_540 : f32 to vector<16xf32>
        %add3A_542 = arith.constant 6 : i32
        %add3A_543 = arith.addi %mul3A_28, %add3A_542 : i32
        %get3A_544 = arith.index_cast %add3A_543 : i32 to index
        %get3A_545 = arith.constant 0 : index
        %get3A_546 = tpu.vector_load %arg12[%get3A_544, %get3A_545] {strides = array<i32>} : memref<128x128xf32, #tpu.memory_space<vmem>>, vector<1x16xf32>,
        %get3A_547 = vector.shape_cast %get3A_546 : vector<1x16xf32> to vector<16xf32>
        %mul3A_548 = arith.mulf %get3A_547, %broadcast_in_dim3A_541 : vector<16xf32>
        %swap3A_549 = arith.index_cast %add3A_543 : i32 to index
        %swap3A_550 = arith.constant 0 : index
        %swap3A_551 = tpu.vector_load %arg12[%swap3A_549, %swap3A_550] {strides = array<i32>} : memref<128x128xf32, #tpu.memory_space<vmem>>, vector<1x16xf32>,
        %swap3A_552 = vector.shape_cast %swap3A_551 : vector<1x16xf32> to vector<16xf32>
        %swap3A_553 = vector.shape_cast %mul3A_548 : vector<16xf32> to vector<1x16xf32>
        tpu.vector_store %arg12[%swap3A_549, %swap3A_550], %swap3A_553 {strides = array<i32>} : memref<128x128xf32, #tpu.memory_space<vmem>>, vector<1x16xf32>,
        %get3A_554 = arith.index_cast %add3A_543 : i32 to index
        %get3A_555 = arith.constant 16 : index
        %get3A_556 = tpu.vector_load %arg12[%get3A_554, %get3A_555] {strides = array<i32>} : memref<128x128xf32, #tpu.memory_space<vmem>>, vector<1x16xf32>,
        %get3A_557 = vector.shape_cast %get3A_556 : vector<1x16xf32> to vector<16xf32>
        %mul3A_558 = arith.mulf %get3A_557, %broadcast_in_dim3A_541 : vector<16xf32>
        %swap3A_559 = arith.index_cast %add3A_543 : i32 to index
        %swap3A_560 = arith.constant 16 : index
        %swap3A_561 = tpu.vector_load %arg12[%swap3A_559, %swap3A_560] {strides = array<i32>} : memref<128x128xf32, #tpu.memory_space<vmem>>, vector<1x16xf32>,
        %swap3A_562 = vector.shape_cast %swap3A_561 : vector<1x16xf32> to vector<16xf32>
        %swap3A_563 = vector.shape_cast %mul3A_558 : vector<16xf32> to vector<1x16xf32>
        tpu.vector_store %arg12[%swap3A_559, %swap3A_560], %swap3A_563 {strides = array<i32>} : memref<128x128xf32, #tpu.memory_space<vmem>>, vector<1x16xf32>,
        %get3A_564 = arith.index_cast %add3A_543 : i32 to index
        %get3A_565 = arith.constant 32 : index
        %get3A_566 = tpu.vector_load %arg12[%get3A_564, %get3A_565] {strides = array<i32>} : memref<128x128xf32, #tpu.memory_space<vmem>>, vector<1x16xf32>,
        %get3A_567 = vector.shape_cast %get3A_566 : vector<1x16xf32> to vector<16xf32>
        %mul3A_568 = arith.mulf %get3A_567, %broadcast_in_dim3A_541 : vector<16xf32>
        %swap3A_569 = arith.index_cast %add3A_543 : i32 to index
        %swap3A_570 = arith.constant 32 : index
        %swap3A_571 = tpu.vector_load %arg12[%swap3A_569, %swap3A_570] {strides = array<i32>} : memref<128x128xf32, #tpu.memory_space<vmem>>, vector<1x16xf32>,
        %swap3A_572 = vector.shape_cast %swap3A_571 : vector<1x16xf32> to vector<16xf32>
        %swap3A_573 = vector.shape_cast %mul3A_568 : vector<16xf32> to vector<1x16xf32>
        tpu.vector_store %arg12[%swap3A_569, %swap3A_570], %swap3A_573 {strides = array<i32>} : memref<128x128xf32, #tpu.memory_space<vmem>>, vector<1x16xf32>,
        %get3A_574 = arith.index_cast %add3A_543 : i32 to index
        %get3A_575 = arith.constant 48 : index
        %get3A_576 = tpu.vector_load %arg12[%get3A_574, %get3A_575] {strides = array<i32>} : memref<128x128xf32, #tpu.memory_space<vmem>>, vector<1x16xf32>,
        %get3A_577 = vector.shape_cast %get3A_576 : vector<1x16xf32> to vector<16xf32>
        %mul3A_578 = arith.mulf %get3A_577, %broadcast_in_dim3A_541 : vector<16xf32>
        %swap3A_579 = arith.index_cast %add3A_543 : i32 to index
        %swap3A_580 = arith.constant 48 : index
        %swap3A_581 = tpu.vector_load %arg12[%swap3A_579, %swap3A_580] {strides = array<i32>} : memref<128x128xf32, #tpu.memory_space<vmem>>, vector<1x16xf32>,
        %swap3A_582 = vector.shape_cast %swap3A_581 : vector<1x16xf32> to vector<16xf32>
        %swap3A_583 = vector.shape_cast %mul3A_578 : vector<16xf32> to vector<1x16xf32>
        tpu.vector_store %arg12[%swap3A_579, %swap3A_580], %swap3A_583 {strides = array<i32>} : memref<128x128xf32, #tpu.memory_space<vmem>>, vector<1x16xf32>,
        %get3A_584 = arith.index_cast %add3A_543 : i32 to index
        %get3A_585 = arith.constant 64 : index
        %get3A_586 = tpu.vector_load %arg12[%get3A_584, %get3A_585] {strides = array<i32>} : memref<128x128xf32, #tpu.memory_space<vmem>>, vector<1x16xf32>,
        %get3A_587 = vector.shape_cast %get3A_586 : vector<1x16xf32> to vector<16xf32>
        %mul3A_588 = arith.mulf %get3A_587, %broadcast_in_dim3A_541 : vector<16xf32>
        %swap3A_589 = arith.index_cast %add3A_543 : i32 to index
        %swap3A_590 = arith.constant 64 : index
        %swap3A_591 = tpu.vector_load %arg12[%swap3A_589, %swap3A_590] {strides = array<i32>} : memref<128x128xf32, #tpu.memory_space<vmem>>, vector<1x16xf32>,
        %swap3A_592 = vector.shape_cast %swap3A_591 : vector<1x16xf32> to vector<16xf32>
        %swap3A_593 = vector.shape_cast %mul3A_588 : vector<16xf32> to vector<1x16xf32>
        tpu.vector_store %arg12[%swap3A_589, %swap3A_590], %swap3A_593 {strides = array<i32>} : memref<128x128xf32, #tpu.memory_space<vmem>>, vector<1x16xf32>,
        %get3A_594 = arith.index_cast %add3A_543 : i32 to index
        %get3A_595 = arith.constant 80 : index
        %get3A_596 = tpu.vector_load %arg12[%get3A_594, %get3A_595] {strides = array<i32>} : memref<128x128xf32, #tpu.memory_space<vmem>>, vector<1x16xf32>,
        %get3A_597 = vector.shape_cast %get3A_596 : vector<1x16xf32> to vector<16xf32>
        %mul3A_598 = arith.mulf %get3A_597, %broadcast_in_dim3A_541 : vector<16xf32>
        %swap3A_599 = arith.index_cast %add3A_543 : i32 to index
        %swap3A_600 = arith.constant 80 : index
        %swap3A_601 = tpu.vector_load %arg12[%swap3A_599, %swap3A_600] {strides = array<i32>} : memref<128x128xf32, #tpu.memory_space<vmem>>, vector<1x16xf32>,
        %swap3A_602 = vector.shape_cast %swap3A_601 : vector<1x16xf32> to vector<16xf32>
        %swap3A_603 = vector.shape_cast %mul3A_598 : vector<16xf32> to vector<1x16xf32>
        tpu.vector_store %arg12[%swap3A_599, %swap3A_600], %swap3A_603 {strides = array<i32>} : memref<128x128xf32, #tpu.memory_space<vmem>>, vector<1x16xf32>,
        %get3A_604 = arith.index_cast %add3A_543 : i32 to index
        %get3A_605 = arith.constant 96 : index
        %get3A_606 = tpu.vector_load %arg12[%get3A_604, %get3A_605] {strides = array<i32>} : memref<128x128xf32, #tpu.memory_space<vmem>>, vector<1x16xf32>,
        %get3A_607 = vector.shape_cast %get3A_606 : vector<1x16xf32> to vector<16xf32>
        %mul3A_608 = arith.mulf %get3A_607, %broadcast_in_dim3A_541 : vector<16xf32>
        %swap3A_609 = arith.index_cast %add3A_543 : i32 to index
        %swap3A_610 = arith.constant 96 : index
        %swap3A_611 = tpu.vector_load %arg12[%swap3A_609, %swap3A_610] {strides = array<i32>} : memref<128x128xf32, #tpu.memory_space<vmem>>, vector<1x16xf32>,
        %swap3A_612 = vector.shape_cast %swap3A_611 : vector<1x16xf32> to vector<16xf32>
        %swap3A_613 = vector.shape_cast %mul3A_608 : vector<16xf32> to vector<1x16xf32>
        tpu.vector_store %arg12[%swap3A_609, %swap3A_610], %swap3A_613 {strides = array<i32>} : memref<128x128xf32, #tpu.memory_space<vmem>>, vector<1x16xf32>,
        %get3A_614 = arith.index_cast %add3A_543 : i32 to index
        %get3A_615 = arith.constant 112 : index
        %get3A_616 = tpu.vector_load %arg12[%get3A_614, %get3A_615] {strides = array<i32>} : memref<128x128xf32, #tpu.memory_space<vmem>>, vector<1x16xf32>,
        %get3A_617 = vector.shape_cast %get3A_616 : vector<1x16xf32> to vector<16xf32>
        %mul3A_618 = arith.mulf %get3A_617, %broadcast_in_dim3A_541 : vector<16xf32>
        %swap3A_619 = arith.index_cast %add3A_543 : i32 to index
        %swap3A_620 = arith.constant 112 : index
        %swap3A_621 = tpu.vector_load %arg12[%swap3A_619, %swap3A_620] {strides = array<i32>} : memref<128x128xf32, #tpu.memory_space<vmem>>, vector<1x16xf32>,
        %swap3A_622 = vector.shape_cast %swap3A_621 : vector<1x16xf32> to vector<16xf32>
        %swap3A_623 = vector.shape_cast %mul3A_618 : vector<16xf32> to vector<1x16xf32>
        tpu.vector_store %arg12[%swap3A_619, %swap3A_620], %swap3A_623 {strides = array<i32>} : memref<128x128xf32, #tpu.memory_space<vmem>>, vector<1x16xf32>,
        %slice3A_624 = vector.extract_strided_slice %get3A_32 {offsets = [7], sizes = [1], strides = [1]} : vector<16xf32> to vector<1xf32>
        %squeeze3A_625 = vector.extract %slice3A_624[0] : f32 from vector<1xf32>
        %broadcast_in_dim3A_626 = vector.broadcast %squeeze3A_625 : f32 to vector<16xf32>
        %add3A_627 = arith.constant 7 : i32
        %add3A_628 = arith.addi %mul3A_28, %add3A_627 : i32
        %get3A_629 = arith.index_cast %add3A_628 : i32 to index
        %get3A_630 = arith.constant 0 : index
        %get3A_631 = tpu.vector_load %arg12[%get3A_629, %get3A_630] {strides = array<i32>} : memref<128x128xf32, #tpu.memory_space<vmem>>, vector<1x16xf32>,
        %get3A_632 = vector.shape_cast %get3A_631 : vector<1x16xf32> to vector<16xf32>
        %mul3A_633 = arith.mulf %get3A_632, %broadcast_in_dim3A_626 : vector<16xf32>
        %swap3A_634 = arith.index_cast %add3A_628 : i32 to index
        %swap3A_635 = arith.constant 0 : index
        %swap3A_636 = tpu.vector_load %arg12[%swap3A_634, %swap3A_635] {strides = array<i32>} : memref<128x128xf32, #tpu.memory_space<vmem>>, vector<1x16xf32>,
        %swap3A_637 = vector.shape_cast %swap3A_636 : vector<1x16xf32> to vector<16xf32>
        %swap3A_638 = vector.shape_cast %mul3A_633 : vector<16xf32> to vector<1x16xf32>
        tpu.vector_store %arg12[%swap3A_634, %swap3A_635], %swap3A_638 {strides = array<i32>} : memref<128x128xf32, #tpu.memory_space<vmem>>, vector<1x16xf32>,
        %get3A_639 = arith.index_cast %add3A_628 : i32 to index
        %get3A_640 = arith.constant 16 : index
        %get3A_641 = tpu.vector_load %arg12[%get3A_639, %get3A_640] {strides = array<i32>} : memref<128x128xf32, #tpu.memory_space<vmem>>, vector<1x16xf32>,
        %get3A_642 = vector.shape_cast %get3A_641 : vector<1x16xf32> to vector<16xf32>
        %mul3A_643 = arith.mulf %get3A_642, %broadcast_in_dim3A_626 : vector<16xf32>
        %swap3A_644 = arith.index_cast %add3A_628 : i32 to index
        %swap3A_645 = arith.constant 16 : index
        %swap3A_646 = tpu.vector_load %arg12[%swap3A_644, %swap3A_645] {strides = array<i32>} : memref<128x128xf32, #tpu.memory_space<vmem>>, vector<1x16xf32>,
        %swap3A_647 = vector.shape_cast %swap3A_646 : vector<1x16xf32> to vector<16xf32>
        %swap3A_648 = vector.shape_cast %mul3A_643 : vector<16xf32> to vector<1x16xf32>
        tpu.vector_store %arg12[%swap3A_644, %swap3A_645], %swap3A_648 {strides = array<i32>} : memref<128x128xf32, #tpu.memory_space<vmem>>, vector<1x16xf32>,
        %get3A_649 = arith.index_cast %add3A_628 : i32 to index
        %get3A_650 = arith.constant 32 : index
        %get3A_651 = tpu.vector_load %arg12[%get3A_649, %get3A_650] {strides = array<i32>} : memref<128x128xf32, #tpu.memory_space<vmem>>, vector<1x16xf32>,
        %get3A_652 = vector.shape_cast %get3A_651 : vector<1x16xf32> to vector<16xf32>
        %mul3A_653 = arith.mulf %get3A_652, %broadcast_in_dim3A_626 : vector<16xf32>
        %swap3A_654 = arith.index_cast %add3A_628 : i32 to index
        %swap3A_655 = arith.constant 32 : index
        %swap3A_656 = tpu.vector_load %arg12[%swap3A_654, %swap3A_655] {strides = array<i32>} : memref<128x128xf32, #tpu.memory_space<vmem>>, vector<1x16xf32>,
        %swap3A_657 = vector.shape_cast %swap3A_656 : vector<1x16xf32> to vector<16xf32>
        %swap3A_658 = vector.shape_cast %mul3A_653 : vector<16xf32> to vector<1x16xf32>
        tpu.vector_store %arg12[%swap3A_654, %swap3A_655], %swap3A_658 {strides = array<i32>} : memref<128x128xf32, #tpu.memory_space<vmem>>, vector<1x16xf32>,
        %get3A_659 = arith.index_cast %add3A_628 : i32 to index
        %get3A_660 = arith.constant 48 : index
        %get3A_661 = tpu.vector_load %arg12[%get3A_659, %get3A_660] {strides = array<i32>} : memref<128x128xf32, #tpu.memory_space<vmem>>, vector<1x16xf32>,
        %get3A_662 = vector.shape_cast %get3A_661 : vector<1x16xf32> to vector<16xf32>
        %mul3A_663 = arith.mulf %get3A_662, %broadcast_in_dim3A_626 : vector<16xf32>
        %swap3A_664 = arith.index_cast %add3A_628 : i32 to index
        %swap3A_665 = arith.constant 48 : index
        %swap3A_666 = tpu.vector_load %arg12[%swap3A_664, %swap3A_665] {strides = array<i32>} : memref<128x128xf32, #tpu.memory_space<vmem>>, vector<1x16xf32>,
        %swap3A_667 = vector.shape_cast %swap3A_666 : vector<1x16xf32> to vector<16xf32>
        %swap3A_668 = vector.shape_cast %mul3A_663 : vector<16xf32> to vector<1x16xf32>
        tpu.vector_store %arg12[%swap3A_664, %swap3A_665], %swap3A_668 {strides = array<i32>} : memref<128x128xf32, #tpu.memory_space<vmem>>, vector<1x16xf32>,
        %get3A_669 = arith.index_cast %add3A_628 : i32 to index
        %get3A_670 = arith.constant 64 : index
        %get3A_671 = tpu.vector_load %arg12[%get3A_669, %get3A_670] {strides = array<i32>} : memref<128x128xf32, #tpu.memory_space<vmem>>, vector<1x16xf32>,
        %get3A_672 = vector.shape_cast %get3A_671 : vector<1x16xf32> to vector<16xf32>
        %mul3A_673 = arith.mulf %get3A_672, %broadcast_in_dim3A_626 : vector<16xf32>
        %swap3A_674 = arith.index_cast %add3A_628 : i32 to index
        %swap3A_675 = arith.constant 64 : index
        %swap3A_676 = tpu.vector_load %arg12[%swap3A_674, %swap3A_675] {strides = array<i32>} : memref<128x128xf32, #tpu.memory_space<vmem>>, vector<1x16xf32>,
        %swap3A_677 = vector.shape_cast %swap3A_676 : vector<1x16xf32> to vector<16xf32>
        %swap3A_678 = vector.shape_cast %mul3A_673 : vector<16xf32> to vector<1x16xf32>
        tpu.vector_store %arg12[%swap3A_674, %swap3A_675], %swap3A_678 {strides = array<i32>} : memref<128x128xf32, #tpu.memory_space<vmem>>, vector<1x16xf32>,
        %get3A_679 = arith.index_cast %add3A_628 : i32 to index
        %get3A_680 = arith.constant 80 : index
        %get3A_681 = tpu.vector_load %arg12[%get3A_679, %get3A_680] {strides = array<i32>} : memref<128x128xf32, #tpu.memory_space<vmem>>, vector<1x16xf32>,
        %get3A_682 = vector.shape_cast %get3A_681 : vector<1x16xf32> to vector<16xf32>
        %mul3A_683 = arith.mulf %get3A_682, %broadcast_in_dim3A_626 : vector<16xf32>
        %swap3A_684 = arith.index_cast %add3A_628 : i32 to index
        %swap3A_685 = arith.constant 80 : index
        %swap3A_686 = tpu.vector_load %arg12[%swap3A_684, %swap3A_685] {strides = array<i32>} : memref<128x128xf32, #tpu.memory_space<vmem>>, vector<1x16xf32>,
        %swap3A_687 = vector.shape_cast %swap3A_686 : vector<1x16xf32> to vector<16xf32>
        %swap3A_688 = vector.shape_cast %mul3A_683 : vector<16xf32> to vector<1x16xf32>
        tpu.vector_store %arg12[%swap3A_684, %swap3A_685], %swap3A_688 {strides = array<i32>} : memref<128x128xf32, #tpu.memory_space<vmem>>, vector<1x16xf32>,
        %get3A_689 = arith.index_cast %add3A_628 : i32 to index
        %get3A_690 = arith.constant 96 : index
        %get3A_691 = tpu.vector_load %arg12[%get3A_689, %get3A_690] {strides = array<i32>} : memref<128x128xf32, #tpu.memory_space<vmem>>, vector<1x16xf32>,
        %get3A_692 = vector.shape_cast %get3A_691 : vector<1x16xf32> to vector<16xf32>
        %mul3A_693 = arith.mulf %get3A_692, %broadcast_in_dim3A_626 : vector<16xf32>
        %swap3A_694 = arith.index_cast %add3A_628 : i32 to index
        %swap3A_695 = arith.constant 96 : index
        %swap3A_696 = tpu.vector_load %arg12[%swap3A_694, %swap3A_695] {strides = array<i32>} : memref<128x128xf32, #tpu.memory_space<vmem>>, vector<1x16xf32>,
        %swap3A_697 = vector.shape_cast %swap3A_696 : vector<1x16xf32> to vector<16xf32>
        %swap3A_698 = vector.shape_cast %mul3A_693 : vector<16xf32> to vector<1x16xf32>
        tpu.vector_store %arg12[%swap3A_694, %swap3A_695], %swap3A_698 {strides = array<i32>} : memref<128x128xf32, #tpu.memory_space<vmem>>, vector<1x16xf32>,
        %get3A_699 = arith.index_cast %add3A_628 : i32 to index
        %get3A_700 = arith.constant 112 : index
        %get3A_701 = tpu.vector_load %arg12[%get3A_699, %get3A_700] {strides = array<i32>} : memref<128x128xf32, #tpu.memory_space<vmem>>, vector<1x16xf32>,
        %get3A_702 = vector.shape_cast %get3A_701 : vector<1x16xf32> to vector<16xf32>
        %mul3A_703 = arith.mulf %get3A_702, %broadcast_in_dim3A_626 : vector<16xf32>
        %swap3A_704 = arith.index_cast %add3A_628 : i32 to index
        %swap3A_705 = arith.constant 112 : index
        %swap3A_706 = tpu.vector_load %arg12[%swap3A_704, %swap3A_705] {strides = array<i32>} : memref<128x128xf32, #tpu.memory_space<vmem>>, vector<1x16xf32>,
        %swap3A_707 = vector.shape_cast %swap3A_706 : vector<1x16xf32> to vector<16xf32>
        %swap3A_708 = vector.shape_cast %mul3A_703 : vector<16xf32> to vector<1x16xf32>
        tpu.vector_store %arg12[%swap3A_704, %swap3A_705], %swap3A_708 {strides = array<i32>} : memref<128x128xf32, #tpu.memory_space<vmem>>, vector<1x16xf32>,
        %slice3A_709 = vector.extract_strided_slice %get3A_32 {offsets = [8], sizes = [1], strides = [1]} : vector<16xf32> to vector<1xf32>
        %squeeze3A_710 = vector.extract %slice3A_709[0] : f32 from vector<1xf32>
        %broadcast_in_dim3A_711 = vector.broadcast %squeeze3A_710 : f32 to vector<16xf32>
        %add3A_712 = arith.constant 8 : i32
        %add3A_713 = arith.addi %mul3A_28, %add3A_712 : i32
        %get3A_714 = arith.index_cast %add3A_713 : i32 to index
        %get3A_715 = arith.constant 0 : index
        %get3A_716 = tpu.vector_load %arg12[%get3A_714, %get3A_715] {strides = array<i32>} : memref<128x128xf32, #tpu.memory_space<vmem>>, vector<1x16xf32>,
        %get3A_717 = vector.shape_cast %get3A_716 : vector<1x16xf32> to vector<16xf32>
        %mul3A_718 = arith.mulf %get3A_717, %broadcast_in_dim3A_711 : vector<16xf32>
        %swap3A_719 = arith.index_cast %add3A_713 : i32 to index
        %swap3A_720 = arith.constant 0 : index
        %swap3A_721 = tpu.vector_load %arg12[%swap3A_719, %swap3A_720] {strides = array<i32>} : memref<128x128xf32, #tpu.memory_space<vmem>>, vector<1x16xf32>,
        %swap3A_722 = vector.shape_cast %swap3A_721 : vector<1x16xf32> to vector<16xf32>
        %swap3A_723 = vector.shape_cast %mul3A_718 : vector<16xf32> to vector<1x16xf32>
        tpu.vector_store %arg12[%swap3A_719, %swap3A_720], %swap3A_723 {strides = array<i32>} : memref<128x128xf32, #tpu.memory_space<vmem>>, vector<1x16xf32>,
        %get3A_724 = arith.index_cast %add3A_713 : i32 to index
        %get3A_725 = arith.constant 16 : index
        %get3A_726 = tpu.vector_load %arg12[%get3A_724, %get3A_725] {strides = array<i32>} : memref<128x128xf32, #tpu.memory_space<vmem>>, vector<1x16xf32>,
        %get3A_727 = vector.shape_cast %get3A_726 : vector<1x16xf32> to vector<16xf32>
        %mul3A_728 = arith.mulf %get3A_727, %broadcast_in_dim3A_711 : vector<16xf32>
        %swap3A_729 = arith.index_cast %add3A_713 : i32 to index
        %swap3A_730 = arith.constant 16 : index
        %swap3A_731 = tpu.vector_load %arg12[%swap3A_729, %swap3A_730] {strides = array<i32>} : memref<128x128xf32, #tpu.memory_space<vmem>>, vector<1x16xf32>,
        %swap3A_732 = vector.shape_cast %swap3A_731 : vector<1x16xf32> to vector<16xf32>
        %swap3A_733 = vector.shape_cast %mul3A_728 : vector<16xf32> to vector<1x16xf32>
        tpu.vector_store %arg12[%swap3A_729, %swap3A_730], %swap3A_733 {strides = array<i32>} : memref<128x128xf32, #tpu.memory_space<vmem>>, vector<1x16xf32>,
        %get3A_734 = arith.index_cast %add3A_713 : i32 to index
        %get3A_735 = arith.constant 32 : index
        %get3A_736 = tpu.vector_load %arg12[%get3A_734, %get3A_735] {strides = array<i32>} : memref<128x128xf32, #tpu.memory_space<vmem>>, vector<1x16xf32>,
        %get3A_737 = vector.shape_cast %get3A_736 : vector<1x16xf32> to vector<16xf32>
        %mul3A_738 = arith.mulf %get3A_737, %broadcast_in_dim3A_711 : vector<16xf32>
        %swap3A_739 = arith.index_cast %add3A_713 : i32 to index
        %swap3A_740 = arith.constant 32 : index
        %swap3A_741 = tpu.vector_load %arg12[%swap3A_739, %swap3A_740] {strides = array<i32>} : memref<128x128xf32, #tpu.memory_space<vmem>>, vector<1x16xf32>,
        %swap3A_742 = vector.shape_cast %swap3A_741 : vector<1x16xf32> to vector<16xf32>
        %swap3A_743 = vector.shape_cast %mul3A_738 : vector<16xf32> to vector<1x16xf32>
        tpu.vector_store %arg12[%swap3A_739, %swap3A_740], %swap3A_743 {strides = array<i32>} : memref<128x128xf32, #tpu.memory_space<vmem>>, vector<1x16xf32>,
        %get3A_744 = arith.index_cast %add3A_713 : i32 to index
        %get3A_745 = arith.constant 48 : index
        %get3A_746 = tpu.vector_load %arg12[%get3A_744, %get3A_745] {strides = array<i32>} : memref<128x128xf32, #tpu.memory_space<vmem>>, vector<1x16xf32>,
        %get3A_747 = vector.shape_cast %get3A_746 : vector<1x16xf32> to vector<16xf32>
        %mul3A_748 = arith.mulf %get3A_747, %broadcast_in_dim3A_711 : vector<16xf32>
        %swap3A_749 = arith.index_cast %add3A_713 : i32 to index
        %swap3A_750 = arith.constant 48 : index
        %swap3A_751 = tpu.vector_load %arg12[%swap3A_749, %swap3A_750] {strides = array<i32>} : memref<128x128xf32, #tpu.memory_space<vmem>>, vector<1x16xf32>,
        %swap3A_752 = vector.shape_cast %swap3A_751 : vector<1x16xf32> to vector<16xf32>
        %swap3A_753 = vector.shape_cast %mul3A_748 : vector<16xf32> to vector<1x16xf32>
        tpu.vector_store %arg12[%swap3A_749, %swap3A_750], %swap3A_753 {strides = array<i32>} : memref<128x128xf32, #tpu.memory_space<vmem>>, vector<1x16xf32>,
        %get3A_754 = arith.index_cast %add3A_713 : i32 to index
        %get3A_755 = arith.constant 64 : index
        %get3A_756 = tpu.vector_load %arg12[%get3A_754, %get3A_755] {strides = array<i32>} : memref<128x128xf32, #tpu.memory_space<vmem>>, vector<1x16xf32>,
        %get3A_757 = vector.shape_cast %get3A_756 : vector<1x16xf32> to vector<16xf32>
        %mul3A_758 = arith.mulf %get3A_757, %broadcast_in_dim3A_711 : vector<16xf32>
        %swap3A_759 = arith.index_cast %add3A_713 : i32 to index
        %swap3A_760 = arith.constant 64 : index
        %swap3A_761 = tpu.vector_load %arg12[%swap3A_759, %swap3A_760] {strides = array<i32>} : memref<128x128xf32, #tpu.memory_space<vmem>>, vector<1x16xf32>,
        %swap3A_762 = vector.shape_cast %swap3A_761 : vector<1x16xf32> to vector<16xf32>
        %swap3A_763 = vector.shape_cast %mul3A_758 : vector<16xf32> to vector<1x16xf32>
        tpu.vector_store %arg12[%swap3A_759, %swap3A_760], %swap3A_763 {strides = array<i32>} : memref<128x128xf32, #tpu.memory_space<vmem>>, vector<1x16xf32>,
        %get3A_764 = arith.index_cast %add3A_713 : i32 to index
        %get3A_765 = arith.constant 80 : index
        %get3A_766 = tpu.vector_load %arg12[%get3A_764, %get3A_765] {strides = array<i32>} : memref<128x128xf32, #tpu.memory_space<vmem>>, vector<1x16xf32>,
        %get3A_767 = vector.shape_cast %get3A_766 : vector<1x16xf32> to vector<16xf32>
        %mul3A_768 = arith.mulf %get3A_767, %broadcast_in_dim3A_711 : vector<16xf32>
        %swap3A_769 = arith.index_cast %add3A_713 : i32 to index
        %swap3A_770 = arith.constant 80 : index
        %swap3A_771 = tpu.vector_load %arg12[%swap3A_769, %swap3A_770] {strides = array<i32>} : memref<128x128xf32, #tpu.memory_space<vmem>>, vector<1x16xf32>,
        %swap3A_772 = vector.shape_cast %swap3A_771 : vector<1x16xf32> to vector<16xf32>
        %swap3A_773 = vector.shape_cast %mul3A_768 : vector<16xf32> to vector<1x16xf32>
        tpu.vector_store %arg12[%swap3A_769, %swap3A_770], %swap3A_773 {strides = array<i32>} : memref<128x128xf32, #tpu.memory_space<vmem>>, vector<1x16xf32>,
        %get3A_774 = arith.index_cast %add3A_713 : i32 to index
        %get3A_775 = arith.constant 96 : index
        %get3A_776 = tpu.vector_load %arg12[%get3A_774, %get3A_775] {strides = array<i32>} : memref<128x128xf32, #tpu.memory_space<vmem>>, vector<1x16xf32>,
        %get3A_777 = vector.shape_cast %get3A_776 : vector<1x16xf32> to vector<16xf32>
        %mul3A_778 = arith.mulf %get3A_777, %broadcast_in_dim3A_711 : vector<16xf32>
        %swap3A_779 = arith.index_cast %add3A_713 : i32 to index
        %swap3A_780 = arith.constant 96 : index
        %swap3A_781 = tpu.vector_load %arg12[%swap3A_779, %swap3A_780] {strides = array<i32>} : memref<128x128xf32, #tpu.memory_space<vmem>>, vector<1x16xf32>,
        %swap3A_782 = vector.shape_cast %swap3A_781 : vector<1x16xf32> to vector<16xf32>
        %swap3A_783 = vector.shape_cast %mul3A_778 : vector<16xf32> to vector<1x16xf32>
        tpu.vector_store %arg12[%swap3A_779, %swap3A_780], %swap3A_783 {strides = array<i32>} : memref<128x128xf32, #tpu.memory_space<vmem>>, vector<1x16xf32>,
        %get3A_784 = arith.index_cast %add3A_713 : i32 to index
        %get3A_785 = arith.constant 112 : index
        %get3A_786 = tpu.vector_load %arg12[%get3A_784, %get3A_785] {strides = array<i32>} : memref<128x128xf32, #tpu.memory_space<vmem>>, vector<1x16xf32>,
        %get3A_787 = vector.shape_cast %get3A_786 : vector<1x16xf32> to vector<16xf32>
        %mul3A_788 = arith.mulf %get3A_787, %broadcast_in_dim3A_711 : vector<16xf32>
        %swap3A_789 = arith.index_cast %add3A_713 : i32 to index
        %swap3A_790 = arith.constant 112 : index
        %swap3A_791 = tpu.vector_load %arg12[%swap3A_789, %swap3A_790] {strides = array<i32>} : memref<128x128xf32, #tpu.memory_space<vmem>>, vector<1x16xf32>,
        %swap3A_792 = vector.shape_cast %swap3A_791 : vector<1x16xf32> to vector<16xf32>
        %swap3A_793 = vector.shape_cast %mul3A_788 : vector<16xf32> to vector<1x16xf32>
        tpu.vector_store %arg12[%swap3A_789, %swap3A_790], %swap3A_793 {strides = array<i32>} : memref<128x128xf32, #tpu.memory_space<vmem>>, vector<1x16xf32>,
        %slice3A_794 = vector.extract_strided_slice %get3A_32 {offsets = [9], sizes = [1], strides = [1]} : vector<16xf32> to vector<1xf32>
        %squeeze3A_795 = vector.extract %slice3A_794[0] : f32 from vector<1xf32>
        %broadcast_in_dim3A_796 = vector.broadcast %squeeze3A_795 : f32 to vector<16xf32>
        %add3A_797 = arith.constant 9 : i32
        %add3A_798 = arith.addi %mul3A_28, %add3A_797 : i32
        %get3A_799 = arith.index_cast %add3A_798 : i32 to index
        %get3A_800 = arith.constant 0 : index
        %get3A_801 = tpu.vector_load %arg12[%get3A_799, %get3A_800] {strides = array<i32>} : memref<128x128xf32, #tpu.memory_space<vmem>>, vector<1x16xf32>,
        %get3A_802 = vector.shape_cast %get3A_801 : vector<1x16xf32> to vector<16xf32>
        %mul3A_803 = arith.mulf %get3A_802, %broadcast_in_dim3A_796 : vector<16xf32>
        %swap3A_804 = arith.index_cast %add3A_798 : i32 to index
        %swap3A_805 = arith.constant 0 : index
        %swap3A_806 = tpu.vector_load %arg12[%swap3A_804, %swap3A_805] {strides = array<i32>} : memref<128x128xf32, #tpu.memory_space<vmem>>, vector<1x16xf32>,
        %swap3A_807 = vector.shape_cast %swap3A_806 : vector<1x16xf32> to vector<16xf32>
        %swap3A_808 = vector.shape_cast %mul3A_803 : vector<16xf32> to vector<1x16xf32>
        tpu.vector_store %arg12[%swap3A_804, %swap3A_805], %swap3A_808 {strides = array<i32>} : memref<128x128xf32, #tpu.memory_space<vmem>>, vector<1x16xf32>,
        %get3A_809 = arith.index_cast %add3A_798 : i32 to index
        %get3A_810 = arith.constant 16 : index
        %get3A_811 = tpu.vector_load %arg12[%get3A_809, %get3A_810] {strides = array<i32>} : memref<128x128xf32, #tpu.memory_space<vmem>>, vector<1x16xf32>,
        %get3A_812 = vector.shape_cast %get3A_811 : vector<1x16xf32> to vector<16xf32>
        %mul3A_813 = arith.mulf %get3A_812, %broadcast_in_dim3A_796 : vector<16xf32>
        %swap3A_814 = arith.index_cast %add3A_798 : i32 to index
        %swap3A_815 = arith.constant 16 : index
        %swap3A_816 = tpu.vector_load %arg12[%swap3A_814, %swap3A_815] {strides = array<i32>} : memref<128x128xf32, #tpu.memory_space<vmem>>, vector<1x16xf32>,
        %swap3A_817 = vector.shape_cast %swap3A_816 : vector<1x16xf32> to vector<16xf32>
        %swap3A_818 = vector.shape_cast %mul3A_813 : vector<16xf32> to vector<1x16xf32>
        tpu.vector_store %arg12[%swap3A_814, %swap3A_815], %swap3A_818 {strides = array<i32>} : memref<128x128xf32, #tpu.memory_space<vmem>>, vector<1x16xf32>,
        %get3A_819 = arith.index_cast %add3A_798 : i32 to index
        %get3A_820 = arith.constant 32 : index
        %get3A_821 = tpu.vector_load %arg12[%get3A_819, %get3A_820] {strides = array<i32>} : memref<128x128xf32, #tpu.memory_space<vmem>>, vector<1x16xf32>,
        %get3A_822 = vector.shape_cast %get3A_821 : vector<1x16xf32> to vector<16xf32>
        %mul3A_823 = arith.mulf %get3A_822, %broadcast_in_dim3A_796 : vector<16xf32>
        %swap3A_824 = arith.index_cast %add3A_798 : i32 to index
        %swap3A_825 = arith.constant 32 : index
        %swap3A_826 = tpu.vector_load %arg12[%swap3A_824, %swap3A_825] {strides = array<i32>} : memref<128x128xf32, #tpu.memory_space<vmem>>, vector<1x16xf32>,
        %swap3A_827 = vector.shape_cast %swap3A_826 : vector<1x16xf32> to vector<16xf32>
        %swap3A_828 = vector.shape_cast %mul3A_823 : vector<16xf32> to vector<1x16xf32>
        tpu.vector_store %arg12[%swap3A_824, %swap3A_825], %swap3A_828 {strides = array<i32>} : memref<128x128xf32, #tpu.memory_space<vmem>>, vector<1x16xf32>,
        %get3A_829 = arith.index_cast %add3A_798 : i32 to index
        %get3A_830 = arith.constant 48 : index
        %get3A_831 = tpu.vector_load %arg12[%get3A_829, %get3A_830] {strides = array<i32>} : memref<128x128xf32, #tpu.memory_space<vmem>>, vector<1x16xf32>,
        %get3A_832 = vector.shape_cast %get3A_831 : vector<1x16xf32> to vector<16xf32>
        %mul3A_833 = arith.mulf %get3A_832, %broadcast_in_dim3A_796 : vector<16xf32>
        %swap3A_834 = arith.index_cast %add3A_798 : i32 to index
        %swap3A_835 = arith.constant 48 : index
        %swap3A_836 = tpu.vector_load %arg12[%swap3A_834, %swap3A_835] {strides = array<i32>} : memref<128x128xf32, #tpu.memory_space<vmem>>, vector<1x16xf32>,
        %swap3A_837 = vector.shape_cast %swap3A_836 : vector<1x16xf32> to vector<16xf32>
        %swap3A_838 = vector.shape_cast %mul3A_833 : vector<16xf32> to vector<1x16xf32>
        tpu.vector_store %arg12[%swap3A_834, %swap3A_835], %swap3A_838 {strides = array<i32>} : memref<128x128xf32, #tpu.memory_space<vmem>>, vector<1x16xf32>,
        %get3A_839 = arith.index_cast %add3A_798 : i32 to index
        %get3A_840 = arith.constant 64 : index
        %get3A_841 = tpu.vector_load %arg12[%get3A_839, %get3A_840] {strides = array<i32>} : memref<128x128xf32, #tpu.memory_space<vmem>>, vector<1x16xf32>,
        %get3A_842 = vector.shape_cast %get3A_841 : vector<1x16xf32> to vector<16xf32>
        %mul3A_843 = arith.mulf %get3A_842, %broadcast_in_dim3A_796 : vector<16xf32>
        %swap3A_844 = arith.index_cast %add3A_798 : i32 to index
        %swap3A_845 = arith.constant 64 : index
        %swap3A_846 = tpu.vector_load %arg12[%swap3A_844, %swap3A_845] {strides = array<i32>} : memref<128x128xf32, #tpu.memory_space<vmem>>, vector<1x16xf32>,
        %swap3A_847 = vector.shape_cast %swap3A_846 : vector<1x16xf32> to vector<16xf32>
        %swap3A_848 = vector.shape_cast %mul3A_843 : vector<16xf32> to vector<1x16xf32>
        tpu.vector_store %arg12[%swap3A_844, %swap3A_845], %swap3A_848 {strides = array<i32>} : memref<128x128xf32, #tpu.memory_space<vmem>>, vector<1x16xf32>,
        %get3A_849 = arith.index_cast %add3A_798 : i32 to index
        %get3A_850 = arith.constant 80 : index
        %get3A_851 = tpu.vector_load %arg12[%get3A_849, %get3A_850] {strides = array<i32>} : memref<128x128xf32, #tpu.memory_space<vmem>>, vector<1x16xf32>,
        %get3A_852 = vector.shape_cast %get3A_851 : vector<1x16xf32> to vector<16xf32>
        %mul3A_853 = arith.mulf %get3A_852, %broadcast_in_dim3A_796 : vector<16xf32>
        %swap3A_854 = arith.index_cast %add3A_798 : i32 to index
        %swap3A_855 = arith.constant 80 : index
        %swap3A_856 = tpu.vector_load %arg12[%swap3A_854, %swap3A_855] {strides = array<i32>} : memref<128x128xf32, #tpu.memory_space<vmem>>, vector<1x16xf32>,
        %swap3A_857 = vector.shape_cast %swap3A_856 : vector<1x16xf32> to vector<16xf32>
        %swap3A_858 = vector.shape_cast %mul3A_853 : vector<16xf32> to vector<1x16xf32>
        tpu.vector_store %arg12[%swap3A_854, %swap3A_855], %swap3A_858 {strides = array<i32>} : memref<128x128xf32, #tpu.memory_space<vmem>>, vector<1x16xf32>,
        %get3A_859 = arith.index_cast %add3A_798 : i32 to index
        %get3A_860 = arith.constant 96 : index
        %get3A_861 = tpu.vector_load %arg12[%get3A_859, %get3A_860] {strides = array<i32>} : memref<128x128xf32, #tpu.memory_space<vmem>>, vector<1x16xf32>,
        %get3A_862 = vector.shape_cast %get3A_861 : vector<1x16xf32> to vector<16xf32>
        %mul3A_863 = arith.mulf %get3A_862, %broadcast_in_dim3A_796 : vector<16xf32>
        %swap3A_864 = arith.index_cast %add3A_798 : i32 to index
        %swap3A_865 = arith.constant 96 : index
        %swap3A_866 = tpu.vector_load %arg12[%swap3A_864, %swap3A_865] {strides = array<i32>} : memref<128x128xf32, #tpu.memory_space<vmem>>, vector<1x16xf32>,
        %swap3A_867 = vector.shape_cast %swap3A_866 : vector<1x16xf32> to vector<16xf32>
        %swap3A_868 = vector.shape_cast %mul3A_863 : vector<16xf32> to vector<1x16xf32>
        tpu.vector_store %arg12[%swap3A_864, %swap3A_865], %swap3A_868 {strides = array<i32>} : memref<128x128xf32, #tpu.memory_space<vmem>>, vector<1x16xf32>,
        %get3A_869 = arith.index_cast %add3A_798 : i32 to index
        %get3A_870 = arith.constant 112 : index
        %get3A_871 = tpu.vector_load %arg12[%get3A_869, %get3A_870] {strides = array<i32>} : memref<128x128xf32, #tpu.memory_space<vmem>>, vector<1x16xf32>,
        %get3A_872 = vector.shape_cast %get3A_871 : vector<1x16xf32> to vector<16xf32>
        %mul3A_873 = arith.mulf %get3A_872, %broadcast_in_dim3A_796 : vector<16xf32>
        %swap3A_874 = arith.index_cast %add3A_798 : i32 to index
        %swap3A_875 = arith.constant 112 : index
        %swap3A_876 = tpu.vector_load %arg12[%swap3A_874, %swap3A_875] {strides = array<i32>} : memref<128x128xf32, #tpu.memory_space<vmem>>, vector<1x16xf32>,
        %swap3A_877 = vector.shape_cast %swap3A_876 : vector<1x16xf32> to vector<16xf32>
        %swap3A_878 = vector.shape_cast %mul3A_873 : vector<16xf32> to vector<1x16xf32>
        tpu.vector_store %arg12[%swap3A_874, %swap3A_875], %swap3A_878 {strides = array<i32>} : memref<128x128xf32, #tpu.memory_space<vmem>>, vector<1x16xf32>,
        %slice3A_879 = vector.extract_strided_slice %get3A_32 {offsets = [10], sizes = [1], strides = [1]} : vector<16xf32> to vector<1xf32>
        %squeeze3A_880 = vector.extract %slice3A_879[0] : f32 from vector<1xf32>
        %broadcast_in_dim3A_881 = vector.broadcast %squeeze3A_880 : f32 to vector<16xf32>
        %add3A_882 = arith.constant 10 : i32
        %add3A_883 = arith.addi %mul3A_28, %add3A_882 : i32
        %get3A_884 = arith.index_cast %add3A_883 : i32 to index
        %get3A_885 = arith.constant 0 : index
        %get3A_886 = tpu.vector_load %arg12[%get3A_884, %get3A_885] {strides = array<i32>} : memref<128x128xf32, #tpu.memory_space<vmem>>, vector<1x16xf32>,
        %get3A_887 = vector.shape_cast %get3A_886 : vector<1x16xf32> to vector<16xf32>
        %mul3A_888 = arith.mulf %get3A_887, %broadcast_in_dim3A_881 : vector<16xf32>
        %swap3A_889 = arith.index_cast %add3A_883 : i32 to index
        %swap3A_890 = arith.constant 0 : index
        %swap3A_891 = tpu.vector_load %arg12[%swap3A_889, %swap3A_890] {strides = array<i32>} : memref<128x128xf32, #tpu.memory_space<vmem>>, vector<1x16xf32>,
        %swap3A_892 = vector.shape_cast %swap3A_891 : vector<1x16xf32> to vector<16xf32>
        %swap3A_893 = vector.shape_cast %mul3A_888 : vector<16xf32> to vector<1x16xf32>
        tpu.vector_store %arg12[%swap3A_889, %swap3A_890], %swap3A_893 {strides = array<i32>} : memref<128x128xf32, #tpu.memory_space<vmem>>, vector<1x16xf32>,
        %get3A_894 = arith.index_cast %add3A_883 : i32 to index
        %get3A_895 = arith.constant 16 : index
        %get3A_896 = tpu.vector_load %arg12[%get3A_894, %get3A_895] {strides = array<i32>} : memref<128x128xf32, #tpu.memory_space<vmem>>, vector<1x16xf32>,
        %get3A_897 = vector.shape_cast %get3A_896 : vector<1x16xf32> to vector<16xf32>
        %mul3A_898 = arith.mulf %get3A_897, %broadcast_in_dim3A_881 : vector<16xf32>
        %swap3A_899 = arith.index_cast %add3A_883 : i32 to index
        %swap3A_900 = arith.constant 16 : index
        %swap3A_901 = tpu.vector_load %arg12[%swap3A_899, %swap3A_900] {strides = array<i32>} : memref<128x128xf32, #tpu.memory_space<vmem>>, vector<1x16xf32>,
        %swap3A_902 = vector.shape_cast %swap3A_901 : vector<1x16xf32> to vector<16xf32>
        %swap3A_903 = vector.shape_cast %mul3A_898 : vector<16xf32> to vector<1x16xf32>
        tpu.vector_store %arg12[%swap3A_899, %swap3A_900], %swap3A_903 {strides = array<i32>} : memref<128x128xf32, #tpu.memory_space<vmem>>, vector<1x16xf32>,
        %get3A_904 = arith.index_cast %add3A_883 : i32 to index
        %get3A_905 = arith.constant 32 : index
        %get3A_906 = tpu.vector_load %arg12[%get3A_904, %get3A_905] {strides = array<i32>} : memref<128x128xf32, #tpu.memory_space<vmem>>, vector<1x16xf32>,
        %get3A_907 = vector.shape_cast %get3A_906 : vector<1x16xf32> to vector<16xf32>
        %mul3A_908 = arith.mulf %get3A_907, %broadcast_in_dim3A_881 : vector<16xf32>
        %swap3A_909 = arith.index_cast %add3A_883 : i32 to index
        %swap3A_910 = arith.constant 32 : index
        %swap3A_911 = tpu.vector_load %arg12[%swap3A_909, %swap3A_910] {strides = array<i32>} : memref<128x128xf32, #tpu.memory_space<vmem>>, vector<1x16xf32>,
        %swap3A_912 = vector.shape_cast %swap3A_911 : vector<1x16xf32> to vector<16xf32>
        %swap3A_913 = vector.shape_cast %mul3A_908 : vector<16xf32> to vector<1x16xf32>
        tpu.vector_store %arg12[%swap3A_909, %swap3A_910], %swap3A_913 {strides = array<i32>} : memref<128x128xf32, #tpu.memory_space<vmem>>, vector<1x16xf32>,
        %get3A_914 = arith.index_cast %add3A_883 : i32 to index
        %get3A_915 = arith.constant 48 : index
        %get3A_916 = tpu.vector_load %arg12[%get3A_914, %get3A_915] {strides = array<i32>} : memref<128x128xf32, #tpu.memory_space<vmem>>, vector<1x16xf32>,
        %get3A_917 = vector.shape_cast %get3A_916 : vector<1x16xf32> to vector<16xf32>
        %mul3A_918 = arith.mulf %get3A_917, %broadcast_in_dim3A_881 : vector<16xf32>
        %swap3A_919 = arith.index_cast %add3A_883 : i32 to index
        %swap3A_920 = arith.constant 48 : index
        %swap3A_921 = tpu.vector_load %arg12[%swap3A_919, %swap3A_920] {strides = array<i32>} : memref<128x128xf32, #tpu.memory_space<vmem>>, vector<1x16xf32>,
        %swap3A_922 = vector.shape_cast %swap3A_921 : vector<1x16xf32> to vector<16xf32>
        %swap3A_923 = vector.shape_cast %mul3A_918 : vector<16xf32> to vector<1x16xf32>
        tpu.vector_store %arg12[%swap3A_919, %swap3A_920], %swap3A_923 {strides = array<i32>} : memref<128x128xf32, #tpu.memory_space<vmem>>, vector<1x16xf32>,
        %get3A_924 = arith.index_cast %add3A_883 : i32 to index
        %get3A_925 = arith.constant 64 : index
        %get3A_926 = tpu.vector_load %arg12[%get3A_924, %get3A_925] {strides = array<i32>} : memref<128x128xf32, #tpu.memory_space<vmem>>, vector<1x16xf32>,
        %get3A_927 = vector.shape_cast %get3A_926 : vector<1x16xf32> to vector<16xf32>
        %mul3A_928 = arith.mulf %get3A_927, %broadcast_in_dim3A_881 : vector<16xf32>
        %swap3A_929 = arith.index_cast %add3A_883 : i32 to index
        %swap3A_930 = arith.constant 64 : index
        %swap3A_931 = tpu.vector_load %arg12[%swap3A_929, %swap3A_930] {strides = array<i32>} : memref<128x128xf32, #tpu.memory_space<vmem>>, vector<1x16xf32>,
        %swap3A_932 = vector.shape_cast %swap3A_931 : vector<1x16xf32> to vector<16xf32>
        %swap3A_933 = vector.shape_cast %mul3A_928 : vector<16xf32> to vector<1x16xf32>
        tpu.vector_store %arg12[%swap3A_929, %swap3A_930], %swap3A_933 {strides = array<i32>} : memref<128x128xf32, #tpu.memory_space<vmem>>, vector<1x16xf32>,
        %get3A_934 = arith.index_cast %add3A_883 : i32 to index
        %get3A_935 = arith.constant 80 : index
        %get3A_936 = tpu.vector_load %arg12[%get3A_934, %get3A_935] {strides = array<i32>} : memref<128x128xf32, #tpu.memory_space<vmem>>, vector<1x16xf32>,
        %get3A_937 = vector.shape_cast %get3A_936 : vector<1x16xf32> to vector<16xf32>
        %mul3A_938 = arith.mulf %get3A_937, %broadcast_in_dim3A_881 : vector<16xf32>
        %swap3A_939 = arith.index_cast %add3A_883 : i32 to index
        %swap3A_940 = arith.constant 80 : index
        %swap3A_941 = tpu.vector_load %arg12[%swap3A_939, %swap3A_940] {strides = array<i32>} : memref<128x128xf32, #tpu.memory_space<vmem>>, vector<1x16xf32>,
        %swap3A_942 = vector.shape_cast %swap3A_941 : vector<1x16xf32> to vector<16xf32>
        %swap3A_943 = vector.shape_cast %mul3A_938 : vector<16xf32> to vector<1x16xf32>
        tpu.vector_store %arg12[%swap3A_939, %swap3A_940], %swap3A_943 {strides = array<i32>} : memref<128x128xf32, #tpu.memory_space<vmem>>, vector<1x16xf32>,
        %get3A_944 = arith.index_cast %add3A_883 : i32 to index
        %get3A_945 = arith.constant 96 : index
        %get3A_946 = tpu.vector_load %arg12[%get3A_944, %get3A_945] {strides = array<i32>} : memref<128x128xf32, #tpu.memory_space<vmem>>, vector<1x16xf32>,
        %get3A_947 = vector.shape_cast %get3A_946 : vector<1x16xf32> to vector<16xf32>
        %mul3A_948 = arith.mulf %get3A_947, %broadcast_in_dim3A_881 : vector<16xf32>
        %swap3A_949 = arith.index_cast %add3A_883 : i32 to index
        %swap3A_950 = arith.constant 96 : index
        %swap3A_951 = tpu.vector_load %arg12[%swap3A_949, %swap3A_950] {strides = array<i32>} : memref<128x128xf32, #tpu.memory_space<vmem>>, vector<1x16xf32>,
        %swap3A_952 = vector.shape_cast %swap3A_951 : vector<1x16xf32> to vector<16xf32>
        %swap3A_953 = vector.shape_cast %mul3A_948 : vector<16xf32> to vector<1x16xf32>
        tpu.vector_store %arg12[%swap3A_949, %swap3A_950], %swap3A_953 {strides = array<i32>} : memref<128x128xf32, #tpu.memory_space<vmem>>, vector<1x16xf32>,
        %get3A_954 = arith.index_cast %add3A_883 : i32 to index
        %get3A_955 = arith.constant 112 : index
        %get3A_956 = tpu.vector_load %arg12[%get3A_954, %get3A_955] {strides = array<i32>} : memref<128x128xf32, #tpu.memory_space<vmem>>, vector<1x16xf32>,
        %get3A_957 = vector.shape_cast %get3A_956 : vector<1x16xf32> to vector<16xf32>
        %mul3A_958 = arith.mulf %get3A_957, %broadcast_in_dim3A_881 : vector<16xf32>
        %swap3A_959 = arith.index_cast %add3A_883 : i32 to index
        %swap3A_960 = arith.constant 112 : index
        %swap3A_961 = tpu.vector_load %arg12[%swap3A_959, %swap3A_960] {strides = array<i32>} : memref<128x128xf32, #tpu.memory_space<vmem>>, vector<1x16xf32>,
        %swap3A_962 = vector.shape_cast %swap3A_961 : vector<1x16xf32> to vector<16xf32>
        %swap3A_963 = vector.shape_cast %mul3A_958 : vector<16xf32> to vector<1x16xf32>
        tpu.vector_store %arg12[%swap3A_959, %swap3A_960], %swap3A_963 {strides = array<i32>} : memref<128x128xf32, #tpu.memory_space<vmem>>, vector<1x16xf32>,
        %slice3A_964 = vector.extract_strided_slice %get3A_32 {offsets = [11], sizes = [1], strides = [1]} : vector<16xf32> to vector<1xf32>
        %squeeze3A_965 = vector.extract %slice3A_964[0] : f32 from vector<1xf32>
        %broadcast_in_dim3A_966 = vector.broadcast %squeeze3A_965 : f32 to vector<16xf32>
        %add3A_967 = arith.constant 11 : i32
        %add3A_968 = arith.addi %mul3A_28, %add3A_967 : i32
        %get3A_969 = arith.index_cast %add3A_968 : i32 to index
        %get3A_970 = arith.constant 0 : index
        %get3A_971 = tpu.vector_load %arg12[%get3A_969, %get3A_970] {strides = array<i32>} : memref<128x128xf32, #tpu.memory_space<vmem>>, vector<1x16xf32>,
        %get3A_972 = vector.shape_cast %get3A_971 : vector<1x16xf32> to vector<16xf32>
        %mul3A_973 = arith.mulf %get3A_972, %broadcast_in_dim3A_966 : vector<16xf32>
        %swap3A_974 = arith.index_cast %add3A_968 : i32 to index
        %swap3A_975 = arith.constant 0 : index
        %swap3A_976 = tpu.vector_load %arg12[%swap3A_974, %swap3A_975] {strides = array<i32>} : memref<128x128xf32, #tpu.memory_space<vmem>>, vector<1x16xf32>,
        %swap3A_977 = vector.shape_cast %swap3A_976 : vector<1x16xf32> to vector<16xf32>
        %swap3A_978 = vector.shape_cast %mul3A_973 : vector<16xf32> to vector<1x16xf32>
        tpu.vector_store %arg12[%swap3A_974, %swap3A_975], %swap3A_978 {strides = array<i32>} : memref<128x128xf32, #tpu.memory_space<vmem>>, vector<1x16xf32>,
        %get3A_979 = arith.index_cast %add3A_968 : i32 to index
        %get3A_980 = arith.constant 16 : index
        %get3A_981 = tpu.vector_load %arg12[%get3A_979, %get3A_980] {strides = array<i32>} : memref<128x128xf32, #tpu.memory_space<vmem>>, vector<1x16xf32>,
        %get3A_982 = vector.shape_cast %get3A_981 : vector<1x16xf32> to vector<16xf32>
        %mul3A_983 = arith.mulf %get3A_982, %broadcast_in_dim3A_966 : vector<16xf32>
        %swap3A_984 = arith.index_cast %add3A_968 : i32 to index
        %swap3A_985 = arith.constant 16 : index
        %swap3A_986 = tpu.vector_load %arg12[%swap3A_984, %swap3A_985] {strides = array<i32>} : memref<128x128xf32, #tpu.memory_space<vmem>>, vector<1x16xf32>,
        %swap3A_987 = vector.shape_cast %swap3A_986 : vector<1x16xf32> to vector<16xf32>
        %swap3A_988 = vector.shape_cast %mul3A_983 : vector<16xf32> to vector<1x16xf32>
        tpu.vector_store %arg12[%swap3A_984, %swap3A_985], %swap3A_988 {strides = array<i32>} : memref<128x128xf32, #tpu.memory_space<vmem>>, vector<1x16xf32>,
        %get3A_989 = arith.index_cast %add3A_968 : i32 to index
        %get3A_990 = arith.constant 32 : index
        %get3A_991 = tpu.vector_load %arg12[%get3A_989, %get3A_990] {strides = array<i32>} : memref<128x128xf32, #tpu.memory_space<vmem>>, vector<1x16xf32>,
        %get3A_992 = vector.shape_cast %get3A_991 : vector<1x16xf32> to vector<16xf32>
        %mul3A_993 = arith.mulf %get3A_992, %broadcast_in_dim3A_966 : vector<16xf32>
        %swap3A_994 = arith.index_cast %add3A_968 : i32 to index
        %swap3A_995 = arith.constant 32 : index
        %swap3A_996 = tpu.vector_load %arg12[%swap3A_994, %swap3A_995] {strides = array<i32>} : memref<128x128xf32, #tpu.memory_space<vmem>>, vector<1x16xf32>,
        %swap3A_997 = vector.shape_cast %swap3A_996 : vector<1x16xf32> to vector<16xf32>
        %swap3A_998 = vector.shape_cast %mul3A_993 : vector<16xf32> to vector<1x16xf32>
        tpu.vector_store %arg12[%swap3A_994, %swap3A_995], %swap3A_998 {strides = array<i32>} : memref<128x128xf32, #tpu.memory_space<vmem>>, vector<1x16xf32>,
        %get3A_999 = arith.index_cast %add3A_968 : i32 to index
        %get3A_1000 = arith.constant 48 : index
        %get3A_1001 = tpu.vector_load %arg12[%get3A_999, %get3A_1000] {strides = array<i32>} : memref<128x128xf32, #tpu.memory_space<vmem>>, vector<1x16xf32>,
        %get3A_1002 = vector.shape_cast %get3A_1001 : vector<1x16xf32> to vector<16xf32>
        %mul3A_1003 = arith.mulf %get3A_1002, %broadcast_in_dim3A_966 : vector<16xf32>
        %swap3A_1004 = arith.index_cast %add3A_968 : i32 to index
        %swap3A_1005 = arith.constant 48 : index
        %swap3A_1006 = tpu.vector_load %arg12[%swap3A_1004, %swap3A_1005] {strides = array<i32>} : memref<128x128xf32, #tpu.memory_space<vmem>>, vector<1x16xf32>,
        %swap3A_1007 = vector.shape_cast %swap3A_1006 : vector<1x16xf32> to vector<16xf32>
        %swap3A_1008 = vector.shape_cast %mul3A_1003 : vector<16xf32> to vector<1x16xf32>
        tpu.vector_store %arg12[%swap3A_1004, %swap3A_1005], %swap3A_1008 {strides = array<i32>} : memref<128x128xf32, #tpu.memory_space<vmem>>, vector<1x16xf32>,
        %get3A_1009 = arith.index_cast %add3A_968 : i32 to index
        %get3A_1010 = arith.constant 64 : index
        %get3A_1011 = tpu.vector_load %arg12[%get3A_1009, %get3A_1010] {strides = array<i32>} : memref<128x128xf32, #tpu.memory_space<vmem>>, vector<1x16xf32>,
        %get3A_1012 = vector.shape_cast %get3A_1011 : vector<1x16xf32> to vector<16xf32>
        %mul3A_1013 = arith.mulf %get3A_1012, %broadcast_in_dim3A_966 : vector<16xf32>
        %swap3A_1014 = arith.index_cast %add3A_968 : i32 to index
        %swap3A_1015 = arith.constant 64 : index
        %swap3A_1016 = tpu.vector_load %arg12[%swap3A_1014, %swap3A_1015] {strides = array<i32>} : memref<128x128xf32, #tpu.memory_space<vmem>>, vector<1x16xf32>,
        %swap3A_1017 = vector.shape_cast %swap3A_1016 : vector<1x16xf32> to vector<16xf32>
        %swap3A_1018 = vector.shape_cast %mul3A_1013 : vector<16xf32> to vector<1x16xf32>
        tpu.vector_store %arg12[%swap3A_1014, %swap3A_1015], %swap3A_1018 {strides = array<i32>} : memref<128x128xf32, #tpu.memory_space<vmem>>, vector<1x16xf32>,
        %get3A_1019 = arith.index_cast %add3A_968 : i32 to index
        %get3A_1020 = arith.constant 80 : index
        %get3A_1021 = tpu.vector_load %arg12[%get3A_1019, %get3A_1020] {strides = array<i32>} : memref<128x128xf32, #tpu.memory_space<vmem>>, vector<1x16xf32>,
        %get3A_1022 = vector.shape_cast %get3A_1021 : vector<1x16xf32> to vector<16xf32>
        %mul3A_1023 = arith.mulf %get3A_1022, %broadcast_in_dim3A_966 : vector<16xf32>
        %swap3A_1024 = arith.index_cast %add3A_968 : i32 to index
        %swap3A_1025 = arith.constant 80 : index
        %swap3A_1026 = tpu.vector_load %arg12[%swap3A_1024, %swap3A_1025] {strides = array<i32>} : memref<128x128xf32, #tpu.memory_space<vmem>>, vector<1x16xf32>,
        %swap3A_1027 = vector.shape_cast %swap3A_1026 : vector<1x16xf32> to vector<16xf32>
        %swap3A_1028 = vector.shape_cast %mul3A_1023 : vector<16xf32> to vector<1x16xf32>
        tpu.vector_store %arg12[%swap3A_1024, %swap3A_1025], %swap3A_1028 {strides = array<i32>} : memref<128x128xf32, #tpu.memory_space<vmem>>, vector<1x16xf32>,
        %get3A_1029 = arith.index_cast %add3A_968 : i32 to index
        %get3A_1030 = arith.constant 96 : index
        %get3A_1031 = tpu.vector_load %arg12[%get3A_1029, %get3A_1030] {strides = array<i32>} : memref<128x128xf32, #tpu.memory_space<vmem>>, vector<1x16xf32>,
        %get3A_1032 = vector.shape_cast %get3A_1031 : vector<1x16xf32> to vector<16xf32>
        %mul3A_1033 = arith.mulf %get3A_1032, %broadcast_in_dim3A_966 : vector<16xf32>
        %swap3A_1034 = arith.index_cast %add3A_968 : i32 to index
        %swap3A_1035 = arith.constant 96 : index
        %swap3A_1036 = tpu.vector_load %arg12[%swap3A_1034, %swap3A_1035] {strides = array<i32>} : memref<128x128xf32, #tpu.memory_space<vmem>>, vector<1x16xf32>,
        %swap3A_1037 = vector.shape_cast %swap3A_1036 : vector<1x16xf32> to vector<16xf32>
        %swap3A_1038 = vector.shape_cast %mul3A_1033 : vector<16xf32> to vector<1x16xf32>
        tpu.vector_store %arg12[%swap3A_1034, %swap3A_1035], %swap3A_1038 {strides = array<i32>} : memref<128x128xf32, #tpu.memory_space<vmem>>, vector<1x16xf32>,
        %get3A_1039 = arith.index_cast %add3A_968 : i32 to index
        %get3A_1040 = arith.constant 112 : index
        %get3A_1041 = tpu.vector_load %arg12[%get3A_1039, %get3A_1040] {strides = array<i32>} : memref<128x128xf32, #tpu.memory_space<vmem>>, vector<1x16xf32>,
        %get3A_1042 = vector.shape_cast %get3A_1041 : vector<1x16xf32> to vector<16xf32>
        %mul3A_1043 = arith.mulf %get3A_1042, %broadcast_in_dim3A_966 : vector<16xf32>
        %swap3A_1044 = arith.index_cast %add3A_968 : i32 to index
        %swap3A_1045 = arith.constant 112 : index
        %swap3A_1046 = tpu.vector_load %arg12[%swap3A_1044, %swap3A_1045] {strides = array<i32>} : memref<128x128xf32, #tpu.memory_space<vmem>>, vector<1x16xf32>,
        %swap3A_1047 = vector.shape_cast %swap3A_1046 : vector<1x16xf32> to vector<16xf32>
        %swap3A_1048 = vector.shape_cast %mul3A_1043 : vector<16xf32> to vector<1x16xf32>
        tpu.vector_store %arg12[%swap3A_1044, %swap3A_1045], %swap3A_1048 {strides = array<i32>} : memref<128x128xf32, #tpu.memory_space<vmem>>, vector<1x16xf32>,
        %slice3A_1049 = vector.extract_strided_slice %get3A_32 {offsets = [12], sizes = [1], strides = [1]} : vector<16xf32> to vector<1xf32>
        %squeeze3A_1050 = vector.extract %slice3A_1049[0] : f32 from vector<1xf32>
        %broadcast_in_dim3A_1051 = vector.broadcast %squeeze3A_1050 : f32 to vector<16xf32>
        %add3A_1052 = arith.constant 12 : i32
        %add3A_1053 = arith.addi %mul3A_28, %add3A_1052 : i32
        %get3A_1054 = arith.index_cast %add3A_1053 : i32 to index
        %get3A_1055 = arith.constant 0 : index
        %get3A_1056 = tpu.vector_load %arg12[%get3A_1054, %get3A_1055] {strides = array<i32>} : memref<128x128xf32, #tpu.memory_space<vmem>>, vector<1x16xf32>,
        %get3A_1057 = vector.shape_cast %get3A_1056 : vector<1x16xf32> to vector<16xf32>
        %mul3A_1058 = arith.mulf %get3A_1057, %broadcast_in_dim3A_1051 : vector<16xf32>
        %swap3A_1059 = arith.index_cast %add3A_1053 : i32 to index
        %swap3A_1060 = arith.constant 0 : index
        %swap3A_1061 = tpu.vector_load %arg12[%swap3A_1059, %swap3A_1060] {strides = array<i32>} : memref<128x128xf32, #tpu.memory_space<vmem>>, vector<1x16xf32>,
        %swap3A_1062 = vector.shape_cast %swap3A_1061 : vector<1x16xf32> to vector<16xf32>
        %swap3A_1063 = vector.shape_cast %mul3A_1058 : vector<16xf32> to vector<1x16xf32>
        tpu.vector_store %arg12[%swap3A_1059, %swap3A_1060], %swap3A_1063 {strides = array<i32>} : memref<128x128xf32, #tpu.memory_space<vmem>>, vector<1x16xf32>,
        %get3A_1064 = arith.index_cast %add3A_1053 : i32 to index
        %get3A_1065 = arith.constant 16 : index
        %get3A_1066 = tpu.vector_load %arg12[%get3A_1064, %get3A_1065] {strides = array<i32>} : memref<128x128xf32, #tpu.memory_space<vmem>>, vector<1x16xf32>,
        %get3A_1067 = vector.shape_cast %get3A_1066 : vector<1x16xf32> to vector<16xf32>
        %mul3A_1068 = arith.mulf %get3A_1067, %broadcast_in_dim3A_1051 : vector<16xf32>
        %swap3A_1069 = arith.index_cast %add3A_1053 : i32 to index
        %swap3A_1070 = arith.constant 16 : index
        %swap3A_1071 = tpu.vector_load %arg12[%swap3A_1069, %swap3A_1070] {strides = array<i32>} : memref<128x128xf32, #tpu.memory_space<vmem>>, vector<1x16xf32>,
        %swap3A_1072 = vector.shape_cast %swap3A_1071 : vector<1x16xf32> to vector<16xf32>
        %swap3A_1073 = vector.shape_cast %mul3A_1068 : vector<16xf32> to vector<1x16xf32>
        tpu.vector_store %arg12[%swap3A_1069, %swap3A_1070], %swap3A_1073 {strides = array<i32>} : memref<128x128xf32, #tpu.memory_space<vmem>>, vector<1x16xf32>,
        %get3A_1074 = arith.index_cast %add3A_1053 : i32 to index
        %get3A_1075 = arith.constant 32 : index
        %get3A_1076 = tpu.vector_load %arg12[%get3A_1074, %get3A_1075] {strides = array<i32>} : memref<128x128xf32, #tpu.memory_space<vmem>>, vector<1x16xf32>,
        %get3A_1077 = vector.shape_cast %get3A_1076 : vector<1x16xf32> to vector<16xf32>
        %mul3A_1078 = arith.mulf %get3A_1077, %broadcast_in_dim3A_1051 : vector<16xf32>
        %swap3A_1079 = arith.index_cast %add3A_1053 : i32 to index
        %swap3A_1080 = arith.constant 32 : index
        %swap3A_1081 = tpu.vector_load %arg12[%swap3A_1079, %swap3A_1080] {strides = array<i32>} : memref<128x128xf32, #tpu.memory_space<vmem>>, vector<1x16xf32>,
        %swap3A_1082 = vector.shape_cast %swap3A_1081 : vector<1x16xf32> to vector<16xf32>
        %swap3A_1083 = vector.shape_cast %mul3A_1078 : vector<16xf32> to vector<1x16xf32>
        tpu.vector_store %arg12[%swap3A_1079, %swap3A_1080], %swap3A_1083 {strides = array<i32>} : memref<128x128xf32, #tpu.memory_space<vmem>>, vector<1x16xf32>,
        %get3A_1084 = arith.index_cast %add3A_1053 : i32 to index
        %get3A_1085 = arith.constant 48 : index
        %get3A_1086 = tpu.vector_load %arg12[%get3A_1084, %get3A_1085] {strides = array<i32>} : memref<128x128xf32, #tpu.memory_space<vmem>>, vector<1x16xf32>,
        %get3A_1087 = vector.shape_cast %get3A_1086 : vector<1x16xf32> to vector<16xf32>
        %mul3A_1088 = arith.mulf %get3A_1087, %broadcast_in_dim3A_1051 : vector<16xf32>
        %swap3A_1089 = arith.index_cast %add3A_1053 : i32 to index
        %swap3A_1090 = arith.constant 48 : index
        %swap3A_1091 = tpu.vector_load %arg12[%swap3A_1089, %swap3A_1090] {strides = array<i32>} : memref<128x128xf32, #tpu.memory_space<vmem>>, vector<1x16xf32>,
        %swap3A_1092 = vector.shape_cast %swap3A_1091 : vector<1x16xf32> to vector<16xf32>
        %swap3A_1093 = vector.shape_cast %mul3A_1088 : vector<16xf32> to vector<1x16xf32>
        tpu.vector_store %arg12[%swap3A_1089, %swap3A_1090], %swap3A_1093 {strides = array<i32>} : memref<128x128xf32, #tpu.memory_space<vmem>>, vector<1x16xf32>,
        %get3A_1094 = arith.index_cast %add3A_1053 : i32 to index
        %get3A_1095 = arith.constant 64 : index
        %get3A_1096 = tpu.vector_load %arg12[%get3A_1094, %get3A_1095] {strides = array<i32>} : memref<128x128xf32, #tpu.memory_space<vmem>>, vector<1x16xf32>,
        %get3A_1097 = vector.shape_cast %get3A_1096 : vector<1x16xf32> to vector<16xf32>
        %mul3A_1098 = arith.mulf %get3A_1097, %broadcast_in_dim3A_1051 : vector<16xf32>
        %swap3A_1099 = arith.index_cast %add3A_1053 : i32 to index
        %swap3A_1100 = arith.constant 64 : index
        %swap3A_1101 = tpu.vector_load %arg12[%swap3A_1099, %swap3A_1100] {strides = array<i32>} : memref<128x128xf32, #tpu.memory_space<vmem>>, vector<1x16xf32>,
        %swap3A_1102 = vector.shape_cast %swap3A_1101 : vector<1x16xf32> to vector<16xf32>
        %swap3A_1103 = vector.shape_cast %mul3A_1098 : vector<16xf32> to vector<1x16xf32>
        tpu.vector_store %arg12[%swap3A_1099, %swap3A_1100], %swap3A_1103 {strides = array<i32>} : memref<128x128xf32, #tpu.memory_space<vmem>>, vector<1x16xf32>,
        %get3A_1104 = arith.index_cast %add3A_1053 : i32 to index
        %get3A_1105 = arith.constant 80 : index
        %get3A_1106 = tpu.vector_load %arg12[%get3A_1104, %get3A_1105] {strides = array<i32>} : memref<128x128xf32, #tpu.memory_space<vmem>>, vector<1x16xf32>,
        %get3A_1107 = vector.shape_cast %get3A_1106 : vector<1x16xf32> to vector<16xf32>
        %mul3A_1108 = arith.mulf %get3A_1107, %broadcast_in_dim3A_1051 : vector<16xf32>
        %swap3A_1109 = arith.index_cast %add3A_1053 : i32 to index
        %swap3A_1110 = arith.constant 80 : index
        %swap3A_1111 = tpu.vector_load %arg12[%swap3A_1109, %swap3A_1110] {strides = array<i32>} : memref<128x128xf32, #tpu.memory_space<vmem>>, vector<1x16xf32>,
        %swap3A_1112 = vector.shape_cast %swap3A_1111 : vector<1x16xf32> to vector<16xf32>
        %swap3A_1113 = vector.shape_cast %mul3A_1108 : vector<16xf32> to vector<1x16xf32>
        tpu.vector_store %arg12[%swap3A_1109, %swap3A_1110], %swap3A_1113 {strides = array<i32>} : memref<128x128xf32, #tpu.memory_space<vmem>>, vector<1x16xf32>,
        %get3A_1114 = arith.index_cast %add3A_1053 : i32 to index
        %get3A_1115 = arith.constant 96 : index
        %get3A_1116 = tpu.vector_load %arg12[%get3A_1114, %get3A_1115] {strides = array<i32>} : memref<128x128xf32, #tpu.memory_space<vmem>>, vector<1x16xf32>,
        %get3A_1117 = vector.shape_cast %get3A_1116 : vector<1x16xf32> to vector<16xf32>
        %mul3A_1118 = arith.mulf %get3A_1117, %broadcast_in_dim3A_1051 : vector<16xf32>
        %swap3A_1119 = arith.index_cast %add3A_1053 : i32 to index
        %swap3A_1120 = arith.constant 96 : index
        %swap3A_1121 = tpu.vector_load %arg12[%swap3A_1119, %swap3A_1120] {strides = array<i32>} : memref<128x128xf32, #tpu.memory_space<vmem>>, vector<1x16xf32>,
        %swap3A_1122 = vector.shape_cast %swap3A_1121 : vector<1x16xf32> to vector<16xf32>
        %swap3A_1123 = vector.shape_cast %mul3A_1118 : vector<16xf32> to vector<1x16xf32>
        tpu.vector_store %arg12[%swap3A_1119, %swap3A_1120], %swap3A_1123 {strides = array<i32>} : memref<128x128xf32, #tpu.memory_space<vmem>>, vector<1x16xf32>,
        %get3A_1124 = arith.index_cast %add3A_1053 : i32 to index
        %get3A_1125 = arith.constant 112 : index
        %get3A_1126 = tpu.vector_load %arg12[%get3A_1124, %get3A_1125] {strides = array<i32>} : memref<128x128xf32, #tpu.memory_space<vmem>>, vector<1x16xf32>,
        %get3A_1127 = vector.shape_cast %get3A_1126 : vector<1x16xf32> to vector<16xf32>
        %mul3A_1128 = arith.mulf %get3A_1127, %broadcast_in_dim3A_1051 : vector<16xf32>
        %swap3A_1129 = arith.index_cast %add3A_1053 : i32 to index
        %swap3A_1130 = arith.constant 112 : index
        %swap3A_1131 = tpu.vector_load %arg12[%swap3A_1129, %swap3A_1130] {strides = array<i32>} : memref<128x128xf32, #tpu.memory_space<vmem>>, vector<1x16xf32>,
        %swap3A_1132 = vector.shape_cast %swap3A_1131 : vector<1x16xf32> to vector<16xf32>
        %swap3A_1133 = vector.shape_cast %mul3A_1128 : vector<16xf32> to vector<1x16xf32>
        tpu.vector_store %arg12[%swap3A_1129, %swap3A_1130], %swap3A_1133 {strides = array<i32>} : memref<128x128xf32, #tpu.memory_space<vmem>>, vector<1x16xf32>,
        %slice3A_1134 = vector.extract_strided_slice %get3A_32 {offsets = [13], sizes = [1], strides = [1]} : vector<16xf32> to vector<1xf32>
        %squeeze3A_1135 = vector.extract %slice3A_1134[0] : f32 from vector<1xf32>
        %broadcast_in_dim3A_1136 = vector.broadcast %squeeze3A_1135 : f32 to vector<16xf32>
        %add3A_1137 = arith.constant 13 : i32
        %add3A_1138 = arith.addi %mul3A_28, %add3A_1137 : i32
        %get3A_1139 = arith.index_cast %add3A_1138 : i32 to index
        %get3A_1140 = arith.constant 0 : index
        %get3A_1141 = tpu.vector_load %arg12[%get3A_1139, %get3A_1140] {strides = array<i32>} : memref<128x128xf32, #tpu.memory_space<vmem>>, vector<1x16xf32>,
        %get3A_1142 = vector.shape_cast %get3A_1141 : vector<1x16xf32> to vector<16xf32>
        %mul3A_1143 = arith.mulf %get3A_1142, %broadcast_in_dim3A_1136 : vector<16xf32>
        %swap3A_1144 = arith.index_cast %add3A_1138 : i32 to index
        %swap3A_1145 = arith.constant 0 : index
        %swap3A_1146 = tpu.vector_load %arg12[%swap3A_1144, %swap3A_1145] {strides = array<i32>} : memref<128x128xf32, #tpu.memory_space<vmem>>, vector<1x16xf32>,
        %swap3A_1147 = vector.shape_cast %swap3A_1146 : vector<1x16xf32> to vector<16xf32>
        %swap3A_1148 = vector.shape_cast %mul3A_1143 : vector<16xf32> to vector<1x16xf32>
        tpu.vector_store %arg12[%swap3A_1144, %swap3A_1145], %swap3A_1148 {strides = array<i32>} : memref<128x128xf32, #tpu.memory_space<vmem>>, vector<1x16xf32>,
        %get3A_1149 = arith.index_cast %add3A_1138 : i32 to index
        %get3A_1150 = arith.constant 16 : index
        %get3A_1151 = tpu.vector_load %arg12[%get3A_1149, %get3A_1150] {strides = array<i32>} : memref<128x128xf32, #tpu.memory_space<vmem>>, vector<1x16xf32>,
        %get3A_1152 = vector.shape_cast %get3A_1151 : vector<1x16xf32> to vector<16xf32>
        %mul3A_1153 = arith.mulf %get3A_1152, %broadcast_in_dim3A_1136 : vector<16xf32>
        %swap3A_1154 = arith.index_cast %add3A_1138 : i32 to index
        %swap3A_1155 = arith.constant 16 : index
        %swap3A_1156 = tpu.vector_load %arg12[%swap3A_1154, %swap3A_1155] {strides = array<i32>} : memref<128x128xf32, #tpu.memory_space<vmem>>, vector<1x16xf32>,
        %swap3A_1157 = vector.shape_cast %swap3A_1156 : vector<1x16xf32> to vector<16xf32>
        %swap3A_1158 = vector.shape_cast %mul3A_1153 : vector<16xf32> to vector<1x16xf32>
        tpu.vector_store %arg12[%swap3A_1154, %swap3A_1155], %swap3A_1158 {strides = array<i32>} : memref<128x128xf32, #tpu.memory_space<vmem>>, vector<1x16xf32>,
        %get3A_1159 = arith.index_cast %add3A_1138 : i32 to index
        %get3A_1160 = arith.constant 32 : index
        %get3A_1161 = tpu.vector_load %arg12[%get3A_1159, %get3A_1160] {strides = array<i32>} : memref<128x128xf32, #tpu.memory_space<vmem>>, vector<1x16xf32>,
        %get3A_1162 = vector.shape_cast %get3A_1161 : vector<1x16xf32> to vector<16xf32>
        %mul3A_1163 = arith.mulf %get3A_1162, %broadcast_in_dim3A_1136 : vector<16xf32>
        %swap3A_1164 = arith.index_cast %add3A_1138 : i32 to index
        %swap3A_1165 = arith.constant 32 : index
        %swap3A_1166 = tpu.vector_load %arg12[%swap3A_1164, %swap3A_1165] {strides = array<i32>} : memref<128x128xf32, #tpu.memory_space<vmem>>, vector<1x16xf32>,
        %swap3A_1167 = vector.shape_cast %swap3A_1166 : vector<1x16xf32> to vector<16xf32>
        %swap3A_1168 = vector.shape_cast %mul3A_1163 : vector<16xf32> to vector<1x16xf32>
        tpu.vector_store %arg12[%swap3A_1164, %swap3A_1165], %swap3A_1168 {strides = array<i32>} : memref<128x128xf32, #tpu.memory_space<vmem>>, vector<1x16xf32>,
        %get3A_1169 = arith.index_cast %add3A_1138 : i32 to index
        %get3A_1170 = arith.constant 48 : index
        %get3A_1171 = tpu.vector_load %arg12[%get3A_1169, %get3A_1170] {strides = array<i32>} : memref<128x128xf32, #tpu.memory_space<vmem>>, vector<1x16xf32>,
        %get3A_1172 = vector.shape_cast %get3A_1171 : vector<1x16xf32> to vector<16xf32>
        %mul3A_1173 = arith.mulf %get3A_1172, %broadcast_in_dim3A_1136 : vector<16xf32>
        %swap3A_1174 = arith.index_cast %add3A_1138 : i32 to index
        %swap3A_1175 = arith.constant 48 : index
        %swap3A_1176 = tpu.vector_load %arg12[%swap3A_1174, %swap3A_1175] {strides = array<i32>} : memref<128x128xf32, #tpu.memory_space<vmem>>, vector<1x16xf32>,
        %swap3A_1177 = vector.shape_cast %swap3A_1176 : vector<1x16xf32> to vector<16xf32>
        %swap3A_1178 = vector.shape_cast %mul3A_1173 : vector<16xf32> to vector<1x16xf32>
        tpu.vector_store %arg12[%swap3A_1174, %swap3A_1175], %swap3A_1178 {strides = array<i32>} : memref<128x128xf32, #tpu.memory_space<vmem>>, vector<1x16xf32>,
        %get3A_1179 = arith.index_cast %add3A_1138 : i32 to index
        %get3A_1180 = arith.constant 64 : index
        %get3A_1181 = tpu.vector_load %arg12[%get3A_1179, %get3A_1180] {strides = array<i32>} : memref<128x128xf32, #tpu.memory_space<vmem>>, vector<1x16xf32>,
        %get3A_1182 = vector.shape_cast %get3A_1181 : vector<1x16xf32> to vector<16xf32>
        %mul3A_1183 = arith.mulf %get3A_1182, %broadcast_in_dim3A_1136 : vector<16xf32>
        %swap3A_1184 = arith.index_cast %add3A_1138 : i32 to index
        %swap3A_1185 = arith.constant 64 : index
        %swap3A_1186 = tpu.vector_load %arg12[%swap3A_1184, %swap3A_1185] {strides = array<i32>} : memref<128x128xf32, #tpu.memory_space<vmem>>, vector<1x16xf32>,
        %swap3A_1187 = vector.shape_cast %swap3A_1186 : vector<1x16xf32> to vector<16xf32>
        %swap3A_1188 = vector.shape_cast %mul3A_1183 : vector<16xf32> to vector<1x16xf32>
        tpu.vector_store %arg12[%swap3A_1184, %swap3A_1185], %swap3A_1188 {strides = array<i32>} : memref<128x128xf32, #tpu.memory_space<vmem>>, vector<1x16xf32>,
        %get3A_1189 = arith.index_cast %add3A_1138 : i32 to index
        %get3A_1190 = arith.constant 80 : index
        %get3A_1191 = tpu.vector_load %arg12[%get3A_1189, %get3A_1190] {strides = array<i32>} : memref<128x128xf32, #tpu.memory_space<vmem>>, vector<1x16xf32>,
        %get3A_1192 = vector.shape_cast %get3A_1191 : vector<1x16xf32> to vector<16xf32>
        %mul3A_1193 = arith.mulf %get3A_1192, %broadcast_in_dim3A_1136 : vector<16xf32>
        %swap3A_1194 = arith.index_cast %add3A_1138 : i32 to index
        %swap3A_1195 = arith.constant 80 : index
        %swap3A_1196 = tpu.vector_load %arg12[%swap3A_1194, %swap3A_1195] {strides = array<i32>} : memref<128x128xf32, #tpu.memory_space<vmem>>, vector<1x16xf32>,
        %swap3A_1197 = vector.shape_cast %swap3A_1196 : vector<1x16xf32> to vector<16xf32>
        %swap3A_1198 = vector.shape_cast %mul3A_1193 : vector<16xf32> to vector<1x16xf32>
        tpu.vector_store %arg12[%swap3A_1194, %swap3A_1195], %swap3A_1198 {strides = array<i32>} : memref<128x128xf32, #tpu.memory_space<vmem>>, vector<1x16xf32>,
        %get3A_1199 = arith.index_cast %add3A_1138 : i32 to index
        %get3A_1200 = arith.constant 96 : index
        %get3A_1201 = tpu.vector_load %arg12[%get3A_1199, %get3A_1200] {strides = array<i32>} : memref<128x128xf32, #tpu.memory_space<vmem>>, vector<1x16xf32>,
        %get3A_1202 = vector.shape_cast %get3A_1201 : vector<1x16xf32> to vector<16xf32>
        %mul3A_1203 = arith.mulf %get3A_1202, %broadcast_in_dim3A_1136 : vector<16xf32>
        %swap3A_1204 = arith.index_cast %add3A_1138 : i32 to index
        %swap3A_1205 = arith.constant 96 : index
        %swap3A_1206 = tpu.vector_load %arg12[%swap3A_1204, %swap3A_1205] {strides = array<i32>} : memref<128x128xf32, #tpu.memory_space<vmem>>, vector<1x16xf32>,
        %swap3A_1207 = vector.shape_cast %swap3A_1206 : vector<1x16xf32> to vector<16xf32>
        %swap3A_1208 = vector.shape_cast %mul3A_1203 : vector<16xf32> to vector<1x16xf32>
        tpu.vector_store %arg12[%swap3A_1204, %swap3A_1205], %swap3A_1208 {strides = array<i32>} : memref<128x128xf32, #tpu.memory_space<vmem>>, vector<1x16xf32>,
        %get3A_1209 = arith.index_cast %add3A_1138 : i32 to index
        %get3A_1210 = arith.constant 112 : index
        %get3A_1211 = tpu.vector_load %arg12[%get3A_1209, %get3A_1210] {strides = array<i32>} : memref<128x128xf32, #tpu.memory_space<vmem>>, vector<1x16xf32>,
        %get3A_1212 = vector.shape_cast %get3A_1211 : vector<1x16xf32> to vector<16xf32>
        %mul3A_1213 = arith.mulf %get3A_1212, %broadcast_in_dim3A_1136 : vector<16xf32>
        %swap3A_1214 = arith.index_cast %add3A_1138 : i32 to index
        %swap3A_1215 = arith.constant 112 : index
        %swap3A_1216 = tpu.vector_load %arg12[%swap3A_1214, %swap3A_1215] {strides = array<i32>} : memref<128x128xf32, #tpu.memory_space<vmem>>, vector<1x16xf32>,
        %swap3A_1217 = vector.shape_cast %swap3A_1216 : vector<1x16xf32> to vector<16xf32>
        %swap3A_1218 = vector.shape_cast %mul3A_1213 : vector<16xf32> to vector<1x16xf32>
        tpu.vector_store %arg12[%swap3A_1214, %swap3A_1215], %swap3A_1218 {strides = array<i32>} : memref<128x128xf32, #tpu.memory_space<vmem>>, vector<1x16xf32>,
        %slice3A_1219 = vector.extract_strided_slice %get3A_32 {offsets = [14], sizes = [1], strides = [1]} : vector<16xf32> to vector<1xf32>
        %squeeze3A_1220 = vector.extract %slice3A_1219[0] : f32 from vector<1xf32>
        %broadcast_in_dim3A_1221 = vector.broadcast %squeeze3A_1220 : f32 to vector<16xf32>
        %add3A_1222 = arith.constant 14 : i32
        %add3A_1223 = arith.addi %mul3A_28, %add3A_1222 : i32
        %get3A_1224 = arith.index_cast %add3A_1223 : i32 to index
        %get3A_1225 = arith.constant 0 : index
        %get3A_1226 = tpu.vector_load %arg12[%get3A_1224, %get3A_1225] {strides = array<i32>} : memref<128x128xf32, #tpu.memory_space<vmem>>, vector<1x16xf32>,
        %get3A_1227 = vector.shape_cast %get3A_1226 : vector<1x16xf32> to vector<16xf32>
        %mul3A_1228 = arith.mulf %get3A_1227, %broadcast_in_dim3A_1221 : vector<16xf32>
        %swap3A_1229 = arith.index_cast %add3A_1223 : i32 to index
        %swap3A_1230 = arith.constant 0 : index
        %swap3A_1231 = tpu.vector_load %arg12[%swap3A_1229, %swap3A_1230] {strides = array<i32>} : memref<128x128xf32, #tpu.memory_space<vmem>>, vector<1x16xf32>,
        %swap3A_1232 = vector.shape_cast %swap3A_1231 : vector<1x16xf32> to vector<16xf32>
        %swap3A_1233 = vector.shape_cast %mul3A_1228 : vector<16xf32> to vector<1x16xf32>
        tpu.vector_store %arg12[%swap3A_1229, %swap3A_1230], %swap3A_1233 {strides = array<i32>} : memref<128x128xf32, #tpu.memory_space<vmem>>, vector<1x16xf32>,
        %get3A_1234 = arith.index_cast %add3A_1223 : i32 to index
        %get3A_1235 = arith.constant 16 : index
        %get3A_1236 = tpu.vector_load %arg12[%get3A_1234, %get3A_1235] {strides = array<i32>} : memref<128x128xf32, #tpu.memory_space<vmem>>, vector<1x16xf32>,
        %get3A_1237 = vector.shape_cast %get3A_1236 : vector<1x16xf32> to vector<16xf32>
        %mul3A_1238 = arith.mulf %get3A_1237, %broadcast_in_dim3A_1221 : vector<16xf32>
        %swap3A_1239 = arith.index_cast %add3A_1223 : i32 to index
        %swap3A_1240 = arith.constant 16 : index
        %swap3A_1241 = tpu.vector_load %arg12[%swap3A_1239, %swap3A_1240] {strides = array<i32>} : memref<128x128xf32, #tpu.memory_space<vmem>>, vector<1x16xf32>,
        %swap3A_1242 = vector.shape_cast %swap3A_1241 : vector<1x16xf32> to vector<16xf32>
        %swap3A_1243 = vector.shape_cast %mul3A_1238 : vector<16xf32> to vector<1x16xf32>
        tpu.vector_store %arg12[%swap3A_1239, %swap3A_1240], %swap3A_1243 {strides = array<i32>} : memref<128x128xf32, #tpu.memory_space<vmem>>, vector<1x16xf32>,
        %get3A_1244 = arith.index_cast %add3A_1223 : i32 to index
        %get3A_1245 = arith.constant 32 : index
        %get3A_1246 = tpu.vector_load %arg12[%get3A_1244, %get3A_1245] {strides = array<i32>} : memref<128x128xf32, #tpu.memory_space<vmem>>, vector<1x16xf32>,
        %get3A_1247 = vector.shape_cast %get3A_1246 : vector<1x16xf32> to vector<16xf32>
        %mul3A_1248 = arith.mulf %get3A_1247, %broadcast_in_dim3A_1221 : vector<16xf32>
        %swap3A_1249 = arith.index_cast %add3A_1223 : i32 to index
        %swap3A_1250 = arith.constant 32 : index
        %swap3A_1251 = tpu.vector_load %arg12[%swap3A_1249, %swap3A_1250] {strides = array<i32>} : memref<128x128xf32, #tpu.memory_space<vmem>>, vector<1x16xf32>,
        %swap3A_1252 = vector.shape_cast %swap3A_1251 : vector<1x16xf32> to vector<16xf32>
        %swap3A_1253 = vector.shape_cast %mul3A_1248 : vector<16xf32> to vector<1x16xf32>
        tpu.vector_store %arg12[%swap3A_1249, %swap3A_1250], %swap3A_1253 {strides = array<i32>} : memref<128x128xf32, #tpu.memory_space<vmem>>, vector<1x16xf32>,
        %get3A_1254 = arith.index_cast %add3A_1223 : i32 to index
        %get3A_1255 = arith.constant 48 : index
        %get3A_1256 = tpu.vector_load %arg12[%get3A_1254, %get3A_1255] {strides = array<i32>} : memref<128x128xf32, #tpu.memory_space<vmem>>, vector<1x16xf32>,
        %get3A_1257 = vector.shape_cast %get3A_1256 : vector<1x16xf32> to vector<16xf32>
        %mul3A_1258 = arith.mulf %get3A_1257, %broadcast_in_dim3A_1221 : vector<16xf32>
        %swap3A_1259 = arith.index_cast %add3A_1223 : i32 to index
        %swap3A_1260 = arith.constant 48 : index
        %swap3A_1261 = tpu.vector_load %arg12[%swap3A_1259, %swap3A_1260] {strides = array<i32>} : memref<128x128xf32, #tpu.memory_space<vmem>>, vector<1x16xf32>,
        %swap3A_1262 = vector.shape_cast %swap3A_1261 : vector<1x16xf32> to vector<16xf32>
        %swap3A_1263 = vector.shape_cast %mul3A_1258 : vector<16xf32> to vector<1x16xf32>
        tpu.vector_store %arg12[%swap3A_1259, %swap3A_1260], %swap3A_1263 {strides = array<i32>} : memref<128x128xf32, #tpu.memory_space<vmem>>, vector<1x16xf32>,
        %get3A_1264 = arith.index_cast %add3A_1223 : i32 to index
        %get3A_1265 = arith.constant 64 : index
        %get3A_1266 = tpu.vector_load %arg12[%get3A_1264, %get3A_1265] {strides = array<i32>} : memref<128x128xf32, #tpu.memory_space<vmem>>, vector<1x16xf32>,
        %get3A_1267 = vector.shape_cast %get3A_1266 : vector<1x16xf32> to vector<16xf32>
        %mul3A_1268 = arith.mulf %get3A_1267, %broadcast_in_dim3A_1221 : vector<16xf32>
        %swap3A_1269 = arith.index_cast %add3A_1223 : i32 to index
        %swap3A_1270 = arith.constant 64 : index
        %swap3A_1271 = tpu.vector_load %arg12[%swap3A_1269, %swap3A_1270] {strides = array<i32>} : memref<128x128xf32, #tpu.memory_space<vmem>>, vector<1x16xf32>,
        %swap3A_1272 = vector.shape_cast %swap3A_1271 : vector<1x16xf32> to vector<16xf32>
        %swap3A_1273 = vector.shape_cast %mul3A_1268 : vector<16xf32> to vector<1x16xf32>
        tpu.vector_store %arg12[%swap3A_1269, %swap3A_1270], %swap3A_1273 {strides = array<i32>} : memref<128x128xf32, #tpu.memory_space<vmem>>, vector<1x16xf32>,
        %get3A_1274 = arith.index_cast %add3A_1223 : i32 to index
        %get3A_1275 = arith.constant 80 : index
        %get3A_1276 = tpu.vector_load %arg12[%get3A_1274, %get3A_1275] {strides = array<i32>} : memref<128x128xf32, #tpu.memory_space<vmem>>, vector<1x16xf32>,
        %get3A_1277 = vector.shape_cast %get3A_1276 : vector<1x16xf32> to vector<16xf32>
        %mul3A_1278 = arith.mulf %get3A_1277, %broadcast_in_dim3A_1221 : vector<16xf32>
        %swap3A_1279 = arith.index_cast %add3A_1223 : i32 to index
        %swap3A_1280 = arith.constant 80 : index
        %swap3A_1281 = tpu.vector_load %arg12[%swap3A_1279, %swap3A_1280] {strides = array<i32>} : memref<128x128xf32, #tpu.memory_space<vmem>>, vector<1x16xf32>,
        %swap3A_1282 = vector.shape_cast %swap3A_1281 : vector<1x16xf32> to vector<16xf32>
        %swap3A_1283 = vector.shape_cast %mul3A_1278 : vector<16xf32> to vector<1x16xf32>
        tpu.vector_store %arg12[%swap3A_1279, %swap3A_1280], %swap3A_1283 {strides = array<i32>} : memref<128x128xf32, #tpu.memory_space<vmem>>, vector<1x16xf32>,
        %get3A_1284 = arith.index_cast %add3A_1223 : i32 to index
        %get3A_1285 = arith.constant 96 : index
        %get3A_1286 = tpu.vector_load %arg12[%get3A_1284, %get3A_1285] {strides = array<i32>} : memref<128x128xf32, #tpu.memory_space<vmem>>, vector<1x16xf32>,
        %get3A_1287 = vector.shape_cast %get3A_1286 : vector<1x16xf32> to vector<16xf32>
        %mul3A_1288 = arith.mulf %get3A_1287, %broadcast_in_dim3A_1221 : vector<16xf32>
        %swap3A_1289 = arith.index_cast %add3A_1223 : i32 to index
        %swap3A_1290 = arith.constant 96 : index
        %swap3A_1291 = tpu.vector_load %arg12[%swap3A_1289, %swap3A_1290] {strides = array<i32>} : memref<128x128xf32, #tpu.memory_space<vmem>>, vector<1x16xf32>,
        %swap3A_1292 = vector.shape_cast %swap3A_1291 : vector<1x16xf32> to vector<16xf32>
        %swap3A_1293 = vector.shape_cast %mul3A_1288 : vector<16xf32> to vector<1x16xf32>
        tpu.vector_store %arg12[%swap3A_1289, %swap3A_1290], %swap3A_1293 {strides = array<i32>} : memref<128x128xf32, #tpu.memory_space<vmem>>, vector<1x16xf32>,
        %get3A_1294 = arith.index_cast %add3A_1223 : i32 to index
        %get3A_1295 = arith.constant 112 : index
        %get3A_1296 = tpu.vector_load %arg12[%get3A_1294, %get3A_1295] {strides = array<i32>} : memref<128x128xf32, #tpu.memory_space<vmem>>, vector<1x16xf32>,
        %get3A_1297 = vector.shape_cast %get3A_1296 : vector<1x16xf32> to vector<16xf32>
        %mul3A_1298 = arith.mulf %get3A_1297, %broadcast_in_dim3A_1221 : vector<16xf32>
        %swap3A_1299 = arith.index_cast %add3A_1223 : i32 to index
        %swap3A_1300 = arith.constant 112 : index
        %swap3A_1301 = tpu.vector_load %arg12[%swap3A_1299, %swap3A_1300] {strides = array<i32>} : memref<128x128xf32, #tpu.memory_space<vmem>>, vector<1x16xf32>,
        %swap3A_1302 = vector.shape_cast %swap3A_1301 : vector<1x16xf32> to vector<16xf32>
        %swap3A_1303 = vector.shape_cast %mul3A_1298 : vector<16xf32> to vector<1x16xf32>
        tpu.vector_store %arg12[%swap3A_1299, %swap3A_1300], %swap3A_1303 {strides = array<i32>} : memref<128x128xf32, #tpu.memory_space<vmem>>, vector<1x16xf32>,
        %slice3A_1304 = vector.extract_strided_slice %get3A_32 {offsets = [15], sizes = [1], strides = [1]} : vector<16xf32> to vector<1xf32>
        %squeeze3A_1305 = vector.extract %slice3A_1304[0] : f32 from vector<1xf32>
        %broadcast_in_dim3A_1306 = vector.broadcast %squeeze3A_1305 : f32 to vector<16xf32>
        %add3A_1307 = arith.constant 15 : i32
        %add3A_1308 = arith.addi %mul3A_28, %add3A_1307 : i32
        %get3A_1309 = arith.index_cast %add3A_1308 : i32 to index
        %get3A_1310 = arith.constant 0 : index
        %get3A_1311 = tpu.vector_load %arg12[%get3A_1309, %get3A_1310] {strides = array<i32>} : memref<128x128xf32, #tpu.memory_space<vmem>>, vector<1x16xf32>,
        %get3A_1312 = vector.shape_cast %get3A_1311 : vector<1x16xf32> to vector<16xf32>
        %mul3A_1313 = arith.mulf %get3A_1312, %broadcast_in_dim3A_1306 : vector<16xf32>
        %swap3A_1314 = arith.index_cast %add3A_1308 : i32 to index
        %swap3A_1315 = arith.constant 0 : index
        %swap3A_1316 = tpu.vector_load %arg12[%swap3A_1314, %swap3A_1315] {strides = array<i32>} : memref<128x128xf32, #tpu.memory_space<vmem>>, vector<1x16xf32>,
        %swap3A_1317 = vector.shape_cast %swap3A_1316 : vector<1x16xf32> to vector<16xf32>
        %swap3A_1318 = vector.shape_cast %mul3A_1313 : vector<16xf32> to vector<1x16xf32>
        tpu.vector_store %arg12[%swap3A_1314, %swap3A_1315], %swap3A_1318 {strides = array<i32>} : memref<128x128xf32, #tpu.memory_space<vmem>>, vector<1x16xf32>,
        %get3A_1319 = arith.index_cast %add3A_1308 : i32 to index
        %get3A_1320 = arith.constant 16 : index
        %get3A_1321 = tpu.vector_load %arg12[%get3A_1319, %get3A_1320] {strides = array<i32>} : memref<128x128xf32, #tpu.memory_space<vmem>>, vector<1x16xf32>,
        %get3A_1322 = vector.shape_cast %get3A_1321 : vector<1x16xf32> to vector<16xf32>
        %mul3A_1323 = arith.mulf %get3A_1322, %broadcast_in_dim3A_1306 : vector<16xf32>
        %swap3A_1324 = arith.index_cast %add3A_1308 : i32 to index
        %swap3A_1325 = arith.constant 16 : index
        %swap3A_1326 = tpu.vector_load %arg12[%swap3A_1324, %swap3A_1325] {strides = array<i32>} : memref<128x128xf32, #tpu.memory_space<vmem>>, vector<1x16xf32>,
        %swap3A_1327 = vector.shape_cast %swap3A_1326 : vector<1x16xf32> to vector<16xf32>
        %swap3A_1328 = vector.shape_cast %mul3A_1323 : vector<16xf32> to vector<1x16xf32>
        tpu.vector_store %arg12[%swap3A_1324, %swap3A_1325], %swap3A_1328 {strides = array<i32>} : memref<128x128xf32, #tpu.memory_space<vmem>>, vector<1x16xf32>,
        %get3A_1329 = arith.index_cast %add3A_1308 : i32 to index
        %get3A_1330 = arith.constant 32 : index
        %get3A_1331 = tpu.vector_load %arg12[%get3A_1329, %get3A_1330] {strides = array<i32>} : memref<128x128xf32, #tpu.memory_space<vmem>>, vector<1x16xf32>,
        %get3A_1332 = vector.shape_cast %get3A_1331 : vector<1x16xf32> to vector<16xf32>
        %mul3A_1333 = arith.mulf %get3A_1332, %broadcast_in_dim3A_1306 : vector<16xf32>
        %swap3A_1334 = arith.index_cast %add3A_1308 : i32 to index
        %swap3A_1335 = arith.constant 32 : index
        %swap3A_1336 = tpu.vector_load %arg12[%swap3A_1334, %swap3A_1335] {strides = array<i32>} : memref<128x128xf32, #tpu.memory_space<vmem>>, vector<1x16xf32>,
        %swap3A_1337 = vector.shape_cast %swap3A_1336 : vector<1x16xf32> to vector<16xf32>
        %swap3A_1338 = vector.shape_cast %mul3A_1333 : vector<16xf32> to vector<1x16xf32>
        tpu.vector_store %arg12[%swap3A_1334, %swap3A_1335], %swap3A_1338 {strides = array<i32>} : memref<128x128xf32, #tpu.memory_space<vmem>>, vector<1x16xf32>,
        %get3A_1339 = arith.index_cast %add3A_1308 : i32 to index
        %get3A_1340 = arith.constant 48 : index
        %get3A_1341 = tpu.vector_load %arg12[%get3A_1339, %get3A_1340] {strides = array<i32>} : memref<128x128xf32, #tpu.memory_space<vmem>>, vector<1x16xf32>,
        %get3A_1342 = vector.shape_cast %get3A_1341 : vector<1x16xf32> to vector<16xf32>
        %mul3A_1343 = arith.mulf %get3A_1342, %broadcast_in_dim3A_1306 : vector<16xf32>
        %swap3A_1344 = arith.index_cast %add3A_1308 : i32 to index
        %swap3A_1345 = arith.constant 48 : index
        %swap3A_1346 = tpu.vector_load %arg12[%swap3A_1344, %swap3A_1345] {strides = array<i32>} : memref<128x128xf32, #tpu.memory_space<vmem>>, vector<1x16xf32>,
        %swap3A_1347 = vector.shape_cast %swap3A_1346 : vector<1x16xf32> to vector<16xf32>
        %swap3A_1348 = vector.shape_cast %mul3A_1343 : vector<16xf32> to vector<1x16xf32>
        tpu.vector_store %arg12[%swap3A_1344, %swap3A_1345], %swap3A_1348 {strides = array<i32>} : memref<128x128xf32, #tpu.memory_space<vmem>>, vector<1x16xf32>,
        %get3A_1349 = arith.index_cast %add3A_1308 : i32 to index
        %get3A_1350 = arith.constant 64 : index
        %get3A_1351 = tpu.vector_load %arg12[%get3A_1349, %get3A_1350] {strides = array<i32>} : memref<128x128xf32, #tpu.memory_space<vmem>>, vector<1x16xf32>,
        %get3A_1352 = vector.shape_cast %get3A_1351 : vector<1x16xf32> to vector<16xf32>
        %mul3A_1353 = arith.mulf %get3A_1352, %broadcast_in_dim3A_1306 : vector<16xf32>
        %swap3A_1354 = arith.index_cast %add3A_1308 : i32 to index
        %swap3A_1355 = arith.constant 64 : index
        %swap3A_1356 = tpu.vector_load %arg12[%swap3A_1354, %swap3A_1355] {strides = array<i32>} : memref<128x128xf32, #tpu.memory_space<vmem>>, vector<1x16xf32>,
        %swap3A_1357 = vector.shape_cast %swap3A_1356 : vector<1x16xf32> to vector<16xf32>
        %swap3A_1358 = vector.shape_cast %mul3A_1353 : vector<16xf32> to vector<1x16xf32>
        tpu.vector_store %arg12[%swap3A_1354, %swap3A_1355], %swap3A_1358 {strides = array<i32>} : memref<128x128xf32, #tpu.memory_space<vmem>>, vector<1x16xf32>,
        %get3A_1359 = arith.index_cast %add3A_1308 : i32 to index
        %get3A_1360 = arith.constant 80 : index
        %get3A_1361 = tpu.vector_load %arg12[%get3A_1359, %get3A_1360] {strides = array<i32>} : memref<128x128xf32, #tpu.memory_space<vmem>>, vector<1x16xf32>,
        %get3A_1362 = vector.shape_cast %get3A_1361 : vector<1x16xf32> to vector<16xf32>
        %mul3A_1363 = arith.mulf %get3A_1362, %broadcast_in_dim3A_1306 : vector<16xf32>
        %swap3A_1364 = arith.index_cast %add3A_1308 : i32 to index
        %swap3A_1365 = arith.constant 80 : index
        %swap3A_1366 = tpu.vector_load %arg12[%swap3A_1364, %swap3A_1365] {strides = array<i32>} : memref<128x128xf32, #tpu.memory_space<vmem>>, vector<1x16xf32>,
        %swap3A_1367 = vector.shape_cast %swap3A_1366 : vector<1x16xf32> to vector<16xf32>
        %swap3A_1368 = vector.shape_cast %mul3A_1363 : vector<16xf32> to vector<1x16xf32>
        tpu.vector_store %arg12[%swap3A_1364, %swap3A_1365], %swap3A_1368 {strides = array<i32>} : memref<128x128xf32, #tpu.memory_space<vmem>>, vector<1x16xf32>,
        %get3A_1369 = arith.index_cast %add3A_1308 : i32 to index
        %get3A_1370 = arith.constant 96 : index
        %get3A_1371 = tpu.vector_load %arg12[%get3A_1369, %get3A_1370] {strides = array<i32>} : memref<128x128xf32, #tpu.memory_space<vmem>>, vector<1x16xf32>,
        %get3A_1372 = vector.shape_cast %get3A_1371 : vector<1x16xf32> to vector<16xf32>
        %mul3A_1373 = arith.mulf %get3A_1372, %broadcast_in_dim3A_1306 : vector<16xf32>
        %swap3A_1374 = arith.index_cast %add3A_1308 : i32 to index
        %swap3A_1375 = arith.constant 96 : index
        %swap3A_1376 = tpu.vector_load %arg12[%swap3A_1374, %swap3A_1375] {strides = array<i32>} : memref<128x128xf32, #tpu.memory_space<vmem>>, vector<1x16xf32>,
        %swap3A_1377 = vector.shape_cast %swap3A_1376 : vector<1x16xf32> to vector<16xf32>
        %swap3A_1378 = vector.shape_cast %mul3A_1373 : vector<16xf32> to vector<1x16xf32>
        tpu.vector_store %arg12[%swap3A_1374, %swap3A_1375], %swap3A_1378 {strides = array<i32>} : memref<128x128xf32, #tpu.memory_space<vmem>>, vector<1x16xf32>,
        %get3A_1379 = arith.index_cast %add3A_1308 : i32 to index
        %get3A_1380 = arith.constant 112 : index
        %get3A_1381 = tpu.vector_load %arg12[%get3A_1379, %get3A_1380] {strides = array<i32>} : memref<128x128xf32, #tpu.memory_space<vmem>>, vector<1x16xf32>,
        %get3A_1382 = vector.shape_cast %get3A_1381 : vector<1x16xf32> to vector<16xf32>
        %mul3A_1383 = arith.mulf %get3A_1382, %broadcast_in_dim3A_1306 : vector<16xf32>
        %swap3A_1384 = arith.index_cast %add3A_1308 : i32 to index
        %swap3A_1385 = arith.constant 112 : index
        %swap3A_1386 = tpu.vector_load %arg12[%swap3A_1384, %swap3A_1385] {strides = array<i32>} : memref<128x128xf32, #tpu.memory_space<vmem>>, vector<1x16xf32>,
        %swap3A_1387 = vector.shape_cast %swap3A_1386 : vector<1x16xf32> to vector<16xf32>
        %swap3A_1388 = vector.shape_cast %mul3A_1383 : vector<16xf32> to vector<1x16xf32>
        tpu.vector_store %arg12[%swap3A_1384, %swap3A_1385], %swap3A_1388 {strides = array<i32>} : memref<128x128xf32, #tpu.memory_space<vmem>>, vector<1x16xf32>,
      }
      %scan3A_25 = arith.constant 8 : i32
      "tpu.region"() ({
        %run_scoped3A = tpu.sem_alloc : memref<!tpu.dma_semaphore, #tpu.memory_space<semaphore_mem>>
        %dma_start3A_26 = arith.constant 0 : i32
        %dma_start3A_27 = tpu.memref_slice %arg10[%scan3A_9, %dma_start3A_26] : memref<79x128xi32, #tpu.memory_space<vmem>> -> memref<1x128xi32, #tpu.memory_space<vmem>>
        %dma_start3A_28 = tpu.memref_squeeze %dma_start3A_27 : memref<1x128xi32, #tpu.memory_space<vmem>> -> memref<128xi32, #tpu.memory_space<vmem>>
        %dma_start3A_29 = arith.constant 0 : i32
        %dma_start3A_30 = arith.constant 0 : i32
        %dma_start3A_31 = tpu.memref_slice %arg8[%dma_start3A_29, %dma_start3A_30] : memref<10240x128xf32, #tpu.memory_space<vmem_shared>> -> memref<10240x128xf32, #tpu.memory_space<vmem_shared>>
        tpu.enqueue_indirect_dma source(%arg12 : memref<128x128xf32, #tpu.memory_space<vmem>>) target(%dma_start3A_31 : memref<10240x128xf32, #tpu.memory_space<vmem_shared>>) offsets(%dma_start3A_28 : memref<128xi32, #tpu.memory_space<vmem>>) semaphore(%run_scoped3A : memref<!tpu.dma_semaphore, #tpu.memory_space<semaphore_mem>>) {add = true}
        %dma_wait3A_32 = arith.constant 0 : i32
        %dma_wait3A_33 = tpu.memref_slice %arg10[%scan3A_9, %dma_wait3A_32] : memref<79x128xi32, #tpu.memory_space<vmem>> -> memref<1x128xi32, #tpu.memory_space<vmem>>
        %dma_wait3A_34 = tpu.memref_squeeze %dma_wait3A_33 : memref<1x128xi32, #tpu.memory_space<vmem>> -> memref<128xi32, #tpu.memory_space<vmem>>
        %dma_wait3A_35 = arith.constant 0 : i32
        %dma_wait3A_36 = arith.constant 0 : i32
        %dma_wait3A_37 = tpu.memref_slice %arg8[%dma_wait3A_35, %dma_wait3A_36] : memref<10240x128xf32, #tpu.memory_space<vmem_shared>> -> memref<10240x128xf32, #tpu.memory_space<vmem_shared>>
        tpu.wait_indirect_dma semaphore(%run_scoped3A : memref<!tpu.dma_semaphore, #tpu.memory_space<semaphore_mem>>) src(%arg12 : memref<128x128xf32, #tpu.memory_space<vmem>>) dst(%dma_wait3A_37 : memref<10240x128xf32, #tpu.memory_space<vmem_shared>>)
        tpu.yield
      }) : () -> ()
    }
    %scan3A_5 = arith.constant 79 : i32
    %barrier3A_6 = arith.constant 0 : index
    tpu.barrier barrier_id(%barrier3A_6)
    %mul3A_7 = arith.constant 128 : i32
    %mul3A_8 = arith.muli %arg0, %mul3A_7 : i32
    "tpu.region"() ({
      %run_scoped3A = tpu.sem_alloc : memref<!tpu.dma_semaphore, #tpu.memory_space<semaphore_mem>>
      %dma_start3A = tpu.memref_slice %arg7[%multiple_of3A, %mul3A_8] : memref<10240x256xf32, #tpu.memory_space<hbm>> -> memref<640x128xf32, #tpu.memory_space<hbm>>
      %dma_start3A_9 = arith.constant 0 : i32
      %dma_start3A_10 = tpu.memref_slice %arg8[%multiple_of3A, %dma_start3A_9] : memref<10240x128xf32, #tpu.memory_space<vmem_shared>> -> memref<640x128xf32, #tpu.memory_space<vmem_shared>>
      tpu.enqueue_dma source(%dma_start3A_10 : memref<640x128xf32, #tpu.memory_space<vmem_shared>>) target(%dma_start3A : memref<640x128xf32, #tpu.memory_space<hbm>>) target_semaphore(%run_scoped3A : memref<!tpu.dma_semaphore, #tpu.memory_space<semaphore_mem>>)
      %dma_wait3A = tpu.memref_slice %arg7[%multiple_of3A, %mul3A_8] : memref<10240x256xf32, #tpu.memory_space<hbm>> -> memref<640x128xf32, #tpu.memory_space<hbm>>
      %dma_wait3A_11 = arith.constant 0 : i32
      %dma_wait3A_12 = tpu.memref_slice %arg8[%multiple_of3A, %dma_wait3A_11] : memref<10240x128xf32, #tpu.memory_space<vmem_shared>> -> memref<640x128xf32, #tpu.memory_space<vmem_shared>>
      tpu.wait_dma2 semaphore(%run_scoped3A : memref<!tpu.dma_semaphore, #tpu.memory_space<semaphore_mem>>) src(%dma_wait3A_12 : memref<640x128xf32, #tpu.memory_space<vmem_shared>>) dst(%dma_wait3A : memref<640x128xf32, #tpu.memory_space<hbm>>)
      tpu.yield
    }) : () -> ()
    return
  }
}

module attributes {stable_mosaic.version = 14 : i64} {
  func.func @_mm_body(%arg0: i32, %arg1: i32, %arg2: memref<1000x256xf32, #tpu.memory_space<vmem>>, %arg3: memref<256x128xf32, #tpu.memory_space<vmem>>, %arg4: memref<1x1000x128xf32, #tpu.memory_space<vmem>>) attributes {dimension_semantics = [#tpu.dimension_semantics<arbitrary>, #tpu.dimension_semantics<arbitrary>], iteration_bounds = array<i64: 10, 2>, scalar_prefetch = 0 : i64, scratch_operands = 0 : i64, tpu.core_type = #tpu.core_type<tc>, window_params = [{transform_indices = @transform_0, window_bounds = array<i64: 1000, 256>}, {transform_indices = @transform_1, window_bounds = array<i64: 256, 128>}, {transform_indices = @transform_2, window_bounds = array<i64: 1, 1000, 128>}]} {
    %get3A = arith.constant 0 : index
    %get3A_0 = arith.constant 0 : index
    %get3A_1 = vector.load %arg2[%get3A, %get3A_0] : memref<1000x256xf32, #tpu.memory_space<vmem>>, vector<1000x256xf32>
    %get3A_2 = arith.constant 0 : index
    %get3A_3 = arith.constant 0 : index
    %get3A_4 = vector.load %arg3[%get3A_2, %get3A_3] : memref<256x128xf32, #tpu.memory_space<vmem>>, vector<256x128xf32>
    %dot_general3A = arith.constant dense<0.000000e+00> : vector<1000x128xf32>
    %dot_general3A_5 = tpu.matmul %get3A_1, %get3A_4, %dot_general3A {dimension_numbers = #tpu.dot_dimension_numbers<[1], [0], [0], [1], [0, 0, 1, 1], [], []>, transpose_lhs_hint = false} : vector<1000x256xf32>, vector<256x128xf32>, vector<1000x128xf32> -> vector<1000x128xf32>
    %swap3A = arith.constant 0 : index
    %swap3A_6 = arith.constant 0 : index
    %swap3A_7 = arith.constant 0 : index
    %swap3A_8 = vector.load %arg4[%swap3A, %swap3A_6, %swap3A_7] : memref<1x1000x128xf32, #tpu.memory_space<vmem>>, vector<1x1000x128xf32>
    %swap3A_9 = vector.shape_cast %swap3A_8 : vector<1x1000x128xf32> to vector<1000x128xf32>
    %swap3A_10 = vector.shape_cast %dot_general3A_5 : vector<1000x128xf32> to vector<1x1000x128xf32>
    tpu.vector_store %arg4[%swap3A, %swap3A_6, %swap3A_7], %swap3A_10 {strides = array<i32>} : memref<1x1000x128xf32, #tpu.memory_space<vmem>>, vector<1x1000x128xf32>,
    return
  }
  func.func @transform_0(%arg0: i32, %arg1: i32) -> (i32, i32) {
    %c0_i32 = arith.constant 0 : i32
    %c0_i32_0 = arith.constant 0 : i32
    return %arg0, %c0_i32 : i32, i32
  }
  func.func @transform_1(%arg0: i32, %arg1: i32) -> (i32, i32) {
    %c0_i32 = arith.constant 0 : i32
    %c0_i32_0 = arith.constant 0 : i32
    return %c0_i32, %arg1 : i32, i32
  }
  func.func @transform_2(%arg0: i32, %arg1: i32) -> (i32, i32, i32) {
    %c0_i32 = arith.constant 0 : i32
    %c0_i32_0 = arith.constant 0 : i32
    return %arg1, %arg0, %c0_i32 : i32, i32, i32
  }
}

module attributes {stable_mosaic.version = 14 : i64} {
  func.func @_mm_body(%arg0: i32, %arg1: i32, %arg2: memref<1024x256xf32, #tpu.memory_space<vmem>>, %arg3: memref<256x128xf32, #tpu.memory_space<vmem>>, %arg4: memref<1x1024x128xf32, #tpu.memory_space<vmem>>) attributes {dimension_semantics = [#tpu.dimension_semantics<arbitrary>, #tpu.dimension_semantics<arbitrary>], iteration_bounds = array<i64: 10, 2>, scalar_prefetch = 0 : i64, scratch_operands = 0 : i64, tpu.core_type = #tpu.core_type<tc>, window_params = [{transform_indices = @transform_0, window_bounds = array<i64: 1024, 256>}, {transform_indices = @transform_1, window_bounds = array<i64: 256, 128>}, {transform_indices = @transform_2, window_bounds = array<i64: 1, 1024, 128>}]} {
    %get3A = arith.constant 0 : index
    %get3A_0 = arith.constant 0 : index
    %get3A_1 = vector.load %arg2[%get3A, %get3A_0] : memref<1024x256xf32, #tpu.memory_space<vmem>>, vector<1024x256xf32>
    %max3A = arith.constant 0.000000e+00 : f32
    %max3A_2 = vector.broadcast %max3A : f32 to vector<1024x256xf32>
    %max3A_3 = arith.maximumf %get3A_1, %max3A_2 : vector<1024x256xf32>
    %get3A_4 = arith.constant 0 : index
    %get3A_5 = arith.constant 0 : index
    %get3A_6 = vector.load %arg3[%get3A_4, %get3A_5] : memref<256x128xf32, #tpu.memory_space<vmem>>, vector<256x128xf32>
    %dot_general3A = arith.constant dense<0.000000e+00> : vector<1024x128xf32>
    %dot_general3A_7 = tpu.matmul %max3A_3, %get3A_6, %dot_general3A {dimension_numbers = #tpu.dot_dimension_numbers<[1], [0], [0], [1], [0, 0, 1, 1], [], []>, transpose_lhs_hint = false} : vector<1024x256xf32>, vector<256x128xf32>, vector<1024x128xf32> -> vector<1024x128xf32>
    %swap3A = arith.constant 0 : index
    %swap3A_8 = arith.constant 0 : index
    %swap3A_9 = arith.constant 0 : index
    %swap3A_10 = vector.load %arg4[%swap3A, %swap3A_8, %swap3A_9] : memref<1x1024x128xf32, #tpu.memory_space<vmem>>, vector<1x1024x128xf32>
    %swap3A_11 = vector.shape_cast %swap3A_10 : vector<1x1024x128xf32> to vector<1024x128xf32>
    %swap3A_12 = vector.shape_cast %dot_general3A_7 : vector<1024x128xf32> to vector<1x1024x128xf32>
    tpu.vector_store %arg4[%swap3A, %swap3A_8, %swap3A_9], %swap3A_12 {strides = array<i32>} : memref<1x1024x128xf32, #tpu.memory_space<vmem>>, vector<1x1024x128xf32>,
    return
  }
  func.func @transform_0(%arg0: i32, %arg1: i32) -> (i32, i32) {
    %c0_i32 = arith.constant 0 : i32
    %c0_i32_0 = arith.constant 0 : i32
    return %arg0, %c0_i32 : i32, i32
  }
  func.func @transform_1(%arg0: i32, %arg1: i32) -> (i32, i32) {
    %c0_i32 = arith.constant 0 : i32
    %c0_i32_0 = arith.constant 0 : i32
    return %c0_i32, %arg1 : i32, i32
  }
  func.func @transform_2(%arg0: i32, %arg1: i32) -> (i32, i32, i32) {
    %c0_i32 = arith.constant 0 : i32
    %c0_i32_0 = arith.constant 0 : i32
    return %arg1, %arg0, %c0_i32 : i32, i32, i32
  }
}

</mosaic_0001>

<sc_bundles>
// kernel: kernel.6.cloned.1.call-start
scs
__scs_entry_jumppad:
0x0: {  	(pc) =	sbr.rel $0x88, $3  }
0x1: {  	(tag) =	ssettag $0x0;
	lr =	simm.s32 $0x1  }
0x2: {  	[smem:$0x3F9C] =	sst lr;
	_ =	strace $0xD0000000  }
0x3: {  	_ = 	snop  }
0x4: {  	_ = 	snop  }
0x5: {  	_ = 	snop  }
0x6: {  	_ = 	snop  }
0x7: {  	_ = 	snop  }
__scs_overlays_trampoline_lowered:
0x8: {  	[smem:$0x3FAB] =	sst s0  }
0x9: {  	[smem:$0x3FAC] =	sst s1  }
0xa: {  	[smem:$0x3FAD] =	sst s2  }
0xb: {  	[smem:$0x3FAE] =	sst s3  }
0xc: {  	[smem:$0x3FAF] =	sst s4  }
0xd: {  	[smem:$0x3FB0] =	sst s5  }
0xe: {  	[smem:$0x3FB1] =	sst s6  }
0xf: {  	[smem:$0x3FB2] =	sst s7  }
0x10: {  	[smem:$0x3FB3] =	sst s8  }
0x11: {  	[smem:$0x3FB4] =	sst s9;
	s0 =	simm.s32 @!p0 $0x0  }
0x12: {  	s1 =	sld [smem:$0x3F9A];
	s0 =	simm.s32 @p0 $0x1  }
0x13: {  	[smem:$0x3FB5] =	sst s0;
	s0 =	simm.s32 @!p1 $0x0  }
0x14: {  	s2 =	sld [smem:$0x3F99];
	s0 =	simm.s32 @p1 $0x1  }
0x15: {  	[smem:$0x3FB6] =	sst s0;
	s0 =	simm.s32 @!p2 $0x0  }
0x16: {  	s3 =	sld [smem:$0x3FDB];
	s0 =	simm.s32 @p2 $0x1  }
0x17: {  	s4 =	simm.s32 $0x1BF5;
	[smem:$0x3FB8] =	sst s0  }
0x18: {  	s0 =	sld [smem:$0x3F9B];
	_ =	swait.ge [sflag:s4], $0x0  }
0x19: {  	s7 =	sld [smem:$0x3F9C]  }
0x1a: {  	s8 =	sadd.s32 $0xFFFFE003, lr  }
0x1b: {  	s9 =	sadd.s32 $0xFFFFFEF7, lr;
	s5 =	simm.s32 $0xFFFFFFFF;
	p2 =	slt.u32 s8, $0xFFFFF086  }
0x1c: {  	p1 =	slt.u32 s9, $0xF7A;
	s5 =	simm.s32 @!p2 $0x0  }
0x1d: {  	s5 =	simm.s32 @p1 $0x1;
	p0 =	seq.s32 s7, s2  }
0x1e: {  	s7 =	smul.u32 @!p0 $0xF7A, s2;
	p2 =	seq.s32 @!p0 s5, $0x0  }
0x1f: {  	s9 =	smul.u32 $0xF7A, s1;
	s8 =	simm.s32 @!p0 $0x1BF5;
	p2 =	por !p2, p0  }
0x20: {  	[sflag:s8] =	ssyncset.s32 @!p0 $0xFFFFF086;
	s6 =	sadd.s32 @!p0 s3, s7;
	s7 =	simm.s32 @!p0 $0x108  }
0x21: {  	s3 =	sadd.s32 s3, s9;
	s6 =	sadd.s32 @!p0 $0x88, s6;
	s7 =	simm.s32 @p2 $0x1082  }
0x22: {  	[simem:s7], [sflag:s8] =	dma.local @!p0 [hbm:s6], $0xF7A  }
0x23: {  	s9 =	sor.u32 $0xD0000000, s2;
	s6 =	simm.s32 $0x108;
	_ =	swait.ge @!p0 [sflag:s8], $0x0  }
0x24: {  	s3 =	sadd.s32 $0x88, s3;
	s6 =	simm.s32 @!p1 $0x1082;
	[sflag:s4] =	ssyncset.s32 $0xFFFFF086  }
0x25: {  	[simem:s6], [sflag:s4] =	dma.local [hbm:s3], $0xF7A  }
0x26: {  	[smem:$0x3F9C] =	sst s1;
	(tag) =	ssettag s2;
	_ =	strace s9  }
0x27: {  	s1 =	sld [smem:$0x3FAC]  }
0x28: {  	s2 =	sld [smem:$0x3FAD]  }
0x29: {  	s4 =	sld [smem:$0x3FAF]  }
0x2a: {  	p0 =	seq.s32 s5, $0x0;
	s5 =	sld [smem:$0x3FB0]  }
0x2b: {  	s6 =	sld [smem:$0x3FB1]  }
0x2c: {  	s7 =	sld [smem:$0x3FB2]  }
0x2d: {  	s3 =	simm.s32 $0x108;
	s8 =	sld [smem:$0x3FB3]  }
0x2e: {  	s3 =	simm.s32 @!p0 $0x1082;
	s9 =	sld [smem:$0x3FB4]  }
0x2f: {  	lr =	sadd.s32 s0, s3;
	s0 =	sld [smem:$0x3FAB]  }
0x30: {  	s3 =	sld [smem:$0x3FAE]  }
0x31: {  	[smem:$0x3FB7] =	sst s10  }
0x32: {  	s10 =	sld [smem:$0x3FB5];
	_ =	sdelay $0x3  }
0x33: {  	p0 =	seq.s32 s10, $0x1;
	s10 =	sld [smem:$0x3FB7];
	_ =	sdelay $0x3  }
0x34: {  	[smem:$0x3FB7] =	sst s10  }
0x35: {  	s10 =	sld [smem:$0x3FB6];
	_ =	sdelay $0x3  }
0x36: {  	p1 =	seq.s32 s10, $0x1;
	s10 =	sld [smem:$0x3FB7];
	_ =	sdelay $0x3  }
0x37: {  	[smem:$0x3FB7] =	sst s10  }
0x38: {  	s10 =	sld [smem:$0x3FB8]  }
0x39: {  	_ = 	snop;
	(pc) =	sbr.ind lr, $3  }
0x3a: {  	_ = 	snop  }
0x3b: {  	_ = 	snop  }
0x3c: {  	p2 =	seq.s32 s10, $0x1;
	s10 =	sld [smem:$0x3FB7]  }
0x3d: {  	_ =	shalt  }
0x3e: {  	_ =	shalt  }
0x3f: {  	_ =	shalt  }
0x40: {  	_ =	shalt  }
0x41: {  	_ =	shalt  }
0x42: {  	_ =	shalt  }
0x43: {  	_ =	shalt  }
0x44: {  	_ =	shalt  }
0x45: {  	_ =	shalt  }
0x46: {  	_ =	shalt  }
0x47: {  	_ =	shalt  }
0x48: {  	_ =	shalt  }
0x49: {  	_ =	shalt  }
0x4a: {  	_ =	shalt  }
0x4b: {  	_ =	shalt  }
0x4c: {  	_ =	shalt  }
0x4d: {  	_ =	shalt  }
0x4e: {  	_ =	shalt  }
0x4f: {  	_ =	shalt  }
0x50: {  	_ =	shalt  }
0x51: {  	_ =	shalt  }
0x52: {  	_ =	shalt  }
0x53: {  	_ =	shalt  }
0x54: {  	_ =	shalt  }
0x55: {  	_ =	shalt  }
0x56: {  	_ =	shalt  }
0x57: {  	_ =	shalt  }
0x58: {  	_ =	shalt  }
0x59: {  	_ =	shalt  }
0x5a: {  	_ =	shalt  }
0x5b: {  	_ =	shalt  }
0x5c: {  	_ =	shalt  }
0x5d: {  	_ =	shalt  }
0x5e: {  	_ =	shalt  }
0x5f: {  	_ =	shalt  }
0x60: {  	_ =	shalt  }
0x61: {  	_ =	shalt  }
0x62: {  	_ =	shalt  }
0x63: {  	_ =	shalt  }
0x64: {  	_ =	shalt  }
0x65: {  	_ =	shalt  }
0x66: {  	_ =	shalt  }
0x67: {  	_ =	shalt  }
0x68: {  	_ =	shalt  }
0x69: {  	_ =	shalt  }
0x6a: {  	_ =	shalt  }
0x6b: {  	_ =	shalt  }
0x6c: {  	_ =	shalt  }
0x6d: {  	_ =	shalt  }
0x6e: {  	_ =	shalt  }
0x6f: {  	_ =	shalt  }
0x70: {  	_ =	shalt  }
0x71: {  	_ =	shalt  }
0x72: {  	_ =	shalt  }
0x73: {  	_ =	shalt  }
0x74: {  	_ =	shalt  }
0x75: {  	_ =	shalt  }
0x76: {  	_ =	shalt  }
0x77: {  	_ =	shalt  }
0x78: {  	_ =	shalt  }
0x79: {  	_ =	shalt  }
0x7a: {  	_ =	shalt  }
0x7b: {  	_ =	shalt  }
0x7c: {  	_ =	shalt  }
0x7d: {  	_ =	shalt  }
0x7e: {  	_ =	shalt  }
0x7f: {  	_ =	shalt  }
0x80: {  	_ =	shalt  }
0x81: {  	_ =	shalt  }
0x82: {  	_ =	shalt  }
0x83: {  	_ =	shalt  }
0x84: {  	_ =	shalt  }
0x85: {  	_ =	shalt  }
0x86: {  	_ =	shalt  }
0x87: {  	_ =	shalt  }
.Lfunc_end0:
.L_simem_size_0:
called_computation_lowered:
.L_overlay_start_0:
0x88: {  	s2 =	sld [smem:$0x3FD9]  }
0x89: {  	s3 =	sld [smem:$0x3FFE];
	_ =	sdelay $0x1  }
0x8a: {  	s1 =	srdreg.scid  }
0x8b: {  	s0 =	sand.u32 $0x1, s1  }
0x8c: {  	s17 =	sshll.u32 s0, $0xA;
	s2 =	sadd.s32 s3, s2  }
0x8d: {  	s2 =	sadd.s32 s2, s17  }
0x8e: {  	[smem:$0x3FC3] =	sst s2  }
0x8f: {  	_ = 	snop  }
0x90: {  	s2 =	sld [smem:$0x3FD0];
	(tm) =	ssettm $0x1  }
0x91: {  	s18 =	sld [smem:$0x3FFB];
	_ =	sdelay $0x3  }
0x92: {  	_ =	strace s18  }
0x93: {  	s3 =	sld [smem:$0x3FFC];
	_ =	sdelay $0x3  }
0x94: {  	_ =	strace s3  }
0x95: {  	s3 =	sld [smem:$0x3FFD];
	_ =	sdelay $0x3  }
0x96: {  	_ =	strace s3  }
0x97: {  	_ =	strace $0x8FFFFFFF  }
0x98: {  	s19 =	sld [smem:$0x3FDB];
	_ =	sdelay $0x1  }
0x99: {  	s4 =	simm.s32 $_scs_section_size  }
0x9a: {  	s5 =	simm.s32 $_size__tile_overlayer_lowered;
	s6 =	simm.s32 $_tile_overlayer_lowered  }
0x9b: {  	s22 =	simm.s32 $0x1BFF;
	s21 =	sshll.u32 s6, $0x1;
	s3 =	sadd.s32 s4, s19  }
0x9c: {  	s7 =	simm.s32 $0x0;
	s20 =	sshll.u32 s5, $0x1;
	s5 =	sadd.s32 s21, s3  }
0x9d: {  	[timem:s7], [sflag:s22] =	dma.local [hbm:s5], s20  }
0x9e: {  	_ =	swait.ge [sflag:s22], s20  }
0x9f: {  	s4 =	ssub.s32 $0x0, s20;
	[sflag:s22] =	ssyncset.done $0x0  }
0xa0: {  	[sflag:s22] =	ssyncadd.s32 s4;
	_ =	sdelay $0x1  }
0xa1: {  	s23 =	simm.s32 $0x1B8B  }
0xa2: {  	_ =	swait.ge [sflag:s23], $0x1  }
0xa3: {  	[sflag:s23] =	ssyncset.done $0x0  }
0xa4: {  	s25 =	simm.s32 $0x1B8E;
	s24 =	sld [smem:$0x3FFE];
	[sflag:s23] =	ssyncadd.s32 $0xFFFFFFFF  }
0xa5: {  	s26 =	simm.s32 $execute0_lowered;
	[smem:$0x3FD2] =	sst s25  }
0xa6: {  	s5 =	sshll.u32 s26, $0x1;
	_ =	strace $0x80000046;
	[dreg:$0x1] =	wrdreg $0xFFFFFFFF  }
0xa7: {  	s28 =	simm.s32 $_size_execute0_lowered;
	s3 =	sadd.s32 s3, s5;
	[dreg:$0x0] =	wrdreg $0x0  }
0xa8: {  	s5 =	sshll.u32 s28, $0x1;
	[dreg:$0x2] =	wrdreg s3  }
0xa9: {  	[dreg:$0x3] =	wrdreg s5  }
0xaa: {  	[dreg:$0x4] =	wrdreg $0xC0  }
0xab: {  	_ =	task [dreg:s7], $0x5FFFF  }
0xac: {  	[dreg:$0x1] =	wrdreg $0xFFFFFFFF  }
0xad: {  	[dreg:$0x0] =	wrdreg $0x60  }
0xae: {  	[dreg:$0x2] =	wrdreg s2  }
0xaf: {  	[dreg:$0x3] =	wrdreg s24  }
0xb0: {  	[dreg:$0x4] =	wrdreg $0x0  }
0xb1: {  	[dreg:$0x5] =	wrdreg $0x9  }
0xb2: {  	_ =	task.clear_ibuf [dreg:s7], $0x6FFFF;
	_ =	strace $0x90000046  }
0xb3: {  	s29 =	simm.s32 $0x9;
	_ =	strace $0x80000048  }
0xb4: {  	_ =	swait.ge [sflag:s29], $0x1  }
0xb5: {  	[sflag:s29] =	ssyncadd.s32 $0xFFFFFFFF  }
0xb6: {  	_ =	strace $0x90000048  }
0xb7: {  	_ =	sfence  }
0xb8: {  	s30 =	sld [smem:$0x0];
	_ =	sdelay $0x2  }
0xb9: {  	s31 =	sshll.u32 s1, $0xD;
	s1 =	sshrl.u32 s1, $0x2  }
0xba: {  	s3 =	sand.u32 $0x4000, s31;
	s1 =	sadd.s32 s1, s30  }
0xbb: {  	s0 =	sor.u32 s3, s0;
	s1 =	sshll.u32 s1, $0x11  }
0xbc: {  	s0 =	sor.u32 s1, s0  }
0xbd: {  	s0 =	sadd.s32 $0x8F2B, s0  }
0xbe: {  	[sflag:s0] =	ssyncadd.remote.s32 $0x1  }
0xbf: {  	_ =	sfence.sel $0xFFFF  }
0xc0: {  	[dreg:$0x0] =	wrdreg $0xFFFFFFFF;
	(pc) =	sbr.abs _section_cstart, $3  }
0xc1: {  	[dreg:$0x1] =	wrdreg $0xFFFFFFFF  }
0xc2: {  	_ =	task.clear_ibuf [dreg:s7], $0x2FFFF;
	_ =	strace $0x9FFFFFFF  }
0xc3: {  	(tm) =	ssettm $0x7FFFFFFF  }
tec
execute0_lowered:
.L_overlay_start_1:
0x0: {  	(tag) =	ssettag $0x1  }
0x1: {  	s1 =	rddreg [dreg:$0x0];
	s2 =	srdreg.scid  }
0x2: {  	s0 =	stileid.u32;
	s6 =	rddreg [dreg:$0x1]  }
0x3: {  	s3 =	rddreg [dreg:$0x2];
	s4 =	simm.s32 $0x0;
	s16 =	simm.s32 $0x80  }
0x4: {  	s17 =	simm.s32 $0x400;
	s18 =	simm.s32 $0x19000;
	s19 =	simm.s32 $0x1B780  }
0x5: {  	s20 =	simm.s32 $0x1;
	s21 =	simm.s32 $0x8;
	s5 =	smul.u32 $0x2800, s0  }
0x6: {  	s22 =	simm.s32 $0x100;
	s23 =	simm.s32 $0x0;
	s24 =	smul.u32 $0x28000, s0  }
0x7: {  	s7 =	sand.u32 $0x1, s2;
	s2 =	rddreg [dreg:$0x3];
	s28 =	smul.u32 $0x50000, s0  }
0x8: {  	[smem:$0x7FF] =	sst s4;
	s9 =	sshrl.u32 s0, $0x3;
	s8 =	smul.u32 $0x28000, s7  }
0x9: {  	s10 =	sshll.u32 s0, $0x7;
	s31 =	sshll.u32 s0, $0x6;
	s9 =	smul.u32 $0x13C00, s9  }
0xa: {  	_ =	strace $0x80000047;
	s26 =	sshll.u32 s7, $0xA;
	s7 =	ssub.s32 $0x2, s7  }
0xb: {  	s10 =	sand.u32 $0x380, s10;
	s29 =	sshrl.u32 s7, $0x1;
	s30 =	sshrl.u32 s28, $0x2  }
0xc: {  	s8 =	sadd.s32 s5, s8;
	s5 =	sshrl.u32 s5, $0x3;
	s9 =	sor.u32 s10, s9  }
0xd: {  	s14 =	ssub.s32 s7, s29;
	s15 =	sadd.s32 s30, s3;
	s8 =	sshrl.u32 s8, $0x3  }
0xe: {  	s11 =	sadd.s32 s5, s6;
	s25 =	sshrl.u32 s9, $0x3;
	s9 =	sor.u32 s26, s24  }
0xf: {  	s5 =	sadd.s32 $0x1F200, s6;
	s8 =	sadd.s32 s8, s6;
	s9 =	sshrl.u32 s9, $0x3  }
0x10: {  	s12 =	sadd.s32 s25, s6;
	s13 =	sadd.s32 s9, s6;
	s6 =	sor.u32 $0x1C02, s31  }
0x11: {  	s7 =	sadd.s32 $0xB200, s8;
	s8 =	sadd.s32 $0x6200, s11;
	s9 =	sadd.s32 $0x1200, s12  }
0x12: {  	s11 =	smax.u32 s14, $0x1;
	s12 =	sshrl.u32 s15, $0x3;
	s14 =	simm.s32 $0x14000  }
0x13: {  	s15 =	simm.s32 $0x16800;
	s10 =	sadd.s32 $0x21A00, s13;
	s13 =	simm.s32 $0x2  }
.LBB2_1:
0x14: {  	[spmem:s12], [sflag:s6] =	dma.local [hbm:s5], $0x2800  }
0x15: {  	_ =	swait.ge [sflag:s13], $0x2800  }
0x16: {  	[sflag:s13] =	ssyncset.done $0x0  }
0x17: {  	[sflag:s13] =	ssyncadd.s32 $0xFFFFD800  }
0x18: {  	[tilespmem:s14], [sflag:$0x2] =	stream.linear.gather [hbm4b:s7+s4], $0x2780, $0x38;
	[tilespmem:$0x1F780] =	vst v63  }
0x19: {  	_ =	swait.ge [sflag:s13], $0x2780  }
0x1a: {  	[sflag:s13] =	ssyncset.done $0x0  }
0x1b: {  	[sflag:s13] =	ssyncadd.s32 $0xFFFFD880  }
0x1c: {  	[tilespmem:s15], [sflag:$0x2] =	stream.linear.gather [hbm4b:s8+s4], $0x2780, $0x38;
	[tilespmem:$0x1F780] =	vst v63  }
0x1d: {  	_ =	swait.ge [sflag:s13], $0x2780  }
0x1e: {  	[sflag:s13] =	ssyncset.done $0x0  }
0x1f: {  	[sflag:s13] =	ssyncadd.s32 $0xFFFFD880  }
0x20: {  	[tilespmem:s18], [sflag:$0x2] =	stream.strided.gather [hbm4b:s9+s16], $0x2780, s17, s16, $0x38;
	[tilespmem:$0x1F780] =	vst v63  }
0x21: {  	_ =	swait.ge [sflag:s13], $0x2780  }
0x22: {  	[sflag:s13] =	ssyncset.done $0x0  }
0x23: {  	[sflag:s13] =	ssyncadd.s32 $0xFFFFD880  }
0x24: {  	s24 =	simm.s32 $0x0;
	[bflag:$0x0] =	sbarrier.arrive $0xFFFF  }
.LBB2_2:
0x25: {  	s25 =	sshll.u32 s24, $0x7  }
0x26: {  	s26 =	sadd.s32 $0x14000, s25;
	s28 =	sadd.s32 $0x19000, s25  }
0x27: {  	[tilespmem:s19], [sflag:$0x1] =	stream.indirect.gather [hbm4b:s1+s16], $0x80, s26, s16, $0xb8;
	[tilespmem:$0x1F780] =	vst v63  }
0x28: {  	v0 =	vmov s28;
	_ =	swait.ge [sflag:s20], $0x4000  }
0x29: {  	[sflag:s20] =	ssyncset.done $0x0  }
0x2a: {  	s26 =	simm.s32 $0x0;
	[sflag:s20] =	ssyncadd.s32 $0xFFFFC000  }
.LBB2_3:
0x2b: {  	s28 =	sshll.u32 s26, $0x4  }
0x2c: {  	s28 =	sand.u32 $0x3FFFFFF0, s28  }
0x2d: {  	s31 =	sshll.u32 s26, $0xB;
	v1 =	vld.idx.msk [tilespmem:v0+s28+$0x0 ss:$0x1], $0xffff  }
0x2e: {  	s28 =	sand.u32 $0x3FFFF800, s31  }
0x2f: {  	v2 =	vld [tilespmem:s28+$0x1B780]  }
0x30: {  	v3 =	vld [tilespmem:s28+$0x1B790]  }
0x31: {  	v4 =	vld [tilespmem:s28+$0x1B7A0]  }
0x32: {  	v6 =	vld [tilespmem:s28+$0x1B7B0];
	v5 =	vbroadcast v1, $0x0  }
0x33: {  	v7 =	vld [tilespmem:s28+$0x1B7C0]  }
0x34: {  	v8 =	vld [tilespmem:s28+$0x1B7D0];
	v2 =	vmul.f32 v5, v2  }
0x35: {  	v9 =	vld [tilespmem:s28+$0x1B7E0];
	v3 =	vmul.f32 v3, v5  }
0x36: {  	v34 =	vld [tilespmem:s28+$0x1B7F0];
	[tilespmem:s28+$0x1B780] =	vst v2;
	v2 =	vmul.f32 v4, v5  }
0x37: {  	v35 =	vld [tilespmem:s28+$0x1B800];
	[tilespmem:s28+$0x1B790] =	vst v3;
	v3 =	vmul.f32 v6, v5  }
0x38: {  	v36 =	vld [tilespmem:s28+$0x1B810];
	[tilespmem:s28+$0x1B7A0] =	vst v2;
	v2 =	vmul.f32 v7, v5  }
0x39: {  	v37 =	vld [tilespmem:s28+$0x1B820];
	[tilespmem:s28+$0x1B7B0] =	vst v3;
	v3 =	vmul.f32 v8, v5  }
0x3a: {  	v10 =	vld [tilespmem:s28+$0x1B830];
	v38 =	vbroadcast v1, $0x1;
	[tilespmem:s28+$0x1B7C0] =	vst v2;
	v2 =	vmul.f32 v9, v5  }
0x3b: {  	v39 =	vld [tilespmem:s28+$0x1B840];
	[tilespmem:s28+$0x1B7D0] =	vst v3;
	v3 =	vmul.f32 v34, v5  }
0x3c: {  	v40 =	vld [tilespmem:s28+$0x1B850];
	[tilespmem:s28+$0x1B7E0] =	vst v2;
	v2 =	vmul.f32 v35, v38  }
0x3d: {  	v41 =	vld [tilespmem:s28+$0x1B860];
	[tilespmem:s28+$0x1B7F0] =	vst v3;
	v3 =	vmul.f32 v36, v38  }
0x3e: {  	v42 =	vld [tilespmem:s28+$0x1B870];
	[tilespmem:s28+$0x1B800] =	vst v2;
	v2 =	vmul.f32 v37, v38  }
0x3f: {  	v43 =	vld [tilespmem:s28+$0x1B880];
	[tilespmem:s28+$0x1B810] =	vst v3;
	v3 =	vmul.f32 v10, v38  }
0x40: {  	v44 =	vld [tilespmem:s28+$0x1B890];
	[tilespmem:s28+$0x1B820] =	vst v2;
	v2 =	vmul.f32 v39, v38  }
0x41: {  	v45 =	vld [tilespmem:s28+$0x1B8A0];
	[tilespmem:s28+$0x1B830] =	vst v3;
	v3 =	vmul.f32 v40, v38  }
0x42: {  	v47 =	vld [tilespmem:s28+$0x1B8B0];
	v46 =	vbroadcast v1, $0x2;
	[tilespmem:s28+$0x1B840] =	vst v2;
	v2 =	vmul.f32 v41, v38  }
0x43: {  	v48 =	vld [tilespmem:s28+$0x1B8C0];
	[tilespmem:s28+$0x1B850] =	vst v3;
	v3 =	vmul.f32 v42, v38  }
0x44: {  	v49 =	vld [tilespmem:s28+$0x1B8D0];
	[tilespmem:s28+$0x1B860] =	vst v2;
	v2 =	vmul.f32 v43, v46  }
0x45: {  	v50 =	vld [tilespmem:s28+$0x1B8E0];
	[tilespmem:s28+$0x1B870] =	vst v3;
	v3 =	vmul.f32 v44, v46  }
0x46: {  	v51 =	vld [tilespmem:s28+$0x1B8F0];
	[tilespmem:s28+$0x1B880] =	vst v2;
	v2 =	vmul.f32 v45, v46  }
0x47: {  	v52 =	vld [tilespmem:s28+$0x1B900];
	[tilespmem:s28+$0x1B890] =	vst v3;
	v3 =	vmul.f32 v47, v46  }
0x48: {  	v53 =	vld [tilespmem:s28+$0x1B910];
	[tilespmem:s28+$0x1B8A0] =	vst v2;
	v2 =	vmul.f32 v48, v46  }
0x49: {  	v54 =	vld [tilespmem:s28+$0x1B920];
	[tilespmem:s28+$0x1B8B0] =	vst v3;
	v3 =	vmul.f32 v49, v46  }
0x4a: {  	v56 =	vld [tilespmem:s28+$0x1B930];
	v55 =	vbroadcast v1, $0x3;
	[tilespmem:s28+$0x1B8C0] =	vst v2;
	v2 =	vmul.f32 v50, v46  }
0x4b: {  	v57 =	vld [tilespmem:s28+$0x1B940];
	[tilespmem:s28+$0x1B8D0] =	vst v3;
	v3 =	vmul.f32 v51, v46  }
0x4c: {  	v58 =	vld [tilespmem:s28+$0x1B950];
	[tilespmem:s28+$0x1B8E0] =	vst v2;
	v2 =	vmul.f32 v52, v55  }
0x4d: {  	v59 =	vld [tilespmem:s28+$0x1B960];
	[tilespmem:s28+$0x1B8F0] =	vst v3;
	v3 =	vmul.f32 v53, v55  }
0x4e: {  	v60 =	vld [tilespmem:s28+$0x1B970];
	[tilespmem:s28+$0x1B900] =	vst v2;
	v2 =	vmul.f32 v54, v55  }
0x4f: {  	v61 =	vld [tilespmem:s28+$0x1B980];
	[tilespmem:s28+$0x1B910] =	vst v3;
	v3 =	vmul.f32 v56, v55  }
0x50: {  	v62 =	vld [tilespmem:s28+$0x1B990];
	[tilespmem:s28+$0x1B920] =	vst v2;
	v2 =	vmul.f32 v57, v55  }
0x51: {  	v63 =	vld [tilespmem:s28+$0x1B9A0];
	[tilespmem:s28+$0x1B930] =	vst v3;
	v3 =	vmul.f32 v58, v55  }
0x52: {  	v13 =	vld [tilespmem:s28+$0x1B9B0];
	v12 =	vbroadcast v1, $0x4;
	[tilespmem:s28+$0x1B940] =	vst v2;
	v2 =	vmul.f32 v59, v55  }
0x53: {  	v14 =	vld [tilespmem:s28+$0x1B9C0];
	[tilespmem:s28+$0x1B950] =	vst v3;
	v3 =	vmul.f32 v60, v55  }
0x54: {  	v15 =	vld [tilespmem:s28+$0x1B9D0];
	[tilespmem:s28+$0x1B960] =	vst v2;
	v2 =	vmul.f32 v61, v12  }
0x55: {  	v16 =	vld [tilespmem:s28+$0x1B9E0];
	[tilespmem:s28+$0x1B970] =	vst v3;
	v3 =	vmul.f32 v62, v12  }
0x56: {  	v17 =	vld [tilespmem:s28+$0x1B9F0];
	[tilespmem:s28+$0x1B980] =	vst v2;
	v2 =	vmul.f32 v63, v12  }
0x57: {  	v18 =	vld [tilespmem:s28+$0x1BA00];
	[tilespmem:s28+$0x1B990] =	vst v3;
	v3 =	vmul.f32 v13, v12  }
0x58: {  	v19 =	vld [tilespmem:s28+$0x1BA10];
	[tilespmem:s28+$0x1B9A0] =	vst v2;
	v2 =	vmul.f32 v14, v12  }
0x59: {  	v20 =	vld [tilespmem:s28+$0x1BA20];
	[tilespmem:s28+$0x1B9B0] =	vst v3;
	v3 =	vmul.f32 v15, v12  }
0x5a: {  	v22 =	vld [tilespmem:s28+$0x1BA30];
	v21 =	vbroadcast v1, $0x5;
	[tilespmem:s28+$0x1B9C0] =	vst v2;
	v2 =	vmul.f32 v16, v12  }
0x5b: {  	v23 =	vld [tilespmem:s28+$0x1BA40];
	[tilespmem:s28+$0x1B9D0] =	vst v3;
	v3 =	vmul.f32 v17, v12  }
0x5c: {  	v24 =	vld [tilespmem:s28+$0x1BA50];
	[tilespmem:s28+$0x1B9E0] =	vst v2;
	v2 =	vmul.f32 v18, v21  }
0x5d: {  	v25 =	vld [tilespmem:s28+$0x1BA60];
	[tilespmem:s28+$0x1B9F0] =	vst v3;
	v3 =	vmul.f32 v19, v21  }
0x5e: {  	v26 =	vld [tilespmem:s28+$0x1BA70];
	[tilespmem:s28+$0x1BA00] =	vst v2;
	v2 =	vmul.f32 v20, v21  }
0x5f: {  	v27 =	vld [tilespmem:s28+$0x1BA80];
	[tilespmem:s28+$0x1BA10] =	vst v3;
	v3 =	vmul.f32 v22, v21  }
0x60: {  	v28 =	vld [tilespmem:s28+$0x1BA90];
	[tilespmem:s28+$0x1BA20] =	vst v2;
	v2 =	vmul.f32 v23, v21  }
0x61: {  	v29 =	vld [tilespmem:s28+$0x1BAA0];
	[tilespmem:s28+$0x1BA30] =	vst v3;
	v3 =	vmul.f32 v24, v21  }
0x62: {  	v31 =	vld [tilespmem:s28+$0x1BAB0];
	v30 =	vbroadcast v1, $0x6;
	[tilespmem:s28+$0x1BA40] =	vst v2;
	v2 =	vmul.f32 v25, v21  }
0x63: {  	v32 =	vld [tilespmem:s28+$0x1BAC0];
	[tilespmem:s28+$0x1BA50] =	vst v3;
	v3 =	vmul.f32 v26, v21  }
0x64: {  	v33 =	vld [tilespmem:s28+$0x1BAD0];
	[tilespmem:s28+$0x1BA60] =	vst v2;
	v2 =	vmul.f32 v27, v30  }
0x65: {  	v34 =	vld [tilespmem:s28+$0x1BAE0];
	[tilespmem:s28+$0x1BA70] =	vst v3;
	v3 =	vmul.f32 v28, v30  }
0x66: {  	v35 =	vld [tilespmem:s28+$0x1BAF0];
	[tilespmem:s28+$0x1BA80] =	vst v2;
	v2 =	vmul.f32 v29, v30  }
0x67: {  	v36 =	vld [tilespmem:s28+$0x1BB00];
	[tilespmem:s28+$0x1BA90] =	vst v3;
	v3 =	vmul.f32 v31, v30  }
0x68: {  	v37 =	vld [tilespmem:s28+$0x1BB10];
	[tilespmem:s28+$0x1BAA0] =	vst v2;
	v2 =	vmul.f32 v32, v30  }
0x69: {  	v38 =	vld [tilespmem:s28+$0x1BB20];
	[tilespmem:s28+$0x1BAB0] =	vst v3;
	v3 =	vmul.f32 v33, v30  }
0x6a: {  	v39 =	vbroadcast v1, $0x7;
	v40 =	vld [tilespmem:s28+$0x1BB30];
	[tilespmem:s28+$0x1BAC0] =	vst v2;
	v2 =	vmul.f32 v34, v30  }
0x6b: {  	v41 =	vld [tilespmem:s28+$0x1BB40];
	[tilespmem:s28+$0x1BAD0] =	vst v3;
	v3 =	vmul.f32 v35, v30  }
0x6c: {  	v42 =	vld [tilespmem:s28+$0x1BB50];
	[tilespmem:s28+$0x1BAE0] =	vst v2;
	v2 =	vmul.f32 v36, v39  }
0x6d: {  	v43 =	vld [tilespmem:s28+$0x1BB60];
	[tilespmem:s28+$0x1BAF0] =	vst v3;
	v3 =	vmul.f32 v37, v39  }
0x6e: {  	v44 =	vld [tilespmem:s28+$0x1BB70];
	[tilespmem:s28+$0x1BB00] =	vst v2;
	v2 =	vmul.f32 v38, v39  }
0x6f: {  	v45 =	vld [tilespmem:s28+$0x1BB80];
	[tilespmem:s28+$0x1BB10] =	vst v3;
	v3 =	vmul.f32 v40, v39  }
0x70: {  	v46 =	vld [tilespmem:s28+$0x1BB90];
	[tilespmem:s28+$0x1BB20] =	vst v2;
	v2 =	vmul.f32 v41, v39  }
0x71: {  	v47 =	vld [tilespmem:s28+$0x1BBA0];
	[tilespmem:s28+$0x1BB30] =	vst v3;
	v3 =	vmul.f32 v42, v39  }
0x72: {  	v48 =	vbroadcast v1, $0x8;
	v49 =	vld [tilespmem:s28+$0x1BBB0];
	[tilespmem:s28+$0x1BB40] =	vst v2;
	v2 =	vmul.f32 v43, v39  }
0x73: {  	v50 =	vld [tilespmem:s28+$0x1BBC0];
	[tilespmem:s28+$0x1BB50] =	vst v3;
	v3 =	vmul.f32 v44, v39  }
0x74: {  	v51 =	vld [tilespmem:s28+$0x1BBD0];
	[tilespmem:s28+$0x1BB60] =	vst v2;
	v2 =	vmul.f32 v45, v48  }
0x75: {  	v52 =	vld [tilespmem:s28+$0x1BBE0];
	[tilespmem:s28+$0x1BB70] =	vst v3;
	v3 =	vmul.f32 v46, v48  }
0x76: {  	v53 =	vld [tilespmem:s28+$0x1BBF0];
	[tilespmem:s28+$0x1BB80] =	vst v2;
	v2 =	vmul.f32 v47, v48  }
0x77: {  	v54 =	vld [tilespmem:s28+$0x1BC00];
	[tilespmem:s28+$0x1BB90] =	vst v3;
	v3 =	vmul.f32 v49, v48  }
0x78: {  	v55 =	vld [tilespmem:s28+$0x1BC10];
	[tilespmem:s28+$0x1BBA0] =	vst v2;
	v2 =	vmul.f32 v50, v48  }
0x79: {  	v56 =	vld [tilespmem:s28+$0x1BC20];
	[tilespmem:s28+$0x1BBB0] =	vst v3;
	v3 =	vmul.f32 v51, v48  }
0x7a: {  	v57 =	vbroadcast v1, $0x9;
	v58 =	vld [tilespmem:s28+$0x1BC30];
	[tilespmem:s28+$0x1BBC0] =	vst v2;
	v2 =	vmul.f32 v52, v48  }
0x7b: {  	v59 =	vld [tilespmem:s28+$0x1BC40];
	[tilespmem:s28+$0x1BBD0] =	vst v3;
	v3 =	vmul.f32 v53, v48  }
0x7c: {  	v60 =	vld [tilespmem:s28+$0x1BC50];
	[tilespmem:s28+$0x1BBE0] =	vst v2;
	v2 =	vmul.f32 v54, v57  }
0x7d: {  	v61 =	vld [tilespmem:s28+$0x1BC60];
	[tilespmem:s28+$0x1BBF0] =	vst v3;
	v3 =	vmul.f32 v55, v57  }
0x7e: {  	v62 =	vld [tilespmem:s28+$0x1BC70];
	[tilespmem:s28+$0x1BC00] =	vst v2;
	v2 =	vmul.f32 v56, v57  }
0x7f: {  	v63 =	vld [tilespmem:s28+$0x1BC80];
	[tilespmem:s28+$0x1BC10] =	vst v3;
	v3 =	vmul.f32 v58, v57  }
0x80: {  	v12 =	vld [tilespmem:s28+$0x1BC90];
	[tilespmem:s28+$0x1BC20] =	vst v2;
	v2 =	vmul.f32 v59, v57  }
0x81: {  	v13 =	vld [tilespmem:s28+$0x1BCA0];
	[tilespmem:s28+$0x1BC30] =	vst v3;
	v3 =	vmul.f32 v60, v57  }
0x82: {  	v14 =	vbroadcast v1, $0xA;
	v15 =	vld [tilespmem:s28+$0x1BCB0];
	[tilespmem:s28+$0x1BC40] =	vst v2;
	v2 =	vmul.f32 v61, v57  }
0x83: {  	v16 =	vld [tilespmem:s28+$0x1BCC0];
	[tilespmem:s28+$0x1BC50] =	vst v3;
	v3 =	vmul.f32 v62, v57  }
0x84: {  	v17 =	vld [tilespmem:s28+$0x1BCD0];
	[tilespmem:s28+$0x1BC60] =	vst v2;
	v2 =	vmul.f32 v63, v14  }
0x85: {  	v18 =	vld [tilespmem:s28+$0x1BCE0];
	[tilespmem:s28+$0x1BC70] =	vst v3;
	v3 =	vmul.f32 v12, v14  }
0x86: {  	v19 =	vld [tilespmem:s28+$0x1BCF0];
	[tilespmem:s28+$0x1BC80] =	vst v2;
	v2 =	vmul.f32 v13, v14  }
0x87: {  	v20 =	vld [tilespmem:s28+$0x1BD00];
	[tilespmem:s28+$0x1BC90] =	vst v3;
	v3 =	vmul.f32 v15, v14  }
0x88: {  	v21 =	vld [tilespmem:s28+$0x1BD10];
	[tilespmem:s28+$0x1BCA0] =	vst v2;
	v2 =	vmul.f32 v16, v14  }
0x89: {  	v22 =	vld [tilespmem:s28+$0x1BD20];
	[tilespmem:s28+$0x1BCB0] =	vst v3;
	v3 =	vmul.f32 v17, v14  }
0x8a: {  	v23 =	vbroadcast v1, $0xB;
	v24 =	vld [tilespmem:s28+$0x1BD30];
	[tilespmem:s28+$0x1BCC0] =	vst v2;
	v2 =	vmul.f32 v18, v14  }
0x8b: {  	v25 =	vld [tilespmem:s28+$0x1BD40];
	[tilespmem:s28+$0x1BCD0] =	vst v3;
	v3 =	vmul.f32 v19, v14  }
0x8c: {  	v26 =	vld [tilespmem:s28+$0x1BD50];
	[tilespmem:s28+$0x1BCE0] =	vst v2;
	v2 =	vmul.f32 v20, v23  }
0x8d: {  	v27 =	vld [tilespmem:s28+$0x1BD60];
	[tilespmem:s28+$0x1BCF0] =	vst v3;
	v3 =	vmul.f32 v21, v23  }
0x8e: {  	v28 =	vld [tilespmem:s28+$0x1BD70];
	[tilespmem:s28+$0x1BD00] =	vst v2;
	v2 =	vmul.f32 v22, v23  }
0x8f: {  	v29 =	vld [tilespmem:s28+$0x1BD80];
	[tilespmem:s28+$0x1BD10] =	vst v3;
	v3 =	vmul.f32 v24, v23  }
0x90: {  	v30 =	vld [tilespmem:s28+$0x1BD90];
	[tilespmem:s28+$0x1BD20] =	vst v2;
	v2 =	vmul.f32 v25, v23  }
0x91: {  	v31 =	vld [tilespmem:s28+$0x1BDA0];
	[tilespmem:s28+$0x1BD30] =	vst v3;
	v3 =	vmul.f32 v26, v23  }
0x92: {  	v32 =	vbroadcast v1, $0xC;
	v33 =	vld [tilespmem:s28+$0x1BDB0];
	[tilespmem:s28+$0x1BD40] =	vst v2;
	v2 =	vmul.f32 v27, v23  }
0x93: {  	v34 =	vld [tilespmem:s28+$0x1BDC0];
	[tilespmem:s28+$0x1BD50] =	vst v3;
	v3 =	vmul.f32 v28, v23  }
0x94: {  	v35 =	vld [tilespmem:s28+$0x1BDD0];
	[tilespmem:s28+$0x1BD60] =	vst v2;
	v2 =	vmul.f32 v29, v32  }
0x95: {  	v36 =	vld [tilespmem:s28+$0x1BDE0];
	[tilespmem:s28+$0x1BD70] =	vst v3;
	v3 =	vmul.f32 v30, v32  }
0x96: {  	v37 =	vld [tilespmem:s28+$0x1BDF0];
	[tilespmem:s28+$0x1BD80] =	vst v2;
	v2 =	vmul.f32 v31, v32  }
0x97: {  	v38 =	vld [tilespmem:s28+$0x1BE00];
	[tilespmem:s28+$0x1BD90] =	vst v3;
	v3 =	vmul.f32 v33, v32  }
0x98: {  	v39 =	vld [tilespmem:s28+$0x1BE10];
	[tilespmem:s28+$0x1BDA0] =	vst v2;
	v2 =	vmul.f32 v34, v32  }
0x99: {  	v40 =	vld [tilespmem:s28+$0x1BE20];
	[tilespmem:s28+$0x1BDB0] =	vst v3;
	v3 =	vmul.f32 v35, v32  }
0x9a: {  	v41 =	vbroadcast v1, $0xD;
	v42 =	vld [tilespmem:s28+$0x1BE30];
	[tilespmem:s28+$0x1BDC0] =	vst v2;
	v2 =	vmul.f32 v36, v32  }
0x9b: {  	v43 =	vld [tilespmem:s28+$0x1BE40];
	[tilespmem:s28+$0x1BDD0] =	vst v3;
	v3 =	vmul.f32 v37, v32  }
0x9c: {  	v44 =	vld [tilespmem:s28+$0x1BE50];
	[tilespmem:s28+$0x1BDE0] =	vst v2;
	v2 =	vmul.f32 v38, v41  }
0x9d: {  	v45 =	vld [tilespmem:s28+$0x1BE60];
	[tilespmem:s28+$0x1BDF0] =	vst v3;
	v3 =	vmul.f32 v39, v41  }
0x9e: {  	v46 =	vld [tilespmem:s28+$0x1BE70];
	[tilespmem:s28+$0x1BE00] =	vst v2;
	v2 =	vmul.f32 v40, v41  }
0x9f: {  	v47 =	vld [tilespmem:s28+$0x1BE80];
	[tilespmem:s28+$0x1BE10] =	vst v3;
	v3 =	vmul.f32 v42, v41  }
0xa0: {  	v48 =	vld [tilespmem:s28+$0x1BE90];
	[tilespmem:s28+$0x1BE20] =	vst v2;
	v2 =	vmul.f32 v43, v41  }
0xa1: {  	v49 =	vld [tilespmem:s28+$0x1BEA0];
	[tilespmem:s28+$0x1BE30] =	vst v3;
	v3 =	vmul.f32 v44, v41  }
0xa2: {  	v50 =	vbroadcast v1, $0xE;
	v51 =	vld [tilespmem:s28+$0x1BEB0];
	[tilespmem:s28+$0x1BE40] =	vst v2;
	v2 =	vmul.f32 v45, v41  }
0xa3: {  	v52 =	vld [tilespmem:s28+$0x1BEC0];
	[tilespmem:s28+$0x1BE50] =	vst v3;
	v3 =	vmul.f32 v46, v41  }
0xa4: {  	v53 =	vld [tilespmem:s28+$0x1BED0];
	[tilespmem:s28+$0x1BE60] =	vst v2;
	v2 =	vmul.f32 v47, v50  }
0xa5: {  	v54 =	vld [tilespmem:s28+$0x1BEE0];
	[tilespmem:s28+$0x1BE70] =	vst v3;
	v3 =	vmul.f32 v48, v50  }
0xa6: {  	v55 =	vld [tilespmem:s28+$0x1BEF0];
	[tilespmem:s28+$0x1BE80] =	vst v2;
	v2 =	vmul.f32 v49, v50  }
0xa7: {  	v56 =	vld [tilespmem:s28+$0x1BF00];
	[tilespmem:s28+$0x1BE90] =	vst v3;
	v3 =	vmul.f32 v51, v50  }
0xa8: {  	v57 =	vld [tilespmem:s28+$0x1BF10];
	[tilespmem:s28+$0x1BEA0] =	vst v2;
	v2 =	vmul.f32 v52, v50  }
0xa9: {  	v58 =	vld [tilespmem:s28+$0x1BF20];
	[tilespmem:s28+$0x1BEB0] =	vst v3;
	v3 =	vmul.f32 v53, v50  }
0xaa: {  	v1 =	vbroadcast v1, $0xF;
	v59 =	vld [tilespmem:s28+$0x1BF30];
	[tilespmem:s28+$0x1BEC0] =	vst v2;
	v2 =	vmul.f32 v54, v50  }
0xab: {  	v60 =	vld [tilespmem:s28+$0x1BF40];
	[tilespmem:s28+$0x1BED0] =	vst v3;
	v3 =	vmul.f32 v55, v50  }
0xac: {  	v61 =	vld [tilespmem:s28+$0x1BF50];
	[tilespmem:s28+$0x1BEE0] =	vst v2;
	v2 =	vmul.f32 v56, v1  }
0xad: {  	v62 =	vld [tilespmem:s28+$0x1BF60];
	[tilespmem:s28+$0x1BEF0] =	vst v3;
	v3 =	vmul.f32 v57, v1  }
0xae: {  	v63 =	vld [tilespmem:s28+$0x1BF70];
	[tilespmem:s28+$0x1BF00] =	vst v2;
	v2 =	vmul.f32 v58, v1  }
0xaf: {  	[tilespmem:s28+$0x1BF10] =	vst v3;
	v3 =	vmul.f32 v59, v1  }
0xb0: {  	p0 =	sne.s32 s26, $0x7;
	[tilespmem:s28+$0x1BF20] =	vst v2;
	v2 =	vmul.f32 v60, v1  }
.Ltmp0:
0xb1: {  	[tilespmem:s28+$0x1BF30] =	vst v3;
	v3 =	vmul.f32 v61, v1;
	(pc) =	sbr.rel @p0 .LBB2_3-.Ltmp0, $4  }
0xb2: {  	[tilespmem:s28+$0x1BF40] =	vst v2;
	v2 =	vmul.f32 v62, v1  }
0xb3: {  	[tilespmem:s28+$0x1BF50] =	vst v3;
	v1 =	vmul.f32 v63, v1  }
0xb4: {  	[tilespmem:s28+$0x1BF60] =	vst v2  }
0xb5: {  	s26 =	sadd.s32 $0x1, s26;
	[tilespmem:s28+$0x1BF70] =	vst v1  }
0xb6: {  	s24 =	sadd.s32 $0x1, s24  }
0xb7: {  	p0 =	sne.s32 s24, $0x4F  }
.Ltmp1:
0xb8: {  	s25 =	sadd.s32 $0x16800, s25;
	(pc) =	sbr.rel @p0 .LBB2_2-.Ltmp1, $4  }
0xb9: {  	[spmem:s3] =	stream.indirect.scatter.add.f32 [tilespmem:s19], [sflag:$0x2], $0x80, s25, s16, $0xb8;
	[tilespmem:$0x1F780] =	vst v63  }
0xba: {  	_ =	swait.ge [sflag:s13], $0x4000  }
0xbb: {  	[sflag:s13] =	ssyncset.done $0x0  }
0xbc: {  	[sflag:s13] =	ssyncadd.s32 $0xFFFFC000  }
0xbd: {  	s23 =	sadd.s32 $0x1, s23  }
0xbe: {  	p0 =	sne.s32 s23, s11  }
.Ltmp2:
0xbf: {  	[bflag:$0x0] =	sbarrier.arrive $0xFFFF;
	(pc) =	sbr.rel @p0 .LBB2_1-.Ltmp2, $4  }
0xc0: {  	[hbm:s10@s22], [sflag:s6] =	dma.strided [spmem:s12@s16], $0x2800, s21, $0x10   }
0xc1: {  	_ =	swait.ge [sflag:s13], $0x2800  }
0xc2: {  	[sflag:s13] =	ssyncset.done $0x0  }
0xc3: {  	[sflag:s13] =	ssyncadd.s32 $0xFFFFD800  }
0xc4: {  	_ =	sfence.sel $0x180000  }
0xc5: {  	[bflag:$0x0] =	sbarrier.arrive $0xFFFF  }
0xc6: {  	p0 =	sne.s32 s0, $0x0;
	_ =	strace $0x90000047  }
0xc7: {  	s0 =	sadd.s32 @!p0 $0x100000, s2;
	[bflag:$0x2] =	sbarrier.arrive $0xFFFF  }
0xc8: {  	[sflag:s0] =	ssyncadd.tile.s32 @!p0 $0x1;
	_ =	shalt  }
.Lfunc_end2:
_tile_overlayer_lowered:
.L_overlay_start_2:
0xc9: {  	(tag) =	ssettag $0x2  }
0xca: {  	s0 =	rddreg [dreg:$0x0];
	s2 =	stileid.u32  }
0xcb: {  	s1 =	rddreg [dreg:$0x1];
	p0 =	sne.s32 s2, $0x0  }
0xcc: {  	s3 =	rddreg [dreg:$0x2];
	[bflag:$0x3] =	sbarrier.arrive $0xFFFF;
	s2 =	simm.s32 @!p0 $0x1C02  }
0xcd: {  	[timem:s3], [sflag:s2] =	dma.local @!p0 [hbm:s0], s1  }
0xce: {  	s0 =	simm.s32 @!p0 $0x2  }
0xcf: {  	_ =	swait.ge @!p0 [sflag:s0], s1  }
0xd0: {  	s1 =	ssub.s32 @!p0 $0x0, s1;
	[sflag:s0] =	ssyncset.done @!p0 $0x0  }
0xd1: {  	[sflag:s0] =	ssyncadd.s32 @!p0 s1  }
0xd2: {  	[bflag:$0x3] =	sbarrier.arrive $0xFFFF  }
0xd3: {  	_ =	shalt  }

// kernel: kernel.9.cloned.1.call-start
scs
__scs_entry_jumppad:
0x0: {  	(pc) =	sbr.rel $0x88, $3  }
0x1: {  	(tag) =	ssettag $0x0;
	lr =	simm.s32 $0x1  }
0x2: {  	[smem:$0x3F9C] =	sst lr;
	_ =	strace $0xD0000000  }
0x3: {  	_ = 	snop  }
0x4: {  	_ = 	snop  }
0x5: {  	_ = 	snop  }
0x6: {  	_ = 	snop  }
0x7: {  	_ = 	snop  }
__scs_overlays_trampoline_lowered:
0x8: {  	[smem:$0x3FAB] =	sst s0  }
0x9: {  	[smem:$0x3FAC] =	sst s1  }
0xa: {  	[smem:$0x3FAD] =	sst s2  }
0xb: {  	[smem:$0x3FAE] =	sst s3  }
0xc: {  	[smem:$0x3FAF] =	sst s4  }
0xd: {  	[smem:$0x3FB0] =	sst s5  }
0xe: {  	[smem:$0x3FB1] =	sst s6  }
0xf: {  	[smem:$0x3FB2] =	sst s7  }
0x10: {  	[smem:$0x3FB3] =	sst s8  }
0x11: {  	[smem:$0x3FB4] =	sst s9;
	s0 =	simm.s32 @!p0 $0x0  }
0x12: {  	s1 =	sld [smem:$0x3F9A];
	s0 =	simm.s32 @p0 $0x1  }
0x13: {  	[smem:$0x3FB5] =	sst s0;
	s0 =	simm.s32 @!p1 $0x0  }
0x14: {  	s2 =	sld [smem:$0x3F99];
	s0 =	simm.s32 @p1 $0x1  }
0x15: {  	[smem:$0x3FB6] =	sst s0;
	s0 =	simm.s32 @!p2 $0x0  }
0x16: {  	s3 =	sld [smem:$0x3FDB];
	s0 =	simm.s32 @p2 $0x1  }
0x17: {  	s4 =	simm.s32 $0x1BF5;
	[smem:$0x3FB8] =	sst s0  }
0x18: {  	s0 =	sld [smem:$0x3F9B];
	_ =	swait.ge [sflag:s4], $0x0  }
0x19: {  	s7 =	sld [smem:$0x3F9C]  }
0x1a: {  	s8 =	sadd.s32 $0xFFFFE003, lr  }
0x1b: {  	s9 =	sadd.s32 $0xFFFFFEF7, lr;
	s5 =	simm.s32 $0xFFFFFFFF;
	p2 =	slt.u32 s8, $0xFFFFF086  }
0x1c: {  	p1 =	slt.u32 s9, $0xF7A;
	s5 =	simm.s32 @!p2 $0x0  }
0x1d: {  	s5 =	simm.s32 @p1 $0x1;
	p0 =	seq.s32 s7, s2  }
0x1e: {  	s7 =	smul.u32 @!p0 $0xF7A, s2;
	p2 =	seq.s32 @!p0 s5, $0x0  }
0x1f: {  	s9 =	smul.u32 $0xF7A, s1;
	s8 =	simm.s32 @!p0 $0x1BF5;
	p2 =	por !p2, p0  }
0x20: {  	[sflag:s8] =	ssyncset.s32 @!p0 $0xFFFFF086;
	s6 =	sadd.s32 @!p0 s3, s7;
	s7 =	simm.s32 @!p0 $0x108  }
0x21: {  	s3 =	sadd.s32 s3, s9;
	s6 =	sadd.s32 @!p0 $0x88, s6;
	s7 =	simm.s32 @p2 $0x1082  }
0x22: {  	[simem:s7], [sflag:s8] =	dma.local @!p0 [hbm:s6], $0xF7A  }
0x23: {  	s9 =	sor.u32 $0xD0000000, s2;
	s6 =	simm.s32 $0x108;
	_ =	swait.ge @!p0 [sflag:s8], $0x0  }
0x24: {  	s3 =	sadd.s32 $0x88, s3;
	s6 =	simm.s32 @!p1 $0x1082;
	[sflag:s4] =	ssyncset.s32 $0xFFFFF086  }
0x25: {  	[simem:s6], [sflag:s4] =	dma.local [hbm:s3], $0xF7A  }
0x26: {  	[smem:$0x3F9C] =	sst s1;
	(tag) =	ssettag s2;
	_ =	strace s9  }
0x27: {  	s1 =	sld [smem:$0x3FAC]  }
0x28: {  	s2 =	sld [smem:$0x3FAD]  }
0x29: {  	s4 =	sld [smem:$0x3FAF]  }
0x2a: {  	p0 =	seq.s32 s5, $0x0;
	s5 =	sld [smem:$0x3FB0]  }
0x2b: {  	s6 =	sld [smem:$0x3FB1]  }
0x2c: {  	s7 =	sld [smem:$0x3FB2]  }
0x2d: {  	s3 =	simm.s32 $0x108;
	s8 =	sld [smem:$0x3FB3]  }
0x2e: {  	s3 =	simm.s32 @!p0 $0x1082;
	s9 =	sld [smem:$0x3FB4]  }
0x2f: {  	lr =	sadd.s32 s0, s3;
	s0 =	sld [smem:$0x3FAB]  }
0x30: {  	s3 =	sld [smem:$0x3FAE]  }
0x31: {  	[smem:$0x3FB7] =	sst s10  }
0x32: {  	s10 =	sld [smem:$0x3FB5];
	_ =	sdelay $0x3  }
0x33: {  	p0 =	seq.s32 s10, $0x1;
	s10 =	sld [smem:$0x3FB7];
	_ =	sdelay $0x3  }
0x34: {  	[smem:$0x3FB7] =	sst s10  }
0x35: {  	s10 =	sld [smem:$0x3FB6];
	_ =	sdelay $0x3  }
0x36: {  	p1 =	seq.s32 s10, $0x1;
	s10 =	sld [smem:$0x3FB7];
	_ =	sdelay $0x3  }
0x37: {  	[smem:$0x3FB7] =	sst s10  }
0x38: {  	s10 =	sld [smem:$0x3FB8]  }
0x39: {  	_ = 	snop;
	(pc) =	sbr.ind lr, $3  }
0x3a: {  	_ = 	snop  }
0x3b: {  	_ = 	snop  }
0x3c: {  	p2 =	seq.s32 s10, $0x1;
	s10 =	sld [smem:$0x3FB7]  }
0x3d: {  	_ =	shalt  }
0x3e: {  	_ =	shalt  }
0x3f: {  	_ =	shalt  }
0x40: {  	_ =	shalt  }
0x41: {  	_ =	shalt  }
0x42: {  	_ =	shalt  }
0x43: {  	_ =	shalt  }
0x44: {  	_ =	shalt  }
0x45: {  	_ =	shalt  }
0x46: {  	_ =	shalt  }
0x47: {  	_ =	shalt  }
0x48: {  	_ =	shalt  }
0x49: {  	_ =	shalt  }
0x4a: {  	_ =	shalt  }
0x4b: {  	_ =	shalt  }
0x4c: {  	_ =	shalt  }
0x4d: {  	_ =	shalt  }
0x4e: {  	_ =	shalt  }
0x4f: {  	_ =	shalt  }
0x50: {  	_ =	shalt  }
0x51: {  	_ =	shalt  }
0x52: {  	_ =	shalt  }
0x53: {  	_ =	shalt  }
0x54: {  	_ =	shalt  }
0x55: {  	_ =	shalt  }
0x56: {  	_ =	shalt  }
0x57: {  	_ =	shalt  }
0x58: {  	_ =	shalt  }
0x59: {  	_ =	shalt  }
0x5a: {  	_ =	shalt  }
0x5b: {  	_ =	shalt  }
0x5c: {  	_ =	shalt  }
0x5d: {  	_ =	shalt  }
0x5e: {  	_ =	shalt  }
0x5f: {  	_ =	shalt  }
0x60: {  	_ =	shalt  }
0x61: {  	_ =	shalt  }
0x62: {  	_ =	shalt  }
0x63: {  	_ =	shalt  }
0x64: {  	_ =	shalt  }
0x65: {  	_ =	shalt  }
0x66: {  	_ =	shalt  }
0x67: {  	_ =	shalt  }
0x68: {  	_ =	shalt  }
0x69: {  	_ =	shalt  }
0x6a: {  	_ =	shalt  }
0x6b: {  	_ =	shalt  }
0x6c: {  	_ =	shalt  }
0x6d: {  	_ =	shalt  }
0x6e: {  	_ =	shalt  }
0x6f: {  	_ =	shalt  }
0x70: {  	_ =	shalt  }
0x71: {  	_ =	shalt  }
0x72: {  	_ =	shalt  }
0x73: {  	_ =	shalt  }
0x74: {  	_ =	shalt  }
0x75: {  	_ =	shalt  }
0x76: {  	_ =	shalt  }
0x77: {  	_ =	shalt  }
0x78: {  	_ =	shalt  }
0x79: {  	_ =	shalt  }
0x7a: {  	_ =	shalt  }
0x7b: {  	_ =	shalt  }
0x7c: {  	_ =	shalt  }
0x7d: {  	_ =	shalt  }
0x7e: {  	_ =	shalt  }
0x7f: {  	_ =	shalt  }
0x80: {  	_ =	shalt  }
0x81: {  	_ =	shalt  }
0x82: {  	_ =	shalt  }
0x83: {  	_ =	shalt  }
0x84: {  	_ =	shalt  }
0x85: {  	_ =	shalt  }
0x86: {  	_ =	shalt  }
0x87: {  	_ =	shalt  }
.Lfunc_end0:
.L_simem_size_0:
called_computation.1_lowered:
.L_overlay_start_0:
0x88: {  	s2 =	sld [smem:$0x3FD9]  }
0x89: {  	s3 =	sld [smem:$0x3FFE];
	_ =	sdelay $0x1  }
0x8a: {  	s1 =	srdreg.scid  }
0x8b: {  	s0 =	sand.u32 $0x1, s1  }
0x8c: {  	s16 =	sshll.u32 s0, $0xA;
	s2 =	sadd.s32 s3, s2  }
0x8d: {  	s2 =	sadd.s32 s2, s16  }
0x8e: {  	[smem:$0x3FC3] =	sst s2  }
0x8f: {  	_ = 	snop  }
0x90: {  	(tm) =	ssettm $0x1  }
0x91: {  	s17 =	sld [smem:$0x3FFB];
	_ =	sdelay $0x3  }
0x92: {  	_ =	strace s17  }
0x93: {  	s2 =	sld [smem:$0x3FFC];
	_ =	sdelay $0x3  }
0x94: {  	_ =	strace s2  }
0x95: {  	s2 =	sld [smem:$0x3FFD];
	_ =	sdelay $0x3  }
0x96: {  	_ =	strace s2  }
0x97: {  	_ =	strace $0x8FFFFFFF  }
0x98: {  	s18 =	sld [smem:$0x3FDB];
	_ =	sdelay $0x1  }
0x99: {  	s19 =	simm.s32 $_scs_section_size  }
0x9a: {  	s4 =	simm.s32 $_size__tile_overlayer_lowered;
	s5 =	simm.s32 $_tile_overlayer_lowered  }
0x9b: {  	s22 =	simm.s32 $0x1BFF;
	s21 =	sshll.u32 s5, $0x1;
	s2 =	sadd.s32 s19, s18  }
0x9c: {  	s6 =	simm.s32 $0x0;
	s20 =	sshll.u32 s4, $0x1;
	s4 =	sadd.s32 s21, s2  }
0x9d: {  	[timem:s6], [sflag:s22] =	dma.local [hbm:s4], s20  }
0x9e: {  	_ =	swait.ge [sflag:s22], s20  }
0x9f: {  	s3 =	ssub.s32 $0x0, s20;
	[sflag:s22] =	ssyncset.done $0x0  }
0xa0: {  	[sflag:s22] =	ssyncadd.s32 s3;
	_ =	sdelay $0x1  }
0xa1: {  	s23 =	simm.s32 $0x1B8B  }
0xa2: {  	_ =	swait.ge [sflag:s23], $0x1  }
0xa3: {  	[sflag:s23] =	ssyncset.done $0x0  }
0xa4: {  	s25 =	simm.s32 $0x1B8E;
	s24 =	sld [smem:$0x3FFE];
	[sflag:s23] =	ssyncadd.s32 $0xFFFFFFFF  }
0xa5: {  	s26 =	simm.s32 $execute0_lowered;
	[smem:$0x3FD2] =	sst s25  }
0xa6: {  	s4 =	sshll.u32 s26, $0x1;
	_ =	strace $0x80000049;
	[dreg:$0x1] =	wrdreg $0xFFFFFFFF  }
0xa7: {  	s28 =	simm.s32 $_size_execute0_lowered;
	s2 =	sadd.s32 s2, s4;
	[dreg:$0x0] =	wrdreg $0x0  }
0xa8: {  	s4 =	sshll.u32 s28, $0x1;
	[dreg:$0x2] =	wrdreg s2  }
0xa9: {  	[dreg:$0x3] =	wrdreg s4  }
0xaa: {  	[dreg:$0x4] =	wrdreg $0xC0  }
0xab: {  	_ =	task [dreg:s6], $0x5FFFF  }
0xac: {  	[dreg:$0x1] =	wrdreg $0xFFFFFFFF  }
0xad: {  	[dreg:$0x0] =	wrdreg $0x60  }
0xae: {  	[dreg:$0x2] =	wrdreg s24  }
0xaf: {  	[dreg:$0x3] =	wrdreg $0x0  }
0xb0: {  	[dreg:$0x4] =	wrdreg $0x9  }
0xb1: {  	_ =	task.clear_ibuf [dreg:s6], $0x5FFFF;
	_ =	strace $0x90000049  }
0xb2: {  	s29 =	simm.s32 $0x9;
	_ =	strace $0x8000004B  }
0xb3: {  	_ =	swait.ge [sflag:s29], $0x1  }
0xb4: {  	[sflag:s29] =	ssyncadd.s32 $0xFFFFFFFF  }
0xb5: {  	_ =	strace $0x9000004B  }
0xb6: {  	_ =	sfence  }
0xb7: {  	s30 =	sld [smem:$0x0];
	_ =	sdelay $0x2  }
0xb8: {  	s31 =	sshll.u32 s1, $0xD;
	s1 =	sshrl.u32 s1, $0x2  }
0xb9: {  	s3 =	sand.u32 $0x4000, s31;
	s1 =	sadd.s32 s1, s30  }
0xba: {  	s0 =	sor.u32 s3, s0;
	s1 =	sshll.u32 s1, $0x11  }
0xbb: {  	s0 =	sor.u32 s1, s0  }
0xbc: {  	s0 =	sadd.s32 $0x8F2B, s0  }
0xbd: {  	[sflag:s0] =	ssyncadd.remote.s32 $0x1  }
0xbe: {  	_ =	sfence.sel $0xFFFF  }
0xbf: {  	[dreg:$0x0] =	wrdreg $0xFFFFFFFF;
	(pc) =	sbr.abs _section_cstart, $3  }
0xc0: {  	[dreg:$0x1] =	wrdreg $0xFFFFFFFF  }
0xc1: {  	_ =	task.clear_ibuf [dreg:s6], $0x2FFFF;
	_ =	strace $0x9FFFFFFF  }
0xc2: {  	(tm) =	ssettm $0x7FFFFFFF  }
0xc3: {  	_ =	shalt  }
tec
execute0_lowered:
.L_overlay_start_1:
0x0: {  	(tag) =	ssettag $0x1  }
0x1: {  	s6 =	rddreg [dreg:$0x0];
	s1 =	srdreg.scid  }
0x2: {  	s0 =	stileid.u32;
	s2 =	rddreg [dreg:$0x1]  }
0x3: {  	s3 =	simm.s32 $0x0;
	s16 =	simm.s32 $0x80;
	s17 =	simm.s32 $0x400  }
0x4: {  	s18 =	simm.s32 $0x19000;
	s19 =	simm.s32 $0x1B780;
	s20 =	simm.s32 $0x1  }
0x5: {  	s21 =	simm.s32 $0x8;
	s22 =	simm.s32 $0x100;
	s5 =	smul.u32 $0x2800, s0  }
0x6: {  	s7 =	sand.u32 $0x1, s1;
	s1 =	rddreg [dreg:$0x2];
	s24 =	smul.u32 $0x28000, s0  }
0x7: {  	s23 =	simm.s32 $0x0;
	[smem:$0x7FF] =	sst s3;
	s28 =	smul.u32 $0x50000, s0  }
0x8: {  	s8 =	sshrl.u32 s0, $0x3;
	s10 =	sshll.u32 s0, $0x7;
	s4 =	smul.u32 $0x28000, s7  }
0x9: {  	s31 =	sshll.u32 s0, $0x6;
	_ =	strace $0x8000004A;
	s8 =	smul.u32 $0x13C00, s8  }
0xa: {  	s10 =	sand.u32 $0x380, s10;
	s26 =	sshll.u32 s7, $0xA;
	s7 =	ssub.s32 $0x2, s7  }
0xb: {  	s29 =	sshrl.u32 s7, $0x1;
	s30 =	sshrl.u32 s28, $0x2;
	s4 =	sadd.s32 s5, s4  }
0xc: {  	s5 =	sshrl.u32 s5, $0x3;
	s8 =	sor.u32 s10, s8;
	s14 =	ssub.s32 s7, s29  }
0xd: {  	s15 =	sadd.s32 s30, s2;
	s9 =	sshrl.u32 s4, $0x3;
	s4 =	sadd.s32 $0x21A00, s6  }
0xe: {  	s11 =	sadd.s32 s5, s6;
	s25 =	sshrl.u32 s8, $0x3;
	s8 =	sor.u32 s26, s24  }
0xf: {  	s5 =	sadd.s32 $0x1F200, s6;
	s9 =	sadd.s32 s9, s6;
	s8 =	sshrl.u32 s8, $0x3  }
0x10: {  	s12 =	sadd.s32 s25, s6;
	s13 =	sadd.s32 s8, s6;
	s6 =	sor.u32 $0x1C02, s31  }
0x11: {  	s7 =	sadd.s32 $0x15200, s9;
	s8 =	sadd.s32 $0x6200, s11;
	s9 =	sadd.s32 $0x1200, s12  }
0x12: {  	s11 =	smax.u32 s14, $0x1;
	s12 =	sshrl.u32 s15, $0x3;
	s14 =	simm.s32 $0x14000  }
0x13: {  	s15 =	simm.s32 $0x16800;
	s10 =	sadd.s32 $0x71A00, s13;
	s13 =	simm.s32 $0x2  }
.LBB2_1:
0x14: {  	[spmem:s12], [sflag:s6] =	dma.local [hbm:s5], $0x2800  }
0x15: {  	_ =	swait.ge [sflag:s13], $0x2800  }
0x16: {  	[sflag:s13] =	ssyncset.done $0x0  }
0x17: {  	[sflag:s13] =	ssyncadd.s32 $0xFFFFD800  }
0x18: {  	[tilespmem:s14], [sflag:$0x2] =	stream.linear.gather [hbm4b:s7+s3], $0x2780, $0x38;
	[tilespmem:$0x1F780] =	vst v63  }
0x19: {  	_ =	swait.ge [sflag:s13], $0x2780  }
0x1a: {  	[sflag:s13] =	ssyncset.done $0x0  }
0x1b: {  	[sflag:s13] =	ssyncadd.s32 $0xFFFFD880  }
0x1c: {  	[tilespmem:s15], [sflag:$0x2] =	stream.linear.gather [hbm4b:s8+s3], $0x2780, $0x38;
	[tilespmem:$0x1F780] =	vst v63  }
0x1d: {  	_ =	swait.ge [sflag:s13], $0x2780  }
0x1e: {  	[sflag:s13] =	ssyncset.done $0x0  }
0x1f: {  	[sflag:s13] =	ssyncadd.s32 $0xFFFFD880  }
0x20: {  	[tilespmem:s18], [sflag:$0x2] =	stream.strided.gather [hbm4b:s9+s16], $0x2780, s17, s16, $0x38;
	[tilespmem:$0x1F780] =	vst v63  }
0x21: {  	_ =	swait.ge [sflag:s13], $0x2780  }
0x22: {  	[sflag:s13] =	ssyncset.done $0x0  }
0x23: {  	[sflag:s13] =	ssyncadd.s32 $0xFFFFD880  }
0x24: {  	s24 =	simm.s32 $0x0;
	[bflag:$0x0] =	sbarrier.arrive $0xFFFF  }
.LBB2_2:
0x25: {  	s25 =	sshll.u32 s24, $0x7  }
0x26: {  	s26 =	sadd.s32 $0x14000, s25;
	s28 =	sadd.s32 $0x19000, s25  }
0x27: {  	[tilespmem:s19], [sflag:$0x1] =	stream.indirect.gather [hbm4b:s4+s16], $0x80, s26, s16, $0xb8;
	[tilespmem:$0x1F780] =	vst v63  }
0x28: {  	v0 =	vmov s28;
	_ =	swait.ge [sflag:s20], $0x4000  }
0x29: {  	[sflag:s20] =	ssyncset.done $0x0  }
0x2a: {  	s26 =	simm.s32 $0x0;
	[sflag:s20] =	ssyncadd.s32 $0xFFFFC000  }
.LBB2_3:
0x2b: {  	s28 =	sshll.u32 s26, $0x4  }
0x2c: {  	s28 =	sand.u32 $0x3FFFFFF0, s28  }
0x2d: {  	s31 =	sshll.u32 s26, $0xB;
	v1 =	vld.idx.msk [tilespmem:v0+s28+$0x0 ss:$0x1], $0xffff  }
0x2e: {  	s28 =	sand.u32 $0x3FFFF800, s31  }
0x2f: {  	v2 =	vld [tilespmem:s28+$0x1B780]  }
0x30: {  	v3 =	vld [tilespmem:s28+$0x1B790]  }
0x31: {  	v4 =	vld [tilespmem:s28+$0x1B7A0]  }
0x32: {  	v6 =	vld [tilespmem:s28+$0x1B7B0];
	v5 =	vbroadcast v1, $0x0  }
0x33: {  	v7 =	vld [tilespmem:s28+$0x1B7C0]  }
0x34: {  	v8 =	vld [tilespmem:s28+$0x1B7D0];
	v2 =	vmul.f32 v5, v2  }
0x35: {  	v9 =	vld [tilespmem:s28+$0x1B7E0];
	v3 =	vmul.f32 v3, v5  }
0x36: {  	v34 =	vld [tilespmem:s28+$0x1B7F0];
	[tilespmem:s28+$0x1B780] =	vst v2;
	v2 =	vmul.f32 v4, v5  }
0x37: {  	v35 =	vld [tilespmem:s28+$0x1B800];
	[tilespmem:s28+$0x1B790] =	vst v3;
	v3 =	vmul.f32 v6, v5  }
0x38: {  	v36 =	vld [tilespmem:s28+$0x1B810];
	[tilespmem:s28+$0x1B7A0] =	vst v2;
	v2 =	vmul.f32 v7, v5  }
0x39: {  	v37 =	vld [tilespmem:s28+$0x1B820];
	[tilespmem:s28+$0x1B7B0] =	vst v3;
	v3 =	vmul.f32 v8, v5  }
0x3a: {  	v10 =	vld [tilespmem:s28+$0x1B830];
	v38 =	vbroadcast v1, $0x1;
	[tilespmem:s28+$0x1B7C0] =	vst v2;
	v2 =	vmul.f32 v9, v5  }
0x3b: {  	v39 =	vld [tilespmem:s28+$0x1B840];
	[tilespmem:s28+$0x1B7D0] =	vst v3;
	v3 =	vmul.f32 v34, v5  }
0x3c: {  	v40 =	vld [tilespmem:s28+$0x1B850];
	[tilespmem:s28+$0x1B7E0] =	vst v2;
	v2 =	vmul.f32 v35, v38  }
0x3d: {  	v41 =	vld [tilespmem:s28+$0x1B860];
	[tilespmem:s28+$0x1B7F0] =	vst v3;
	v3 =	vmul.f32 v36, v38  }
0x3e: {  	v42 =	vld [tilespmem:s28+$0x1B870];
	[tilespmem:s28+$0x1B800] =	vst v2;
	v2 =	vmul.f32 v37, v38  }
0x3f: {  	v43 =	vld [tilespmem:s28+$0x1B880];
	[tilespmem:s28+$0x1B810] =	vst v3;
	v3 =	vmul.f32 v10, v38  }
0x40: {  	v44 =	vld [tilespmem:s28+$0x1B890];
	[tilespmem:s28+$0x1B820] =	vst v2;
	v2 =	vmul.f32 v39, v38  }
0x41: {  	v45 =	vld [tilespmem:s28+$0x1B8A0];
	[tilespmem:s28+$0x1B830] =	vst v3;
	v3 =	vmul.f32 v40, v38  }
0x42: {  	v47 =	vld [tilespmem:s28+$0x1B8B0];
	v46 =	vbroadcast v1, $0x2;
	[tilespmem:s28+$0x1B840] =	vst v2;
	v2 =	vmul.f32 v41, v38  }
0x43: {  	v48 =	vld [tilespmem:s28+$0x1B8C0];
	[tilespmem:s28+$0x1B850] =	vst v3;
	v3 =	vmul.f32 v42, v38  }
0x44: {  	v49 =	vld [tilespmem:s28+$0x1B8D0];
	[tilespmem:s28+$0x1B860] =	vst v2;
	v2 =	vmul.f32 v43, v46  }
0x45: {  	v50 =	vld [tilespmem:s28+$0x1B8E0];
	[tilespmem:s28+$0x1B870] =	vst v3;
	v3 =	vmul.f32 v44, v46  }
0x46: {  	v51 =	vld [tilespmem:s28+$0x1B8F0];
	[tilespmem:s28+$0x1B880] =	vst v2;
	v2 =	vmul.f32 v45, v46  }
0x47: {  	v52 =	vld [tilespmem:s28+$0x1B900];
	[tilespmem:s28+$0x1B890] =	vst v3;
	v3 =	vmul.f32 v47, v46  }
0x48: {  	v53 =	vld [tilespmem:s28+$0x1B910];
	[tilespmem:s28+$0x1B8A0] =	vst v2;
	v2 =	vmul.f32 v48, v46  }
0x49: {  	v54 =	vld [tilespmem:s28+$0x1B920];
	[tilespmem:s28+$0x1B8B0] =	vst v3;
	v3 =	vmul.f32 v49, v46  }
0x4a: {  	v56 =	vld [tilespmem:s28+$0x1B930];
	v55 =	vbroadcast v1, $0x3;
	[tilespmem:s28+$0x1B8C0] =	vst v2;
	v2 =	vmul.f32 v50, v46  }
0x4b: {  	v57 =	vld [tilespmem:s28+$0x1B940];
	[tilespmem:s28+$0x1B8D0] =	vst v3;
	v3 =	vmul.f32 v51, v46  }
0x4c: {  	v58 =	vld [tilespmem:s28+$0x1B950];
	[tilespmem:s28+$0x1B8E0] =	vst v2;
	v2 =	vmul.f32 v52, v55  }
0x4d: {  	v59 =	vld [tilespmem:s28+$0x1B960];
	[tilespmem:s28+$0x1B8F0] =	vst v3;
	v3 =	vmul.f32 v53, v55  }
0x4e: {  	v60 =	vld [tilespmem:s28+$0x1B970];
	[tilespmem:s28+$0x1B900] =	vst v2;
	v2 =	vmul.f32 v54, v55  }
0x4f: {  	v61 =	vld [tilespmem:s28+$0x1B980];
	[tilespmem:s28+$0x1B910] =	vst v3;
	v3 =	vmul.f32 v56, v55  }
0x50: {  	v62 =	vld [tilespmem:s28+$0x1B990];
	[tilespmem:s28+$0x1B920] =	vst v2;
	v2 =	vmul.f32 v57, v55  }
0x51: {  	v63 =	vld [tilespmem:s28+$0x1B9A0];
	[tilespmem:s28+$0x1B930] =	vst v3;
	v3 =	vmul.f32 v58, v55  }
0x52: {  	v13 =	vld [tilespmem:s28+$0x1B9B0];
	v12 =	vbroadcast v1, $0x4;
	[tilespmem:s28+$0x1B940] =	vst v2;
	v2 =	vmul.f32 v59, v55  }
0x53: {  	v14 =	vld [tilespmem:s28+$0x1B9C0];
	[tilespmem:s28+$0x1B950] =	vst v3;
	v3 =	vmul.f32 v60, v55  }
0x54: {  	v15 =	vld [tilespmem:s28+$0x1B9D0];
	[tilespmem:s28+$0x1B960] =	vst v2;
	v2 =	vmul.f32 v61, v12  }
0x55: {  	v16 =	vld [tilespmem:s28+$0x1B9E0];
	[tilespmem:s28+$0x1B970] =	vst v3;
	v3 =	vmul.f32 v62, v12  }
0x56: {  	v17 =	vld [tilespmem:s28+$0x1B9F0];
	[tilespmem:s28+$0x1B980] =	vst v2;
	v2 =	vmul.f32 v63, v12  }
0x57: {  	v18 =	vld [tilespmem:s28+$0x1BA00];
	[tilespmem:s28+$0x1B990] =	vst v3;
	v3 =	vmul.f32 v13, v12  }
0x58: {  	v19 =	vld [tilespmem:s28+$0x1BA10];
	[tilespmem:s28+$0x1B9A0] =	vst v2;
	v2 =	vmul.f32 v14, v12  }
0x59: {  	v20 =	vld [tilespmem:s28+$0x1BA20];
	[tilespmem:s28+$0x1B9B0] =	vst v3;
	v3 =	vmul.f32 v15, v12  }
0x5a: {  	v22 =	vld [tilespmem:s28+$0x1BA30];
	v21 =	vbroadcast v1, $0x5;
	[tilespmem:s28+$0x1B9C0] =	vst v2;
	v2 =	vmul.f32 v16, v12  }
0x5b: {  	v23 =	vld [tilespmem:s28+$0x1BA40];
	[tilespmem:s28+$0x1B9D0] =	vst v3;
	v3 =	vmul.f32 v17, v12  }
0x5c: {  	v24 =	vld [tilespmem:s28+$0x1BA50];
	[tilespmem:s28+$0x1B9E0] =	vst v2;
	v2 =	vmul.f32 v18, v21  }
0x5d: {  	v25 =	vld [tilespmem:s28+$0x1BA60];
	[tilespmem:s28+$0x1B9F0] =	vst v3;
	v3 =	vmul.f32 v19, v21  }
0x5e: {  	v26 =	vld [tilespmem:s28+$0x1BA70];
	[tilespmem:s28+$0x1BA00] =	vst v2;
	v2 =	vmul.f32 v20, v21  }
0x5f: {  	v27 =	vld [tilespmem:s28+$0x1BA80];
	[tilespmem:s28+$0x1BA10] =	vst v3;
	v3 =	vmul.f32 v22, v21  }
0x60: {  	v28 =	vld [tilespmem:s28+$0x1BA90];
	[tilespmem:s28+$0x1BA20] =	vst v2;
	v2 =	vmul.f32 v23, v21  }
0x61: {  	v29 =	vld [tilespmem:s28+$0x1BAA0];
	[tilespmem:s28+$0x1BA30] =	vst v3;
	v3 =	vmul.f32 v24, v21  }
0x62: {  	v31 =	vld [tilespmem:s28+$0x1BAB0];
	v30 =	vbroadcast v1, $0x6;
	[tilespmem:s28+$0x1BA40] =	vst v2;
	v2 =	vmul.f32 v25, v21  }
0x63: {  	v32 =	vld [tilespmem:s28+$0x1BAC0];
	[tilespmem:s28+$0x1BA50] =	vst v3;
	v3 =	vmul.f32 v26, v21  }
0x64: {  	v33 =	vld [tilespmem:s28+$0x1BAD0];
	[tilespmem:s28+$0x1BA60] =	vst v2;
	v2 =	vmul.f32 v27, v30  }
0x65: {  	v34 =	vld [tilespmem:s28+$0x1BAE0];
	[tilespmem:s28+$0x1BA70] =	vst v3;
	v3 =	vmul.f32 v28, v30  }
0x66: {  	v35 =	vld [tilespmem:s28+$0x1BAF0];
	[tilespmem:s28+$0x1BA80] =	vst v2;
	v2 =	vmul.f32 v29, v30  }
0x67: {  	v36 =	vld [tilespmem:s28+$0x1BB00];
	[tilespmem:s28+$0x1BA90] =	vst v3;
	v3 =	vmul.f32 v31, v30  }
0x68: {  	v37 =	vld [tilespmem:s28+$0x1BB10];
	[tilespmem:s28+$0x1BAA0] =	vst v2;
	v2 =	vmul.f32 v32, v30  }
0x69: {  	v38 =	vld [tilespmem:s28+$0x1BB20];
	[tilespmem:s28+$0x1BAB0] =	vst v3;
	v3 =	vmul.f32 v33, v30  }
0x6a: {  	v39 =	vbroadcast v1, $0x7;
	v40 =	vld [tilespmem:s28+$0x1BB30];
	[tilespmem:s28+$0x1BAC0] =	vst v2;
	v2 =	vmul.f32 v34, v30  }
0x6b: {  	v41 =	vld [tilespmem:s28+$0x1BB40];
	[tilespmem:s28+$0x1BAD0] =	vst v3;
	v3 =	vmul.f32 v35, v30  }
0x6c: {  	v42 =	vld [tilespmem:s28+$0x1BB50];
	[tilespmem:s28+$0x1BAE0] =	vst v2;
	v2 =	vmul.f32 v36, v39  }
0x6d: {  	v43 =	vld [tilespmem:s28+$0x1BB60];
	[tilespmem:s28+$0x1BAF0] =	vst v3;
	v3 =	vmul.f32 v37, v39  }
0x6e: {  	v44 =	vld [tilespmem:s28+$0x1BB70];
	[tilespmem:s28+$0x1BB00] =	vst v2;
	v2 =	vmul.f32 v38, v39  }
0x6f: {  	v45 =	vld [tilespmem:s28+$0x1BB80];
	[tilespmem:s28+$0x1BB10] =	vst v3;
	v3 =	vmul.f32 v40, v39  }
0x70: {  	v46 =	vld [tilespmem:s28+$0x1BB90];
	[tilespmem:s28+$0x1BB20] =	vst v2;
	v2 =	vmul.f32 v41, v39  }
0x71: {  	v47 =	vld [tilespmem:s28+$0x1BBA0];
	[tilespmem:s28+$0x1BB30] =	vst v3;
	v3 =	vmul.f32 v42, v39  }
0x72: {  	v48 =	vbroadcast v1, $0x8;
	v49 =	vld [tilespmem:s28+$0x1BBB0];
	[tilespmem:s28+$0x1BB40] =	vst v2;
	v2 =	vmul.f32 v43, v39  }
0x73: {  	v50 =	vld [tilespmem:s28+$0x1BBC0];
	[tilespmem:s28+$0x1BB50] =	vst v3;
	v3 =	vmul.f32 v44, v39  }
0x74: {  	v51 =	vld [tilespmem:s28+$0x1BBD0];
	[tilespmem:s28+$0x1BB60] =	vst v2;
	v2 =	vmul.f32 v45, v48  }
0x75: {  	v52 =	vld [tilespmem:s28+$0x1BBE0];
	[tilespmem:s28+$0x1BB70] =	vst v3;
	v3 =	vmul.f32 v46, v48  }
0x76: {  	v53 =	vld [tilespmem:s28+$0x1BBF0];
	[tilespmem:s28+$0x1BB80] =	vst v2;
	v2 =	vmul.f32 v47, v48  }
0x77: {  	v54 =	vld [tilespmem:s28+$0x1BC00];
	[tilespmem:s28+$0x1BB90] =	vst v3;
	v3 =	vmul.f32 v49, v48  }
0x78: {  	v55 =	vld [tilespmem:s28+$0x1BC10];
	[tilespmem:s28+$0x1BBA0] =	vst v2;
	v2 =	vmul.f32 v50, v48  }
0x79: {  	v56 =	vld [tilespmem:s28+$0x1BC20];
	[tilespmem:s28+$0x1BBB0] =	vst v3;
	v3 =	vmul.f32 v51, v48  }
0x7a: {  	v57 =	vbroadcast v1, $0x9;
	v58 =	vld [tilespmem:s28+$0x1BC30];
	[tilespmem:s28+$0x1BBC0] =	vst v2;
	v2 =	vmul.f32 v52, v48  }
0x7b: {  	v59 =	vld [tilespmem:s28+$0x1BC40];
	[tilespmem:s28+$0x1BBD0] =	vst v3;
	v3 =	vmul.f32 v53, v48  }
0x7c: {  	v60 =	vld [tilespmem:s28+$0x1BC50];
	[tilespmem:s28+$0x1BBE0] =	vst v2;
	v2 =	vmul.f32 v54, v57  }
0x7d: {  	v61 =	vld [tilespmem:s28+$0x1BC60];
	[tilespmem:s28+$0x1BBF0] =	vst v3;
	v3 =	vmul.f32 v55, v57  }
0x7e: {  	v62 =	vld [tilespmem:s28+$0x1BC70];
	[tilespmem:s28+$0x1BC00] =	vst v2;
	v2 =	vmul.f32 v56, v57  }
0x7f: {  	v63 =	vld [tilespmem:s28+$0x1BC80];
	[tilespmem:s28+$0x1BC10] =	vst v3;
	v3 =	vmul.f32 v58, v57  }
0x80: {  	v12 =	vld [tilespmem:s28+$0x1BC90];
	[tilespmem:s28+$0x1BC20] =	vst v2;
	v2 =	vmul.f32 v59, v57  }
0x81: {  	v13 =	vld [tilespmem:s28+$0x1BCA0];
	[tilespmem:s28+$0x1BC30] =	vst v3;
	v3 =	vmul.f32 v60, v57  }
0x82: {  	v14 =	vbroadcast v1, $0xA;
	v15 =	vld [tilespmem:s28+$0x1BCB0];
	[tilespmem:s28+$0x1BC40] =	vst v2;
	v2 =	vmul.f32 v61, v57  }
0x83: {  	v16 =	vld [tilespmem:s28+$0x1BCC0];
	[tilespmem:s28+$0x1BC50] =	vst v3;
	v3 =	vmul.f32 v62, v57  }
0x84: {  	v17 =	vld [tilespmem:s28+$0x1BCD0];
	[tilespmem:s28+$0x1BC60] =	vst v2;
	v2 =	vmul.f32 v63, v14  }
0x85: {  	v18 =	vld [tilespmem:s28+$0x1BCE0];
	[tilespmem:s28+$0x1BC70] =	vst v3;
	v3 =	vmul.f32 v12, v14  }
0x86: {  	v19 =	vld [tilespmem:s28+$0x1BCF0];
	[tilespmem:s28+$0x1BC80] =	vst v2;
	v2 =	vmul.f32 v13, v14  }
0x87: {  	v20 =	vld [tilespmem:s28+$0x1BD00];
	[tilespmem:s28+$0x1BC90] =	vst v3;
	v3 =	vmul.f32 v15, v14  }
0x88: {  	v21 =	vld [tilespmem:s28+$0x1BD10];
	[tilespmem:s28+$0x1BCA0] =	vst v2;
	v2 =	vmul.f32 v16, v14  }
0x89: {  	v22 =	vld [tilespmem:s28+$0x1BD20];
	[tilespmem:s28+$0x1BCB0] =	vst v3;
	v3 =	vmul.f32 v17, v14  }
0x8a: {  	v23 =	vbroadcast v1, $0xB;
	v24 =	vld [tilespmem:s28+$0x1BD30];
	[tilespmem:s28+$0x1BCC0] =	vst v2;
	v2 =	vmul.f32 v18, v14  }
0x8b: {  	v25 =	vld [tilespmem:s28+$0x1BD40];
	[tilespmem:s28+$0x1BCD0] =	vst v3;
	v3 =	vmul.f32 v19, v14  }
0x8c: {  	v26 =	vld [tilespmem:s28+$0x1BD50];
	[tilespmem:s28+$0x1BCE0] =	vst v2;
	v2 =	vmul.f32 v20, v23  }
0x8d: {  	v27 =	vld [tilespmem:s28+$0x1BD60];
	[tilespmem:s28+$0x1BCF0] =	vst v3;
	v3 =	vmul.f32 v21, v23  }
0x8e: {  	v28 =	vld [tilespmem:s28+$0x1BD70];
	[tilespmem:s28+$0x1BD00] =	vst v2;
	v2 =	vmul.f32 v22, v23  }
0x8f: {  	v29 =	vld [tilespmem:s28+$0x1BD80];
	[tilespmem:s28+$0x1BD10] =	vst v3;
	v3 =	vmul.f32 v24, v23  }
0x90: {  	v30 =	vld [tilespmem:s28+$0x1BD90];
	[tilespmem:s28+$0x1BD20] =	vst v2;
	v2 =	vmul.f32 v25, v23  }
0x91: {  	v31 =	vld [tilespmem:s28+$0x1BDA0];
	[tilespmem:s28+$0x1BD30] =	vst v3;
	v3 =	vmul.f32 v26, v23  }
0x92: {  	v32 =	vbroadcast v1, $0xC;
	v33 =	vld [tilespmem:s28+$0x1BDB0];
	[tilespmem:s28+$0x1BD40] =	vst v2;
	v2 =	vmul.f32 v27, v23  }
0x93: {  	v34 =	vld [tilespmem:s28+$0x1BDC0];
	[tilespmem:s28+$0x1BD50] =	vst v3;
	v3 =	vmul.f32 v28, v23  }
0x94: {  	v35 =	vld [tilespmem:s28+$0x1BDD0];
	[tilespmem:s28+$0x1BD60] =	vst v2;
	v2 =	vmul.f32 v29, v32  }
0x95: {  	v36 =	vld [tilespmem:s28+$0x1BDE0];
	[tilespmem:s28+$0x1BD70] =	vst v3;
	v3 =	vmul.f32 v30, v32  }
0x96: {  	v37 =	vld [tilespmem:s28+$0x1BDF0];
	[tilespmem:s28+$0x1BD80] =	vst v2;
	v2 =	vmul.f32 v31, v32  }
0x97: {  	v38 =	vld [tilespmem:s28+$0x1BE00];
	[tilespmem:s28+$0x1BD90] =	vst v3;
	v3 =	vmul.f32 v33, v32  }
0x98: {  	v39 =	vld [tilespmem:s28+$0x1BE10];
	[tilespmem:s28+$0x1BDA0] =	vst v2;
	v2 =	vmul.f32 v34, v32  }
0x99: {  	v40 =	vld [tilespmem:s28+$0x1BE20];
	[tilespmem:s28+$0x1BDB0] =	vst v3;
	v3 =	vmul.f32 v35, v32  }
0x9a: {  	v41 =	vbroadcast v1, $0xD;
	v42 =	vld [tilespmem:s28+$0x1BE30];
	[tilespmem:s28+$0x1BDC0] =	vst v2;
	v2 =	vmul.f32 v36, v32  }
0x9b: {  	v43 =	vld [tilespmem:s28+$0x1BE40];
	[tilespmem:s28+$0x1BDD0] =	vst v3;
	v3 =	vmul.f32 v37, v32  }
0x9c: {  	v44 =	vld [tilespmem:s28+$0x1BE50];
	[tilespmem:s28+$0x1BDE0] =	vst v2;
	v2 =	vmul.f32 v38, v41  }
0x9d: {  	v45 =	vld [tilespmem:s28+$0x1BE60];
	[tilespmem:s28+$0x1BDF0] =	vst v3;
	v3 =	vmul.f32 v39, v41  }
0x9e: {  	v46 =	vld [tilespmem:s28+$0x1BE70];
	[tilespmem:s28+$0x1BE00] =	vst v2;
	v2 =	vmul.f32 v40, v41  }
0x9f: {  	v47 =	vld [tilespmem:s28+$0x1BE80];
	[tilespmem:s28+$0x1BE10] =	vst v3;
	v3 =	vmul.f32 v42, v41  }
0xa0: {  	v48 =	vld [tilespmem:s28+$0x1BE90];
	[tilespmem:s28+$0x1BE20] =	vst v2;
	v2 =	vmul.f32 v43, v41  }
0xa1: {  	v49 =	vld [tilespmem:s28+$0x1BEA0];
	[tilespmem:s28+$0x1BE30] =	vst v3;
	v3 =	vmul.f32 v44, v41  }
0xa2: {  	v50 =	vbroadcast v1, $0xE;
	v51 =	vld [tilespmem:s28+$0x1BEB0];
	[tilespmem:s28+$0x1BE40] =	vst v2;
	v2 =	vmul.f32 v45, v41  }
0xa3: {  	v52 =	vld [tilespmem:s28+$0x1BEC0];
	[tilespmem:s28+$0x1BE50] =	vst v3;
	v3 =	vmul.f32 v46, v41  }
0xa4: {  	v53 =	vld [tilespmem:s28+$0x1BED0];
	[tilespmem:s28+$0x1BE60] =	vst v2;
	v2 =	vmul.f32 v47, v50  }
0xa5: {  	v54 =	vld [tilespmem:s28+$0x1BEE0];
	[tilespmem:s28+$0x1BE70] =	vst v3;
	v3 =	vmul.f32 v48, v50  }
0xa6: {  	v55 =	vld [tilespmem:s28+$0x1BEF0];
	[tilespmem:s28+$0x1BE80] =	vst v2;
	v2 =	vmul.f32 v49, v50  }
0xa7: {  	v56 =	vld [tilespmem:s28+$0x1BF00];
	[tilespmem:s28+$0x1BE90] =	vst v3;
	v3 =	vmul.f32 v51, v50  }
0xa8: {  	v57 =	vld [tilespmem:s28+$0x1BF10];
	[tilespmem:s28+$0x1BEA0] =	vst v2;
	v2 =	vmul.f32 v52, v50  }
0xa9: {  	v58 =	vld [tilespmem:s28+$0x1BF20];
	[tilespmem:s28+$0x1BEB0] =	vst v3;
	v3 =	vmul.f32 v53, v50  }
0xaa: {  	v1 =	vbroadcast v1, $0xF;
	v59 =	vld [tilespmem:s28+$0x1BF30];
	[tilespmem:s28+$0x1BEC0] =	vst v2;
	v2 =	vmul.f32 v54, v50  }
0xab: {  	v60 =	vld [tilespmem:s28+$0x1BF40];
	[tilespmem:s28+$0x1BED0] =	vst v3;
	v3 =	vmul.f32 v55, v50  }
0xac: {  	v61 =	vld [tilespmem:s28+$0x1BF50];
	[tilespmem:s28+$0x1BEE0] =	vst v2;
	v2 =	vmul.f32 v56, v1  }
0xad: {  	v62 =	vld [tilespmem:s28+$0x1BF60];
	[tilespmem:s28+$0x1BEF0] =	vst v3;
	v3 =	vmul.f32 v57, v1  }
0xae: {  	v63 =	vld [tilespmem:s28+$0x1BF70];
	[tilespmem:s28+$0x1BF00] =	vst v2;
	v2 =	vmul.f32 v58, v1  }
0xaf: {  	[tilespmem:s28+$0x1BF10] =	vst v3;
	v3 =	vmul.f32 v59, v1  }
0xb0: {  	p0 =	sne.s32 s26, $0x7;
	[tilespmem:s28+$0x1BF20] =	vst v2;
	v2 =	vmul.f32 v60, v1  }
.Ltmp0:
0xb1: {  	[tilespmem:s28+$0x1BF30] =	vst v3;
	v3 =	vmul.f32 v61, v1;
	(pc) =	sbr.rel @p0 .LBB2_3-.Ltmp0, $4  }
0xb2: {  	[tilespmem:s28+$0x1BF40] =	vst v2;
	v2 =	vmul.f32 v62, v1  }
0xb3: {  	[tilespmem:s28+$0x1BF50] =	vst v3;
	v1 =	vmul.f32 v63, v1  }
0xb4: {  	[tilespmem:s28+$0x1BF60] =	vst v2  }
0xb5: {  	s26 =	sadd.s32 $0x1, s26;
	[tilespmem:s28+$0x1BF70] =	vst v1  }
0xb6: {  	s24 =	sadd.s32 $0x1, s24  }
0xb7: {  	p0 =	sne.s32 s24, $0x4F  }
.Ltmp1:
0xb8: {  	s25 =	sadd.s32 $0x16800, s25;
	(pc) =	sbr.rel @p0 .LBB2_2-.Ltmp1, $4  }
0xb9: {  	[spmem:s2] =	stream.indirect.scatter.add.f32 [tilespmem:s19], [sflag:$0x2], $0x80, s25, s16, $0xb8;
	[tilespmem:$0x1F780] =	vst v63  }
0xba: {  	_ =	swait.ge [sflag:s13], $0x4000  }
0xbb: {  	[sflag:s13] =	ssyncset.done $0x0  }
0xbc: {  	[sflag:s13] =	ssyncadd.s32 $0xFFFFC000  }
0xbd: {  	s23 =	sadd.s32 $0x1, s23  }
0xbe: {  	p0 =	sne.s32 s23, s11  }
.Ltmp2:
0xbf: {  	[bflag:$0x0] =	sbarrier.arrive $0xFFFF;
	(pc) =	sbr.rel @p0 .LBB2_1-.Ltmp2, $4  }
0xc0: {  	[hbm:s10@s22], [sflag:s6] =	dma.strided [spmem:s12@s16], $0x2800, s21, $0x10   }
0xc1: {  	_ =	swait.ge [sflag:s13], $0x2800  }
0xc2: {  	[sflag:s13] =	ssyncset.done $0x0  }
0xc3: {  	[sflag:s13] =	ssyncadd.s32 $0xFFFFD800  }
0xc4: {  	_ =	sfence.sel $0x180000  }
0xc5: {  	[bflag:$0x0] =	sbarrier.arrive $0xFFFF  }
0xc6: {  	p0 =	sne.s32 s0, $0x0;
	_ =	strace $0x9000004A  }
0xc7: {  	s0 =	sadd.s32 @!p0 $0x100000, s1;
	[bflag:$0x2] =	sbarrier.arrive $0xFFFF  }
0xc8: {  	[sflag:s0] =	ssyncadd.tile.s32 @!p0 $0x1;
	_ =	shalt  }
.Lfunc_end2:
_tile_overlayer_lowered:
.L_overlay_start_2:
0xc9: {  	(tag) =	ssettag $0x2  }
0xca: {  	s0 =	rddreg [dreg:$0x0];
	s2 =	stileid.u32  }
0xcb: {  	s1 =	rddreg [dreg:$0x1];
	p0 =	sne.s32 s2, $0x0  }
0xcc: {  	s3 =	rddreg [dreg:$0x2];
	[bflag:$0x3] =	sbarrier.arrive $0xFFFF;
	s2 =	simm.s32 @!p0 $0x1C02  }
0xcd: {  	[timem:s3], [sflag:s2] =	dma.local @!p0 [hbm:s0], s1  }
0xce: {  	s0 =	simm.s32 @!p0 $0x2  }
0xcf: {  	_ =	swait.ge @!p0 [sflag:s0], s1  }
0xd0: {  	s1 =	ssub.s32 @!p0 $0x0, s1;
	[sflag:s0] =	ssyncset.done @!p0 $0x0  }
0xd1: {  	[sflag:s0] =	ssyncadd.s32 @!p0 s1  }
0xd2: {  	[bflag:$0x3] =	sbarrier.arrive $0xFFFF  }
0xd3: {  	_ =	shalt  }

</sc_bundles>
